<compile_context>
chip_gen: v7x
topology: tpu7x:2x2x1
jax: 0.10.2.dev20260603
libtpu: 0.0.44.dev20260713+nightly
codegen_flags: <defaults>
</compile_context>

<pallas_src>
import functools

import jax
import jax.numpy as jnp
from jax import lax
from jax.experimental import pallas as pl
from jax.experimental.pallas import tpu as pltpu
from jax.experimental.pallas import tpu_sc as plsc

N = 10000
E = 320000
D = 128

NC = 2
NS = 16
NW = NC * NS
EPW = E // NW
CH = 80
CE = 128
NCE = EPW // CE
TL = EPW - NCE * CE
N_PAD = 10240
RPT = N_PAD // NS
NRC = RPT // CH

_mesh = plsc.VectorSubcoreMesh(core_axis_name="c", subcore_axis_name="s")


@functools.partial(
    pl.kernel,
    mesh=_mesh,
    out_type=jax.ShapeDtypeStruct((NC, N_PAD, D), jnp.float32),
    scratch_types=[
        pltpu.VMEM((CE,), jnp.int32),
        pltpu.VMEM((CE,), jnp.int32),
        pltpu.VMEM((CE,), jnp.int32),
        pltpu.VMEM((CE,), jnp.int32),
        pltpu.VMEM((TL,), jnp.int32),
        pltpu.VMEM((TL,), jnp.int32),
        pltpu.VMEM((CH,), jnp.int32),
        pltpu.VMEM((CE, D), jnp.float32),
        pltpu.VMEM((CE, D), jnp.float32),
        pltpu.VMEM((TL, D), jnp.float32),
        pltpu.VMEM((CH, D), jnp.float32),
        pltpu.VMEM_SHARED((N_PAD, D), jnp.float32),
        pltpu.SemaphoreType.DMA,
        pltpu.SemaphoreType.DMA,
        pltpu.SemaphoreType.DMA,
    ],
)
def _agg(x_hbm, src_hbm, dst_hbm, zrow_hbm,
         acc_out,
         src_va, dst_va, src_vb, dst_vb, src_vt, dst_vt,
         idx_v, rows_a, rows_b, rows_t, bounce_v, acc_s, sem_a, sem_b, sem_i):
    cid = lax.axis_index("c")
    sid = lax.axis_index("s")
    wid = sid * NC + cid
    r0 = sid * RPT

    def fill_rowids(base):
        for k in range(CH // 16):
            idx_v[pl.ds(k * 16, 16)] = base + k * 16 + lax.iota(jnp.int32, 16)

    ebase = wid * EPW

    pltpu.sync_copy(zrow_hbm, bounce_v)
    for j in range(NRC):
        fill_rowids(r0 + j * CH)
        pltpu.sync_copy(bounce_v, acc_s.at[idx_v])
    plsc.subcore_barrier()

    def pair(j, carry):
        offa = ebase + (2 * j) * CE
        offb = offa + CE
        i1 = pltpu.async_copy(src_hbm.at[pl.ds(offa, CE)], src_va, sem_i)
        i2 = pltpu.async_copy(dst_hbm.at[pl.ds(offa, CE)], dst_va, sem_i)
        i3 = pltpu.async_copy(src_hbm.at[pl.ds(offb, CE)], src_vb, sem_i)
        i4 = pltpu.async_copy(dst_hbm.at[pl.ds(offb, CE)], dst_vb, sem_i)
        i1.wait()
        i2.wait()
        i3.wait()
        i4.wait()
        ha = pltpu.async_copy(x_hbm.at[src_va], rows_a, sem_a)
        hb = pltpu.async_copy(x_hbm.at[src_vb], rows_b, sem_b)
        ha.wait()
        pltpu.sync_copy(rows_a, acc_s.at[dst_va], add=True)
        hb.wait()
        pltpu.sync_copy(rows_b, acc_s.at[dst_vb], add=True)
        return carry

    lax.fori_loop(0, NCE // 2, pair, 0)

    offt = ebase + NCE * CE
    pltpu.sync_copy(src_hbm.at[pl.ds(offt, TL)], src_vt)
    pltpu.sync_copy(dst_hbm.at[pl.ds(offt, TL)], dst_vt)
    pltpu.async_copy(x_hbm.at[src_vt], rows_t, sem_a).wait()
    pltpu.sync_copy(rows_t, acc_s.at[dst_vt], add=True)
    plsc.subcore_barrier()

    for j in range(NRC):
        fill_rowids(r0 + j * CH)
        pltpu.async_copy(acc_s.at[idx_v], bounce_v, sem_a).wait()
        pltpu.sync_copy(bounce_v, acc_out.at[cid, pl.ds(r0 + j * CH, CH)])


@functools.partial(
    pl.kernel,
    mesh=_mesh,
    out_type=jax.ShapeDtypeStruct((NC, N_PAD, D), jnp.float32),
    scratch_types=[
        pltpu.VMEM((CE,), jnp.int32),
        pltpu.VMEM((CE,), jnp.int32),
        pltpu.VMEM((TL,), jnp.int32),
        pltpu.VMEM((CH,), jnp.int32),
        pltpu.VMEM((CE, D), jnp.float32),
        pltpu.VMEM((TL, D), jnp.float32),
        pltpu.VMEM((CH, D), jnp.float32),
        pltpu.VMEM_SHARED((N_PAD, D), jnp.float32),
        pltpu.SemaphoreType.DMA,
        pltpu.SemaphoreType.DMA,
    ],
)
def _cnt(dst_hbm, zrow_hbm, ones_hbm,
         cnt_out,
         dst_va, dst_vb, dst_vt, idx_v, ones_v, ones_t, zbuf_v, cnt_s,
         sem_a, sem_b):
    cid = lax.axis_index("c")
    sid = lax.axis_index("s")
    wid = sid * NC + cid
    r0 = sid * RPT

    def fill_rowids(base):
        for k in range(CH // 16):
            idx_v[pl.ds(k * 16, 16)] = base + k * 16 + lax.iota(jnp.int32, 16)

    pltpu.sync_copy(zrow_hbm, zbuf_v)
    pltpu.sync_copy(ones_hbm, ones_v)
    pltpu.sync_copy(ones_hbm.at[pl.ds(0, TL)], ones_t)
    for j in range(NRC):
        fill_rowids(r0 + j * CH)
        pltpu.sync_copy(zbuf_v, cnt_s.at[idx_v])
    plsc.subcore_barrier()

    ebase = wid * EPW

    def pair(j, carry):
        offa = ebase + (2 * j) * CE
        offb = offa + CE
        ha = pltpu.async_copy(dst_hbm.at[pl.ds(offa, CE)], dst_va, sem_a)
        hb = pltpu.async_copy(dst_hbm.at[pl.ds(offb, CE)], dst_vb, sem_b)
        ha.wait()
        pltpu.sync_copy(ones_v, cnt_s.at[dst_va], add=True)
        hb.wait()
        pltpu.sync_copy(ones_v, cnt_s.at[dst_vb], add=True)
        return carry

    lax.fori_loop(0, NCE // 2, pair, 0)

    offt = ebase + NCE * CE
    pltpu.sync_copy(dst_hbm.at[pl.ds(offt, TL)], dst_vt)
    pltpu.sync_copy(ones_t, cnt_s.at[dst_vt], add=True)
    plsc.subcore_barrier()

    for j in range(NRC):
        fill_rowids(r0 + j * CH)
        pltpu.async_copy(cnt_s.at[idx_v], zbuf_v, sem_a).wait()
        pltpu.sync_copy(zbuf_v, cnt_out.at[cid, pl.ds(r0 + j * CH, CH)])


ROWS_BLK = 1000


def _dense_body(x_ref, acc_ref, cnt_ref, wl_ref, wr_ref, b_ref, o_ref):
    acc = acc_ref[0] + acc_ref[1]
    cnt = cnt_ref[0] + cnt_ref[1]
    mean = acc / jnp.maximum(cnt, 1.0)
    x = x_ref[...]
    h = (jnp.dot(mean, wl_ref[...], preferred_element_type=jnp.float32)
         + jnp.dot(x, wr_ref[...], preferred_element_type=jnp.float32)
         + b_ref[...])
    o_ref[...] = jnp.maximum(h, 0.0) + x


def _dense(x, acc_p, cnt_p, Wl, Wr, b):
    grid = (N // ROWS_BLK,)
    return pl.pallas_call(
        _dense_body,
        grid=grid,
        in_specs=[
            pl.BlockSpec((ROWS_BLK, D), lambda i: (i, 0)),
            pl.BlockSpec((NC, ROWS_BLK, D), lambda i: (0, i, 0)),
            pl.BlockSpec((NC, ROWS_BLK, 1), lambda i: (0, i, 0)),
            pl.BlockSpec((D, D), lambda i: (0, 0)),
            pl.BlockSpec((D, D), lambda i: (0, 0)),
            pl.BlockSpec((1, D), lambda i: (0, 0)),
        ],
        out_specs=pl.BlockSpec((ROWS_BLK, D), lambda i: (i, 0)),
        out_shape=jax.ShapeDtypeStruct((N, D), jnp.float32),
    )(x, acc_p, cnt_p, Wl, Wr, b.reshape(1, D))


def kernel(x, edge_index, Wl0, Wr0, b0, Wl1, Wr1, b1):
    src = edge_index[0]
    dst = edge_index[1]
    zrow = jnp.zeros((CH, D), jnp.float32)
    ones = jnp.ones((CE, D), jnp.float32)

    acc_p = _agg(x, src, dst, zrow)
    cnt_p = _cnt(dst, zrow, ones)
    cnt_col = cnt_p[:, :, :1]
    h0 = _dense(x, acc_p, cnt_col, Wl0, Wr0, b0)
    acc_p1 = _agg(h0, src, dst, zrow)
    out = _dense(h0, acc_p1, cnt_col, Wl1, Wr1, b1)
    return (out, edge_index)

# --- scband reference (transcript-rebuilt; emitter-appended) ---
"""Pipeline reference for scband-sageencoder-block-6098853560618 (READ-ONLY COPY).

The authoritative reference and input builder live on the scoring server;
editing this copy changes nothing except your own understanding.
"""

import jax, jax.numpy as jnp
import numpy as np

N = 10000
E = 320000
D = 128


def setup_inputs(seed: int = 0) -> dict:
    key = jax.random.key(seed)
    ks = jax.random.split(key, 8)
    x = jax.random.normal(ks[0], (N, D), dtype=jnp.float32)
    edge_index = jax.random.randint(ks[1], (2, E), 0, N, dtype=jnp.int32)
    s = 1.0 / np.sqrt(D)
    Wl0 = jax.random.normal(ks[2], (D, D), dtype=jnp.float32) * s
    Wr0 = jax.random.normal(ks[3], (D, D), dtype=jnp.float32) * s
    b0 = jnp.zeros((D,), dtype=jnp.float32)
    Wl1 = jax.random.normal(ks[4], (D, D), dtype=jnp.float32) * s
    Wr1 = jax.random.normal(ks[5], (D, D), dtype=jnp.float32) * s
    b1 = jnp.zeros((D,), dtype=jnp.float32)
    return {"x": x, "edge_index": edge_index, "Wl0": Wl0, "Wr0": Wr0, "b0": b0, "Wl1": Wl1, "Wr1": Wr1, "b1": b1}


def _sage_res_block(x, edge_index, Wl, Wr, b):
    # SAGEConv (mean aggregation): out = mean_agg(x[src] -> dst) @ Wl + x @ Wr + b
    src = edge_index[0]
    dst = edge_index[1]
    msgs = jnp.take(x, src, axis=0)
    summed = jax.ops.segment_sum(msgs, dst, num_segments=N)
    cnt = jax.ops.segment_sum(jnp.ones((E,), dtype=x.dtype), dst, num_segments=N)
    mean = summed / jnp.maximum(cnt, 1.0)[:, None]
    h = mean @ Wl + x @ Wr + b
    # ResBlock: activation on conv output + identity residual (in_channels == out_channels)
    return jax.nn.relu(h) + x


def reference(x, edge_index, Wl0, Wr0, b0, Wl1, Wr1, b1):
    x = _sage_res_block(x, edge_index, Wl0, Wr0, b0)
    x = _sage_res_block(x, edge_index, Wl1, Wr1, b1)
    return (x, edge_index)

if __name__ == "__main__":
    import jax
    _d = setup_inputs()
    print(jax.jit(kernel)(*tuple(_d.values())))

</pallas_src>

<mosaic_0001>
#map = affine_map<(d0, d1) -> (0, 0)>
#map1 = affine_map<(d0, d1) -> (0)>
#map2 = affine_map<(d0, d1) -> (0, 0, 0)>
module attributes {stable_mosaic.version = 14 : i64} {
  func.func @_agg(%arg0: i32, %arg1: i32, %arg2: memref<10000x128xf32, #tpu.memory_space<hbm>>, %arg3: memref<320000xi32, #tpu.memory_space<hbm>>, %arg4: memref<320000xi32, #tpu.memory_space<hbm>>, %arg5: memref<80x128xf32, #tpu.memory_space<hbm>>, %arg6: memref<2x10240x128xf32, #tpu.memory_space<hbm>>, %arg7: memref<128xi32, #tpu.memory_space<vmem>>, %arg8: memref<128xi32, #tpu.memory_space<vmem>>, %arg9: memref<128xi32, #tpu.memory_space<vmem>>, %arg10: memref<128xi32, #tpu.memory_space<vmem>>, %arg11: memref<16xi32, #tpu.memory_space<vmem>>, %arg12: memref<16xi32, #tpu.memory_space<vmem>>, %arg13: memref<80xi32, #tpu.memory_space<vmem>>, %arg14: memref<128x128xf32, #tpu.memory_space<vmem>>, %arg15: memref<128x128xf32, #tpu.memory_space<vmem>>, %arg16: memref<16x128xf32, #tpu.memory_space<vmem>>, %arg17: memref<80x128xf32, #tpu.memory_space<vmem>>, %arg18: memref<10240x128xf32, #tpu.memory_space<vmem_shared>>, %arg19: memref<!tpu.dma_semaphore, #tpu.memory_space<semaphore_mem>>, %arg20: memref<!tpu.dma_semaphore, #tpu.memory_space<semaphore_mem>>, %arg21: memref<!tpu.dma_semaphore, #tpu.memory_space<semaphore_mem>>) attributes {dimension_semantics = [#tpu.dimension_semantics<core_parallel>, #tpu.dimension_semantics<subcore_parallel>], iteration_bounds = array<i64: 2, 16>, scalar_prefetch = 0 : i64, scratch_operands = 15 : i64, tpu.core_type = #tpu.core_type<sc_vector_subcore>, window_params = [{transform_indices = #map}, {transform_indices = #map1}, {transform_indices = #map1}, {transform_indices = #map}, {transform_indices = #map2}]} {
    %mul3A = arith.constant 2 : i32
    %mul3A_0 = arith.muli %arg1, %mul3A : i32
    %add3A = arith.addi %mul3A_0, %arg0 : i32
    %mul3A_1 = arith.constant 640 : i32
    %mul3A_2 = arith.muli %arg1, %mul3A_1 : i32
    %mul3A_3 = arith.constant 10000 : i32
    %mul3A_4 = arith.muli %add3A, %mul3A_3 : i32
    "tpu.region"() ({
      %run_scoped3A = tpu.sem_alloc : memref<!tpu.dma_semaphore, #tpu.memory_space<semaphore_mem>>
      tpu.enqueue_dma source(%arg5 : memref<80x128xf32, #tpu.memory_space<hbm>>) target(%arg17 : memref<80x128xf32, #tpu.memory_space<vmem>>) target_semaphore(%run_scoped3A : memref<!tpu.dma_semaphore, #tpu.memory_space<semaphore_mem>>)
      tpu.wait_dma2 semaphore(%run_scoped3A : memref<!tpu.dma_semaphore, #tpu.memory_space<semaphore_mem>>) src(%arg5 : memref<80x128xf32, #tpu.memory_space<hbm>>) dst(%arg17 : memref<80x128xf32, #tpu.memory_space<vmem>>)
      tpu.yield
    }) : () -> ()
    %add3A_5 = arith.constant 0 : i32
    %add3A_6 = arith.addi %mul3A_2, %add3A_5 : i32
    %add3A_7 = arith.constant 0 : i32
    %add3A_8 = arith.addi %add3A_6, %add3A_7 : i32
    %iota3A = tpu.iota {dimensions = array<i32: 0>} : vector<16xi32>
    %add3A_9 = vector.broadcast %add3A_8 : i32 to vector<16xi32>
    %add3A_10 = arith.addi %add3A_9, %iota3A : vector<16xi32>
    %swap3A = arith.constant 0 : index
    %swap3A_11 = tpu.vector_load %arg13[%swap3A] {strides = array<i32>} : memref<80xi32, #tpu.memory_space<vmem>>, vector<16xi32>,
    %swap3A_12 = vector.shape_cast %swap3A_11 : vector<16xi32> to vector<16xi32>
    %swap3A_13 = vector.shape_cast %add3A_10 : vector<16xi32> to vector<16xi32>
    tpu.vector_store %arg13[%swap3A], %swap3A_13 {strides = array<i32>} : memref<80xi32, #tpu.memory_space<vmem>>, vector<16xi32>,
    %add3A_14 = arith.constant 16 : i32
    %add3A_15 = arith.addi %add3A_6, %add3A_14 : i32
    %iota3A_16 = tpu.iota {dimensions = array<i32: 0>} : vector<16xi32>
    %add3A_17 = vector.broadcast %add3A_15 : i32 to vector<16xi32>
    %add3A_18 = arith.addi %add3A_17, %iota3A_16 : vector<16xi32>
    %swap3A_19 = arith.constant 16 : index
    %swap3A_20 = tpu.vector_load %arg13[%swap3A_19] {strides = array<i32>} : memref<80xi32, #tpu.memory_space<vmem>>, vector<16xi32>,
    %swap3A_21 = vector.shape_cast %swap3A_20 : vector<16xi32> to vector<16xi32>
    %swap3A_22 = vector.shape_cast %add3A_18 : vector<16xi32> to vector<16xi32>
    tpu.vector_store %arg13[%swap3A_19], %swap3A_22 {strides = array<i32>} : memref<80xi32, #tpu.memory_space<vmem>>, vector<16xi32>,
    %add3A_23 = arith.constant 32 : i32
    %add3A_24 = arith.addi %add3A_6, %add3A_23 : i32
    %iota3A_25 = tpu.iota {dimensions = array<i32: 0>} : vector<16xi32>
    %add3A_26 = vector.broadcast %add3A_24 : i32 to vector<16xi32>
    %add3A_27 = arith.addi %add3A_26, %iota3A_25 : vector<16xi32>
    %swap3A_28 = arith.constant 32 : index
    %swap3A_29 = tpu.vector_load %arg13[%swap3A_28] {strides = array<i32>} : memref<80xi32, #tpu.memory_space<vmem>>, vector<16xi32>,
    %swap3A_30 = vector.shape_cast %swap3A_29 : vector<16xi32> to vector<16xi32>
    %swap3A_31 = vector.shape_cast %add3A_27 : vector<16xi32> to vector<16xi32>
    tpu.vector_store %arg13[%swap3A_28], %swap3A_31 {strides = array<i32>} : memref<80xi32, #tpu.memory_space<vmem>>, vector<16xi32>,
    %add3A_32 = arith.constant 48 : i32
    %add3A_33 = arith.addi %add3A_6, %add3A_32 : i32
    %iota3A_34 = tpu.iota {dimensions = array<i32: 0>} : vector<16xi32>
    %add3A_35 = vector.broadcast %add3A_33 : i32 to vector<16xi32>
    %add3A_36 = arith.addi %add3A_35, %iota3A_34 : vector<16xi32>
    %swap3A_37 = arith.constant 48 : index
    %swap3A_38 = tpu.vector_load %arg13[%swap3A_37] {strides = array<i32>} : memref<80xi32, #tpu.memory_space<vmem>>, vector<16xi32>,
    %swap3A_39 = vector.shape_cast %swap3A_38 : vector<16xi32> to vector<16xi32>
    %swap3A_40 = vector.shape_cast %add3A_36 : vector<16xi32> to vector<16xi32>
    tpu.vector_store %arg13[%swap3A_37], %swap3A_40 {strides = array<i32>} : memref<80xi32, #tpu.memory_space<vmem>>, vector<16xi32>,
    %add3A_41 = arith.constant 64 : i32
    %add3A_42 = arith.addi %add3A_6, %add3A_41 : i32
    %iota3A_43 = tpu.iota {dimensions = array<i32: 0>} : vector<16xi32>
    %add3A_44 = vector.broadcast %add3A_42 : i32 to vector<16xi32>
    %add3A_45 = arith.addi %add3A_44, %iota3A_43 : vector<16xi32>
    %swap3A_46 = arith.constant 64 : index
    %swap3A_47 = tpu.vector_load %arg13[%swap3A_46] {strides = array<i32>} : memref<80xi32, #tpu.memory_space<vmem>>, vector<16xi32>,
    %swap3A_48 = vector.shape_cast %swap3A_47 : vector<16xi32> to vector<16xi32>
    %swap3A_49 = vector.shape_cast %add3A_45 : vector<16xi32> to vector<16xi32>
    tpu.vector_store %arg13[%swap3A_46], %swap3A_49 {strides = array<i32>} : memref<80xi32, #tpu.memory_space<vmem>>, vector<16xi32>,
    "tpu.region"() ({
      %run_scoped3A = tpu.sem_alloc : memref<!tpu.dma_semaphore, #tpu.memory_space<semaphore_mem>>
      %dma_start3A_831 = arith.constant 0 : i32
      %dma_start3A_832 = arith.constant 0 : i32
      %dma_start3A_833 = tpu.memref_slice %arg18[%dma_start3A_831, %dma_start3A_832] : memref<10240x128xf32, #tpu.memory_space<vmem_shared>> -> memref<10240x128xf32, #tpu.memory_space<vmem_shared>>
      tpu.enqueue_indirect_dma source(%arg17 : memref<80x128xf32, #tpu.memory_space<vmem>>) target(%dma_start3A_833 : memref<10240x128xf32, #tpu.memory_space<vmem_shared>>) offsets(%arg13 : memref<80xi32, #tpu.memory_space<vmem>>) semaphore(%run_scoped3A : memref<!tpu.dma_semaphore, #tpu.memory_space<semaphore_mem>>)
      %dma_wait3A_834 = arith.constant 0 : i32
      %dma_wait3A_835 = arith.constant 0 : i32
      %dma_wait3A_836 = tpu.memref_slice %arg18[%dma_wait3A_834, %dma_wait3A_835] : memref<10240x128xf32, #tpu.memory_space<vmem_shared>> -> memref<10240x128xf32, #tpu.memory_space<vmem_shared>>
      tpu.wait_indirect_dma semaphore(%run_scoped3A : memref<!tpu.dma_semaphore, #tpu.memory_space<semaphore_mem>>) src(%arg17 : memref<80x128xf32, #tpu.memory_space<vmem>>) dst(%dma_wait3A_836 : memref<10240x128xf32, #tpu.memory_space<vmem_shared>>)
      tpu.yield
    }) : () -> ()
    %add3A_50 = arith.constant 80 : i32
    %add3A_51 = arith.addi %mul3A_2, %add3A_50 : i32
    %add3A_52 = arith.constant 0 : i32
    %add3A_53 = arith.addi %add3A_51, %add3A_52 : i32
    %iota3A_54 = tpu.iota {dimensions = array<i32: 0>} : vector<16xi32>
    %add3A_55 = vector.broadcast %add3A_53 : i32 to vector<16xi32>
    %add3A_56 = arith.addi %add3A_55, %iota3A_54 : vector<16xi32>
    %swap3A_57 = arith.constant 0 : index
    %swap3A_58 = tpu.vector_load %arg13[%swap3A_57] {strides = array<i32>} : memref<80xi32, #tpu.memory_space<vmem>>, vector<16xi32>,
    %swap3A_59 = vector.shape_cast %swap3A_58 : vector<16xi32> to vector<16xi32>
    %swap3A_60 = vector.shape_cast %add3A_56 : vector<16xi32> to vector<16xi32>
    tpu.vector_store %arg13[%swap3A_57], %swap3A_60 {strides = array<i32>} : memref<80xi32, #tpu.memory_space<vmem>>, vector<16xi32>,
    %add3A_61 = arith.constant 16 : i32
    %add3A_62 = arith.addi %add3A_51, %add3A_61 : i32
    %iota3A_63 = tpu.iota {dimensions = array<i32: 0>} : vector<16xi32>
    %add3A_64 = vector.broadcast %add3A_62 : i32 to vector<16xi32>
    %add3A_65 = arith.addi %add3A_64, %iota3A_63 : vector<16xi32>
    %swap3A_66 = arith.constant 16 : index
    %swap3A_67 = tpu.vector_load %arg13[%swap3A_66] {strides = array<i32>} : memref<80xi32, #tpu.memory_space<vmem>>, vector<16xi32>,
    %swap3A_68 = vector.shape_cast %swap3A_67 : vector<16xi32> to vector<16xi32>
    %swap3A_69 = vector.shape_cast %add3A_65 : vector<16xi32> to vector<16xi32>
    tpu.vector_store %arg13[%swap3A_66], %swap3A_69 {strides = array<i32>} : memref<80xi32, #tpu.memory_space<vmem>>, vector<16xi32>,
    %add3A_70 = arith.constant 32 : i32
    %add3A_71 = arith.addi %add3A_51, %add3A_70 : i32
    %iota3A_72 = tpu.iota {dimensions = array<i32: 0>} : vector<16xi32>
    %add3A_73 = vector.broadcast %add3A_71 : i32 to vector<16xi32>
    %add3A_74 = arith.addi %add3A_73, %iota3A_72 : vector<16xi32>
    %swap3A_75 = arith.constant 32 : index
    %swap3A_76 = tpu.vector_load %arg13[%swap3A_75] {strides = array<i32>} : memref<80xi32, #tpu.memory_space<vmem>>, vector<16xi32>,
    %swap3A_77 = vector.shape_cast %swap3A_76 : vector<16xi32> to vector<16xi32>
    %swap3A_78 = vector.shape_cast %add3A_74 : vector<16xi32> to vector<16xi32>
    tpu.vector_store %arg13[%swap3A_75], %swap3A_78 {strides = array<i32>} : memref<80xi32, #tpu.memory_space<vmem>>, vector<16xi32>,
    %add3A_79 = arith.constant 48 : i32
    %add3A_80 = arith.addi %add3A_51, %add3A_79 : i32
    %iota3A_81 = tpu.iota {dimensions = array<i32: 0>} : vector<16xi32>
    %add3A_82 = vector.broadcast %add3A_80 : i32 to vector<16xi32>
    %add3A_83 = arith.addi %add3A_82, %iota3A_81 : vector<16xi32>
    %swap3A_84 = arith.constant 48 : index
    %swap3A_85 = tpu.vector_load %arg13[%swap3A_84] {strides = array<i32>} : memref<80xi32, #tpu.memory_space<vmem>>, vector<16xi32>,
    %swap3A_86 = vector.shape_cast %swap3A_85 : vector<16xi32> to vector<16xi32>
    %swap3A_87 = vector.shape_cast %add3A_83 : vector<16xi32> to vector<16xi32>
    tpu.vector_store %arg13[%swap3A_84], %swap3A_87 {strides = array<i32>} : memref<80xi32, #tpu.memory_space<vmem>>, vector<16xi32>,
    %add3A_88 = arith.constant 64 : i32
    %add3A_89 = arith.addi %add3A_51, %add3A_88 : i32
    %iota3A_90 = tpu.iota {dimensions = array<i32: 0>} : vector<16xi32>
    %add3A_91 = vector.broadcast %add3A_89 : i32 to vector<16xi32>
    %add3A_92 = arith.addi %add3A_91, %iota3A_90 : vector<16xi32>
    %swap3A_93 = arith.constant 64 : index
    %swap3A_94 = tpu.vector_load %arg13[%swap3A_93] {strides = array<i32>} : memref<80xi32, #tpu.memory_space<vmem>>, vector<16xi32>,
    %swap3A_95 = vector.shape_cast %swap3A_94 : vector<16xi32> to vector<16xi32>
    %swap3A_96 = vector.shape_cast %add3A_92 : vector<16xi32> to vector<16xi32>
    tpu.vector_store %arg13[%swap3A_93], %swap3A_96 {strides = array<i32>} : memref<80xi32, #tpu.memory_space<vmem>>, vector<16xi32>,
    "tpu.region"() ({
      %run_scoped3A = tpu.sem_alloc : memref<!tpu.dma_semaphore, #tpu.memory_space<semaphore_mem>>
      %dma_start3A_831 = arith.constant 0 : i32
      %dma_start3A_832 = arith.constant 0 : i32
      %dma_start3A_833 = tpu.memref_slice %arg18[%dma_start3A_831, %dma_start3A_832] : memref<10240x128xf32, #tpu.memory_space<vmem_shared>> -> memref<10240x128xf32, #tpu.memory_space<vmem_shared>>
      tpu.enqueue_indirect_dma source(%arg17 : memref<80x128xf32, #tpu.memory_space<vmem>>) target(%dma_start3A_833 : memref<10240x128xf32, #tpu.memory_space<vmem_shared>>) offsets(%arg13 : memref<80xi32, #tpu.memory_space<vmem>>) semaphore(%run_scoped3A : memref<!tpu.dma_semaphore, #tpu.memory_space<semaphore_mem>>)
      %dma_wait3A_834 = arith.constant 0 : i32
      %dma_wait3A_835 = arith.constant 0 : i32
      %dma_wait3A_836 = tpu.memref_slice %arg18[%dma_wait3A_834, %dma_wait3A_835] : memref<10240x128xf32, #tpu.memory_space<vmem_shared>> -> memref<10240x128xf32, #tpu.memory_space<vmem_shared>>
      tpu.wait_indirect_dma semaphore(%run_scoped3A : memref<!tpu.dma_semaphore, #tpu.memory_space<semaphore_mem>>) src(%arg17 : memref<80x128xf32, #tpu.memory_space<vmem>>) dst(%dma_wait3A_836 : memref<10240x128xf32, #tpu.memory_space<vmem_shared>>)
      tpu.yield
    }) : () -> ()
    %add3A_97 = arith.constant 160 : i32
    %add3A_98 = arith.addi %mul3A_2, %add3A_97 : i32
    %add3A_99 = arith.constant 0 : i32
    %add3A_100 = arith.addi %add3A_98, %add3A_99 : i32
    %iota3A_101 = tpu.iota {dimensions = array<i32: 0>} : vector<16xi32>
    %add3A_102 = vector.broadcast %add3A_100 : i32 to vector<16xi32>
    %add3A_103 = arith.addi %add3A_102, %iota3A_101 : vector<16xi32>
    %swap3A_104 = arith.constant 0 : index
    %swap3A_105 = tpu.vector_load %arg13[%swap3A_104] {strides = array<i32>} : memref<80xi32, #tpu.memory_space<vmem>>, vector<16xi32>,
    %swap3A_106 = vector.shape_cast %swap3A_105 : vector<16xi32> to vector<16xi32>
    %swap3A_107 = vector.shape_cast %add3A_103 : vector<16xi32> to vector<16xi32>
    tpu.vector_store %arg13[%swap3A_104], %swap3A_107 {strides = array<i32>} : memref<80xi32, #tpu.memory_space<vmem>>, vector<16xi32>,
    %add3A_108 = arith.constant 16 : i32
    %add3A_109 = arith.addi %add3A_98, %add3A_108 : i32
    %iota3A_110 = tpu.iota {dimensions = array<i32: 0>} : vector<16xi32>
    %add3A_111 = vector.broadcast %add3A_109 : i32 to vector<16xi32>
    %add3A_112 = arith.addi %add3A_111, %iota3A_110 : vector<16xi32>
    %swap3A_113 = arith.constant 16 : index
    %swap3A_114 = tpu.vector_load %arg13[%swap3A_113] {strides = array<i32>} : memref<80xi32, #tpu.memory_space<vmem>>, vector<16xi32>,
    %swap3A_115 = vector.shape_cast %swap3A_114 : vector<16xi32> to vector<16xi32>
    %swap3A_116 = vector.shape_cast %add3A_112 : vector<16xi32> to vector<16xi32>
    tpu.vector_store %arg13[%swap3A_113], %swap3A_116 {strides = array<i32>} : memref<80xi32, #tpu.memory_space<vmem>>, vector<16xi32>,
    %add3A_117 = arith.constant 32 : i32
    %add3A_118 = arith.addi %add3A_98, %add3A_117 : i32
    %iota3A_119 = tpu.iota {dimensions = array<i32: 0>} : vector<16xi32>
    %add3A_120 = vector.broadcast %add3A_118 : i32 to vector<16xi32>
    %add3A_121 = arith.addi %add3A_120, %iota3A_119 : vector<16xi32>
    %swap3A_122 = arith.constant 32 : index
    %swap3A_123 = tpu.vector_load %arg13[%swap3A_122] {strides = array<i32>} : memref<80xi32, #tpu.memory_space<vmem>>, vector<16xi32>,
    %swap3A_124 = vector.shape_cast %swap3A_123 : vector<16xi32> to vector<16xi32>
    %swap3A_125 = vector.shape_cast %add3A_121 : vector<16xi32> to vector<16xi32>
    tpu.vector_store %arg13[%swap3A_122], %swap3A_125 {strides = array<i32>} : memref<80xi32, #tpu.memory_space<vmem>>, vector<16xi32>,
    %add3A_126 = arith.constant 48 : i32
    %add3A_127 = arith.addi %add3A_98, %add3A_126 : i32
    %iota3A_128 = tpu.iota {dimensions = array<i32: 0>} : vector<16xi32>
    %add3A_129 = vector.broadcast %add3A_127 : i32 to vector<16xi32>
    %add3A_130 = arith.addi %add3A_129, %iota3A_128 : vector<16xi32>
    %swap3A_131 = arith.constant 48 : index
    %swap3A_132 = tpu.vector_load %arg13[%swap3A_131] {strides = array<i32>} : memref<80xi32, #tpu.memory_space<vmem>>, vector<16xi32>,
    %swap3A_133 = vector.shape_cast %swap3A_132 : vector<16xi32> to vector<16xi32>
    %swap3A_134 = vector.shape_cast %add3A_130 : vector<16xi32> to vector<16xi32>
    tpu.vector_store %arg13[%swap3A_131], %swap3A_134 {strides = array<i32>} : memref<80xi32, #tpu.memory_space<vmem>>, vector<16xi32>,
    %add3A_135 = arith.constant 64 : i32
    %add3A_136 = arith.addi %add3A_98, %add3A_135 : i32
    %iota3A_137 = tpu.iota {dimensions = array<i32: 0>} : vector<16xi32>
    %add3A_138 = vector.broadcast %add3A_136 : i32 to vector<16xi32>
    %add3A_139 = arith.addi %add3A_138, %iota3A_137 : vector<16xi32>
    %swap3A_140 = arith.constant 64 : index
    %swap3A_141 = tpu.vector_load %arg13[%swap3A_140] {strides = array<i32>} : memref<80xi32, #tpu.memory_space<vmem>>, vector<16xi32>,
    %swap3A_142 = vector.shape_cast %swap3A_141 : vector<16xi32> to vector<16xi32>
    %swap3A_143 = vector.shape_cast %add3A_139 : vector<16xi32> to vector<16xi32>
    tpu.vector_store %arg13[%swap3A_140], %swap3A_143 {strides = array<i32>} : memref<80xi32, #tpu.memory_space<vmem>>, vector<16xi32>,
    "tpu.region"() ({
      %run_scoped3A = tpu.sem_alloc : memref<!tpu.dma_semaphore, #tpu.memory_space<semaphore_mem>>
      %dma_start3A_831 = arith.constant 0 : i32
      %dma_start3A_832 = arith.constant 0 : i32
      %dma_start3A_833 = tpu.memref_slice %arg18[%dma_start3A_831, %dma_start3A_832] : memref<10240x128xf32, #tpu.memory_space<vmem_shared>> -> memref<10240x128xf32, #tpu.memory_space<vmem_shared>>
      tpu.enqueue_indirect_dma source(%arg17 : memref<80x128xf32, #tpu.memory_space<vmem>>) target(%dma_start3A_833 : memref<10240x128xf32, #tpu.memory_space<vmem_shared>>) offsets(%arg13 : memref<80xi32, #tpu.memory_space<vmem>>) semaphore(%run_scoped3A : memref<!tpu.dma_semaphore, #tpu.memory_space<semaphore_mem>>)
      %dma_wait3A_834 = arith.constant 0 : i32
      %dma_wait3A_835 = arith.constant 0 : i32
      %dma_wait3A_836 = tpu.memref_slice %arg18[%dma_wait3A_834, %dma_wait3A_835] : memref<10240x128xf32, #tpu.memory_space<vmem_shared>> -> memref<10240x128xf32, #tpu.memory_space<vmem_shared>>
      tpu.wait_indirect_dma semaphore(%run_scoped3A : memref<!tpu.dma_semaphore, #tpu.memory_space<semaphore_mem>>) src(%arg17 : memref<80x128xf32, #tpu.memory_space<vmem>>) dst(%dma_wait3A_836 : memref<10240x128xf32, #tpu.memory_space<vmem_shared>>)
      tpu.yield
    }) : () -> ()
    %add3A_144 = arith.constant 240 : i32
    %add3A_145 = arith.addi %mul3A_2, %add3A_144 : i32
    %add3A_146 = arith.constant 0 : i32
    %add3A_147 = arith.addi %add3A_145, %add3A_146 : i32
    %iota3A_148 = tpu.iota {dimensions = array<i32: 0>} : vector<16xi32>
    %add3A_149 = vector.broadcast %add3A_147 : i32 to vector<16xi32>
    %add3A_150 = arith.addi %add3A_149, %iota3A_148 : vector<16xi32>
    %swap3A_151 = arith.constant 0 : index
    %swap3A_152 = tpu.vector_load %arg13[%swap3A_151] {strides = array<i32>} : memref<80xi32, #tpu.memory_space<vmem>>, vector<16xi32>,
    %swap3A_153 = vector.shape_cast %swap3A_152 : vector<16xi32> to vector<16xi32>
    %swap3A_154 = vector.shape_cast %add3A_150 : vector<16xi32> to vector<16xi32>
    tpu.vector_store %arg13[%swap3A_151], %swap3A_154 {strides = array<i32>} : memref<80xi32, #tpu.memory_space<vmem>>, vector<16xi32>,
    %add3A_155 = arith.constant 16 : i32
    %add3A_156 = arith.addi %add3A_145, %add3A_155 : i32
    %iota3A_157 = tpu.iota {dimensions = array<i32: 0>} : vector<16xi32>
    %add3A_158 = vector.broadcast %add3A_156 : i32 to vector<16xi32>
    %add3A_159 = arith.addi %add3A_158, %iota3A_157 : vector<16xi32>
    %swap3A_160 = arith.constant 16 : index
    %swap3A_161 = tpu.vector_load %arg13[%swap3A_160] {strides = array<i32>} : memref<80xi32, #tpu.memory_space<vmem>>, vector<16xi32>,
    %swap3A_162 = vector.shape_cast %swap3A_161 : vector<16xi32> to vector<16xi32>
    %swap3A_163 = vector.shape_cast %add3A_159 : vector<16xi32> to vector<16xi32>
    tpu.vector_store %arg13[%swap3A_160], %swap3A_163 {strides = array<i32>} : memref<80xi32, #tpu.memory_space<vmem>>, vector<16xi32>,
    %add3A_164 = arith.constant 32 : i32
    %add3A_165 = arith.addi %add3A_145, %add3A_164 : i32
    %iota3A_166 = tpu.iota {dimensions = array<i32: 0>} : vector<16xi32>
    %add3A_167 = vector.broadcast %add3A_165 : i32 to vector<16xi32>
    %add3A_168 = arith.addi %add3A_167, %iota3A_166 : vector<16xi32>
    %swap3A_169 = arith.constant 32 : index
    %swap3A_170 = tpu.vector_load %arg13[%swap3A_169] {strides = array<i32>} : memref<80xi32, #tpu.memory_space<vmem>>, vector<16xi32>,
    %swap3A_171 = vector.shape_cast %swap3A_170 : vector<16xi32> to vector<16xi32>
    %swap3A_172 = vector.shape_cast %add3A_168 : vector<16xi32> to vector<16xi32>
    tpu.vector_store %arg13[%swap3A_169], %swap3A_172 {strides = array<i32>} : memref<80xi32, #tpu.memory_space<vmem>>, vector<16xi32>,
    %add3A_173 = arith.constant 48 : i32
    %add3A_174 = arith.addi %add3A_145, %add3A_173 : i32
    %iota3A_175 = tpu.iota {dimensions = array<i32: 0>} : vector<16xi32>
    %add3A_176 = vector.broadcast %add3A_174 : i32 to vector<16xi32>
    %add3A_177 = arith.addi %add3A_176, %iota3A_175 : vector<16xi32>
    %swap3A_178 = arith.constant 48 : index
    %swap3A_179 = tpu.vector_load %arg13[%swap3A_178] {strides = array<i32>} : memref<80xi32, #tpu.memory_space<vmem>>, vector<16xi32>,
    %swap3A_180 = vector.shape_cast %swap3A_179 : vector<16xi32> to vector<16xi32>
    %swap3A_181 = vector.shape_cast %add3A_177 : vector<16xi32> to vector<16xi32>
    tpu.vector_store %arg13[%swap3A_178], %swap3A_181 {strides = array<i32>} : memref<80xi32, #tpu.memory_space<vmem>>, vector<16xi32>,
    %add3A_182 = arith.constant 64 : i32
    %add3A_183 = arith.addi %add3A_145, %add3A_182 : i32
    %iota3A_184 = tpu.iota {dimensions = array<i32: 0>} : vector<16xi32>
    %add3A_185 = vector.broadcast %add3A_183 : i32 to vector<16xi32>
    %add3A_186 = arith.addi %add3A_185, %iota3A_184 : vector<16xi32>
    %swap3A_187 = arith.constant 64 : index
    %swap3A_188 = tpu.vector_load %arg13[%swap3A_187] {strides = array<i32>} : memref<80xi32, #tpu.memory_space<vmem>>, vector<16xi32>,
    %swap3A_189 = vector.shape_cast %swap3A_188 : vector<16xi32> to vector<16xi32>
    %swap3A_190 = vector.shape_cast %add3A_186 : vector<16xi32> to vector<16xi32>
    tpu.vector_store %arg13[%swap3A_187], %swap3A_190 {strides = array<i32>} : memref<80xi32, #tpu.memory_space<vmem>>, vector<16xi32>,
    "tpu.region"() ({
      %run_scoped3A = tpu.sem_alloc : memref<!tpu.dma_semaphore, #tpu.memory_space<semaphore_mem>>
      %dma_start3A_831 = arith.constant 0 : i32
      %dma_start3A_832 = arith.constant 0 : i32
      %dma_start3A_833 = tpu.memref_slice %arg18[%dma_start3A_831, %dma_start3A_832] : memref<10240x128xf32, #tpu.memory_space<vmem_shared>> -> memref<10240x128xf32, #tpu.memory_space<vmem_shared>>
      tpu.enqueue_indirect_dma source(%arg17 : memref<80x128xf32, #tpu.memory_space<vmem>>) target(%dma_start3A_833 : memref<10240x128xf32, #tpu.memory_space<vmem_shared>>) offsets(%arg13 : memref<80xi32, #tpu.memory_space<vmem>>) semaphore(%run_scoped3A : memref<!tpu.dma_semaphore, #tpu.memory_space<semaphore_mem>>)
      %dma_wait3A_834 = arith.constant 0 : i32
      %dma_wait3A_835 = arith.constant 0 : i32
      %dma_wait3A_836 = tpu.memref_slice %arg18[%dma_wait3A_834, %dma_wait3A_835] : memref<10240x128xf32, #tpu.memory_space<vmem_shared>> -> memref<10240x128xf32, #tpu.memory_space<vmem_shared>>
      tpu.wait_indirect_dma semaphore(%run_scoped3A : memref<!tpu.dma_semaphore, #tpu.memory_space<semaphore_mem>>) src(%arg17 : memref<80x128xf32, #tpu.memory_space<vmem>>) dst(%dma_wait3A_836 : memref<10240x128xf32, #tpu.memory_space<vmem_shared>>)
      tpu.yield
    }) : () -> ()
    %add3A_191 = arith.constant 320 : i32
    %add3A_192 = arith.addi %mul3A_2, %add3A_191 : i32
    %add3A_193 = arith.constant 0 : i32
    %add3A_194 = arith.addi %add3A_192, %add3A_193 : i32
    %iota3A_195 = tpu.iota {dimensions = array<i32: 0>} : vector<16xi32>
    %add3A_196 = vector.broadcast %add3A_194 : i32 to vector<16xi32>
    %add3A_197 = arith.addi %add3A_196, %iota3A_195 : vector<16xi32>
    %swap3A_198 = arith.constant 0 : index
    %swap3A_199 = tpu.vector_load %arg13[%swap3A_198] {strides = array<i32>} : memref<80xi32, #tpu.memory_space<vmem>>, vector<16xi32>,
    %swap3A_200 = vector.shape_cast %swap3A_199 : vector<16xi32> to vector<16xi32>
    %swap3A_201 = vector.shape_cast %add3A_197 : vector<16xi32> to vector<16xi32>
    tpu.vector_store %arg13[%swap3A_198], %swap3A_201 {strides = array<i32>} : memref<80xi32, #tpu.memory_space<vmem>>, vector<16xi32>,
    %add3A_202 = arith.constant 16 : i32
    %add3A_203 = arith.addi %add3A_192, %add3A_202 : i32
    %iota3A_204 = tpu.iota {dimensions = array<i32: 0>} : vector<16xi32>
    %add3A_205 = vector.broadcast %add3A_203 : i32 to vector<16xi32>
    %add3A_206 = arith.addi %add3A_205, %iota3A_204 : vector<16xi32>
    %swap3A_207 = arith.constant 16 : index
    %swap3A_208 = tpu.vector_load %arg13[%swap3A_207] {strides = array<i32>} : memref<80xi32, #tpu.memory_space<vmem>>, vector<16xi32>,
    %swap3A_209 = vector.shape_cast %swap3A_208 : vector<16xi32> to vector<16xi32>
    %swap3A_210 = vector.shape_cast %add3A_206 : vector<16xi32> to vector<16xi32>
    tpu.vector_store %arg13[%swap3A_207], %swap3A_210 {strides = array<i32>} : memref<80xi32, #tpu.memory_space<vmem>>, vector<16xi32>,
    %add3A_211 = arith.constant 32 : i32
    %add3A_212 = arith.addi %add3A_192, %add3A_211 : i32
    %iota3A_213 = tpu.iota {dimensions = array<i32: 0>} : vector<16xi32>
    %add3A_214 = vector.broadcast %add3A_212 : i32 to vector<16xi32>
    %add3A_215 = arith.addi %add3A_214, %iota3A_213 : vector<16xi32>
    %swap3A_216 = arith.constant 32 : index
    %swap3A_217 = tpu.vector_load %arg13[%swap3A_216] {strides = array<i32>} : memref<80xi32, #tpu.memory_space<vmem>>, vector<16xi32>,
    %swap3A_218 = vector.shape_cast %swap3A_217 : vector<16xi32> to vector<16xi32>
    %swap3A_219 = vector.shape_cast %add3A_215 : vector<16xi32> to vector<16xi32>
    tpu.vector_store %arg13[%swap3A_216], %swap3A_219 {strides = array<i32>} : memref<80xi32, #tpu.memory_space<vmem>>, vector<16xi32>,
    %add3A_220 = arith.constant 48 : i32
    %add3A_221 = arith.addi %add3A_192, %add3A_220 : i32
    %iota3A_222 = tpu.iota {dimensions = array<i32: 0>} : vector<16xi32>
    %add3A_223 = vector.broadcast %add3A_221 : i32 to vector<16xi32>
    %add3A_224 = arith.addi %add3A_223, %iota3A_222 : vector<16xi32>
    %swap3A_225 = arith.constant 48 : index
    %swap3A_226 = tpu.vector_load %arg13[%swap3A_225] {strides = array<i32>} : memref<80xi32, #tpu.memory_space<vmem>>, vector<16xi32>,
    %swap3A_227 = vector.shape_cast %swap3A_226 : vector<16xi32> to vector<16xi32>
    %swap3A_228 = vector.shape_cast %add3A_224 : vector<16xi32> to vector<16xi32>
    tpu.vector_store %arg13[%swap3A_225], %swap3A_228 {strides = array<i32>} : memref<80xi32, #tpu.memory_space<vmem>>, vector<16xi32>,
    %add3A_229 = arith.constant 64 : i32
    %add3A_230 = arith.addi %add3A_192, %add3A_229 : i32
    %iota3A_231 = tpu.iota {dimensions = array<i32: 0>} : vector<16xi32>
    %add3A_232 = vector.broadcast %add3A_230 : i32 to vector<16xi32>
    %add3A_233 = arith.addi %add3A_232, %iota3A_231 : vector<16xi32>
    %swap3A_234 = arith.constant 64 : index
    %swap3A_235 = tpu.vector_load %arg13[%swap3A_234] {strides = array<i32>} : memref<80xi32, #tpu.memory_space<vmem>>, vector<16xi32>,
    %swap3A_236 = vector.shape_cast %swap3A_235 : vector<16xi32> to vector<16xi32>
    %swap3A_237 = vector.shape_cast %add3A_233 : vector<16xi32> to vector<16xi32>
    tpu.vector_store %arg13[%swap3A_234], %swap3A_237 {strides = array<i32>} : memref<80xi32, #tpu.memory_space<vmem>>, vector<16xi32>,
    "tpu.region"() ({
      %run_scoped3A = tpu.sem_alloc : memref<!tpu.dma_semaphore, #tpu.memory_space<semaphore_mem>>
      %dma_start3A_831 = arith.constant 0 : i32
      %dma_start3A_832 = arith.constant 0 : i32
      %dma_start3A_833 = tpu.memref_slice %arg18[%dma_start3A_831, %dma_start3A_832] : memref<10240x128xf32, #tpu.memory_space<vmem_shared>> -> memref<10240x128xf32, #tpu.memory_space<vmem_shared>>
      tpu.enqueue_indirect_dma source(%arg17 : memref<80x128xf32, #tpu.memory_space<vmem>>) target(%dma_start3A_833 : memref<10240x128xf32, #tpu.memory_space<vmem_shared>>) offsets(%arg13 : memref<80xi32, #tpu.memory_space<vmem>>) semaphore(%run_scoped3A : memref<!tpu.dma_semaphore, #tpu.memory_space<semaphore_mem>>)
      %dma_wait3A_834 = arith.constant 0 : i32
      %dma_wait3A_835 = arith.constant 0 : i32
      %dma_wait3A_836 = tpu.memref_slice %arg18[%dma_wait3A_834, %dma_wait3A_835] : memref<10240x128xf32, #tpu.memory_space<vmem_shared>> -> memref<10240x128xf32, #tpu.memory_space<vmem_shared>>
      tpu.wait_indirect_dma semaphore(%run_scoped3A : memref<!tpu.dma_semaphore, #tpu.memory_space<semaphore_mem>>) src(%arg17 : memref<80x128xf32, #tpu.memory_space<vmem>>) dst(%dma_wait3A_836 : memref<10240x128xf32, #tpu.memory_space<vmem_shared>>)
      tpu.yield
    }) : () -> ()
    %add3A_238 = arith.constant 400 : i32
    %add3A_239 = arith.addi %mul3A_2, %add3A_238 : i32
    %add3A_240 = arith.constant 0 : i32
    %add3A_241 = arith.addi %add3A_239, %add3A_240 : i32
    %iota3A_242 = tpu.iota {dimensions = array<i32: 0>} : vector<16xi32>
    %add3A_243 = vector.broadcast %add3A_241 : i32 to vector<16xi32>
    %add3A_244 = arith.addi %add3A_243, %iota3A_242 : vector<16xi32>
    %swap3A_245 = arith.constant 0 : index
    %swap3A_246 = tpu.vector_load %arg13[%swap3A_245] {strides = array<i32>} : memref<80xi32, #tpu.memory_space<vmem>>, vector<16xi32>,
    %swap3A_247 = vector.shape_cast %swap3A_246 : vector<16xi32> to vector<16xi32>
    %swap3A_248 = vector.shape_cast %add3A_244 : vector<16xi32> to vector<16xi32>
    tpu.vector_store %arg13[%swap3A_245], %swap3A_248 {strides = array<i32>} : memref<80xi32, #tpu.memory_space<vmem>>, vector<16xi32>,
    %add3A_249 = arith.constant 16 : i32
    %add3A_250 = arith.addi %add3A_239, %add3A_249 : i32
    %iota3A_251 = tpu.iota {dimensions = array<i32: 0>} : vector<16xi32>
    %add3A_252 = vector.broadcast %add3A_250 : i32 to vector<16xi32>
    %add3A_253 = arith.addi %add3A_252, %iota3A_251 : vector<16xi32>
    %swap3A_254 = arith.constant 16 : index
    %swap3A_255 = tpu.vector_load %arg13[%swap3A_254] {strides = array<i32>} : memref<80xi32, #tpu.memory_space<vmem>>, vector<16xi32>,
    %swap3A_256 = vector.shape_cast %swap3A_255 : vector<16xi32> to vector<16xi32>
    %swap3A_257 = vector.shape_cast %add3A_253 : vector<16xi32> to vector<16xi32>
    tpu.vector_store %arg13[%swap3A_254], %swap3A_257 {strides = array<i32>} : memref<80xi32, #tpu.memory_space<vmem>>, vector<16xi32>,
    %add3A_258 = arith.constant 32 : i32
    %add3A_259 = arith.addi %add3A_239, %add3A_258 : i32
    %iota3A_260 = tpu.iota {dimensions = array<i32: 0>} : vector<16xi32>
    %add3A_261 = vector.broadcast %add3A_259 : i32 to vector<16xi32>
    %add3A_262 = arith.addi %add3A_261, %iota3A_260 : vector<16xi32>
    %swap3A_263 = arith.constant 32 : index
    %swap3A_264 = tpu.vector_load %arg13[%swap3A_263] {strides = array<i32>} : memref<80xi32, #tpu.memory_space<vmem>>, vector<16xi32>,
    %swap3A_265 = vector.shape_cast %swap3A_264 : vector<16xi32> to vector<16xi32>
    %swap3A_266 = vector.shape_cast %add3A_262 : vector<16xi32> to vector<16xi32>
    tpu.vector_store %arg13[%swap3A_263], %swap3A_266 {strides = array<i32>} : memref<80xi32, #tpu.memory_space<vmem>>, vector<16xi32>,
    %add3A_267 = arith.constant 48 : i32
    %add3A_268 = arith.addi %add3A_239, %add3A_267 : i32
    %iota3A_269 = tpu.iota {dimensions = array<i32: 0>} : vector<16xi32>
    %add3A_270 = vector.broadcast %add3A_268 : i32 to vector<16xi32>
    %add3A_271 = arith.addi %add3A_270, %iota3A_269 : vector<16xi32>
    %swap3A_272 = arith.constant 48 : index
    %swap3A_273 = tpu.vector_load %arg13[%swap3A_272] {strides = array<i32>} : memref<80xi32, #tpu.memory_space<vmem>>, vector<16xi32>,
    %swap3A_274 = vector.shape_cast %swap3A_273 : vector<16xi32> to vector<16xi32>
    %swap3A_275 = vector.shape_cast %add3A_271 : vector<16xi32> to vector<16xi32>
    tpu.vector_store %arg13[%swap3A_272], %swap3A_275 {strides = array<i32>} : memref<80xi32, #tpu.memory_space<vmem>>, vector<16xi32>,
    %add3A_276 = arith.constant 64 : i32
    %add3A_277 = arith.addi %add3A_239, %add3A_276 : i32
    %iota3A_278 = tpu.iota {dimensions = array<i32: 0>} : vector<16xi32>
    %add3A_279 = vector.broadcast %add3A_277 : i32 to vector<16xi32>
    %add3A_280 = arith.addi %add3A_279, %iota3A_278 : vector<16xi32>
    %swap3A_281 = arith.constant 64 : index
    %swap3A_282 = tpu.vector_load %arg13[%swap3A_281] {strides = array<i32>} : memref<80xi32, #tpu.memory_space<vmem>>, vector<16xi32>,
    %swap3A_283 = vector.shape_cast %swap3A_282 : vector<16xi32> to vector<16xi32>
    %swap3A_284 = vector.shape_cast %add3A_280 : vector<16xi32> to vector<16xi32>
    tpu.vector_store %arg13[%swap3A_281], %swap3A_284 {strides = array<i32>} : memref<80xi32, #tpu.memory_space<vmem>>, vector<16xi32>,
    "tpu.region"() ({
      %run_scoped3A = tpu.sem_alloc : memref<!tpu.dma_semaphore, #tpu.memory_space<semaphore_mem>>
      %dma_start3A_831 = arith.constant 0 : i32
      %dma_start3A_832 = arith.constant 0 : i32
      %dma_start3A_833 = tpu.memref_slice %arg18[%dma_start3A_831, %dma_start3A_832] : memref<10240x128xf32, #tpu.memory_space<vmem_shared>> -> memref<10240x128xf32, #tpu.memory_space<vmem_shared>>
      tpu.enqueue_indirect_dma source(%arg17 : memref<80x128xf32, #tpu.memory_space<vmem>>) target(%dma_start3A_833 : memref<10240x128xf32, #tpu.memory_space<vmem_shared>>) offsets(%arg13 : memref<80xi32, #tpu.memory_space<vmem>>) semaphore(%run_scoped3A : memref<!tpu.dma_semaphore, #tpu.memory_space<semaphore_mem>>)
      %dma_wait3A_834 = arith.constant 0 : i32
      %dma_wait3A_835 = arith.constant 0 : i32
      %dma_wait3A_836 = tpu.memref_slice %arg18[%dma_wait3A_834, %dma_wait3A_835] : memref<10240x128xf32, #tpu.memory_space<vmem_shared>> -> memref<10240x128xf32, #tpu.memory_space<vmem_shared>>
      tpu.wait_indirect_dma semaphore(%run_scoped3A : memref<!tpu.dma_semaphore, #tpu.memory_space<semaphore_mem>>) src(%arg17 : memref<80x128xf32, #tpu.memory_space<vmem>>) dst(%dma_wait3A_836 : memref<10240x128xf32, #tpu.memory_space<vmem_shared>>)
      tpu.yield
    }) : () -> ()
    %add3A_285 = arith.constant 480 : i32
    %add3A_286 = arith.addi %mul3A_2, %add3A_285 : i32
    %add3A_287 = arith.constant 0 : i32
    %add3A_288 = arith.addi %add3A_286, %add3A_287 : i32
    %iota3A_289 = tpu.iota {dimensions = array<i32: 0>} : vector<16xi32>
    %add3A_290 = vector.broadcast %add3A_288 : i32 to vector<16xi32>
    %add3A_291 = arith.addi %add3A_290, %iota3A_289 : vector<16xi32>
    %swap3A_292 = arith.constant 0 : index
    %swap3A_293 = tpu.vector_load %arg13[%swap3A_292] {strides = array<i32>} : memref<80xi32, #tpu.memory_space<vmem>>, vector<16xi32>,
    %swap3A_294 = vector.shape_cast %swap3A_293 : vector<16xi32> to vector<16xi32>
    %swap3A_295 = vector.shape_cast %add3A_291 : vector<16xi32> to vector<16xi32>
    tpu.vector_store %arg13[%swap3A_292], %swap3A_295 {strides = array<i32>} : memref<80xi32, #tpu.memory_space<vmem>>, vector<16xi32>,
    %add3A_296 = arith.constant 16 : i32
    %add3A_297 = arith.addi %add3A_286, %add3A_296 : i32
    %iota3A_298 = tpu.iota {dimensions = array<i32: 0>} : vector<16xi32>
    %add3A_299 = vector.broadcast %add3A_297 : i32 to vector<16xi32>
    %add3A_300 = arith.addi %add3A_299, %iota3A_298 : vector<16xi32>
    %swap3A_301 = arith.constant 16 : index
    %swap3A_302 = tpu.vector_load %arg13[%swap3A_301] {strides = array<i32>} : memref<80xi32, #tpu.memory_space<vmem>>, vector<16xi32>,
    %swap3A_303 = vector.shape_cast %swap3A_302 : vector<16xi32> to vector<16xi32>
    %swap3A_304 = vector.shape_cast %add3A_300 : vector<16xi32> to vector<16xi32>
    tpu.vector_store %arg13[%swap3A_301], %swap3A_304 {strides = array<i32>} : memref<80xi32, #tpu.memory_space<vmem>>, vector<16xi32>,
    %add3A_305 = arith.constant 32 : i32
    %add3A_306 = arith.addi %add3A_286, %add3A_305 : i32
    %iota3A_307 = tpu.iota {dimensions = array<i32: 0>} : vector<16xi32>
    %add3A_308 = vector.broadcast %add3A_306 : i32 to vector<16xi32>
    %add3A_309 = arith.addi %add3A_308, %iota3A_307 : vector<16xi32>
    %swap3A_310 = arith.constant 32 : index
    %swap3A_311 = tpu.vector_load %arg13[%swap3A_310] {strides = array<i32>} : memref<80xi32, #tpu.memory_space<vmem>>, vector<16xi32>,
    %swap3A_312 = vector.shape_cast %swap3A_311 : vector<16xi32> to vector<16xi32>
    %swap3A_313 = vector.shape_cast %add3A_309 : vector<16xi32> to vector<16xi32>
    tpu.vector_store %arg13[%swap3A_310], %swap3A_313 {strides = array<i32>} : memref<80xi32, #tpu.memory_space<vmem>>, vector<16xi32>,
    %add3A_314 = arith.constant 48 : i32
    %add3A_315 = arith.addi %add3A_286, %add3A_314 : i32
    %iota3A_316 = tpu.iota {dimensions = array<i32: 0>} : vector<16xi32>
    %add3A_317 = vector.broadcast %add3A_315 : i32 to vector<16xi32>
    %add3A_318 = arith.addi %add3A_317, %iota3A_316 : vector<16xi32>
    %swap3A_319 = arith.constant 48 : index
    %swap3A_320 = tpu.vector_load %arg13[%swap3A_319] {strides = array<i32>} : memref<80xi32, #tpu.memory_space<vmem>>, vector<16xi32>,
    %swap3A_321 = vector.shape_cast %swap3A_320 : vector<16xi32> to vector<16xi32>
    %swap3A_322 = vector.shape_cast %add3A_318 : vector<16xi32> to vector<16xi32>
    tpu.vector_store %arg13[%swap3A_319], %swap3A_322 {strides = array<i32>} : memref<80xi32, #tpu.memory_space<vmem>>, vector<16xi32>,
    %add3A_323 = arith.constant 64 : i32
    %add3A_324 = arith.addi %add3A_286, %add3A_323 : i32
    %iota3A_325 = tpu.iota {dimensions = array<i32: 0>} : vector<16xi32>
    %add3A_326 = vector.broadcast %add3A_324 : i32 to vector<16xi32>
    %add3A_327 = arith.addi %add3A_326, %iota3A_325 : vector<16xi32>
    %swap3A_328 = arith.constant 64 : index
    %swap3A_329 = tpu.vector_load %arg13[%swap3A_328] {strides = array<i32>} : memref<80xi32, #tpu.memory_space<vmem>>, vector<16xi32>,
    %swap3A_330 = vector.shape_cast %swap3A_329 : vector<16xi32> to vector<16xi32>
    %swap3A_331 = vector.shape_cast %add3A_327 : vector<16xi32> to vector<16xi32>
    tpu.vector_store %arg13[%swap3A_328], %swap3A_331 {strides = array<i32>} : memref<80xi32, #tpu.memory_space<vmem>>, vector<16xi32>,
    "tpu.region"() ({
      %run_scoped3A = tpu.sem_alloc : memref<!tpu.dma_semaphore, #tpu.memory_space<semaphore_mem>>
      %dma_start3A_831 = arith.constant 0 : i32
      %dma_start3A_832 = arith.constant 0 : i32
      %dma_start3A_833 = tpu.memref_slice %arg18[%dma_start3A_831, %dma_start3A_832] : memref<10240x128xf32, #tpu.memory_space<vmem_shared>> -> memref<10240x128xf32, #tpu.memory_space<vmem_shared>>
      tpu.enqueue_indirect_dma source(%arg17 : memref<80x128xf32, #tpu.memory_space<vmem>>) target(%dma_start3A_833 : memref<10240x128xf32, #tpu.memory_space<vmem_shared>>) offsets(%arg13 : memref<80xi32, #tpu.memory_space<vmem>>) semaphore(%run_scoped3A : memref<!tpu.dma_semaphore, #tpu.memory_space<semaphore_mem>>)
      %dma_wait3A_834 = arith.constant 0 : i32
      %dma_wait3A_835 = arith.constant 0 : i32
      %dma_wait3A_836 = tpu.memref_slice %arg18[%dma_wait3A_834, %dma_wait3A_835] : memref<10240x128xf32, #tpu.memory_space<vmem_shared>> -> memref<10240x128xf32, #tpu.memory_space<vmem_shared>>
      tpu.wait_indirect_dma semaphore(%run_scoped3A : memref<!tpu.dma_semaphore, #tpu.memory_space<semaphore_mem>>) src(%arg17 : memref<80x128xf32, #tpu.memory_space<vmem>>) dst(%dma_wait3A_836 : memref<10240x128xf32, #tpu.memory_space<vmem_shared>>)
      tpu.yield
    }) : () -> ()
    %add3A_332 = arith.constant 560 : i32
    %add3A_333 = arith.addi %mul3A_2, %add3A_332 : i32
    %add3A_334 = arith.constant 0 : i32
    %add3A_335 = arith.addi %add3A_333, %add3A_334 : i32
    %iota3A_336 = tpu.iota {dimensions = array<i32: 0>} : vector<16xi32>
    %add3A_337 = vector.broadcast %add3A_335 : i32 to vector<16xi32>
    %add3A_338 = arith.addi %add3A_337, %iota3A_336 : vector<16xi32>
    %swap3A_339 = arith.constant 0 : index
    %swap3A_340 = tpu.vector_load %arg13[%swap3A_339] {strides = array<i32>} : memref<80xi32, #tpu.memory_space<vmem>>, vector<16xi32>,
    %swap3A_341 = vector.shape_cast %swap3A_340 : vector<16xi32> to vector<16xi32>
    %swap3A_342 = vector.shape_cast %add3A_338 : vector<16xi32> to vector<16xi32>
    tpu.vector_store %arg13[%swap3A_339], %swap3A_342 {strides = array<i32>} : memref<80xi32, #tpu.memory_space<vmem>>, vector<16xi32>,
    %add3A_343 = arith.constant 16 : i32
    %add3A_344 = arith.addi %add3A_333, %add3A_343 : i32
    %iota3A_345 = tpu.iota {dimensions = array<i32: 0>} : vector<16xi32>
    %add3A_346 = vector.broadcast %add3A_344 : i32 to vector<16xi32>
    %add3A_347 = arith.addi %add3A_346, %iota3A_345 : vector<16xi32>
    %swap3A_348 = arith.constant 16 : index
    %swap3A_349 = tpu.vector_load %arg13[%swap3A_348] {strides = array<i32>} : memref<80xi32, #tpu.memory_space<vmem>>, vector<16xi32>,
    %swap3A_350 = vector.shape_cast %swap3A_349 : vector<16xi32> to vector<16xi32>
    %swap3A_351 = vector.shape_cast %add3A_347 : vector<16xi32> to vector<16xi32>
    tpu.vector_store %arg13[%swap3A_348], %swap3A_351 {strides = array<i32>} : memref<80xi32, #tpu.memory_space<vmem>>, vector<16xi32>,
    %add3A_352 = arith.constant 32 : i32
    %add3A_353 = arith.addi %add3A_333, %add3A_352 : i32
    %iota3A_354 = tpu.iota {dimensions = array<i32: 0>} : vector<16xi32>
    %add3A_355 = vector.broadcast %add3A_353 : i32 to vector<16xi32>
    %add3A_356 = arith.addi %add3A_355, %iota3A_354 : vector<16xi32>
    %swap3A_357 = arith.constant 32 : index
    %swap3A_358 = tpu.vector_load %arg13[%swap3A_357] {strides = array<i32>} : memref<80xi32, #tpu.memory_space<vmem>>, vector<16xi32>,
    %swap3A_359 = vector.shape_cast %swap3A_358 : vector<16xi32> to vector<16xi32>
    %swap3A_360 = vector.shape_cast %add3A_356 : vector<16xi32> to vector<16xi32>
    tpu.vector_store %arg13[%swap3A_357], %swap3A_360 {strides = array<i32>} : memref<80xi32, #tpu.memory_space<vmem>>, vector<16xi32>,
    %add3A_361 = arith.constant 48 : i32
    %add3A_362 = arith.addi %add3A_333, %add3A_361 : i32
    %iota3A_363 = tpu.iota {dimensions = array<i32: 0>} : vector<16xi32>
    %add3A_364 = vector.broadcast %add3A_362 : i32 to vector<16xi32>
    %add3A_365 = arith.addi %add3A_364, %iota3A_363 : vector<16xi32>
    %swap3A_366 = arith.constant 48 : index
    %swap3A_367 = tpu.vector_load %arg13[%swap3A_366] {strides = array<i32>} : memref<80xi32, #tpu.memory_space<vmem>>, vector<16xi32>,
    %swap3A_368 = vector.shape_cast %swap3A_367 : vector<16xi32> to vector<16xi32>
    %swap3A_369 = vector.shape_cast %add3A_365 : vector<16xi32> to vector<16xi32>
    tpu.vector_store %arg13[%swap3A_366], %swap3A_369 {strides = array<i32>} : memref<80xi32, #tpu.memory_space<vmem>>, vector<16xi32>,
    %add3A_370 = arith.constant 64 : i32
    %add3A_371 = arith.addi %add3A_333, %add3A_370 : i32
    %iota3A_372 = tpu.iota {dimensions = array<i32: 0>} : vector<16xi32>
    %add3A_373 = vector.broadcast %add3A_371 : i32 to vector<16xi32>
    %add3A_374 = arith.addi %add3A_373, %iota3A_372 : vector<16xi32>
    %swap3A_375 = arith.constant 64 : index
    %swap3A_376 = tpu.vector_load %arg13[%swap3A_375] {strides = array<i32>} : memref<80xi32, #tpu.memory_space<vmem>>, vector<16xi32>,
    %swap3A_377 = vector.shape_cast %swap3A_376 : vector<16xi32> to vector<16xi32>
    %swap3A_378 = vector.shape_cast %add3A_374 : vector<16xi32> to vector<16xi32>
    tpu.vector_store %arg13[%swap3A_375], %swap3A_378 {strides = array<i32>} : memref<80xi32, #tpu.memory_space<vmem>>, vector<16xi32>,
    "tpu.region"() ({
      %run_scoped3A = tpu.sem_alloc : memref<!tpu.dma_semaphore, #tpu.memory_space<semaphore_mem>>
      %dma_start3A_831 = arith.constant 0 : i32
      %dma_start3A_832 = arith.constant 0 : i32
      %dma_start3A_833 = tpu.memref_slice %arg18[%dma_start3A_831, %dma_start3A_832] : memref<10240x128xf32, #tpu.memory_space<vmem_shared>> -> memref<10240x128xf32, #tpu.memory_space<vmem_shared>>
      tpu.enqueue_indirect_dma source(%arg17 : memref<80x128xf32, #tpu.memory_space<vmem>>) target(%dma_start3A_833 : memref<10240x128xf32, #tpu.memory_space<vmem_shared>>) offsets(%arg13 : memref<80xi32, #tpu.memory_space<vmem>>) semaphore(%run_scoped3A : memref<!tpu.dma_semaphore, #tpu.memory_space<semaphore_mem>>)
      %dma_wait3A_834 = arith.constant 0 : i32
      %dma_wait3A_835 = arith.constant 0 : i32
      %dma_wait3A_836 = tpu.memref_slice %arg18[%dma_wait3A_834, %dma_wait3A_835] : memref<10240x128xf32, #tpu.memory_space<vmem_shared>> -> memref<10240x128xf32, #tpu.memory_space<vmem_shared>>
      tpu.wait_indirect_dma semaphore(%run_scoped3A : memref<!tpu.dma_semaphore, #tpu.memory_space<semaphore_mem>>) src(%arg17 : memref<80x128xf32, #tpu.memory_space<vmem>>) dst(%dma_wait3A_836 : memref<10240x128xf32, #tpu.memory_space<vmem_shared>>)
      tpu.yield
    }) : () -> ()
    %barrier3A = arith.constant 0 : index
    tpu.barrier barrier_id(%barrier3A)
    %scan3A = arith.constant 0 : i32
    %scan3A_379 = arith.constant 0 : i32
    %scan3A_380 = arith.constant 39 : i32
    %scan3A_381 = arith.addi %scan3A_379, %scan3A_380 : i32
    %scan3A_382 = arith.constant 1 : i32
    scf.for %scan3A_831 = %scan3A_379 to %scan3A_381 step %scan3A_382  : i32 {
      %mul3A_832 = arith.constant 2 : i32
      %mul3A_833 = arith.muli %mul3A_832, %scan3A_831 : i32
      %mul3A_834 = arith.constant 128 : i32
      %mul3A_835 = arith.muli %mul3A_833, %mul3A_834 : i32
      %add3A_836 = arith.addi %mul3A_4, %mul3A_835 : i32
      %add3A_837 = arith.constant 128 : i32
      %add3A_838 = arith.addi %add3A_836, %add3A_837 : i32
      %dma_start3A_839 = tpu.memref_slice %arg3[%add3A_836] : memref<320000xi32, #tpu.memory_space<hbm>> -> memref<128xi32, #tpu.memory_space<hbm>>
      %dma_start3A_840 = tpu.memref_slice %arg3[%add3A_836] : memref<320000xi32, #tpu.memory_space<hbm>> -> memref<128xi32, #tpu.memory_space<hbm>>
      tpu.enqueue_dma source(%dma_start3A_840 : memref<128xi32, #tpu.memory_space<hbm>>) target(%arg7 : memref<128xi32, #tpu.memory_space<vmem>>) target_semaphore(%arg21 : memref<!tpu.dma_semaphore, #tpu.memory_space<semaphore_mem>>)
      %dma_start3A_841 = tpu.memref_slice %arg4[%add3A_836] : memref<320000xi32, #tpu.memory_space<hbm>> -> memref<128xi32, #tpu.memory_space<hbm>>
      %dma_start3A_842 = tpu.memref_slice %arg4[%add3A_836] : memref<320000xi32, #tpu.memory_space<hbm>> -> memref<128xi32, #tpu.memory_space<hbm>>
      tpu.enqueue_dma source(%dma_start3A_842 : memref<128xi32, #tpu.memory_space<hbm>>) target(%arg8 : memref<128xi32, #tpu.memory_space<vmem>>) target_semaphore(%arg21 : memref<!tpu.dma_semaphore, #tpu.memory_space<semaphore_mem>>)
      %dma_start3A_843 = tpu.memref_slice %arg3[%add3A_838] : memref<320000xi32, #tpu.memory_space<hbm>> -> memref<128xi32, #tpu.memory_space<hbm>>
      %dma_start3A_844 = tpu.memref_slice %arg3[%add3A_838] : memref<320000xi32, #tpu.memory_space<hbm>> -> memref<128xi32, #tpu.memory_space<hbm>>
      tpu.enqueue_dma source(%dma_start3A_844 : memref<128xi32, #tpu.memory_space<hbm>>) target(%arg9 : memref<128xi32, #tpu.memory_space<vmem>>) target_semaphore(%arg21 : memref<!tpu.dma_semaphore, #tpu.memory_space<semaphore_mem>>)
      %dma_start3A_845 = tpu.memref_slice %arg4[%add3A_838] : memref<320000xi32, #tpu.memory_space<hbm>> -> memref<128xi32, #tpu.memory_space<hbm>>
      %dma_start3A_846 = tpu.memref_slice %arg4[%add3A_838] : memref<320000xi32, #tpu.memory_space<hbm>> -> memref<128xi32, #tpu.memory_space<hbm>>
      tpu.enqueue_dma source(%dma_start3A_846 : memref<128xi32, #tpu.memory_space<hbm>>) target(%arg10 : memref<128xi32, #tpu.memory_space<vmem>>) target_semaphore(%arg21 : memref<!tpu.dma_semaphore, #tpu.memory_space<semaphore_mem>>)
      %dma_wait3A_847 = tpu.memref_slice %arg3[%add3A_836] : memref<320000xi32, #tpu.memory_space<hbm>> -> memref<128xi32, #tpu.memory_space<hbm>>
      %dma_wait3A_848 = tpu.memref_slice %arg3[%add3A_836] : memref<320000xi32, #tpu.memory_space<hbm>> -> memref<128xi32, #tpu.memory_space<hbm>>
      tpu.wait_dma2 semaphore(%arg21 : memref<!tpu.dma_semaphore, #tpu.memory_space<semaphore_mem>>) src(%dma_wait3A_848 : memref<128xi32, #tpu.memory_space<hbm>>) dst(%arg7 : memref<128xi32, #tpu.memory_space<vmem>>)
      %dma_wait3A_849 = tpu.memref_slice %arg4[%add3A_836] : memref<320000xi32, #tpu.memory_space<hbm>> -> memref<128xi32, #tpu.memory_space<hbm>>
      %dma_wait3A_850 = tpu.memref_slice %arg4[%add3A_836] : memref<320000xi32, #tpu.memory_space<hbm>> -> memref<128xi32, #tpu.memory_space<hbm>>
      tpu.wait_dma2 semaphore(%arg21 : memref<!tpu.dma_semaphore, #tpu.memory_space<semaphore_mem>>) src(%dma_wait3A_850 : memref<128xi32, #tpu.memory_space<hbm>>) dst(%arg8 : memref<128xi32, #tpu.memory_space<vmem>>)
      %dma_wait3A_851 = tpu.memref_slice %arg3[%add3A_838] : memref<320000xi32, #tpu.memory_space<hbm>> -> memref<128xi32, #tpu.memory_space<hbm>>
      %dma_wait3A_852 = tpu.memref_slice %arg3[%add3A_838] : memref<320000xi32, #tpu.memory_space<hbm>> -> memref<128xi32, #tpu.memory_space<hbm>>
      tpu.wait_dma2 semaphore(%arg21 : memref<!tpu.dma_semaphore, #tpu.memory_space<semaphore_mem>>) src(%dma_wait3A_852 : memref<128xi32, #tpu.memory_space<hbm>>) dst(%arg9 : memref<128xi32, #tpu.memory_space<vmem>>)
      %dma_wait3A_853 = tpu.memref_slice %arg4[%add3A_838] : memref<320000xi32, #tpu.memory_space<hbm>> -> memref<128xi32, #tpu.memory_space<hbm>>
      %dma_wait3A_854 = tpu.memref_slice %arg4[%add3A_838] : memref<320000xi32, #tpu.memory_space<hbm>> -> memref<128xi32, #tpu.memory_space<hbm>>
      tpu.wait_dma2 semaphore(%arg21 : memref<!tpu.dma_semaphore, #tpu.memory_space<semaphore_mem>>) src(%dma_wait3A_854 : memref<128xi32, #tpu.memory_space<hbm>>) dst(%arg10 : memref<128xi32, #tpu.memory_space<vmem>>)
      %dma_start3A_855 = arith.constant 0 : i32
      %dma_start3A_856 = arith.constant 0 : i32
      %dma_start3A_857 = tpu.memref_slice %arg2[%dma_start3A_855, %dma_start3A_856] : memref<10000x128xf32, #tpu.memory_space<hbm>> -> memref<10000x128xf32, #tpu.memory_space<hbm>>
      tpu.enqueue_indirect_dma source(%dma_start3A_857 : memref<10000x128xf32, #tpu.memory_space<hbm>>) target(%arg14 : memref<128x128xf32, #tpu.memory_space<vmem>>) offsets(%arg7 : memref<128xi32, #tpu.memory_space<vmem>>) semaphore(%arg19 : memref<!tpu.dma_semaphore, #tpu.memory_space<semaphore_mem>>)
      %dma_start3A_858 = arith.constant 0 : i32
      %dma_start3A_859 = arith.constant 0 : i32
      %dma_start3A_860 = tpu.memref_slice %arg2[%dma_start3A_858, %dma_start3A_859] : memref<10000x128xf32, #tpu.memory_space<hbm>> -> memref<10000x128xf32, #tpu.memory_space<hbm>>
      tpu.enqueue_indirect_dma source(%dma_start3A_860 : memref<10000x128xf32, #tpu.memory_space<hbm>>) target(%arg15 : memref<128x128xf32, #tpu.memory_space<vmem>>) offsets(%arg9 : memref<128xi32, #tpu.memory_space<vmem>>) semaphore(%arg20 : memref<!tpu.dma_semaphore, #tpu.memory_space<semaphore_mem>>)
      %dma_wait3A_861 = arith.constant 0 : i32
      %dma_wait3A_862 = arith.constant 0 : i32
      %dma_wait3A_863 = tpu.memref_slice %arg2[%dma_wait3A_861, %dma_wait3A_862] : memref<10000x128xf32, #tpu.memory_space<hbm>> -> memref<10000x128xf32, #tpu.memory_space<hbm>>
      tpu.wait_indirect_dma semaphore(%arg19 : memref<!tpu.dma_semaphore, #tpu.memory_space<semaphore_mem>>) src(%dma_wait3A_863 : memref<10000x128xf32, #tpu.memory_space<hbm>>) dst(%arg14 : memref<128x128xf32, #tpu.memory_space<vmem>>)
      "tpu.region"() ({
        %run_scoped3A = tpu.sem_alloc : memref<!tpu.dma_semaphore, #tpu.memory_space<semaphore_mem>>
        %dma_start3A_867 = arith.constant 0 : i32
        %dma_start3A_868 = arith.constant 0 : i32
        %dma_start3A_869 = tpu.memref_slice %arg18[%dma_start3A_867, %dma_start3A_868] : memref<10240x128xf32, #tpu.memory_space<vmem_shared>> -> memref<10240x128xf32, #tpu.memory_space<vmem_shared>>
        tpu.enqueue_indirect_dma source(%arg14 : memref<128x128xf32, #tpu.memory_space<vmem>>) target(%dma_start3A_869 : memref<10240x128xf32, #tpu.memory_space<vmem_shared>>) offsets(%arg8 : memref<128xi32, #tpu.memory_space<vmem>>) semaphore(%run_scoped3A : memref<!tpu.dma_semaphore, #tpu.memory_space<semaphore_mem>>) {add = true}
        %dma_wait3A_870 = arith.constant 0 : i32
        %dma_wait3A_871 = arith.constant 0 : i32
        %dma_wait3A_872 = tpu.memref_slice %arg18[%dma_wait3A_870, %dma_wait3A_871] : memref<10240x128xf32, #tpu.memory_space<vmem_shared>> -> memref<10240x128xf32, #tpu.memory_space<vmem_shared>>
        tpu.wait_indirect_dma semaphore(%run_scoped3A : memref<!tpu.dma_semaphore, #tpu.memory_space<semaphore_mem>>) src(%arg14 : memref<128x128xf32, #tpu.memory_space<vmem>>) dst(%dma_wait3A_872 : memref<10240x128xf32, #tpu.memory_space<vmem_shared>>)
        tpu.yield
      }) : () -> ()
      %dma_wait3A_864 = arith.constant 0 : i32
      %dma_wait3A_865 = arith.constant 0 : i32
      %dma_wait3A_866 = tpu.memref_slice %arg2[%dma_wait3A_864, %dma_wait3A_865] : memref<10000x128xf32, #tpu.memory_space<hbm>> -> memref<10000x128xf32, #tpu.memory_space<hbm>>
      tpu.wait_indirect_dma semaphore(%arg20 : memref<!tpu.dma_semaphore, #tpu.memory_space<semaphore_mem>>) src(%dma_wait3A_866 : memref<10000x128xf32, #tpu.memory_space<hbm>>) dst(%arg15 : memref<128x128xf32, #tpu.memory_space<vmem>>)
      "tpu.region"() ({
        %run_scoped3A = tpu.sem_alloc : memref<!tpu.dma_semaphore, #tpu.memory_space<semaphore_mem>>
        %dma_start3A_867 = arith.constant 0 : i32
        %dma_start3A_868 = arith.constant 0 : i32
        %dma_start3A_869 = tpu.memref_slice %arg18[%dma_start3A_867, %dma_start3A_868] : memref<10240x128xf32, #tpu.memory_space<vmem_shared>> -> memref<10240x128xf32, #tpu.memory_space<vmem_shared>>
        tpu.enqueue_indirect_dma source(%arg15 : memref<128x128xf32, #tpu.memory_space<vmem>>) target(%dma_start3A_869 : memref<10240x128xf32, #tpu.memory_space<vmem_shared>>) offsets(%arg10 : memref<128xi32, #tpu.memory_space<vmem>>) semaphore(%run_scoped3A : memref<!tpu.dma_semaphore, #tpu.memory_space<semaphore_mem>>) {add = true}
        %dma_wait3A_870 = arith.constant 0 : i32
        %dma_wait3A_871 = arith.constant 0 : i32
        %dma_wait3A_872 = tpu.memref_slice %arg18[%dma_wait3A_870, %dma_wait3A_871] : memref<10240x128xf32, #tpu.memory_space<vmem_shared>> -> memref<10240x128xf32, #tpu.memory_space<vmem_shared>>
        tpu.wait_indirect_dma semaphore(%run_scoped3A : memref<!tpu.dma_semaphore, #tpu.memory_space<semaphore_mem>>) src(%arg15 : memref<128x128xf32, #tpu.memory_space<vmem>>) dst(%dma_wait3A_872 : memref<10240x128xf32, #tpu.memory_space<vmem_shared>>)
        tpu.yield
      }) : () -> ()
    }
    %scan3A_383 = arith.constant 39 : i32
    %add3A_384 = arith.constant 9984 : i32
    %add3A_385 = arith.addi %mul3A_4, %add3A_384 : i32
    "tpu.region"() ({
      %run_scoped3A = tpu.sem_alloc : memref<!tpu.dma_semaphore, #tpu.memory_space<semaphore_mem>>
      %dma_start3A_831 = tpu.memref_slice %arg3[%add3A_385] : memref<320000xi32, #tpu.memory_space<hbm>> -> memref<16xi32, #tpu.memory_space<hbm>>
      %dma_start3A_832 = tpu.memref_slice %arg3[%add3A_385] : memref<320000xi32, #tpu.memory_space<hbm>> -> memref<16xi32, #tpu.memory_space<hbm>>
      tpu.enqueue_dma source(%dma_start3A_832 : memref<16xi32, #tpu.memory_space<hbm>>) target(%arg11 : memref<16xi32, #tpu.memory_space<vmem>>) target_semaphore(%run_scoped3A : memref<!tpu.dma_semaphore, #tpu.memory_space<semaphore_mem>>)
      %dma_wait3A_833 = tpu.memref_slice %arg3[%add3A_385] : memref<320000xi32, #tpu.memory_space<hbm>> -> memref<16xi32, #tpu.memory_space<hbm>>
      %dma_wait3A_834 = tpu.memref_slice %arg3[%add3A_385] : memref<320000xi32, #tpu.memory_space<hbm>> -> memref<16xi32, #tpu.memory_space<hbm>>
      tpu.wait_dma2 semaphore(%run_scoped3A : memref<!tpu.dma_semaphore, #tpu.memory_space<semaphore_mem>>) src(%dma_wait3A_834 : memref<16xi32, #tpu.memory_space<hbm>>) dst(%arg11 : memref<16xi32, #tpu.memory_space<vmem>>)
      tpu.yield
    }) : () -> ()
    "tpu.region"() ({
      %run_scoped3A = tpu.sem_alloc : memref<!tpu.dma_semaphore, #tpu.memory_space<semaphore_mem>>
      %dma_start3A_831 = tpu.memref_slice %arg4[%add3A_385] : memref<320000xi32, #tpu.memory_space<hbm>> -> memref<16xi32, #tpu.memory_space<hbm>>
      %dma_start3A_832 = tpu.memref_slice %arg4[%add3A_385] : memref<320000xi32, #tpu.memory_space<hbm>> -> memref<16xi32, #tpu.memory_space<hbm>>
      tpu.enqueue_dma source(%dma_start3A_832 : memref<16xi32, #tpu.memory_space<hbm>>) target(%arg12 : memref<16xi32, #tpu.memory_space<vmem>>) target_semaphore(%run_scoped3A : memref<!tpu.dma_semaphore, #tpu.memory_space<semaphore_mem>>)
      %dma_wait3A_833 = tpu.memref_slice %arg4[%add3A_385] : memref<320000xi32, #tpu.memory_space<hbm>> -> memref<16xi32, #tpu.memory_space<hbm>>
      %dma_wait3A_834 = tpu.memref_slice %arg4[%add3A_385] : memref<320000xi32, #tpu.memory_space<hbm>> -> memref<16xi32, #tpu.memory_space<hbm>>
      tpu.wait_dma2 semaphore(%run_scoped3A : memref<!tpu.dma_semaphore, #tpu.memory_space<semaphore_mem>>) src(%dma_wait3A_834 : memref<16xi32, #tpu.memory_space<hbm>>) dst(%arg12 : memref<16xi32, #tpu.memory_space<vmem>>)
      tpu.yield
    }) : () -> ()
    %dma_start3A = arith.constant 0 : i32
    %dma_start3A_386 = arith.constant 0 : i32
    %dma_start3A_387 = tpu.memref_slice %arg2[%dma_start3A, %dma_start3A_386] : memref<10000x128xf32, #tpu.memory_space<hbm>> -> memref<10000x128xf32, #tpu.memory_space<hbm>>
    tpu.enqueue_indirect_dma source(%dma_start3A_387 : memref<10000x128xf32, #tpu.memory_space<hbm>>) target(%arg16 : memref<16x128xf32, #tpu.memory_space<vmem>>) offsets(%arg11 : memref<16xi32, #tpu.memory_space<vmem>>) semaphore(%arg19 : memref<!tpu.dma_semaphore, #tpu.memory_space<semaphore_mem>>)
    %dma_wait3A = arith.constant 0 : i32
    %dma_wait3A_388 = arith.constant 0 : i32
    %dma_wait3A_389 = tpu.memref_slice %arg2[%dma_wait3A, %dma_wait3A_388] : memref<10000x128xf32, #tpu.memory_space<hbm>> -> memref<10000x128xf32, #tpu.memory_space<hbm>>
    tpu.wait_indirect_dma semaphore(%arg19 : memref<!tpu.dma_semaphore, #tpu.memory_space<semaphore_mem>>) src(%dma_wait3A_389 : memref<10000x128xf32, #tpu.memory_space<hbm>>) dst(%arg16 : memref<16x128xf32, #tpu.memory_space<vmem>>)
    "tpu.region"() ({
      %run_scoped3A = tpu.sem_alloc : memref<!tpu.dma_semaphore, #tpu.memory_space<semaphore_mem>>
      %dma_start3A_831 = arith.constant 0 : i32
      %dma_start3A_832 = arith.constant 0 : i32
      %dma_start3A_833 = tpu.memref_slice %arg18[%dma_start3A_831, %dma_start3A_832] : memref<10240x128xf32, #tpu.memory_space<vmem_shared>> -> memref<10240x128xf32, #tpu.memory_space<vmem_shared>>
      tpu.enqueue_indirect_dma source(%arg16 : memref<16x128xf32, #tpu.memory_space<vmem>>) target(%dma_start3A_833 : memref<10240x128xf32, #tpu.memory_space<vmem_shared>>) offsets(%arg12 : memref<16xi32, #tpu.memory_space<vmem>>) semaphore(%run_scoped3A : memref<!tpu.dma_semaphore, #tpu.memory_space<semaphore_mem>>) {add = true}
      %dma_wait3A_834 = arith.constant 0 : i32
      %dma_wait3A_835 = arith.constant 0 : i32
      %dma_wait3A_836 = tpu.memref_slice %arg18[%dma_wait3A_834, %dma_wait3A_835] : memref<10240x128xf32, #tpu.memory_space<vmem_shared>> -> memref<10240x128xf32, #tpu.memory_space<vmem_shared>>
      tpu.wait_indirect_dma semaphore(%run_scoped3A : memref<!tpu.dma_semaphore, #tpu.memory_space<semaphore_mem>>) src(%arg16 : memref<16x128xf32, #tpu.memory_space<vmem>>) dst(%dma_wait3A_836 : memref<10240x128xf32, #tpu.memory_space<vmem_shared>>)
      tpu.yield
    }) : () -> ()
    %barrier3A_390 = arith.constant 0 : index
    tpu.barrier barrier_id(%barrier3A_390)
    %add3A_391 = arith.constant 0 : i32
    %add3A_392 = arith.addi %mul3A_2, %add3A_391 : i32
    %add3A_393 = arith.constant 0 : i32
    %add3A_394 = arith.addi %add3A_392, %add3A_393 : i32
    %iota3A_395 = tpu.iota {dimensions = array<i32: 0>} : vector<16xi32>
    %add3A_396 = vector.broadcast %add3A_394 : i32 to vector<16xi32>
    %add3A_397 = arith.addi %add3A_396, %iota3A_395 : vector<16xi32>
    %swap3A_398 = arith.constant 0 : index
    %swap3A_399 = tpu.vector_load %arg13[%swap3A_398] {strides = array<i32>} : memref<80xi32, #tpu.memory_space<vmem>>, vector<16xi32>,
    %swap3A_400 = vector.shape_cast %swap3A_399 : vector<16xi32> to vector<16xi32>
    %swap3A_401 = vector.shape_cast %add3A_397 : vector<16xi32> to vector<16xi32>
    tpu.vector_store %arg13[%swap3A_398], %swap3A_401 {strides = array<i32>} : memref<80xi32, #tpu.memory_space<vmem>>, vector<16xi32>,
    %add3A_402 = arith.constant 16 : i32
    %add3A_403 = arith.addi %add3A_392, %add3A_402 : i32
    %iota3A_404 = tpu.iota {dimensions = array<i32: 0>} : vector<16xi32>
    %add3A_405 = vector.broadcast %add3A_403 : i32 to vector<16xi32>
    %add3A_406 = arith.addi %add3A_405, %iota3A_404 : vector<16xi32>
    %swap3A_407 = arith.constant 16 : index
    %swap3A_408 = tpu.vector_load %arg13[%swap3A_407] {strides = array<i32>} : memref<80xi32, #tpu.memory_space<vmem>>, vector<16xi32>,
    %swap3A_409 = vector.shape_cast %swap3A_408 : vector<16xi32> to vector<16xi32>
    %swap3A_410 = vector.shape_cast %add3A_406 : vector<16xi32> to vector<16xi32>
    tpu.vector_store %arg13[%swap3A_407], %swap3A_410 {strides = array<i32>} : memref<80xi32, #tpu.memory_space<vmem>>, vector<16xi32>,
    %add3A_411 = arith.constant 32 : i32
    %add3A_412 = arith.addi %add3A_392, %add3A_411 : i32
    %iota3A_413 = tpu.iota {dimensions = array<i32: 0>} : vector<16xi32>
    %add3A_414 = vector.broadcast %add3A_412 : i32 to vector<16xi32>
    %add3A_415 = arith.addi %add3A_414, %iota3A_413 : vector<16xi32>
    %swap3A_416 = arith.constant 32 : index
    %swap3A_417 = tpu.vector_load %arg13[%swap3A_416] {strides = array<i32>} : memref<80xi32, #tpu.memory_space<vmem>>, vector<16xi32>,
    %swap3A_418 = vector.shape_cast %swap3A_417 : vector<16xi32> to vector<16xi32>
    %swap3A_419 = vector.shape_cast %add3A_415 : vector<16xi32> to vector<16xi32>
    tpu.vector_store %arg13[%swap3A_416], %swap3A_419 {strides = array<i32>} : memref<80xi32, #tpu.memory_space<vmem>>, vector<16xi32>,
    %add3A_420 = arith.constant 48 : i32
    %add3A_421 = arith.addi %add3A_392, %add3A_420 : i32
    %iota3A_422 = tpu.iota {dimensions = array<i32: 0>} : vector<16xi32>
    %add3A_423 = vector.broadcast %add3A_421 : i32 to vector<16xi32>
    %add3A_424 = arith.addi %add3A_423, %iota3A_422 : vector<16xi32>
    %swap3A_425 = arith.constant 48 : index
    %swap3A_426 = tpu.vector_load %arg13[%swap3A_425] {strides = array<i32>} : memref<80xi32, #tpu.memory_space<vmem>>, vector<16xi32>,
    %swap3A_427 = vector.shape_cast %swap3A_426 : vector<16xi32> to vector<16xi32>
    %swap3A_428 = vector.shape_cast %add3A_424 : vector<16xi32> to vector<16xi32>
    tpu.vector_store %arg13[%swap3A_425], %swap3A_428 {strides = array<i32>} : memref<80xi32, #tpu.memory_space<vmem>>, vector<16xi32>,
    %add3A_429 = arith.constant 64 : i32
    %add3A_430 = arith.addi %add3A_392, %add3A_429 : i32
    %iota3A_431 = tpu.iota {dimensions = array<i32: 0>} : vector<16xi32>
    %add3A_432 = vector.broadcast %add3A_430 : i32 to vector<16xi32>
    %add3A_433 = arith.addi %add3A_432, %iota3A_431 : vector<16xi32>
    %swap3A_434 = arith.constant 64 : index
    %swap3A_435 = tpu.vector_load %arg13[%swap3A_434] {strides = array<i32>} : memref<80xi32, #tpu.memory_space<vmem>>, vector<16xi32>,
    %swap3A_436 = vector.shape_cast %swap3A_435 : vector<16xi32> to vector<16xi32>
    %swap3A_437 = vector.shape_cast %add3A_433 : vector<16xi32> to vector<16xi32>
    tpu.vector_store %arg13[%swap3A_434], %swap3A_437 {strides = array<i32>} : memref<80xi32, #tpu.memory_space<vmem>>, vector<16xi32>,
    %dma_start3A_438 = arith.constant 0 : i32
    %dma_start3A_439 = arith.constant 0 : i32
    %dma_start3A_440 = tpu.memref_slice %arg18[%dma_start3A_438, %dma_start3A_439] : memref<10240x128xf32, #tpu.memory_space<vmem_shared>> -> memref<10240x128xf32, #tpu.memory_space<vmem_shared>>
    tpu.enqueue_indirect_dma source(%dma_start3A_440 : memref<10240x128xf32, #tpu.memory_space<vmem_shared>>) target(%arg17 : memref<80x128xf32, #tpu.memory_space<vmem>>) offsets(%arg13 : memref<80xi32, #tpu.memory_space<vmem>>) semaphore(%arg19 : memref<!tpu.dma_semaphore, #tpu.memory_space<semaphore_mem>>)
    %dma_wait3A_441 = arith.constant 0 : i32
    %dma_wait3A_442 = arith.constant 0 : i32
    %dma_wait3A_443 = tpu.memref_slice %arg18[%dma_wait3A_441, %dma_wait3A_442] : memref<10240x128xf32, #tpu.memory_space<vmem_shared>> -> memref<10240x128xf32, #tpu.memory_space<vmem_shared>>
    tpu.wait_indirect_dma semaphore(%arg19 : memref<!tpu.dma_semaphore, #tpu.memory_space<semaphore_mem>>) src(%dma_wait3A_443 : memref<10240x128xf32, #tpu.memory_space<vmem_shared>>) dst(%arg17 : memref<80x128xf32, #tpu.memory_space<vmem>>)
    %add3A_444 = arith.constant 0 : i32
    %add3A_445 = arith.addi %mul3A_2, %add3A_444 : i32
    "tpu.region"() ({
      %run_scoped3A = tpu.sem_alloc : memref<!tpu.dma_semaphore, #tpu.memory_space<semaphore_mem>>
      %dma_start3A_831 = arith.constant 0 : i32
      %dma_start3A_832 = tpu.memref_slice %arg6[%arg0, %add3A_445, %dma_start3A_831] : memref<2x10240x128xf32, #tpu.memory_space<hbm>> -> memref<1x80x128xf32, #tpu.memory_space<hbm>>
      %dma_start3A_833 = tpu.memref_squeeze %dma_start3A_832 : memref<1x80x128xf32, #tpu.memory_space<hbm>> -> memref<80x128xf32, #tpu.memory_space<hbm>>
      %dma_start3A_834 = arith.constant 0 : i32
      %dma_start3A_835 = tpu.memref_slice %arg6[%arg0, %add3A_445, %dma_start3A_834] : memref<2x10240x128xf32, #tpu.memory_space<hbm>> -> memref<1x80x128xf32, #tpu.memory_space<hbm>>
      %dma_start3A_836 = tpu.memref_squeeze %dma_start3A_835 : memref<1x80x128xf32, #tpu.memory_space<hbm>> -> memref<80x128xf32, #tpu.memory_space<hbm>>
      tpu.enqueue_dma source(%arg17 : memref<80x128xf32, #tpu.memory_space<vmem>>) target(%dma_start3A_836 : memref<80x128xf32, #tpu.memory_space<hbm>>) target_semaphore(%run_scoped3A : memref<!tpu.dma_semaphore, #tpu.memory_space<semaphore_mem>>)
      %dma_wait3A_837 = arith.constant 0 : i32
      %dma_wait3A_838 = tpu.memref_slice %arg6[%arg0, %add3A_445, %dma_wait3A_837] : memref<2x10240x128xf32, #tpu.memory_space<hbm>> -> memref<1x80x128xf32, #tpu.memory_space<hbm>>
      %dma_wait3A_839 = tpu.memref_squeeze %dma_wait3A_838 : memref<1x80x128xf32, #tpu.memory_space<hbm>> -> memref<80x128xf32, #tpu.memory_space<hbm>>
      %dma_wait3A_840 = arith.constant 0 : i32
      %dma_wait3A_841 = tpu.memref_slice %arg6[%arg0, %add3A_445, %dma_wait3A_840] : memref<2x10240x128xf32, #tpu.memory_space<hbm>> -> memref<1x80x128xf32, #tpu.memory_space<hbm>>
      %dma_wait3A_842 = tpu.memref_squeeze %dma_wait3A_841 : memref<1x80x128xf32, #tpu.memory_space<hbm>> -> memref<80x128xf32, #tpu.memory_space<hbm>>
      tpu.wait_dma2 semaphore(%run_scoped3A : memref<!tpu.dma_semaphore, #tpu.memory_space<semaphore_mem>>) src(%arg17 : memref<80x128xf32, #tpu.memory_space<vmem>>) dst(%dma_wait3A_842 : memref<80x128xf32, #tpu.memory_space<hbm>>)
      tpu.yield
    }) : () -> ()
    %add3A_446 = arith.constant 80 : i32
    %add3A_447 = arith.addi %mul3A_2, %add3A_446 : i32
    %add3A_448 = arith.constant 0 : i32
    %add3A_449 = arith.addi %add3A_447, %add3A_448 : i32
    %iota3A_450 = tpu.iota {dimensions = array<i32: 0>} : vector<16xi32>
    %add3A_451 = vector.broadcast %add3A_449 : i32 to vector<16xi32>
    %add3A_452 = arith.addi %add3A_451, %iota3A_450 : vector<16xi32>
    %swap3A_453 = arith.constant 0 : index
    %swap3A_454 = tpu.vector_load %arg13[%swap3A_453] {strides = array<i32>} : memref<80xi32, #tpu.memory_space<vmem>>, vector<16xi32>,
    %swap3A_455 = vector.shape_cast %swap3A_454 : vector<16xi32> to vector<16xi32>
    %swap3A_456 = vector.shape_cast %add3A_452 : vector<16xi32> to vector<16xi32>
    tpu.vector_store %arg13[%swap3A_453], %swap3A_456 {strides = array<i32>} : memref<80xi32, #tpu.memory_space<vmem>>, vector<16xi32>,
    %add3A_457 = arith.constant 16 : i32
    %add3A_458 = arith.addi %add3A_447, %add3A_457 : i32
    %iota3A_459 = tpu.iota {dimensions = array<i32: 0>} : vector<16xi32>
    %add3A_460 = vector.broadcast %add3A_458 : i32 to vector<16xi32>
    %add3A_461 = arith.addi %add3A_460, %iota3A_459 : vector<16xi32>
    %swap3A_462 = arith.constant 16 : index
    %swap3A_463 = tpu.vector_load %arg13[%swap3A_462] {strides = array<i32>} : memref<80xi32, #tpu.memory_space<vmem>>, vector<16xi32>,
    %swap3A_464 = vector.shape_cast %swap3A_463 : vector<16xi32> to vector<16xi32>
    %swap3A_465 = vector.shape_cast %add3A_461 : vector<16xi32> to vector<16xi32>
    tpu.vector_store %arg13[%swap3A_462], %swap3A_465 {strides = array<i32>} : memref<80xi32, #tpu.memory_space<vmem>>, vector<16xi32>,
    %add3A_466 = arith.constant 32 : i32
    %add3A_467 = arith.addi %add3A_447, %add3A_466 : i32
    %iota3A_468 = tpu.iota {dimensions = array<i32: 0>} : vector<16xi32>
    %add3A_469 = vector.broadcast %add3A_467 : i32 to vector<16xi32>
    %add3A_470 = arith.addi %add3A_469, %iota3A_468 : vector<16xi32>
    %swap3A_471 = arith.constant 32 : index
    %swap3A_472 = tpu.vector_load %arg13[%swap3A_471] {strides = array<i32>} : memref<80xi32, #tpu.memory_space<vmem>>, vector<16xi32>,
    %swap3A_473 = vector.shape_cast %swap3A_472 : vector<16xi32> to vector<16xi32>
    %swap3A_474 = vector.shape_cast %add3A_470 : vector<16xi32> to vector<16xi32>
    tpu.vector_store %arg13[%swap3A_471], %swap3A_474 {strides = array<i32>} : memref<80xi32, #tpu.memory_space<vmem>>, vector<16xi32>,
    %add3A_475 = arith.constant 48 : i32
    %add3A_476 = arith.addi %add3A_447, %add3A_475 : i32
    %iota3A_477 = tpu.iota {dimensions = array<i32: 0>} : vector<16xi32>
    %add3A_478 = vector.broadcast %add3A_476 : i32 to vector<16xi32>
    %add3A_479 = arith.addi %add3A_478, %iota3A_477 : vector<16xi32>
    %swap3A_480 = arith.constant 48 : index
    %swap3A_481 = tpu.vector_load %arg13[%swap3A_480] {strides = array<i32>} : memref<80xi32, #tpu.memory_space<vmem>>, vector<16xi32>,
    %swap3A_482 = vector.shape_cast %swap3A_481 : vector<16xi32> to vector<16xi32>
    %swap3A_483 = vector.shape_cast %add3A_479 : vector<16xi32> to vector<16xi32>
    tpu.vector_store %arg13[%swap3A_480], %swap3A_483 {strides = array<i32>} : memref<80xi32, #tpu.memory_space<vmem>>, vector<16xi32>,
    %add3A_484 = arith.constant 64 : i32
    %add3A_485 = arith.addi %add3A_447, %add3A_484 : i32
    %iota3A_486 = tpu.iota {dimensions = array<i32: 0>} : vector<16xi32>
    %add3A_487 = vector.broadcast %add3A_485 : i32 to vector<16xi32>
    %add3A_488 = arith.addi %add3A_487, %iota3A_486 : vector<16xi32>
    %swap3A_489 = arith.constant 64 : index
    %swap3A_490 = tpu.vector_load %arg13[%swap3A_489] {strides = array<i32>} : memref<80xi32, #tpu.memory_space<vmem>>, vector<16xi32>,
    %swap3A_491 = vector.shape_cast %swap3A_490 : vector<16xi32> to vector<16xi32>
    %swap3A_492 = vector.shape_cast %add3A_488 : vector<16xi32> to vector<16xi32>
    tpu.vector_store %arg13[%swap3A_489], %swap3A_492 {strides = array<i32>} : memref<80xi32, #tpu.memory_space<vmem>>, vector<16xi32>,
    %dma_start3A_493 = arith.constant 0 : i32
    %dma_start3A_494 = arith.constant 0 : i32
    %dma_start3A_495 = tpu.memref_slice %arg18[%dma_start3A_493, %dma_start3A_494] : memref<10240x128xf32, #tpu.memory_space<vmem_shared>> -> memref<10240x128xf32, #tpu.memory_space<vmem_shared>>
    tpu.enqueue_indirect_dma source(%dma_start3A_495 : memref<10240x128xf32, #tpu.memory_space<vmem_shared>>) target(%arg17 : memref<80x128xf32, #tpu.memory_space<vmem>>) offsets(%arg13 : memref<80xi32, #tpu.memory_space<vmem>>) semaphore(%arg19 : memref<!tpu.dma_semaphore, #tpu.memory_space<semaphore_mem>>)
    %dma_wait3A_496 = arith.constant 0 : i32
    %dma_wait3A_497 = arith.constant 0 : i32
    %dma_wait3A_498 = tpu.memref_slice %arg18[%dma_wait3A_496, %dma_wait3A_497] : memref<10240x128xf32, #tpu.memory_space<vmem_shared>> -> memref<10240x128xf32, #tpu.memory_space<vmem_shared>>
    tpu.wait_indirect_dma semaphore(%arg19 : memref<!tpu.dma_semaphore, #tpu.memory_space<semaphore_mem>>) src(%dma_wait3A_498 : memref<10240x128xf32, #tpu.memory_space<vmem_shared>>) dst(%arg17 : memref<80x128xf32, #tpu.memory_space<vmem>>)
    %add3A_499 = arith.constant 80 : i32
    %add3A_500 = arith.addi %mul3A_2, %add3A_499 : i32
    "tpu.region"() ({
      %run_scoped3A = tpu.sem_alloc : memref<!tpu.dma_semaphore, #tpu.memory_space<semaphore_mem>>
      %dma_start3A_831 = arith.constant 0 : i32
      %dma_start3A_832 = tpu.memref_slice %arg6[%arg0, %add3A_500, %dma_start3A_831] : memref<2x10240x128xf32, #tpu.memory_space<hbm>> -> memref<1x80x128xf32, #tpu.memory_space<hbm>>
      %dma_start3A_833 = tpu.memref_squeeze %dma_start3A_832 : memref<1x80x128xf32, #tpu.memory_space<hbm>> -> memref<80x128xf32, #tpu.memory_space<hbm>>
      %dma_start3A_834 = arith.constant 0 : i32
      %dma_start3A_835 = tpu.memref_slice %arg6[%arg0, %add3A_500, %dma_start3A_834] : memref<2x10240x128xf32, #tpu.memory_space<hbm>> -> memref<1x80x128xf32, #tpu.memory_space<hbm>>
      %dma_start3A_836 = tpu.memref_squeeze %dma_start3A_835 : memref<1x80x128xf32, #tpu.memory_space<hbm>> -> memref<80x128xf32, #tpu.memory_space<hbm>>
      tpu.enqueue_dma source(%arg17 : memref<80x128xf32, #tpu.memory_space<vmem>>) target(%dma_start3A_836 : memref<80x128xf32, #tpu.memory_space<hbm>>) target_semaphore(%run_scoped3A : memref<!tpu.dma_semaphore, #tpu.memory_space<semaphore_mem>>)
      %dma_wait3A_837 = arith.constant 0 : i32
      %dma_wait3A_838 = tpu.memref_slice %arg6[%arg0, %add3A_500, %dma_wait3A_837] : memref<2x10240x128xf32, #tpu.memory_space<hbm>> -> memref<1x80x128xf32, #tpu.memory_space<hbm>>
      %dma_wait3A_839 = tpu.memref_squeeze %dma_wait3A_838 : memref<1x80x128xf32, #tpu.memory_space<hbm>> -> memref<80x128xf32, #tpu.memory_space<hbm>>
      %dma_wait3A_840 = arith.constant 0 : i32
      %dma_wait3A_841 = tpu.memref_slice %arg6[%arg0, %add3A_500, %dma_wait3A_840] : memref<2x10240x128xf32, #tpu.memory_space<hbm>> -> memref<1x80x128xf32, #tpu.memory_space<hbm>>
      %dma_wait3A_842 = tpu.memref_squeeze %dma_wait3A_841 : memref<1x80x128xf32, #tpu.memory_space<hbm>> -> memref<80x128xf32, #tpu.memory_space<hbm>>
      tpu.wait_dma2 semaphore(%run_scoped3A : memref<!tpu.dma_semaphore, #tpu.memory_space<semaphore_mem>>) src(%arg17 : memref<80x128xf32, #tpu.memory_space<vmem>>) dst(%dma_wait3A_842 : memref<80x128xf32, #tpu.memory_space<hbm>>)
      tpu.yield
    }) : () -> ()
    %add3A_501 = arith.constant 160 : i32
    %add3A_502 = arith.addi %mul3A_2, %add3A_501 : i32
    %add3A_503 = arith.constant 0 : i32
    %add3A_504 = arith.addi %add3A_502, %add3A_503 : i32
    %iota3A_505 = tpu.iota {dimensions = array<i32: 0>} : vector<16xi32>
    %add3A_506 = vector.broadcast %add3A_504 : i32 to vector<16xi32>
    %add3A_507 = arith.addi %add3A_506, %iota3A_505 : vector<16xi32>
    %swap3A_508 = arith.constant 0 : index
    %swap3A_509 = tpu.vector_load %arg13[%swap3A_508] {strides = array<i32>} : memref<80xi32, #tpu.memory_space<vmem>>, vector<16xi32>,
    %swap3A_510 = vector.shape_cast %swap3A_509 : vector<16xi32> to vector<16xi32>
    %swap3A_511 = vector.shape_cast %add3A_507 : vector<16xi32> to vector<16xi32>
    tpu.vector_store %arg13[%swap3A_508], %swap3A_511 {strides = array<i32>} : memref<80xi32, #tpu.memory_space<vmem>>, vector<16xi32>,
    %add3A_512 = arith.constant 16 : i32
    %add3A_513 = arith.addi %add3A_502, %add3A_512 : i32
    %iota3A_514 = tpu.iota {dimensions = array<i32: 0>} : vector<16xi32>
    %add3A_515 = vector.broadcast %add3A_513 : i32 to vector<16xi32>
    %add3A_516 = arith.addi %add3A_515, %iota3A_514 : vector<16xi32>
    %swap3A_517 = arith.constant 16 : index
    %swap3A_518 = tpu.vector_load %arg13[%swap3A_517] {strides = array<i32>} : memref<80xi32, #tpu.memory_space<vmem>>, vector<16xi32>,
    %swap3A_519 = vector.shape_cast %swap3A_518 : vector<16xi32> to vector<16xi32>
    %swap3A_520 = vector.shape_cast %add3A_516 : vector<16xi32> to vector<16xi32>
    tpu.vector_store %arg13[%swap3A_517], %swap3A_520 {strides = array<i32>} : memref<80xi32, #tpu.memory_space<vmem>>, vector<16xi32>,
    %add3A_521 = arith.constant 32 : i32
    %add3A_522 = arith.addi %add3A_502, %add3A_521 : i32
    %iota3A_523 = tpu.iota {dimensions = array<i32: 0>} : vector<16xi32>
    %add3A_524 = vector.broadcast %add3A_522 : i32 to vector<16xi32>
    %add3A_525 = arith.addi %add3A_524, %iota3A_523 : vector<16xi32>
    %swap3A_526 = arith.constant 32 : index
    %swap3A_527 = tpu.vector_load %arg13[%swap3A_526] {strides = array<i32>} : memref<80xi32, #tpu.memory_space<vmem>>, vector<16xi32>,
    %swap3A_528 = vector.shape_cast %swap3A_527 : vector<16xi32> to vector<16xi32>
    %swap3A_529 = vector.shape_cast %add3A_525 : vector<16xi32> to vector<16xi32>
    tpu.vector_store %arg13[%swap3A_526], %swap3A_529 {strides = array<i32>} : memref<80xi32, #tpu.memory_space<vmem>>, vector<16xi32>,
    %add3A_530 = arith.constant 48 : i32
    %add3A_531 = arith.addi %add3A_502, %add3A_530 : i32
    %iota3A_532 = tpu.iota {dimensions = array<i32: 0>} : vector<16xi32>
    %add3A_533 = vector.broadcast %add3A_531 : i32 to vector<16xi32>
    %add3A_534 = arith.addi %add3A_533, %iota3A_532 : vector<16xi32>
    %swap3A_535 = arith.constant 48 : index
    %swap3A_536 = tpu.vector_load %arg13[%swap3A_535] {strides = array<i32>} : memref<80xi32, #tpu.memory_space<vmem>>, vector<16xi32>,
    %swap3A_537 = vector.shape_cast %swap3A_536 : vector<16xi32> to vector<16xi32>
    %swap3A_538 = vector.shape_cast %add3A_534 : vector<16xi32> to vector<16xi32>
    tpu.vector_store %arg13[%swap3A_535], %swap3A_538 {strides = array<i32>} : memref<80xi32, #tpu.memory_space<vmem>>, vector<16xi32>,
    %add3A_539 = arith.constant 64 : i32
    %add3A_540 = arith.addi %add3A_502, %add3A_539 : i32
    %iota3A_541 = tpu.iota {dimensions = array<i32: 0>} : vector<16xi32>
    %add3A_542 = vector.broadcast %add3A_540 : i32 to vector<16xi32>
    %add3A_543 = arith.addi %add3A_542, %iota3A_541 : vector<16xi32>
    %swap3A_544 = arith.constant 64 : index
    %swap3A_545 = tpu.vector_load %arg13[%swap3A_544] {strides = array<i32>} : memref<80xi32, #tpu.memory_space<vmem>>, vector<16xi32>,
    %swap3A_546 = vector.shape_cast %swap3A_545 : vector<16xi32> to vector<16xi32>
    %swap3A_547 = vector.shape_cast %add3A_543 : vector<16xi32> to vector<16xi32>
    tpu.vector_store %arg13[%swap3A_544], %swap3A_547 {strides = array<i32>} : memref<80xi32, #tpu.memory_space<vmem>>, vector<16xi32>,
    %dma_start3A_548 = arith.constant 0 : i32
    %dma_start3A_549 = arith.constant 0 : i32
    %dma_start3A_550 = tpu.memref_slice %arg18[%dma_start3A_548, %dma_start3A_549] : memref<10240x128xf32, #tpu.memory_space<vmem_shared>> -> memref<10240x128xf32, #tpu.memory_space<vmem_shared>>
    tpu.enqueue_indirect_dma source(%dma_start3A_550 : memref<10240x128xf32, #tpu.memory_space<vmem_shared>>) target(%arg17 : memref<80x128xf32, #tpu.memory_space<vmem>>) offsets(%arg13 : memref<80xi32, #tpu.memory_space<vmem>>) semaphore(%arg19 : memref<!tpu.dma_semaphore, #tpu.memory_space<semaphore_mem>>)
    %dma_wait3A_551 = arith.constant 0 : i32
    %dma_wait3A_552 = arith.constant 0 : i32
    %dma_wait3A_553 = tpu.memref_slice %arg18[%dma_wait3A_551, %dma_wait3A_552] : memref<10240x128xf32, #tpu.memory_space<vmem_shared>> -> memref<10240x128xf32, #tpu.memory_space<vmem_shared>>
    tpu.wait_indirect_dma semaphore(%arg19 : memref<!tpu.dma_semaphore, #tpu.memory_space<semaphore_mem>>) src(%dma_wait3A_553 : memref<10240x128xf32, #tpu.memory_space<vmem_shared>>) dst(%arg17 : memref<80x128xf32, #tpu.memory_space<vmem>>)
    %add3A_554 = arith.constant 160 : i32
    %add3A_555 = arith.addi %mul3A_2, %add3A_554 : i32
    "tpu.region"() ({
      %run_scoped3A = tpu.sem_alloc : memref<!tpu.dma_semaphore, #tpu.memory_space<semaphore_mem>>
      %dma_start3A_831 = arith.constant 0 : i32
      %dma_start3A_832 = tpu.memref_slice %arg6[%arg0, %add3A_555, %dma_start3A_831] : memref<2x10240x128xf32, #tpu.memory_space<hbm>> -> memref<1x80x128xf32, #tpu.memory_space<hbm>>
      %dma_start3A_833 = tpu.memref_squeeze %dma_start3A_832 : memref<1x80x128xf32, #tpu.memory_space<hbm>> -> memref<80x128xf32, #tpu.memory_space<hbm>>
      %dma_start3A_834 = arith.constant 0 : i32
      %dma_start3A_835 = tpu.memref_slice %arg6[%arg0, %add3A_555, %dma_start3A_834] : memref<2x10240x128xf32, #tpu.memory_space<hbm>> -> memref<1x80x128xf32, #tpu.memory_space<hbm>>
      %dma_start3A_836 = tpu.memref_squeeze %dma_start3A_835 : memref<1x80x128xf32, #tpu.memory_space<hbm>> -> memref<80x128xf32, #tpu.memory_space<hbm>>
      tpu.enqueue_dma source(%arg17 : memref<80x128xf32, #tpu.memory_space<vmem>>) target(%dma_start3A_836 : memref<80x128xf32, #tpu.memory_space<hbm>>) target_semaphore(%run_scoped3A : memref<!tpu.dma_semaphore, #tpu.memory_space<semaphore_mem>>)
      %dma_wait3A_837 = arith.constant 0 : i32
      %dma_wait3A_838 = tpu.memref_slice %arg6[%arg0, %add3A_555, %dma_wait3A_837] : memref<2x10240x128xf32, #tpu.memory_space<hbm>> -> memref<1x80x128xf32, #tpu.memory_space<hbm>>
      %dma_wait3A_839 = tpu.memref_squeeze %dma_wait3A_838 : memref<1x80x128xf32, #tpu.memory_space<hbm>> -> memref<80x128xf32, #tpu.memory_space<hbm>>
      %dma_wait3A_840 = arith.constant 0 : i32
      %dma_wait3A_841 = tpu.memref_slice %arg6[%arg0, %add3A_555, %dma_wait3A_840] : memref<2x10240x128xf32, #tpu.memory_space<hbm>> -> memref<1x80x128xf32, #tpu.memory_space<hbm>>
      %dma_wait3A_842 = tpu.memref_squeeze %dma_wait3A_841 : memref<1x80x128xf32, #tpu.memory_space<hbm>> -> memref<80x128xf32, #tpu.memory_space<hbm>>
      tpu.wait_dma2 semaphore(%run_scoped3A : memref<!tpu.dma_semaphore, #tpu.memory_space<semaphore_mem>>) src(%arg17 : memref<80x128xf32, #tpu.memory_space<vmem>>) dst(%dma_wait3A_842 : memref<80x128xf32, #tpu.memory_space<hbm>>)
      tpu.yield
    }) : () -> ()
    %add3A_556 = arith.constant 240 : i32
    %add3A_557 = arith.addi %mul3A_2, %add3A_556 : i32
    %add3A_558 = arith.constant 0 : i32
    %add3A_559 = arith.addi %add3A_557, %add3A_558 : i32
    %iota3A_560 = tpu.iota {dimensions = array<i32: 0>} : vector<16xi32>
    %add3A_561 = vector.broadcast %add3A_559 : i32 to vector<16xi32>
    %add3A_562 = arith.addi %add3A_561, %iota3A_560 : vector<16xi32>
    %swap3A_563 = arith.constant 0 : index
    %swap3A_564 = tpu.vector_load %arg13[%swap3A_563] {strides = array<i32>} : memref<80xi32, #tpu.memory_space<vmem>>, vector<16xi32>,
    %swap3A_565 = vector.shape_cast %swap3A_564 : vector<16xi32> to vector<16xi32>
    %swap3A_566 = vector.shape_cast %add3A_562 : vector<16xi32> to vector<16xi32>
    tpu.vector_store %arg13[%swap3A_563], %swap3A_566 {strides = array<i32>} : memref<80xi32, #tpu.memory_space<vmem>>, vector<16xi32>,
    %add3A_567 = arith.constant 16 : i32
    %add3A_568 = arith.addi %add3A_557, %add3A_567 : i32
    %iota3A_569 = tpu.iota {dimensions = array<i32: 0>} : vector<16xi32>
    %add3A_570 = vector.broadcast %add3A_568 : i32 to vector<16xi32>
    %add3A_571 = arith.addi %add3A_570, %iota3A_569 : vector<16xi32>
    %swap3A_572 = arith.constant 16 : index
    %swap3A_573 = tpu.vector_load %arg13[%swap3A_572] {strides = array<i32>} : memref<80xi32, #tpu.memory_space<vmem>>, vector<16xi32>,
    %swap3A_574 = vector.shape_cast %swap3A_573 : vector<16xi32> to vector<16xi32>
    %swap3A_575 = vector.shape_cast %add3A_571 : vector<16xi32> to vector<16xi32>
    tpu.vector_store %arg13[%swap3A_572], %swap3A_575 {strides = array<i32>} : memref<80xi32, #tpu.memory_space<vmem>>, vector<16xi32>,
    %add3A_576 = arith.constant 32 : i32
    %add3A_577 = arith.addi %add3A_557, %add3A_576 : i32
    %iota3A_578 = tpu.iota {dimensions = array<i32: 0>} : vector<16xi32>
    %add3A_579 = vector.broadcast %add3A_577 : i32 to vector<16xi32>
    %add3A_580 = arith.addi %add3A_579, %iota3A_578 : vector<16xi32>
    %swap3A_581 = arith.constant 32 : index
    %swap3A_582 = tpu.vector_load %arg13[%swap3A_581] {strides = array<i32>} : memref<80xi32, #tpu.memory_space<vmem>>, vector<16xi32>,
    %swap3A_583 = vector.shape_cast %swap3A_582 : vector<16xi32> to vector<16xi32>
    %swap3A_584 = vector.shape_cast %add3A_580 : vector<16xi32> to vector<16xi32>
    tpu.vector_store %arg13[%swap3A_581], %swap3A_584 {strides = array<i32>} : memref<80xi32, #tpu.memory_space<vmem>>, vector<16xi32>,
    %add3A_585 = arith.constant 48 : i32
    %add3A_586 = arith.addi %add3A_557, %add3A_585 : i32
    %iota3A_587 = tpu.iota {dimensions = array<i32: 0>} : vector<16xi32>
    %add3A_588 = vector.broadcast %add3A_586 : i32 to vector<16xi32>
    %add3A_589 = arith.addi %add3A_588, %iota3A_587 : vector<16xi32>
    %swap3A_590 = arith.constant 48 : index
    %swap3A_591 = tpu.vector_load %arg13[%swap3A_590] {strides = array<i32>} : memref<80xi32, #tpu.memory_space<vmem>>, vector<16xi32>,
    %swap3A_592 = vector.shape_cast %swap3A_591 : vector<16xi32> to vector<16xi32>
    %swap3A_593 = vector.shape_cast %add3A_589 : vector<16xi32> to vector<16xi32>
    tpu.vector_store %arg13[%swap3A_590], %swap3A_593 {strides = array<i32>} : memref<80xi32, #tpu.memory_space<vmem>>, vector<16xi32>,
    %add3A_594 = arith.constant 64 : i32
    %add3A_595 = arith.addi %add3A_557, %add3A_594 : i32
    %iota3A_596 = tpu.iota {dimensions = array<i32: 0>} : vector<16xi32>
    %add3A_597 = vector.broadcast %add3A_595 : i32 to vector<16xi32>
    %add3A_598 = arith.addi %add3A_597, %iota3A_596 : vector<16xi32>
    %swap3A_599 = arith.constant 64 : index
    %swap3A_600 = tpu.vector_load %arg13[%swap3A_599] {strides = array<i32>} : memref<80xi32, #tpu.memory_space<vmem>>, vector<16xi32>,
    %swap3A_601 = vector.shape_cast %swap3A_600 : vector<16xi32> to vector<16xi32>
    %swap3A_602 = vector.shape_cast %add3A_598 : vector<16xi32> to vector<16xi32>
    tpu.vector_store %arg13[%swap3A_599], %swap3A_602 {strides = array<i32>} : memref<80xi32, #tpu.memory_space<vmem>>, vector<16xi32>,
    %dma_start3A_603 = arith.constant 0 : i32
    %dma_start3A_604 = arith.constant 0 : i32
    %dma_start3A_605 = tpu.memref_slice %arg18[%dma_start3A_603, %dma_start3A_604] : memref<10240x128xf32, #tpu.memory_space<vmem_shared>> -> memref<10240x128xf32, #tpu.memory_space<vmem_shared>>
    tpu.enqueue_indirect_dma source(%dma_start3A_605 : memref<10240x128xf32, #tpu.memory_space<vmem_shared>>) target(%arg17 : memref<80x128xf32, #tpu.memory_space<vmem>>) offsets(%arg13 : memref<80xi32, #tpu.memory_space<vmem>>) semaphore(%arg19 : memref<!tpu.dma_semaphore, #tpu.memory_space<semaphore_mem>>)
    %dma_wait3A_606 = arith.constant 0 : i32
    %dma_wait3A_607 = arith.constant 0 : i32
    %dma_wait3A_608 = tpu.memref_slice %arg18[%dma_wait3A_606, %dma_wait3A_607] : memref<10240x128xf32, #tpu.memory_space<vmem_shared>> -> memref<10240x128xf32, #tpu.memory_space<vmem_shared>>
    tpu.wait_indirect_dma semaphore(%arg19 : memref<!tpu.dma_semaphore, #tpu.memory_space<semaphore_mem>>) src(%dma_wait3A_608 : memref<10240x128xf32, #tpu.memory_space<vmem_shared>>) dst(%arg17 : memref<80x128xf32, #tpu.memory_space<vmem>>)
    %add3A_609 = arith.constant 240 : i32
    %add3A_610 = arith.addi %mul3A_2, %add3A_609 : i32
    "tpu.region"() ({
      %run_scoped3A = tpu.sem_alloc : memref<!tpu.dma_semaphore, #tpu.memory_space<semaphore_mem>>
      %dma_start3A_831 = arith.constant 0 : i32
      %dma_start3A_832 = tpu.memref_slice %arg6[%arg0, %add3A_610, %dma_start3A_831] : memref<2x10240x128xf32, #tpu.memory_space<hbm>> -> memref<1x80x128xf32, #tpu.memory_space<hbm>>
      %dma_start3A_833 = tpu.memref_squeeze %dma_start3A_832 : memref<1x80x128xf32, #tpu.memory_space<hbm>> -> memref<80x128xf32, #tpu.memory_space<hbm>>
      %dma_start3A_834 = arith.constant 0 : i32
      %dma_start3A_835 = tpu.memref_slice %arg6[%arg0, %add3A_610, %dma_start3A_834] : memref<2x10240x128xf32, #tpu.memory_space<hbm>> -> memref<1x80x128xf32, #tpu.memory_space<hbm>>
      %dma_start3A_836 = tpu.memref_squeeze %dma_start3A_835 : memref<1x80x128xf32, #tpu.memory_space<hbm>> -> memref<80x128xf32, #tpu.memory_space<hbm>>
      tpu.enqueue_dma source(%arg17 : memref<80x128xf32, #tpu.memory_space<vmem>>) target(%dma_start3A_836 : memref<80x128xf32, #tpu.memory_space<hbm>>) target_semaphore(%run_scoped3A : memref<!tpu.dma_semaphore, #tpu.memory_space<semaphore_mem>>)
      %dma_wait3A_837 = arith.constant 0 : i32
      %dma_wait3A_838 = tpu.memref_slice %arg6[%arg0, %add3A_610, %dma_wait3A_837] : memref<2x10240x128xf32, #tpu.memory_space<hbm>> -> memref<1x80x128xf32, #tpu.memory_space<hbm>>
      %dma_wait3A_839 = tpu.memref_squeeze %dma_wait3A_838 : memref<1x80x128xf32, #tpu.memory_space<hbm>> -> memref<80x128xf32, #tpu.memory_space<hbm>>
      %dma_wait3A_840 = arith.constant 0 : i32
      %dma_wait3A_841 = tpu.memref_slice %arg6[%arg0, %add3A_610, %dma_wait3A_840] : memref<2x10240x128xf32, #tpu.memory_space<hbm>> -> memref<1x80x128xf32, #tpu.memory_space<hbm>>
      %dma_wait3A_842 = tpu.memref_squeeze %dma_wait3A_841 : memref<1x80x128xf32, #tpu.memory_space<hbm>> -> memref<80x128xf32, #tpu.memory_space<hbm>>
      tpu.wait_dma2 semaphore(%run_scoped3A : memref<!tpu.dma_semaphore, #tpu.memory_space<semaphore_mem>>) src(%arg17 : memref<80x128xf32, #tpu.memory_space<vmem>>) dst(%dma_wait3A_842 : memref<80x128xf32, #tpu.memory_space<hbm>>)
      tpu.yield
    }) : () -> ()
    %add3A_611 = arith.constant 320 : i32
    %add3A_612 = arith.addi %mul3A_2, %add3A_611 : i32
    %add3A_613 = arith.constant 0 : i32
    %add3A_614 = arith.addi %add3A_612, %add3A_613 : i32
    %iota3A_615 = tpu.iota {dimensions = array<i32: 0>} : vector<16xi32>
    %add3A_616 = vector.broadcast %add3A_614 : i32 to vector<16xi32>
    %add3A_617 = arith.addi %add3A_616, %iota3A_615 : vector<16xi32>
    %swap3A_618 = arith.constant 0 : index
    %swap3A_619 = tpu.vector_load %arg13[%swap3A_618] {strides = array<i32>} : memref<80xi32, #tpu.memory_space<vmem>>, vector<16xi32>,
    %swap3A_620 = vector.shape_cast %swap3A_619 : vector<16xi32> to vector<16xi32>
    %swap3A_621 = vector.shape_cast %add3A_617 : vector<16xi32> to vector<16xi32>
    tpu.vector_store %arg13[%swap3A_618], %swap3A_621 {strides = array<i32>} : memref<80xi32, #tpu.memory_space<vmem>>, vector<16xi32>,
    %add3A_622 = arith.constant 16 : i32
    %add3A_623 = arith.addi %add3A_612, %add3A_622 : i32
    %iota3A_624 = tpu.iota {dimensions = array<i32: 0>} : vector<16xi32>
    %add3A_625 = vector.broadcast %add3A_623 : i32 to vector<16xi32>
    %add3A_626 = arith.addi %add3A_625, %iota3A_624 : vector<16xi32>
    %swap3A_627 = arith.constant 16 : index
    %swap3A_628 = tpu.vector_load %arg13[%swap3A_627] {strides = array<i32>} : memref<80xi32, #tpu.memory_space<vmem>>, vector<16xi32>,
    %swap3A_629 = vector.shape_cast %swap3A_628 : vector<16xi32> to vector<16xi32>
    %swap3A_630 = vector.shape_cast %add3A_626 : vector<16xi32> to vector<16xi32>
    tpu.vector_store %arg13[%swap3A_627], %swap3A_630 {strides = array<i32>} : memref<80xi32, #tpu.memory_space<vmem>>, vector<16xi32>,
    %add3A_631 = arith.constant 32 : i32
    %add3A_632 = arith.addi %add3A_612, %add3A_631 : i32
    %iota3A_633 = tpu.iota {dimensions = array<i32: 0>} : vector<16xi32>
    %add3A_634 = vector.broadcast %add3A_632 : i32 to vector<16xi32>
    %add3A_635 = arith.addi %add3A_634, %iota3A_633 : vector<16xi32>
    %swap3A_636 = arith.constant 32 : index
    %swap3A_637 = tpu.vector_load %arg13[%swap3A_636] {strides = array<i32>} : memref<80xi32, #tpu.memory_space<vmem>>, vector<16xi32>,
    %swap3A_638 = vector.shape_cast %swap3A_637 : vector<16xi32> to vector<16xi32>
    %swap3A_639 = vector.shape_cast %add3A_635 : vector<16xi32> to vector<16xi32>
    tpu.vector_store %arg13[%swap3A_636], %swap3A_639 {strides = array<i32>} : memref<80xi32, #tpu.memory_space<vmem>>, vector<16xi32>,
    %add3A_640 = arith.constant 48 : i32
    %add3A_641 = arith.addi %add3A_612, %add3A_640 : i32
    %iota3A_642 = tpu.iota {dimensions = array<i32: 0>} : vector<16xi32>
    %add3A_643 = vector.broadcast %add3A_641 : i32 to vector<16xi32>
    %add3A_644 = arith.addi %add3A_643, %iota3A_642 : vector<16xi32>
    %swap3A_645 = arith.constant 48 : index
    %swap3A_646 = tpu.vector_load %arg13[%swap3A_645] {strides = array<i32>} : memref<80xi32, #tpu.memory_space<vmem>>, vector<16xi32>,
    %swap3A_647 = vector.shape_cast %swap3A_646 : vector<16xi32> to vector<16xi32>
    %swap3A_648 = vector.shape_cast %add3A_644 : vector<16xi32> to vector<16xi32>
    tpu.vector_store %arg13[%swap3A_645], %swap3A_648 {strides = array<i32>} : memref<80xi32, #tpu.memory_space<vmem>>, vector<16xi32>,
    %add3A_649 = arith.constant 64 : i32
    %add3A_650 = arith.addi %add3A_612, %add3A_649 : i32
    %iota3A_651 = tpu.iota {dimensions = array<i32: 0>} : vector<16xi32>
    %add3A_652 = vector.broadcast %add3A_650 : i32 to vector<16xi32>
    %add3A_653 = arith.addi %add3A_652, %iota3A_651 : vector<16xi32>
    %swap3A_654 = arith.constant 64 : index
    %swap3A_655 = tpu.vector_load %arg13[%swap3A_654] {strides = array<i32>} : memref<80xi32, #tpu.memory_space<vmem>>, vector<16xi32>,
    %swap3A_656 = vector.shape_cast %swap3A_655 : vector<16xi32> to vector<16xi32>
    %swap3A_657 = vector.shape_cast %add3A_653 : vector<16xi32> to vector<16xi32>
    tpu.vector_store %arg13[%swap3A_654], %swap3A_657 {strides = array<i32>} : memref<80xi32, #tpu.memory_space<vmem>>, vector<16xi32>,
    %dma_start3A_658 = arith.constant 0 : i32
    %dma_start3A_659 = arith.constant 0 : i32
    %dma_start3A_660 = tpu.memref_slice %arg18[%dma_start3A_658, %dma_start3A_659] : memref<10240x128xf32, #tpu.memory_space<vmem_shared>> -> memref<10240x128xf32, #tpu.memory_space<vmem_shared>>
    tpu.enqueue_indirect_dma source(%dma_start3A_660 : memref<10240x128xf32, #tpu.memory_space<vmem_shared>>) target(%arg17 : memref<80x128xf32, #tpu.memory_space<vmem>>) offsets(%arg13 : memref<80xi32, #tpu.memory_space<vmem>>) semaphore(%arg19 : memref<!tpu.dma_semaphore, #tpu.memory_space<semaphore_mem>>)
    %dma_wait3A_661 = arith.constant 0 : i32
    %dma_wait3A_662 = arith.constant 0 : i32
    %dma_wait3A_663 = tpu.memref_slice %arg18[%dma_wait3A_661, %dma_wait3A_662] : memref<10240x128xf32, #tpu.memory_space<vmem_shared>> -> memref<10240x128xf32, #tpu.memory_space<vmem_shared>>
    tpu.wait_indirect_dma semaphore(%arg19 : memref<!tpu.dma_semaphore, #tpu.memory_space<semaphore_mem>>) src(%dma_wait3A_663 : memref<10240x128xf32, #tpu.memory_space<vmem_shared>>) dst(%arg17 : memref<80x128xf32, #tpu.memory_space<vmem>>)
    %add3A_664 = arith.constant 320 : i32
    %add3A_665 = arith.addi %mul3A_2, %add3A_664 : i32
    "tpu.region"() ({
      %run_scoped3A = tpu.sem_alloc : memref<!tpu.dma_semaphore, #tpu.memory_space<semaphore_mem>>
      %dma_start3A_831 = arith.constant 0 : i32
      %dma_start3A_832 = tpu.memref_slice %arg6[%arg0, %add3A_665, %dma_start3A_831] : memref<2x10240x128xf32, #tpu.memory_space<hbm>> -> memref<1x80x128xf32, #tpu.memory_space<hbm>>
      %dma_start3A_833 = tpu.memref_squeeze %dma_start3A_832 : memref<1x80x128xf32, #tpu.memory_space<hbm>> -> memref<80x128xf32, #tpu.memory_space<hbm>>
      %dma_start3A_834 = arith.constant 0 : i32
      %dma_start3A_835 = tpu.memref_slice %arg6[%arg0, %add3A_665, %dma_start3A_834] : memref<2x10240x128xf32, #tpu.memory_space<hbm>> -> memref<1x80x128xf32, #tpu.memory_space<hbm>>
      %dma_start3A_836 = tpu.memref_squeeze %dma_start3A_835 : memref<1x80x128xf32, #tpu.memory_space<hbm>> -> memref<80x128xf32, #tpu.memory_space<hbm>>
      tpu.enqueue_dma source(%arg17 : memref<80x128xf32, #tpu.memory_space<vmem>>) target(%dma_start3A_836 : memref<80x128xf32, #tpu.memory_space<hbm>>) target_semaphore(%run_scoped3A : memref<!tpu.dma_semaphore, #tpu.memory_space<semaphore_mem>>)
      %dma_wait3A_837 = arith.constant 0 : i32
      %dma_wait3A_838 = tpu.memref_slice %arg6[%arg0, %add3A_665, %dma_wait3A_837] : memref<2x10240x128xf32, #tpu.memory_space<hbm>> -> memref<1x80x128xf32, #tpu.memory_space<hbm>>
      %dma_wait3A_839 = tpu.memref_squeeze %dma_wait3A_838 : memref<1x80x128xf32, #tpu.memory_space<hbm>> -> memref<80x128xf32, #tpu.memory_space<hbm>>
      %dma_wait3A_840 = arith.constant 0 : i32
      %dma_wait3A_841 = tpu.memref_slice %arg6[%arg0, %add3A_665, %dma_wait3A_840] : memref<2x10240x128xf32, #tpu.memory_space<hbm>> -> memref<1x80x128xf32, #tpu.memory_space<hbm>>
      %dma_wait3A_842 = tpu.memref_squeeze %dma_wait3A_841 : memref<1x80x128xf32, #tpu.memory_space<hbm>> -> memref<80x128xf32, #tpu.memory_space<hbm>>
      tpu.wait_dma2 semaphore(%run_scoped3A : memref<!tpu.dma_semaphore, #tpu.memory_space<semaphore_mem>>) src(%arg17 : memref<80x128xf32, #tpu.memory_space<vmem>>) dst(%dma_wait3A_842 : memref<80x128xf32, #tpu.memory_space<hbm>>)
      tpu.yield
    }) : () -> ()
    %add3A_666 = arith.constant 400 : i32
    %add3A_667 = arith.addi %mul3A_2, %add3A_666 : i32
    %add3A_668 = arith.constant 0 : i32
    %add3A_669 = arith.addi %add3A_667, %add3A_668 : i32
    %iota3A_670 = tpu.iota {dimensions = array<i32: 0>} : vector<16xi32>
    %add3A_671 = vector.broadcast %add3A_669 : i32 to vector<16xi32>
    %add3A_672 = arith.addi %add3A_671, %iota3A_670 : vector<16xi32>
    %swap3A_673 = arith.constant 0 : index
    %swap3A_674 = tpu.vector_load %arg13[%swap3A_673] {strides = array<i32>} : memref<80xi32, #tpu.memory_space<vmem>>, vector<16xi32>,
    %swap3A_675 = vector.shape_cast %swap3A_674 : vector<16xi32> to vector<16xi32>
    %swap3A_676 = vector.shape_cast %add3A_672 : vector<16xi32> to vector<16xi32>
    tpu.vector_store %arg13[%swap3A_673], %swap3A_676 {strides = array<i32>} : memref<80xi32, #tpu.memory_space<vmem>>, vector<16xi32>,
    %add3A_677 = arith.constant 16 : i32
    %add3A_678 = arith.addi %add3A_667, %add3A_677 : i32
    %iota3A_679 = tpu.iota {dimensions = array<i32: 0>} : vector<16xi32>
    %add3A_680 = vector.broadcast %add3A_678 : i32 to vector<16xi32>
    %add3A_681 = arith.addi %add3A_680, %iota3A_679 : vector<16xi32>
    %swap3A_682 = arith.constant 16 : index
    %swap3A_683 = tpu.vector_load %arg13[%swap3A_682] {strides = array<i32>} : memref<80xi32, #tpu.memory_space<vmem>>, vector<16xi32>,
    %swap3A_684 = vector.shape_cast %swap3A_683 : vector<16xi32> to vector<16xi32>
    %swap3A_685 = vector.shape_cast %add3A_681 : vector<16xi32> to vector<16xi32>
    tpu.vector_store %arg13[%swap3A_682], %swap3A_685 {strides = array<i32>} : memref<80xi32, #tpu.memory_space<vmem>>, vector<16xi32>,
    %add3A_686 = arith.constant 32 : i32
    %add3A_687 = arith.addi %add3A_667, %add3A_686 : i32
    %iota3A_688 = tpu.iota {dimensions = array<i32: 0>} : vector<16xi32>
    %add3A_689 = vector.broadcast %add3A_687 : i32 to vector<16xi32>
    %add3A_690 = arith.addi %add3A_689, %iota3A_688 : vector<16xi32>
    %swap3A_691 = arith.constant 32 : index
    %swap3A_692 = tpu.vector_load %arg13[%swap3A_691] {strides = array<i32>} : memref<80xi32, #tpu.memory_space<vmem>>, vector<16xi32>,
    %swap3A_693 = vector.shape_cast %swap3A_692 : vector<16xi32> to vector<16xi32>
    %swap3A_694 = vector.shape_cast %add3A_690 : vector<16xi32> to vector<16xi32>
    tpu.vector_store %arg13[%swap3A_691], %swap3A_694 {strides = array<i32>} : memref<80xi32, #tpu.memory_space<vmem>>, vector<16xi32>,
    %add3A_695 = arith.constant 48 : i32
    %add3A_696 = arith.addi %add3A_667, %add3A_695 : i32
    %iota3A_697 = tpu.iota {dimensions = array<i32: 0>} : vector<16xi32>
    %add3A_698 = vector.broadcast %add3A_696 : i32 to vector<16xi32>
    %add3A_699 = arith.addi %add3A_698, %iota3A_697 : vector<16xi32>
    %swap3A_700 = arith.constant 48 : index
    %swap3A_701 = tpu.vector_load %arg13[%swap3A_700] {strides = array<i32>} : memref<80xi32, #tpu.memory_space<vmem>>, vector<16xi32>,
    %swap3A_702 = vector.shape_cast %swap3A_701 : vector<16xi32> to vector<16xi32>
    %swap3A_703 = vector.shape_cast %add3A_699 : vector<16xi32> to vector<16xi32>
    tpu.vector_store %arg13[%swap3A_700], %swap3A_703 {strides = array<i32>} : memref<80xi32, #tpu.memory_space<vmem>>, vector<16xi32>,
    %add3A_704 = arith.constant 64 : i32
    %add3A_705 = arith.addi %add3A_667, %add3A_704 : i32
    %iota3A_706 = tpu.iota {dimensions = array<i32: 0>} : vector<16xi32>
    %add3A_707 = vector.broadcast %add3A_705 : i32 to vector<16xi32>
    %add3A_708 = arith.addi %add3A_707, %iota3A_706 : vector<16xi32>
    %swap3A_709 = arith.constant 64 : index
    %swap3A_710 = tpu.vector_load %arg13[%swap3A_709] {strides = array<i32>} : memref<80xi32, #tpu.memory_space<vmem>>, vector<16xi32>,
    %swap3A_711 = vector.shape_cast %swap3A_710 : vector<16xi32> to vector<16xi32>
    %swap3A_712 = vector.shape_cast %add3A_708 : vector<16xi32> to vector<16xi32>
    tpu.vector_store %arg13[%swap3A_709], %swap3A_712 {strides = array<i32>} : memref<80xi32, #tpu.memory_space<vmem>>, vector<16xi32>,
    %dma_start3A_713 = arith.constant 0 : i32
    %dma_start3A_714 = arith.constant 0 : i32
    %dma_start3A_715 = tpu.memref_slice %arg18[%dma_start3A_713, %dma_start3A_714] : memref<10240x128xf32, #tpu.memory_space<vmem_shared>> -> memref<10240x128xf32, #tpu.memory_space<vmem_shared>>
    tpu.enqueue_indirect_dma source(%dma_start3A_715 : memref<10240x128xf32, #tpu.memory_space<vmem_shared>>) target(%arg17 : memref<80x128xf32, #tpu.memory_space<vmem>>) offsets(%arg13 : memref<80xi32, #tpu.memory_space<vmem>>) semaphore(%arg19 : memref<!tpu.dma_semaphore, #tpu.memory_space<semaphore_mem>>)
    %dma_wait3A_716 = arith.constant 0 : i32
    %dma_wait3A_717 = arith.constant 0 : i32
    %dma_wait3A_718 = tpu.memref_slice %arg18[%dma_wait3A_716, %dma_wait3A_717] : memref<10240x128xf32, #tpu.memory_space<vmem_shared>> -> memref<10240x128xf32, #tpu.memory_space<vmem_shared>>
    tpu.wait_indirect_dma semaphore(%arg19 : memref<!tpu.dma_semaphore, #tpu.memory_space<semaphore_mem>>) src(%dma_wait3A_718 : memref<10240x128xf32, #tpu.memory_space<vmem_shared>>) dst(%arg17 : memref<80x128xf32, #tpu.memory_space<vmem>>)
    %add3A_719 = arith.constant 400 : i32
    %add3A_720 = arith.addi %mul3A_2, %add3A_719 : i32
    "tpu.region"() ({
      %run_scoped3A = tpu.sem_alloc : memref<!tpu.dma_semaphore, #tpu.memory_space<semaphore_mem>>
      %dma_start3A_831 = arith.constant 0 : i32
      %dma_start3A_832 = tpu.memref_slice %arg6[%arg0, %add3A_720, %dma_start3A_831] : memref<2x10240x128xf32, #tpu.memory_space<hbm>> -> memref<1x80x128xf32, #tpu.memory_space<hbm>>
      %dma_start3A_833 = tpu.memref_squeeze %dma_start3A_832 : memref<1x80x128xf32, #tpu.memory_space<hbm>> -> memref<80x128xf32, #tpu.memory_space<hbm>>
      %dma_start3A_834 = arith.constant 0 : i32
      %dma_start3A_835 = tpu.memref_slice %arg6[%arg0, %add3A_720, %dma_start3A_834] : memref<2x10240x128xf32, #tpu.memory_space<hbm>> -> memref<1x80x128xf32, #tpu.memory_space<hbm>>
      %dma_start3A_836 = tpu.memref_squeeze %dma_start3A_835 : memref<1x80x128xf32, #tpu.memory_space<hbm>> -> memref<80x128xf32, #tpu.memory_space<hbm>>
      tpu.enqueue_dma source(%arg17 : memref<80x128xf32, #tpu.memory_space<vmem>>) target(%dma_start3A_836 : memref<80x128xf32, #tpu.memory_space<hbm>>) target_semaphore(%run_scoped3A : memref<!tpu.dma_semaphore, #tpu.memory_space<semaphore_mem>>)
      %dma_wait3A_837 = arith.constant 0 : i32
      %dma_wait3A_838 = tpu.memref_slice %arg6[%arg0, %add3A_720, %dma_wait3A_837] : memref<2x10240x128xf32, #tpu.memory_space<hbm>> -> memref<1x80x128xf32, #tpu.memory_space<hbm>>
      %dma_wait3A_839 = tpu.memref_squeeze %dma_wait3A_838 : memref<1x80x128xf32, #tpu.memory_space<hbm>> -> memref<80x128xf32, #tpu.memory_space<hbm>>
      %dma_wait3A_840 = arith.constant 0 : i32
      %dma_wait3A_841 = tpu.memref_slice %arg6[%arg0, %add3A_720, %dma_wait3A_840] : memref<2x10240x128xf32, #tpu.memory_space<hbm>> -> memref<1x80x128xf32, #tpu.memory_space<hbm>>
      %dma_wait3A_842 = tpu.memref_squeeze %dma_wait3A_841 : memref<1x80x128xf32, #tpu.memory_space<hbm>> -> memref<80x128xf32, #tpu.memory_space<hbm>>
      tpu.wait_dma2 semaphore(%run_scoped3A : memref<!tpu.dma_semaphore, #tpu.memory_space<semaphore_mem>>) src(%arg17 : memref<80x128xf32, #tpu.memory_space<vmem>>) dst(%dma_wait3A_842 : memref<80x128xf32, #tpu.memory_space<hbm>>)
      tpu.yield
    }) : () -> ()
    %add3A_721 = arith.constant 480 : i32
    %add3A_722 = arith.addi %mul3A_2, %add3A_721 : i32
    %add3A_723 = arith.constant 0 : i32
    %add3A_724 = arith.addi %add3A_722, %add3A_723 : i32
    %iota3A_725 = tpu.iota {dimensions = array<i32: 0>} : vector<16xi32>
    %add3A_726 = vector.broadcast %add3A_724 : i32 to vector<16xi32>
    %add3A_727 = arith.addi %add3A_726, %iota3A_725 : vector<16xi32>
    %swap3A_728 = arith.constant 0 : index
    %swap3A_729 = tpu.vector_load %arg13[%swap3A_728] {strides = array<i32>} : memref<80xi32, #tpu.memory_space<vmem>>, vector<16xi32>,
    %swap3A_730 = vector.shape_cast %swap3A_729 : vector<16xi32> to vector<16xi32>
    %swap3A_731 = vector.shape_cast %add3A_727 : vector<16xi32> to vector<16xi32>
    tpu.vector_store %arg13[%swap3A_728], %swap3A_731 {strides = array<i32>} : memref<80xi32, #tpu.memory_space<vmem>>, vector<16xi32>,
    %add3A_732 = arith.constant 16 : i32
    %add3A_733 = arith.addi %add3A_722, %add3A_732 : i32
    %iota3A_734 = tpu.iota {dimensions = array<i32: 0>} : vector<16xi32>
    %add3A_735 = vector.broadcast %add3A_733 : i32 to vector<16xi32>
    %add3A_736 = arith.addi %add3A_735, %iota3A_734 : vector<16xi32>
    %swap3A_737 = arith.constant 16 : index
    %swap3A_738 = tpu.vector_load %arg13[%swap3A_737] {strides = array<i32>} : memref<80xi32, #tpu.memory_space<vmem>>, vector<16xi32>,
    %swap3A_739 = vector.shape_cast %swap3A_738 : vector<16xi32> to vector<16xi32>
    %swap3A_740 = vector.shape_cast %add3A_736 : vector<16xi32> to vector<16xi32>
    tpu.vector_store %arg13[%swap3A_737], %swap3A_740 {strides = array<i32>} : memref<80xi32, #tpu.memory_space<vmem>>, vector<16xi32>,
    %add3A_741 = arith.constant 32 : i32
    %add3A_742 = arith.addi %add3A_722, %add3A_741 : i32
    %iota3A_743 = tpu.iota {dimensions = array<i32: 0>} : vector<16xi32>
    %add3A_744 = vector.broadcast %add3A_742 : i32 to vector<16xi32>
    %add3A_745 = arith.addi %add3A_744, %iota3A_743 : vector<16xi32>
    %swap3A_746 = arith.constant 32 : index
    %swap3A_747 = tpu.vector_load %arg13[%swap3A_746] {strides = array<i32>} : memref<80xi32, #tpu.memory_space<vmem>>, vector<16xi32>,
    %swap3A_748 = vector.shape_cast %swap3A_747 : vector<16xi32> to vector<16xi32>
    %swap3A_749 = vector.shape_cast %add3A_745 : vector<16xi32> to vector<16xi32>
    tpu.vector_store %arg13[%swap3A_746], %swap3A_749 {strides = array<i32>} : memref<80xi32, #tpu.memory_space<vmem>>, vector<16xi32>,
    %add3A_750 = arith.constant 48 : i32
    %add3A_751 = arith.addi %add3A_722, %add3A_750 : i32
    %iota3A_752 = tpu.iota {dimensions = array<i32: 0>} : vector<16xi32>
    %add3A_753 = vector.broadcast %add3A_751 : i32 to vector<16xi32>
    %add3A_754 = arith.addi %add3A_753, %iota3A_752 : vector<16xi32>
    %swap3A_755 = arith.constant 48 : index
    %swap3A_756 = tpu.vector_load %arg13[%swap3A_755] {strides = array<i32>} : memref<80xi32, #tpu.memory_space<vmem>>, vector<16xi32>,
    %swap3A_757 = vector.shape_cast %swap3A_756 : vector<16xi32> to vector<16xi32>
    %swap3A_758 = vector.shape_cast %add3A_754 : vector<16xi32> to vector<16xi32>
    tpu.vector_store %arg13[%swap3A_755], %swap3A_758 {strides = array<i32>} : memref<80xi32, #tpu.memory_space<vmem>>, vector<16xi32>,
    %add3A_759 = arith.constant 64 : i32
    %add3A_760 = arith.addi %add3A_722, %add3A_759 : i32
    %iota3A_761 = tpu.iota {dimensions = array<i32: 0>} : vector<16xi32>
    %add3A_762 = vector.broadcast %add3A_760 : i32 to vector<16xi32>
    %add3A_763 = arith.addi %add3A_762, %iota3A_761 : vector<16xi32>
    %swap3A_764 = arith.constant 64 : index
    %swap3A_765 = tpu.vector_load %arg13[%swap3A_764] {strides = array<i32>} : memref<80xi32, #tpu.memory_space<vmem>>, vector<16xi32>,
    %swap3A_766 = vector.shape_cast %swap3A_765 : vector<16xi32> to vector<16xi32>
    %swap3A_767 = vector.shape_cast %add3A_763 : vector<16xi32> to vector<16xi32>
    tpu.vector_store %arg13[%swap3A_764], %swap3A_767 {strides = array<i32>} : memref<80xi32, #tpu.memory_space<vmem>>, vector<16xi32>,
    %dma_start3A_768 = arith.constant 0 : i32
    %dma_start3A_769 = arith.constant 0 : i32
    %dma_start3A_770 = tpu.memref_slice %arg18[%dma_start3A_768, %dma_start3A_769] : memref<10240x128xf32, #tpu.memory_space<vmem_shared>> -> memref<10240x128xf32, #tpu.memory_space<vmem_shared>>
    tpu.enqueue_indirect_dma source(%dma_start3A_770 : memref<10240x128xf32, #tpu.memory_space<vmem_shared>>) target(%arg17 : memref<80x128xf32, #tpu.memory_space<vmem>>) offsets(%arg13 : memref<80xi32, #tpu.memory_space<vmem>>) semaphore(%arg19 : memref<!tpu.dma_semaphore, #tpu.memory_space<semaphore_mem>>)
    %dma_wait3A_771 = arith.constant 0 : i32
    %dma_wait3A_772 = arith.constant 0 : i32
    %dma_wait3A_773 = tpu.memref_slice %arg18[%dma_wait3A_771, %dma_wait3A_772] : memref<10240x128xf32, #tpu.memory_space<vmem_shared>> -> memref<10240x128xf32, #tpu.memory_space<vmem_shared>>
    tpu.wait_indirect_dma semaphore(%arg19 : memref<!tpu.dma_semaphore, #tpu.memory_space<semaphore_mem>>) src(%dma_wait3A_773 : memref<10240x128xf32, #tpu.memory_space<vmem_shared>>) dst(%arg17 : memref<80x128xf32, #tpu.memory_space<vmem>>)
    %add3A_774 = arith.constant 480 : i32
    %add3A_775 = arith.addi %mul3A_2, %add3A_774 : i32
    "tpu.region"() ({
      %run_scoped3A = tpu.sem_alloc : memref<!tpu.dma_semaphore, #tpu.memory_space<semaphore_mem>>
      %dma_start3A_831 = arith.constant 0 : i32
      %dma_start3A_832 = tpu.memref_slice %arg6[%arg0, %add3A_775, %dma_start3A_831] : memref<2x10240x128xf32, #tpu.memory_space<hbm>> -> memref<1x80x128xf32, #tpu.memory_space<hbm>>
      %dma_start3A_833 = tpu.memref_squeeze %dma_start3A_832 : memref<1x80x128xf32, #tpu.memory_space<hbm>> -> memref<80x128xf32, #tpu.memory_space<hbm>>
      %dma_start3A_834 = arith.constant 0 : i32
      %dma_start3A_835 = tpu.memref_slice %arg6[%arg0, %add3A_775, %dma_start3A_834] : memref<2x10240x128xf32, #tpu.memory_space<hbm>> -> memref<1x80x128xf32, #tpu.memory_space<hbm>>
      %dma_start3A_836 = tpu.memref_squeeze %dma_start3A_835 : memref<1x80x128xf32, #tpu.memory_space<hbm>> -> memref<80x128xf32, #tpu.memory_space<hbm>>
      tpu.enqueue_dma source(%arg17 : memref<80x128xf32, #tpu.memory_space<vmem>>) target(%dma_start3A_836 : memref<80x128xf32, #tpu.memory_space<hbm>>) target_semaphore(%run_scoped3A : memref<!tpu.dma_semaphore, #tpu.memory_space<semaphore_mem>>)
      %dma_wait3A_837 = arith.constant 0 : i32
      %dma_wait3A_838 = tpu.memref_slice %arg6[%arg0, %add3A_775, %dma_wait3A_837] : memref<2x10240x128xf32, #tpu.memory_space<hbm>> -> memref<1x80x128xf32, #tpu.memory_space<hbm>>
      %dma_wait3A_839 = tpu.memref_squeeze %dma_wait3A_838 : memref<1x80x128xf32, #tpu.memory_space<hbm>> -> memref<80x128xf32, #tpu.memory_space<hbm>>
      %dma_wait3A_840 = arith.constant 0 : i32
      %dma_wait3A_841 = tpu.memref_slice %arg6[%arg0, %add3A_775, %dma_wait3A_840] : memref<2x10240x128xf32, #tpu.memory_space<hbm>> -> memref<1x80x128xf32, #tpu.memory_space<hbm>>
      %dma_wait3A_842 = tpu.memref_squeeze %dma_wait3A_841 : memref<1x80x128xf32, #tpu.memory_space<hbm>> -> memref<80x128xf32, #tpu.memory_space<hbm>>
      tpu.wait_dma2 semaphore(%run_scoped3A : memref<!tpu.dma_semaphore, #tpu.memory_space<semaphore_mem>>) src(%arg17 : memref<80x128xf32, #tpu.memory_space<vmem>>) dst(%dma_wait3A_842 : memref<80x128xf32, #tpu.memory_space<hbm>>)
      tpu.yield
    }) : () -> ()
    %add3A_776 = arith.constant 560 : i32
    %add3A_777 = arith.addi %mul3A_2, %add3A_776 : i32
    %add3A_778 = arith.constant 0 : i32
    %add3A_779 = arith.addi %add3A_777, %add3A_778 : i32
    %iota3A_780 = tpu.iota {dimensions = array<i32: 0>} : vector<16xi32>
    %add3A_781 = vector.broadcast %add3A_779 : i32 to vector<16xi32>
    %add3A_782 = arith.addi %add3A_781, %iota3A_780 : vector<16xi32>
    %swap3A_783 = arith.constant 0 : index
    %swap3A_784 = tpu.vector_load %arg13[%swap3A_783] {strides = array<i32>} : memref<80xi32, #tpu.memory_space<vmem>>, vector<16xi32>,
    %swap3A_785 = vector.shape_cast %swap3A_784 : vector<16xi32> to vector<16xi32>
    %swap3A_786 = vector.shape_cast %add3A_782 : vector<16xi32> to vector<16xi32>
    tpu.vector_store %arg13[%swap3A_783], %swap3A_786 {strides = array<i32>} : memref<80xi32, #tpu.memory_space<vmem>>, vector<16xi32>,
    %add3A_787 = arith.constant 16 : i32
    %add3A_788 = arith.addi %add3A_777, %add3A_787 : i32
    %iota3A_789 = tpu.iota {dimensions = array<i32: 0>} : vector<16xi32>
    %add3A_790 = vector.broadcast %add3A_788 : i32 to vector<16xi32>
    %add3A_791 = arith.addi %add3A_790, %iota3A_789 : vector<16xi32>
    %swap3A_792 = arith.constant 16 : index
    %swap3A_793 = tpu.vector_load %arg13[%swap3A_792] {strides = array<i32>} : memref<80xi32, #tpu.memory_space<vmem>>, vector<16xi32>,
    %swap3A_794 = vector.shape_cast %swap3A_793 : vector<16xi32> to vector<16xi32>
    %swap3A_795 = vector.shape_cast %add3A_791 : vector<16xi32> to vector<16xi32>
    tpu.vector_store %arg13[%swap3A_792], %swap3A_795 {strides = array<i32>} : memref<80xi32, #tpu.memory_space<vmem>>, vector<16xi32>,
    %add3A_796 = arith.constant 32 : i32
    %add3A_797 = arith.addi %add3A_777, %add3A_796 : i32
    %iota3A_798 = tpu.iota {dimensions = array<i32: 0>} : vector<16xi32>
    %add3A_799 = vector.broadcast %add3A_797 : i32 to vector<16xi32>
    %add3A_800 = arith.addi %add3A_799, %iota3A_798 : vector<16xi32>
    %swap3A_801 = arith.constant 32 : index
    %swap3A_802 = tpu.vector_load %arg13[%swap3A_801] {strides = array<i32>} : memref<80xi32, #tpu.memory_space<vmem>>, vector<16xi32>,
    %swap3A_803 = vector.shape_cast %swap3A_802 : vector<16xi32> to vector<16xi32>
    %swap3A_804 = vector.shape_cast %add3A_800 : vector<16xi32> to vector<16xi32>
    tpu.vector_store %arg13[%swap3A_801], %swap3A_804 {strides = array<i32>} : memref<80xi32, #tpu.memory_space<vmem>>, vector<16xi32>,
    %add3A_805 = arith.constant 48 : i32
    %add3A_806 = arith.addi %add3A_777, %add3A_805 : i32
    %iota3A_807 = tpu.iota {dimensions = array<i32: 0>} : vector<16xi32>
    %add3A_808 = vector.broadcast %add3A_806 : i32 to vector<16xi32>
    %add3A_809 = arith.addi %add3A_808, %iota3A_807 : vector<16xi32>
    %swap3A_810 = arith.constant 48 : index
    %swap3A_811 = tpu.vector_load %arg13[%swap3A_810] {strides = array<i32>} : memref<80xi32, #tpu.memory_space<vmem>>, vector<16xi32>,
    %swap3A_812 = vector.shape_cast %swap3A_811 : vector<16xi32> to vector<16xi32>
    %swap3A_813 = vector.shape_cast %add3A_809 : vector<16xi32> to vector<16xi32>
    tpu.vector_store %arg13[%swap3A_810], %swap3A_813 {strides = array<i32>} : memref<80xi32, #tpu.memory_space<vmem>>, vector<16xi32>,
    %add3A_814 = arith.constant 64 : i32
    %add3A_815 = arith.addi %add3A_777, %add3A_814 : i32
    %iota3A_816 = tpu.iota {dimensions = array<i32: 0>} : vector<16xi32>
    %add3A_817 = vector.broadcast %add3A_815 : i32 to vector<16xi32>
    %add3A_818 = arith.addi %add3A_817, %iota3A_816 : vector<16xi32>
    %swap3A_819 = arith.constant 64 : index
    %swap3A_820 = tpu.vector_load %arg13[%swap3A_819] {strides = array<i32>} : memref<80xi32, #tpu.memory_space<vmem>>, vector<16xi32>,
    %swap3A_821 = vector.shape_cast %swap3A_820 : vector<16xi32> to vector<16xi32>
    %swap3A_822 = vector.shape_cast %add3A_818 : vector<16xi32> to vector<16xi32>
    tpu.vector_store %arg13[%swap3A_819], %swap3A_822 {strides = array<i32>} : memref<80xi32, #tpu.memory_space<vmem>>, vector<16xi32>,
    %dma_start3A_823 = arith.constant 0 : i32
    %dma_start3A_824 = arith.constant 0 : i32
    %dma_start3A_825 = tpu.memref_slice %arg18[%dma_start3A_823, %dma_start3A_824] : memref<10240x128xf32, #tpu.memory_space<vmem_shared>> -> memref<10240x128xf32, #tpu.memory_space<vmem_shared>>
    tpu.enqueue_indirect_dma source(%dma_start3A_825 : memref<10240x128xf32, #tpu.memory_space<vmem_shared>>) target(%arg17 : memref<80x128xf32, #tpu.memory_space<vmem>>) offsets(%arg13 : memref<80xi32, #tpu.memory_space<vmem>>) semaphore(%arg19 : memref<!tpu.dma_semaphore, #tpu.memory_space<semaphore_mem>>)
    %dma_wait3A_826 = arith.constant 0 : i32
    %dma_wait3A_827 = arith.constant 0 : i32
    %dma_wait3A_828 = tpu.memref_slice %arg18[%dma_wait3A_826, %dma_wait3A_827] : memref<10240x128xf32, #tpu.memory_space<vmem_shared>> -> memref<10240x128xf32, #tpu.memory_space<vmem_shared>>
    tpu.wait_indirect_dma semaphore(%arg19 : memref<!tpu.dma_semaphore, #tpu.memory_space<semaphore_mem>>) src(%dma_wait3A_828 : memref<10240x128xf32, #tpu.memory_space<vmem_shared>>) dst(%arg17 : memref<80x128xf32, #tpu.memory_space<vmem>>)
    %add3A_829 = arith.constant 560 : i32
    %add3A_830 = arith.addi %mul3A_2, %add3A_829 : i32
    "tpu.region"() ({
      %run_scoped3A = tpu.sem_alloc : memref<!tpu.dma_semaphore, #tpu.memory_space<semaphore_mem>>
      %dma_start3A_831 = arith.constant 0 : i32
      %dma_start3A_832 = tpu.memref_slice %arg6[%arg0, %add3A_830, %dma_start3A_831] : memref<2x10240x128xf32, #tpu.memory_space<hbm>> -> memref<1x80x128xf32, #tpu.memory_space<hbm>>
      %dma_start3A_833 = tpu.memref_squeeze %dma_start3A_832 : memref<1x80x128xf32, #tpu.memory_space<hbm>> -> memref<80x128xf32, #tpu.memory_space<hbm>>
      %dma_start3A_834 = arith.constant 0 : i32
      %dma_start3A_835 = tpu.memref_slice %arg6[%arg0, %add3A_830, %dma_start3A_834] : memref<2x10240x128xf32, #tpu.memory_space<hbm>> -> memref<1x80x128xf32, #tpu.memory_space<hbm>>
      %dma_start3A_836 = tpu.memref_squeeze %dma_start3A_835 : memref<1x80x128xf32, #tpu.memory_space<hbm>> -> memref<80x128xf32, #tpu.memory_space<hbm>>
      tpu.enqueue_dma source(%arg17 : memref<80x128xf32, #tpu.memory_space<vmem>>) target(%dma_start3A_836 : memref<80x128xf32, #tpu.memory_space<hbm>>) target_semaphore(%run_scoped3A : memref<!tpu.dma_semaphore, #tpu.memory_space<semaphore_mem>>)
      %dma_wait3A_837 = arith.constant 0 : i32
      %dma_wait3A_838 = tpu.memref_slice %arg6[%arg0, %add3A_830, %dma_wait3A_837] : memref<2x10240x128xf32, #tpu.memory_space<hbm>> -> memref<1x80x128xf32, #tpu.memory_space<hbm>>
      %dma_wait3A_839 = tpu.memref_squeeze %dma_wait3A_838 : memref<1x80x128xf32, #tpu.memory_space<hbm>> -> memref<80x128xf32, #tpu.memory_space<hbm>>
      %dma_wait3A_840 = arith.constant 0 : i32
      %dma_wait3A_841 = tpu.memref_slice %arg6[%arg0, %add3A_830, %dma_wait3A_840] : memref<2x10240x128xf32, #tpu.memory_space<hbm>> -> memref<1x80x128xf32, #tpu.memory_space<hbm>>
      %dma_wait3A_842 = tpu.memref_squeeze %dma_wait3A_841 : memref<1x80x128xf32, #tpu.memory_space<hbm>> -> memref<80x128xf32, #tpu.memory_space<hbm>>
      tpu.wait_dma2 semaphore(%run_scoped3A : memref<!tpu.dma_semaphore, #tpu.memory_space<semaphore_mem>>) src(%arg17 : memref<80x128xf32, #tpu.memory_space<vmem>>) dst(%dma_wait3A_842 : memref<80x128xf32, #tpu.memory_space<hbm>>)
      tpu.yield
    }) : () -> ()
    return
  }
}

#map = affine_map<(d0, d1) -> (0, 0)>
#map1 = affine_map<(d0, d1) -> (0)>
#map2 = affine_map<(d0, d1) -> (0, 0, 0)>
module attributes {stable_mosaic.version = 14 : i64} {
  func.func @_agg(%arg0: i32, %arg1: i32, %arg2: memref<10000x128xf32, #tpu.memory_space<hbm>>, %arg3: memref<320000xi32, #tpu.memory_space<hbm>>, %arg4: memref<320000xi32, #tpu.memory_space<hbm>>, %arg5: memref<80x128xf32, #tpu.memory_space<hbm>>, %arg6: memref<2x10240x128xf32, #tpu.memory_space<hbm>>, %arg7: memref<128xi32, #tpu.memory_space<vmem>>, %arg8: memref<128xi32, #tpu.memory_space<vmem>>, %arg9: memref<128xi32, #tpu.memory_space<vmem>>, %arg10: memref<128xi32, #tpu.memory_space<vmem>>, %arg11: memref<16xi32, #tpu.memory_space<vmem>>, %arg12: memref<16xi32, #tpu.memory_space<vmem>>, %arg13: memref<80xi32, #tpu.memory_space<vmem>>, %arg14: memref<128x128xf32, #tpu.memory_space<vmem>>, %arg15: memref<128x128xf32, #tpu.memory_space<vmem>>, %arg16: memref<16x128xf32, #tpu.memory_space<vmem>>, %arg17: memref<80x128xf32, #tpu.memory_space<vmem>>, %arg18: memref<10240x128xf32, #tpu.memory_space<vmem_shared>>, %arg19: memref<!tpu.dma_semaphore, #tpu.memory_space<semaphore_mem>>, %arg20: memref<!tpu.dma_semaphore, #tpu.memory_space<semaphore_mem>>, %arg21: memref<!tpu.dma_semaphore, #tpu.memory_space<semaphore_mem>>) attributes {dimension_semantics = [#tpu.dimension_semantics<core_parallel>, #tpu.dimension_semantics<subcore_parallel>], iteration_bounds = array<i64: 2, 16>, scalar_prefetch = 0 : i64, scratch_operands = 15 : i64, tpu.core_type = #tpu.core_type<sc_vector_subcore>, window_params = [{transform_indices = #map}, {transform_indices = #map1}, {transform_indices = #map1}, {transform_indices = #map}, {transform_indices = #map2}]} {
    %mul3A = arith.constant 2 : i32
    %mul3A_0 = arith.muli %arg1, %mul3A : i32
    %add3A = arith.addi %mul3A_0, %arg0 : i32
    %mul3A_1 = arith.constant 640 : i32
    %mul3A_2 = arith.muli %arg1, %mul3A_1 : i32
    %mul3A_3 = arith.constant 10000 : i32
    %mul3A_4 = arith.muli %add3A, %mul3A_3 : i32
    "tpu.region"() ({
      %run_scoped3A = tpu.sem_alloc : memref<!tpu.dma_semaphore, #tpu.memory_space<semaphore_mem>>
      tpu.enqueue_dma source(%arg5 : memref<80x128xf32, #tpu.memory_space<hbm>>) target(%arg17 : memref<80x128xf32, #tpu.memory_space<vmem>>) target_semaphore(%run_scoped3A : memref<!tpu.dma_semaphore, #tpu.memory_space<semaphore_mem>>)
      tpu.wait_dma2 semaphore(%run_scoped3A : memref<!tpu.dma_semaphore, #tpu.memory_space<semaphore_mem>>) src(%arg5 : memref<80x128xf32, #tpu.memory_space<hbm>>) dst(%arg17 : memref<80x128xf32, #tpu.memory_space<vmem>>)
      tpu.yield
    }) : () -> ()
    %add3A_5 = arith.constant 0 : i32
    %add3A_6 = arith.addi %mul3A_2, %add3A_5 : i32
    %add3A_7 = arith.constant 0 : i32
    %add3A_8 = arith.addi %add3A_6, %add3A_7 : i32
    %iota3A = tpu.iota {dimensions = array<i32: 0>} : vector<16xi32>
    %add3A_9 = vector.broadcast %add3A_8 : i32 to vector<16xi32>
    %add3A_10 = arith.addi %add3A_9, %iota3A : vector<16xi32>
    %swap3A = arith.constant 0 : index
    %swap3A_11 = tpu.vector_load %arg13[%swap3A] {strides = array<i32>} : memref<80xi32, #tpu.memory_space<vmem>>, vector<16xi32>,
    %swap3A_12 = vector.shape_cast %swap3A_11 : vector<16xi32> to vector<16xi32>
    %swap3A_13 = vector.shape_cast %add3A_10 : vector<16xi32> to vector<16xi32>
    tpu.vector_store %arg13[%swap3A], %swap3A_13 {strides = array<i32>} : memref<80xi32, #tpu.memory_space<vmem>>, vector<16xi32>,
    %add3A_14 = arith.constant 16 : i32
    %add3A_15 = arith.addi %add3A_6, %add3A_14 : i32
    %iota3A_16 = tpu.iota {dimensions = array<i32: 0>} : vector<16xi32>
    %add3A_17 = vector.broadcast %add3A_15 : i32 to vector<16xi32>
    %add3A_18 = arith.addi %add3A_17, %iota3A_16 : vector<16xi32>
    %swap3A_19 = arith.constant 16 : index
    %swap3A_20 = tpu.vector_load %arg13[%swap3A_19] {strides = array<i32>} : memref<80xi32, #tpu.memory_space<vmem>>, vector<16xi32>,
    %swap3A_21 = vector.shape_cast %swap3A_20 : vector<16xi32> to vector<16xi32>
    %swap3A_22 = vector.shape_cast %add3A_18 : vector<16xi32> to vector<16xi32>
    tpu.vector_store %arg13[%swap3A_19], %swap3A_22 {strides = array<i32>} : memref<80xi32, #tpu.memory_space<vmem>>, vector<16xi32>,
    %add3A_23 = arith.constant 32 : i32
    %add3A_24 = arith.addi %add3A_6, %add3A_23 : i32
    %iota3A_25 = tpu.iota {dimensions = array<i32: 0>} : vector<16xi32>
    %add3A_26 = vector.broadcast %add3A_24 : i32 to vector<16xi32>
    %add3A_27 = arith.addi %add3A_26, %iota3A_25 : vector<16xi32>
    %swap3A_28 = arith.constant 32 : index
    %swap3A_29 = tpu.vector_load %arg13[%swap3A_28] {strides = array<i32>} : memref<80xi32, #tpu.memory_space<vmem>>, vector<16xi32>,
    %swap3A_30 = vector.shape_cast %swap3A_29 : vector<16xi32> to vector<16xi32>
    %swap3A_31 = vector.shape_cast %add3A_27 : vector<16xi32> to vector<16xi32>
    tpu.vector_store %arg13[%swap3A_28], %swap3A_31 {strides = array<i32>} : memref<80xi32, #tpu.memory_space<vmem>>, vector<16xi32>,
    %add3A_32 = arith.constant 48 : i32
    %add3A_33 = arith.addi %add3A_6, %add3A_32 : i32
    %iota3A_34 = tpu.iota {dimensions = array<i32: 0>} : vector<16xi32>
    %add3A_35 = vector.broadcast %add3A_33 : i32 to vector<16xi32>
    %add3A_36 = arith.addi %add3A_35, %iota3A_34 : vector<16xi32>
    %swap3A_37 = arith.constant 48 : index
    %swap3A_38 = tpu.vector_load %arg13[%swap3A_37] {strides = array<i32>} : memref<80xi32, #tpu.memory_space<vmem>>, vector<16xi32>,
    %swap3A_39 = vector.shape_cast %swap3A_38 : vector<16xi32> to vector<16xi32>
    %swap3A_40 = vector.shape_cast %add3A_36 : vector<16xi32> to vector<16xi32>
    tpu.vector_store %arg13[%swap3A_37], %swap3A_40 {strides = array<i32>} : memref<80xi32, #tpu.memory_space<vmem>>, vector<16xi32>,
    %add3A_41 = arith.constant 64 : i32
    %add3A_42 = arith.addi %add3A_6, %add3A_41 : i32
    %iota3A_43 = tpu.iota {dimensions = array<i32: 0>} : vector<16xi32>
    %add3A_44 = vector.broadcast %add3A_42 : i32 to vector<16xi32>
    %add3A_45 = arith.addi %add3A_44, %iota3A_43 : vector<16xi32>
    %swap3A_46 = arith.constant 64 : index
    %swap3A_47 = tpu.vector_load %arg13[%swap3A_46] {strides = array<i32>} : memref<80xi32, #tpu.memory_space<vmem>>, vector<16xi32>,
    %swap3A_48 = vector.shape_cast %swap3A_47 : vector<16xi32> to vector<16xi32>
    %swap3A_49 = vector.shape_cast %add3A_45 : vector<16xi32> to vector<16xi32>
    tpu.vector_store %arg13[%swap3A_46], %swap3A_49 {strides = array<i32>} : memref<80xi32, #tpu.memory_space<vmem>>, vector<16xi32>,
    "tpu.region"() ({
      %run_scoped3A = tpu.sem_alloc : memref<!tpu.dma_semaphore, #tpu.memory_space<semaphore_mem>>
      %dma_start3A_831 = arith.constant 0 : i32
      %dma_start3A_832 = arith.constant 0 : i32
      %dma_start3A_833 = tpu.memref_slice %arg18[%dma_start3A_831, %dma_start3A_832] : memref<10240x128xf32, #tpu.memory_space<vmem_shared>> -> memref<10240x128xf32, #tpu.memory_space<vmem_shared>>
      tpu.enqueue_indirect_dma source(%arg17 : memref<80x128xf32, #tpu.memory_space<vmem>>) target(%dma_start3A_833 : memref<10240x128xf32, #tpu.memory_space<vmem_shared>>) offsets(%arg13 : memref<80xi32, #tpu.memory_space<vmem>>) semaphore(%run_scoped3A : memref<!tpu.dma_semaphore, #tpu.memory_space<semaphore_mem>>)
      %dma_wait3A_834 = arith.constant 0 : i32
      %dma_wait3A_835 = arith.constant 0 : i32
      %dma_wait3A_836 = tpu.memref_slice %arg18[%dma_wait3A_834, %dma_wait3A_835] : memref<10240x128xf32, #tpu.memory_space<vmem_shared>> -> memref<10240x128xf32, #tpu.memory_space<vmem_shared>>
      tpu.wait_indirect_dma semaphore(%run_scoped3A : memref<!tpu.dma_semaphore, #tpu.memory_space<semaphore_mem>>) src(%arg17 : memref<80x128xf32, #tpu.memory_space<vmem>>) dst(%dma_wait3A_836 : memref<10240x128xf32, #tpu.memory_space<vmem_shared>>)
      tpu.yield
    }) : () -> ()
    %add3A_50 = arith.constant 80 : i32
    %add3A_51 = arith.addi %mul3A_2, %add3A_50 : i32
    %add3A_52 = arith.constant 0 : i32
    %add3A_53 = arith.addi %add3A_51, %add3A_52 : i32
    %iota3A_54 = tpu.iota {dimensions = array<i32: 0>} : vector<16xi32>
    %add3A_55 = vector.broadcast %add3A_53 : i32 to vector<16xi32>
    %add3A_56 = arith.addi %add3A_55, %iota3A_54 : vector<16xi32>
    %swap3A_57 = arith.constant 0 : index
    %swap3A_58 = tpu.vector_load %arg13[%swap3A_57] {strides = array<i32>} : memref<80xi32, #tpu.memory_space<vmem>>, vector<16xi32>,
    %swap3A_59 = vector.shape_cast %swap3A_58 : vector<16xi32> to vector<16xi32>
    %swap3A_60 = vector.shape_cast %add3A_56 : vector<16xi32> to vector<16xi32>
    tpu.vector_store %arg13[%swap3A_57], %swap3A_60 {strides = array<i32>} : memref<80xi32, #tpu.memory_space<vmem>>, vector<16xi32>,
    %add3A_61 = arith.constant 16 : i32
    %add3A_62 = arith.addi %add3A_51, %add3A_61 : i32
    %iota3A_63 = tpu.iota {dimensions = array<i32: 0>} : vector<16xi32>
    %add3A_64 = vector.broadcast %add3A_62 : i32 to vector<16xi32>
    %add3A_65 = arith.addi %add3A_64, %iota3A_63 : vector<16xi32>
    %swap3A_66 = arith.constant 16 : index
    %swap3A_67 = tpu.vector_load %arg13[%swap3A_66] {strides = array<i32>} : memref<80xi32, #tpu.memory_space<vmem>>, vector<16xi32>,
    %swap3A_68 = vector.shape_cast %swap3A_67 : vector<16xi32> to vector<16xi32>
    %swap3A_69 = vector.shape_cast %add3A_65 : vector<16xi32> to vector<16xi32>
    tpu.vector_store %arg13[%swap3A_66], %swap3A_69 {strides = array<i32>} : memref<80xi32, #tpu.memory_space<vmem>>, vector<16xi32>,
    %add3A_70 = arith.constant 32 : i32
    %add3A_71 = arith.addi %add3A_51, %add3A_70 : i32
    %iota3A_72 = tpu.iota {dimensions = array<i32: 0>} : vector<16xi32>
    %add3A_73 = vector.broadcast %add3A_71 : i32 to vector<16xi32>
    %add3A_74 = arith.addi %add3A_73, %iota3A_72 : vector<16xi32>
    %swap3A_75 = arith.constant 32 : index
    %swap3A_76 = tpu.vector_load %arg13[%swap3A_75] {strides = array<i32>} : memref<80xi32, #tpu.memory_space<vmem>>, vector<16xi32>,
    %swap3A_77 = vector.shape_cast %swap3A_76 : vector<16xi32> to vector<16xi32>
    %swap3A_78 = vector.shape_cast %add3A_74 : vector<16xi32> to vector<16xi32>
    tpu.vector_store %arg13[%swap3A_75], %swap3A_78 {strides = array<i32>} : memref<80xi32, #tpu.memory_space<vmem>>, vector<16xi32>,
    %add3A_79 = arith.constant 48 : i32
    %add3A_80 = arith.addi %add3A_51, %add3A_79 : i32
    %iota3A_81 = tpu.iota {dimensions = array<i32: 0>} : vector<16xi32>
    %add3A_82 = vector.broadcast %add3A_80 : i32 to vector<16xi32>
    %add3A_83 = arith.addi %add3A_82, %iota3A_81 : vector<16xi32>
    %swap3A_84 = arith.constant 48 : index
    %swap3A_85 = tpu.vector_load %arg13[%swap3A_84] {strides = array<i32>} : memref<80xi32, #tpu.memory_space<vmem>>, vector<16xi32>,
    %swap3A_86 = vector.shape_cast %swap3A_85 : vector<16xi32> to vector<16xi32>
    %swap3A_87 = vector.shape_cast %add3A_83 : vector<16xi32> to vector<16xi32>
    tpu.vector_store %arg13[%swap3A_84], %swap3A_87 {strides = array<i32>} : memref<80xi32, #tpu.memory_space<vmem>>, vector<16xi32>,
    %add3A_88 = arith.constant 64 : i32
    %add3A_89 = arith.addi %add3A_51, %add3A_88 : i32
    %iota3A_90 = tpu.iota {dimensions = array<i32: 0>} : vector<16xi32>
    %add3A_91 = vector.broadcast %add3A_89 : i32 to vector<16xi32>
    %add3A_92 = arith.addi %add3A_91, %iota3A_90 : vector<16xi32>
    %swap3A_93 = arith.constant 64 : index
    %swap3A_94 = tpu.vector_load %arg13[%swap3A_93] {strides = array<i32>} : memref<80xi32, #tpu.memory_space<vmem>>, vector<16xi32>,
    %swap3A_95 = vector.shape_cast %swap3A_94 : vector<16xi32> to vector<16xi32>
    %swap3A_96 = vector.shape_cast %add3A_92 : vector<16xi32> to vector<16xi32>
    tpu.vector_store %arg13[%swap3A_93], %swap3A_96 {strides = array<i32>} : memref<80xi32, #tpu.memory_space<vmem>>, vector<16xi32>,
    "tpu.region"() ({
      %run_scoped3A = tpu.sem_alloc : memref<!tpu.dma_semaphore, #tpu.memory_space<semaphore_mem>>
      %dma_start3A_831 = arith.constant 0 : i32
      %dma_start3A_832 = arith.constant 0 : i32
      %dma_start3A_833 = tpu.memref_slice %arg18[%dma_start3A_831, %dma_start3A_832] : memref<10240x128xf32, #tpu.memory_space<vmem_shared>> -> memref<10240x128xf32, #tpu.memory_space<vmem_shared>>
      tpu.enqueue_indirect_dma source(%arg17 : memref<80x128xf32, #tpu.memory_space<vmem>>) target(%dma_start3A_833 : memref<10240x128xf32, #tpu.memory_space<vmem_shared>>) offsets(%arg13 : memref<80xi32, #tpu.memory_space<vmem>>) semaphore(%run_scoped3A : memref<!tpu.dma_semaphore, #tpu.memory_space<semaphore_mem>>)
      %dma_wait3A_834 = arith.constant 0 : i32
      %dma_wait3A_835 = arith.constant 0 : i32
      %dma_wait3A_836 = tpu.memref_slice %arg18[%dma_wait3A_834, %dma_wait3A_835] : memref<10240x128xf32, #tpu.memory_space<vmem_shared>> -> memref<10240x128xf32, #tpu.memory_space<vmem_shared>>
      tpu.wait_indirect_dma semaphore(%run_scoped3A : memref<!tpu.dma_semaphore, #tpu.memory_space<semaphore_mem>>) src(%arg17 : memref<80x128xf32, #tpu.memory_space<vmem>>) dst(%dma_wait3A_836 : memref<10240x128xf32, #tpu.memory_space<vmem_shared>>)
      tpu.yield
    }) : () -> ()
    %add3A_97 = arith.constant 160 : i32
    %add3A_98 = arith.addi %mul3A_2, %add3A_97 : i32
    %add3A_99 = arith.constant 0 : i32
    %add3A_100 = arith.addi %add3A_98, %add3A_99 : i32
    %iota3A_101 = tpu.iota {dimensions = array<i32: 0>} : vector<16xi32>
    %add3A_102 = vector.broadcast %add3A_100 : i32 to vector<16xi32>
    %add3A_103 = arith.addi %add3A_102, %iota3A_101 : vector<16xi32>
    %swap3A_104 = arith.constant 0 : index
    %swap3A_105 = tpu.vector_load %arg13[%swap3A_104] {strides = array<i32>} : memref<80xi32, #tpu.memory_space<vmem>>, vector<16xi32>,
    %swap3A_106 = vector.shape_cast %swap3A_105 : vector<16xi32> to vector<16xi32>
    %swap3A_107 = vector.shape_cast %add3A_103 : vector<16xi32> to vector<16xi32>
    tpu.vector_store %arg13[%swap3A_104], %swap3A_107 {strides = array<i32>} : memref<80xi32, #tpu.memory_space<vmem>>, vector<16xi32>,
    %add3A_108 = arith.constant 16 : i32
    %add3A_109 = arith.addi %add3A_98, %add3A_108 : i32
    %iota3A_110 = tpu.iota {dimensions = array<i32: 0>} : vector<16xi32>
    %add3A_111 = vector.broadcast %add3A_109 : i32 to vector<16xi32>
    %add3A_112 = arith.addi %add3A_111, %iota3A_110 : vector<16xi32>
    %swap3A_113 = arith.constant 16 : index
    %swap3A_114 = tpu.vector_load %arg13[%swap3A_113] {strides = array<i32>} : memref<80xi32, #tpu.memory_space<vmem>>, vector<16xi32>,
    %swap3A_115 = vector.shape_cast %swap3A_114 : vector<16xi32> to vector<16xi32>
    %swap3A_116 = vector.shape_cast %add3A_112 : vector<16xi32> to vector<16xi32>
    tpu.vector_store %arg13[%swap3A_113], %swap3A_116 {strides = array<i32>} : memref<80xi32, #tpu.memory_space<vmem>>, vector<16xi32>,
    %add3A_117 = arith.constant 32 : i32
    %add3A_118 = arith.addi %add3A_98, %add3A_117 : i32
    %iota3A_119 = tpu.iota {dimensions = array<i32: 0>} : vector<16xi32>
    %add3A_120 = vector.broadcast %add3A_118 : i32 to vector<16xi32>
    %add3A_121 = arith.addi %add3A_120, %iota3A_119 : vector<16xi32>
    %swap3A_122 = arith.constant 32 : index
    %swap3A_123 = tpu.vector_load %arg13[%swap3A_122] {strides = array<i32>} : memref<80xi32, #tpu.memory_space<vmem>>, vector<16xi32>,
    %swap3A_124 = vector.shape_cast %swap3A_123 : vector<16xi32> to vector<16xi32>
    %swap3A_125 = vector.shape_cast %add3A_121 : vector<16xi32> to vector<16xi32>
    tpu.vector_store %arg13[%swap3A_122], %swap3A_125 {strides = array<i32>} : memref<80xi32, #tpu.memory_space<vmem>>, vector<16xi32>,
    %add3A_126 = arith.constant 48 : i32
    %add3A_127 = arith.addi %add3A_98, %add3A_126 : i32
    %iota3A_128 = tpu.iota {dimensions = array<i32: 0>} : vector<16xi32>
    %add3A_129 = vector.broadcast %add3A_127 : i32 to vector<16xi32>
    %add3A_130 = arith.addi %add3A_129, %iota3A_128 : vector<16xi32>
    %swap3A_131 = arith.constant 48 : index
    %swap3A_132 = tpu.vector_load %arg13[%swap3A_131] {strides = array<i32>} : memref<80xi32, #tpu.memory_space<vmem>>, vector<16xi32>,
    %swap3A_133 = vector.shape_cast %swap3A_132 : vector<16xi32> to vector<16xi32>
    %swap3A_134 = vector.shape_cast %add3A_130 : vector<16xi32> to vector<16xi32>
    tpu.vector_store %arg13[%swap3A_131], %swap3A_134 {strides = array<i32>} : memref<80xi32, #tpu.memory_space<vmem>>, vector<16xi32>,
    %add3A_135 = arith.constant 64 : i32
    %add3A_136 = arith.addi %add3A_98, %add3A_135 : i32
    %iota3A_137 = tpu.iota {dimensions = array<i32: 0>} : vector<16xi32>
    %add3A_138 = vector.broadcast %add3A_136 : i32 to vector<16xi32>
    %add3A_139 = arith.addi %add3A_138, %iota3A_137 : vector<16xi32>
    %swap3A_140 = arith.constant 64 : index
    %swap3A_141 = tpu.vector_load %arg13[%swap3A_140] {strides = array<i32>} : memref<80xi32, #tpu.memory_space<vmem>>, vector<16xi32>,
    %swap3A_142 = vector.shape_cast %swap3A_141 : vector<16xi32> to vector<16xi32>
    %swap3A_143 = vector.shape_cast %add3A_139 : vector<16xi32> to vector<16xi32>
    tpu.vector_store %arg13[%swap3A_140], %swap3A_143 {strides = array<i32>} : memref<80xi32, #tpu.memory_space<vmem>>, vector<16xi32>,
    "tpu.region"() ({
      %run_scoped3A = tpu.sem_alloc : memref<!tpu.dma_semaphore, #tpu.memory_space<semaphore_mem>>
      %dma_start3A_831 = arith.constant 0 : i32
      %dma_start3A_832 = arith.constant 0 : i32
      %dma_start3A_833 = tpu.memref_slice %arg18[%dma_start3A_831, %dma_start3A_832] : memref<10240x128xf32, #tpu.memory_space<vmem_shared>> -> memref<10240x128xf32, #tpu.memory_space<vmem_shared>>
      tpu.enqueue_indirect_dma source(%arg17 : memref<80x128xf32, #tpu.memory_space<vmem>>) target(%dma_start3A_833 : memref<10240x128xf32, #tpu.memory_space<vmem_shared>>) offsets(%arg13 : memref<80xi32, #tpu.memory_space<vmem>>) semaphore(%run_scoped3A : memref<!tpu.dma_semaphore, #tpu.memory_space<semaphore_mem>>)
      %dma_wait3A_834 = arith.constant 0 : i32
      %dma_wait3A_835 = arith.constant 0 : i32
      %dma_wait3A_836 = tpu.memref_slice %arg18[%dma_wait3A_834, %dma_wait3A_835] : memref<10240x128xf32, #tpu.memory_space<vmem_shared>> -> memref<10240x128xf32, #tpu.memory_space<vmem_shared>>
      tpu.wait_indirect_dma semaphore(%run_scoped3A : memref<!tpu.dma_semaphore, #tpu.memory_space<semaphore_mem>>) src(%arg17 : memref<80x128xf32, #tpu.memory_space<vmem>>) dst(%dma_wait3A_836 : memref<10240x128xf32, #tpu.memory_space<vmem_shared>>)
      tpu.yield
    }) : () -> ()
    %add3A_144 = arith.constant 240 : i32
    %add3A_145 = arith.addi %mul3A_2, %add3A_144 : i32
    %add3A_146 = arith.constant 0 : i32
    %add3A_147 = arith.addi %add3A_145, %add3A_146 : i32
    %iota3A_148 = tpu.iota {dimensions = array<i32: 0>} : vector<16xi32>
    %add3A_149 = vector.broadcast %add3A_147 : i32 to vector<16xi32>
    %add3A_150 = arith.addi %add3A_149, %iota3A_148 : vector<16xi32>
    %swap3A_151 = arith.constant 0 : index
    %swap3A_152 = tpu.vector_load %arg13[%swap3A_151] {strides = array<i32>} : memref<80xi32, #tpu.memory_space<vmem>>, vector<16xi32>,
    %swap3A_153 = vector.shape_cast %swap3A_152 : vector<16xi32> to vector<16xi32>
    %swap3A_154 = vector.shape_cast %add3A_150 : vector<16xi32> to vector<16xi32>
    tpu.vector_store %arg13[%swap3A_151], %swap3A_154 {strides = array<i32>} : memref<80xi32, #tpu.memory_space<vmem>>, vector<16xi32>,
    %add3A_155 = arith.constant 16 : i32
    %add3A_156 = arith.addi %add3A_145, %add3A_155 : i32
    %iota3A_157 = tpu.iota {dimensions = array<i32: 0>} : vector<16xi32>
    %add3A_158 = vector.broadcast %add3A_156 : i32 to vector<16xi32>
    %add3A_159 = arith.addi %add3A_158, %iota3A_157 : vector<16xi32>
    %swap3A_160 = arith.constant 16 : index
    %swap3A_161 = tpu.vector_load %arg13[%swap3A_160] {strides = array<i32>} : memref<80xi32, #tpu.memory_space<vmem>>, vector<16xi32>,
    %swap3A_162 = vector.shape_cast %swap3A_161 : vector<16xi32> to vector<16xi32>
    %swap3A_163 = vector.shape_cast %add3A_159 : vector<16xi32> to vector<16xi32>
    tpu.vector_store %arg13[%swap3A_160], %swap3A_163 {strides = array<i32>} : memref<80xi32, #tpu.memory_space<vmem>>, vector<16xi32>,
    %add3A_164 = arith.constant 32 : i32
    %add3A_165 = arith.addi %add3A_145, %add3A_164 : i32
    %iota3A_166 = tpu.iota {dimensions = array<i32: 0>} : vector<16xi32>
    %add3A_167 = vector.broadcast %add3A_165 : i32 to vector<16xi32>
    %add3A_168 = arith.addi %add3A_167, %iota3A_166 : vector<16xi32>
    %swap3A_169 = arith.constant 32 : index
    %swap3A_170 = tpu.vector_load %arg13[%swap3A_169] {strides = array<i32>} : memref<80xi32, #tpu.memory_space<vmem>>, vector<16xi32>,
    %swap3A_171 = vector.shape_cast %swap3A_170 : vector<16xi32> to vector<16xi32>
    %swap3A_172 = vector.shape_cast %add3A_168 : vector<16xi32> to vector<16xi32>
    tpu.vector_store %arg13[%swap3A_169], %swap3A_172 {strides = array<i32>} : memref<80xi32, #tpu.memory_space<vmem>>, vector<16xi32>,
    %add3A_173 = arith.constant 48 : i32
    %add3A_174 = arith.addi %add3A_145, %add3A_173 : i32
    %iota3A_175 = tpu.iota {dimensions = array<i32: 0>} : vector<16xi32>
    %add3A_176 = vector.broadcast %add3A_174 : i32 to vector<16xi32>
    %add3A_177 = arith.addi %add3A_176, %iota3A_175 : vector<16xi32>
    %swap3A_178 = arith.constant 48 : index
    %swap3A_179 = tpu.vector_load %arg13[%swap3A_178] {strides = array<i32>} : memref<80xi32, #tpu.memory_space<vmem>>, vector<16xi32>,
    %swap3A_180 = vector.shape_cast %swap3A_179 : vector<16xi32> to vector<16xi32>
    %swap3A_181 = vector.shape_cast %add3A_177 : vector<16xi32> to vector<16xi32>
    tpu.vector_store %arg13[%swap3A_178], %swap3A_181 {strides = array<i32>} : memref<80xi32, #tpu.memory_space<vmem>>, vector<16xi32>,
    %add3A_182 = arith.constant 64 : i32
    %add3A_183 = arith.addi %add3A_145, %add3A_182 : i32
    %iota3A_184 = tpu.iota {dimensions = array<i32: 0>} : vector<16xi32>
    %add3A_185 = vector.broadcast %add3A_183 : i32 to vector<16xi32>
    %add3A_186 = arith.addi %add3A_185, %iota3A_184 : vector<16xi32>
    %swap3A_187 = arith.constant 64 : index
    %swap3A_188 = tpu.vector_load %arg13[%swap3A_187] {strides = array<i32>} : memref<80xi32, #tpu.memory_space<vmem>>, vector<16xi32>,
    %swap3A_189 = vector.shape_cast %swap3A_188 : vector<16xi32> to vector<16xi32>
    %swap3A_190 = vector.shape_cast %add3A_186 : vector<16xi32> to vector<16xi32>
    tpu.vector_store %arg13[%swap3A_187], %swap3A_190 {strides = array<i32>} : memref<80xi32, #tpu.memory_space<vmem>>, vector<16xi32>,
    "tpu.region"() ({
      %run_scoped3A = tpu.sem_alloc : memref<!tpu.dma_semaphore, #tpu.memory_space<semaphore_mem>>
      %dma_start3A_831 = arith.constant 0 : i32
      %dma_start3A_832 = arith.constant 0 : i32
      %dma_start3A_833 = tpu.memref_slice %arg18[%dma_start3A_831, %dma_start3A_832] : memref<10240x128xf32, #tpu.memory_space<vmem_shared>> -> memref<10240x128xf32, #tpu.memory_space<vmem_shared>>
      tpu.enqueue_indirect_dma source(%arg17 : memref<80x128xf32, #tpu.memory_space<vmem>>) target(%dma_start3A_833 : memref<10240x128xf32, #tpu.memory_space<vmem_shared>>) offsets(%arg13 : memref<80xi32, #tpu.memory_space<vmem>>) semaphore(%run_scoped3A : memref<!tpu.dma_semaphore, #tpu.memory_space<semaphore_mem>>)
      %dma_wait3A_834 = arith.constant 0 : i32
      %dma_wait3A_835 = arith.constant 0 : i32
      %dma_wait3A_836 = tpu.memref_slice %arg18[%dma_wait3A_834, %dma_wait3A_835] : memref<10240x128xf32, #tpu.memory_space<vmem_shared>> -> memref<10240x128xf32, #tpu.memory_space<vmem_shared>>
      tpu.wait_indirect_dma semaphore(%run_scoped3A : memref<!tpu.dma_semaphore, #tpu.memory_space<semaphore_mem>>) src(%arg17 : memref<80x128xf32, #tpu.memory_space<vmem>>) dst(%dma_wait3A_836 : memref<10240x128xf32, #tpu.memory_space<vmem_shared>>)
      tpu.yield
    }) : () -> ()
    %add3A_191 = arith.constant 320 : i32
    %add3A_192 = arith.addi %mul3A_2, %add3A_191 : i32
    %add3A_193 = arith.constant 0 : i32
    %add3A_194 = arith.addi %add3A_192, %add3A_193 : i32
    %iota3A_195 = tpu.iota {dimensions = array<i32: 0>} : vector<16xi32>
    %add3A_196 = vector.broadcast %add3A_194 : i32 to vector<16xi32>
    %add3A_197 = arith.addi %add3A_196, %iota3A_195 : vector<16xi32>
    %swap3A_198 = arith.constant 0 : index
    %swap3A_199 = tpu.vector_load %arg13[%swap3A_198] {strides = array<i32>} : memref<80xi32, #tpu.memory_space<vmem>>, vector<16xi32>,
    %swap3A_200 = vector.shape_cast %swap3A_199 : vector<16xi32> to vector<16xi32>
    %swap3A_201 = vector.shape_cast %add3A_197 : vector<16xi32> to vector<16xi32>
    tpu.vector_store %arg13[%swap3A_198], %swap3A_201 {strides = array<i32>} : memref<80xi32, #tpu.memory_space<vmem>>, vector<16xi32>,
    %add3A_202 = arith.constant 16 : i32
    %add3A_203 = arith.addi %add3A_192, %add3A_202 : i32
    %iota3A_204 = tpu.iota {dimensions = array<i32: 0>} : vector<16xi32>
    %add3A_205 = vector.broadcast %add3A_203 : i32 to vector<16xi32>
    %add3A_206 = arith.addi %add3A_205, %iota3A_204 : vector<16xi32>
    %swap3A_207 = arith.constant 16 : index
    %swap3A_208 = tpu.vector_load %arg13[%swap3A_207] {strides = array<i32>} : memref<80xi32, #tpu.memory_space<vmem>>, vector<16xi32>,
    %swap3A_209 = vector.shape_cast %swap3A_208 : vector<16xi32> to vector<16xi32>
    %swap3A_210 = vector.shape_cast %add3A_206 : vector<16xi32> to vector<16xi32>
    tpu.vector_store %arg13[%swap3A_207], %swap3A_210 {strides = array<i32>} : memref<80xi32, #tpu.memory_space<vmem>>, vector<16xi32>,
    %add3A_211 = arith.constant 32 : i32
    %add3A_212 = arith.addi %add3A_192, %add3A_211 : i32
    %iota3A_213 = tpu.iota {dimensions = array<i32: 0>} : vector<16xi32>
    %add3A_214 = vector.broadcast %add3A_212 : i32 to vector<16xi32>
    %add3A_215 = arith.addi %add3A_214, %iota3A_213 : vector<16xi32>
    %swap3A_216 = arith.constant 32 : index
    %swap3A_217 = tpu.vector_load %arg13[%swap3A_216] {strides = array<i32>} : memref<80xi32, #tpu.memory_space<vmem>>, vector<16xi32>,
    %swap3A_218 = vector.shape_cast %swap3A_217 : vector<16xi32> to vector<16xi32>
    %swap3A_219 = vector.shape_cast %add3A_215 : vector<16xi32> to vector<16xi32>
    tpu.vector_store %arg13[%swap3A_216], %swap3A_219 {strides = array<i32>} : memref<80xi32, #tpu.memory_space<vmem>>, vector<16xi32>,
    %add3A_220 = arith.constant 48 : i32
    %add3A_221 = arith.addi %add3A_192, %add3A_220 : i32
    %iota3A_222 = tpu.iota {dimensions = array<i32: 0>} : vector<16xi32>
    %add3A_223 = vector.broadcast %add3A_221 : i32 to vector<16xi32>
    %add3A_224 = arith.addi %add3A_223, %iota3A_222 : vector<16xi32>
    %swap3A_225 = arith.constant 48 : index
    %swap3A_226 = tpu.vector_load %arg13[%swap3A_225] {strides = array<i32>} : memref<80xi32, #tpu.memory_space<vmem>>, vector<16xi32>,
    %swap3A_227 = vector.shape_cast %swap3A_226 : vector<16xi32> to vector<16xi32>
    %swap3A_228 = vector.shape_cast %add3A_224 : vector<16xi32> to vector<16xi32>
    tpu.vector_store %arg13[%swap3A_225], %swap3A_228 {strides = array<i32>} : memref<80xi32, #tpu.memory_space<vmem>>, vector<16xi32>,
    %add3A_229 = arith.constant 64 : i32
    %add3A_230 = arith.addi %add3A_192, %add3A_229 : i32
    %iota3A_231 = tpu.iota {dimensions = array<i32: 0>} : vector<16xi32>
    %add3A_232 = vector.broadcast %add3A_230 : i32 to vector<16xi32>
    %add3A_233 = arith.addi %add3A_232, %iota3A_231 : vector<16xi32>
    %swap3A_234 = arith.constant 64 : index
    %swap3A_235 = tpu.vector_load %arg13[%swap3A_234] {strides = array<i32>} : memref<80xi32, #tpu.memory_space<vmem>>, vector<16xi32>,
    %swap3A_236 = vector.shape_cast %swap3A_235 : vector<16xi32> to vector<16xi32>
    %swap3A_237 = vector.shape_cast %add3A_233 : vector<16xi32> to vector<16xi32>
    tpu.vector_store %arg13[%swap3A_234], %swap3A_237 {strides = array<i32>} : memref<80xi32, #tpu.memory_space<vmem>>, vector<16xi32>,
    "tpu.region"() ({
      %run_scoped3A = tpu.sem_alloc : memref<!tpu.dma_semaphore, #tpu.memory_space<semaphore_mem>>
      %dma_start3A_831 = arith.constant 0 : i32
      %dma_start3A_832 = arith.constant 0 : i32
      %dma_start3A_833 = tpu.memref_slice %arg18[%dma_start3A_831, %dma_start3A_832] : memref<10240x128xf32, #tpu.memory_space<vmem_shared>> -> memref<10240x128xf32, #tpu.memory_space<vmem_shared>>
      tpu.enqueue_indirect_dma source(%arg17 : memref<80x128xf32, #tpu.memory_space<vmem>>) target(%dma_start3A_833 : memref<10240x128xf32, #tpu.memory_space<vmem_shared>>) offsets(%arg13 : memref<80xi32, #tpu.memory_space<vmem>>) semaphore(%run_scoped3A : memref<!tpu.dma_semaphore, #tpu.memory_space<semaphore_mem>>)
      %dma_wait3A_834 = arith.constant 0 : i32
      %dma_wait3A_835 = arith.constant 0 : i32
      %dma_wait3A_836 = tpu.memref_slice %arg18[%dma_wait3A_834, %dma_wait3A_835] : memref<10240x128xf32, #tpu.memory_space<vmem_shared>> -> memref<10240x128xf32, #tpu.memory_space<vmem_shared>>
      tpu.wait_indirect_dma semaphore(%run_scoped3A : memref<!tpu.dma_semaphore, #tpu.memory_space<semaphore_mem>>) src(%arg17 : memref<80x128xf32, #tpu.memory_space<vmem>>) dst(%dma_wait3A_836 : memref<10240x128xf32, #tpu.memory_space<vmem_shared>>)
      tpu.yield
    }) : () -> ()
    %add3A_238 = arith.constant 400 : i32
    %add3A_239 = arith.addi %mul3A_2, %add3A_238 : i32
    %add3A_240 = arith.constant 0 : i32
    %add3A_241 = arith.addi %add3A_239, %add3A_240 : i32
    %iota3A_242 = tpu.iota {dimensions = array<i32: 0>} : vector<16xi32>
    %add3A_243 = vector.broadcast %add3A_241 : i32 to vector<16xi32>
    %add3A_244 = arith.addi %add3A_243, %iota3A_242 : vector<16xi32>
    %swap3A_245 = arith.constant 0 : index
    %swap3A_246 = tpu.vector_load %arg13[%swap3A_245] {strides = array<i32>} : memref<80xi32, #tpu.memory_space<vmem>>, vector<16xi32>,
    %swap3A_247 = vector.shape_cast %swap3A_246 : vector<16xi32> to vector<16xi32>
    %swap3A_248 = vector.shape_cast %add3A_244 : vector<16xi32> to vector<16xi32>
    tpu.vector_store %arg13[%swap3A_245], %swap3A_248 {strides = array<i32>} : memref<80xi32, #tpu.memory_space<vmem>>, vector<16xi32>,
    %add3A_249 = arith.constant 16 : i32
    %add3A_250 = arith.addi %add3A_239, %add3A_249 : i32
    %iota3A_251 = tpu.iota {dimensions = array<i32: 0>} : vector<16xi32>
    %add3A_252 = vector.broadcast %add3A_250 : i32 to vector<16xi32>
    %add3A_253 = arith.addi %add3A_252, %iota3A_251 : vector<16xi32>
    %swap3A_254 = arith.constant 16 : index
    %swap3A_255 = tpu.vector_load %arg13[%swap3A_254] {strides = array<i32>} : memref<80xi32, #tpu.memory_space<vmem>>, vector<16xi32>,
    %swap3A_256 = vector.shape_cast %swap3A_255 : vector<16xi32> to vector<16xi32>
    %swap3A_257 = vector.shape_cast %add3A_253 : vector<16xi32> to vector<16xi32>
    tpu.vector_store %arg13[%swap3A_254], %swap3A_257 {strides = array<i32>} : memref<80xi32, #tpu.memory_space<vmem>>, vector<16xi32>,
    %add3A_258 = arith.constant 32 : i32
    %add3A_259 = arith.addi %add3A_239, %add3A_258 : i32
    %iota3A_260 = tpu.iota {dimensions = array<i32: 0>} : vector<16xi32>
    %add3A_261 = vector.broadcast %add3A_259 : i32 to vector<16xi32>
    %add3A_262 = arith.addi %add3A_261, %iota3A_260 : vector<16xi32>
    %swap3A_263 = arith.constant 32 : index
    %swap3A_264 = tpu.vector_load %arg13[%swap3A_263] {strides = array<i32>} : memref<80xi32, #tpu.memory_space<vmem>>, vector<16xi32>,
    %swap3A_265 = vector.shape_cast %swap3A_264 : vector<16xi32> to vector<16xi32>
    %swap3A_266 = vector.shape_cast %add3A_262 : vector<16xi32> to vector<16xi32>
    tpu.vector_store %arg13[%swap3A_263], %swap3A_266 {strides = array<i32>} : memref<80xi32, #tpu.memory_space<vmem>>, vector<16xi32>,
    %add3A_267 = arith.constant 48 : i32
    %add3A_268 = arith.addi %add3A_239, %add3A_267 : i32
    %iota3A_269 = tpu.iota {dimensions = array<i32: 0>} : vector<16xi32>
    %add3A_270 = vector.broadcast %add3A_268 : i32 to vector<16xi32>
    %add3A_271 = arith.addi %add3A_270, %iota3A_269 : vector<16xi32>
    %swap3A_272 = arith.constant 48 : index
    %swap3A_273 = tpu.vector_load %arg13[%swap3A_272] {strides = array<i32>} : memref<80xi32, #tpu.memory_space<vmem>>, vector<16xi32>,
    %swap3A_274 = vector.shape_cast %swap3A_273 : vector<16xi32> to vector<16xi32>
    %swap3A_275 = vector.shape_cast %add3A_271 : vector<16xi32> to vector<16xi32>
    tpu.vector_store %arg13[%swap3A_272], %swap3A_275 {strides = array<i32>} : memref<80xi32, #tpu.memory_space<vmem>>, vector<16xi32>,
    %add3A_276 = arith.constant 64 : i32
    %add3A_277 = arith.addi %add3A_239, %add3A_276 : i32
    %iota3A_278 = tpu.iota {dimensions = array<i32: 0>} : vector<16xi32>
    %add3A_279 = vector.broadcast %add3A_277 : i32 to vector<16xi32>
    %add3A_280 = arith.addi %add3A_279, %iota3A_278 : vector<16xi32>
    %swap3A_281 = arith.constant 64 : index
    %swap3A_282 = tpu.vector_load %arg13[%swap3A_281] {strides = array<i32>} : memref<80xi32, #tpu.memory_space<vmem>>, vector<16xi32>,
    %swap3A_283 = vector.shape_cast %swap3A_282 : vector<16xi32> to vector<16xi32>
    %swap3A_284 = vector.shape_cast %add3A_280 : vector<16xi32> to vector<16xi32>
    tpu.vector_store %arg13[%swap3A_281], %swap3A_284 {strides = array<i32>} : memref<80xi32, #tpu.memory_space<vmem>>, vector<16xi32>,
    "tpu.region"() ({
      %run_scoped3A = tpu.sem_alloc : memref<!tpu.dma_semaphore, #tpu.memory_space<semaphore_mem>>
      %dma_start3A_831 = arith.constant 0 : i32
      %dma_start3A_832 = arith.constant 0 : i32
      %dma_start3A_833 = tpu.memref_slice %arg18[%dma_start3A_831, %dma_start3A_832] : memref<10240x128xf32, #tpu.memory_space<vmem_shared>> -> memref<10240x128xf32, #tpu.memory_space<vmem_shared>>
      tpu.enqueue_indirect_dma source(%arg17 : memref<80x128xf32, #tpu.memory_space<vmem>>) target(%dma_start3A_833 : memref<10240x128xf32, #tpu.memory_space<vmem_shared>>) offsets(%arg13 : memref<80xi32, #tpu.memory_space<vmem>>) semaphore(%run_scoped3A : memref<!tpu.dma_semaphore, #tpu.memory_space<semaphore_mem>>)
      %dma_wait3A_834 = arith.constant 0 : i32
      %dma_wait3A_835 = arith.constant 0 : i32
      %dma_wait3A_836 = tpu.memref_slice %arg18[%dma_wait3A_834, %dma_wait3A_835] : memref<10240x128xf32, #tpu.memory_space<vmem_shared>> -> memref<10240x128xf32, #tpu.memory_space<vmem_shared>>
      tpu.wait_indirect_dma semaphore(%run_scoped3A : memref<!tpu.dma_semaphore, #tpu.memory_space<semaphore_mem>>) src(%arg17 : memref<80x128xf32, #tpu.memory_space<vmem>>) dst(%dma_wait3A_836 : memref<10240x128xf32, #tpu.memory_space<vmem_shared>>)
      tpu.yield
    }) : () -> ()
    %add3A_285 = arith.constant 480 : i32
    %add3A_286 = arith.addi %mul3A_2, %add3A_285 : i32
    %add3A_287 = arith.constant 0 : i32
    %add3A_288 = arith.addi %add3A_286, %add3A_287 : i32
    %iota3A_289 = tpu.iota {dimensions = array<i32: 0>} : vector<16xi32>
    %add3A_290 = vector.broadcast %add3A_288 : i32 to vector<16xi32>
    %add3A_291 = arith.addi %add3A_290, %iota3A_289 : vector<16xi32>
    %swap3A_292 = arith.constant 0 : index
    %swap3A_293 = tpu.vector_load %arg13[%swap3A_292] {strides = array<i32>} : memref<80xi32, #tpu.memory_space<vmem>>, vector<16xi32>,
    %swap3A_294 = vector.shape_cast %swap3A_293 : vector<16xi32> to vector<16xi32>
    %swap3A_295 = vector.shape_cast %add3A_291 : vector<16xi32> to vector<16xi32>
    tpu.vector_store %arg13[%swap3A_292], %swap3A_295 {strides = array<i32>} : memref<80xi32, #tpu.memory_space<vmem>>, vector<16xi32>,
    %add3A_296 = arith.constant 16 : i32
    %add3A_297 = arith.addi %add3A_286, %add3A_296 : i32
    %iota3A_298 = tpu.iota {dimensions = array<i32: 0>} : vector<16xi32>
    %add3A_299 = vector.broadcast %add3A_297 : i32 to vector<16xi32>
    %add3A_300 = arith.addi %add3A_299, %iota3A_298 : vector<16xi32>
    %swap3A_301 = arith.constant 16 : index
    %swap3A_302 = tpu.vector_load %arg13[%swap3A_301] {strides = array<i32>} : memref<80xi32, #tpu.memory_space<vmem>>, vector<16xi32>,
    %swap3A_303 = vector.shape_cast %swap3A_302 : vector<16xi32> to vector<16xi32>
    %swap3A_304 = vector.shape_cast %add3A_300 : vector<16xi32> to vector<16xi32>
    tpu.vector_store %arg13[%swap3A_301], %swap3A_304 {strides = array<i32>} : memref<80xi32, #tpu.memory_space<vmem>>, vector<16xi32>,
    %add3A_305 = arith.constant 32 : i32
    %add3A_306 = arith.addi %add3A_286, %add3A_305 : i32
    %iota3A_307 = tpu.iota {dimensions = array<i32: 0>} : vector<16xi32>
    %add3A_308 = vector.broadcast %add3A_306 : i32 to vector<16xi32>
    %add3A_309 = arith.addi %add3A_308, %iota3A_307 : vector<16xi32>
    %swap3A_310 = arith.constant 32 : index
    %swap3A_311 = tpu.vector_load %arg13[%swap3A_310] {strides = array<i32>} : memref<80xi32, #tpu.memory_space<vmem>>, vector<16xi32>,
    %swap3A_312 = vector.shape_cast %swap3A_311 : vector<16xi32> to vector<16xi32>
    %swap3A_313 = vector.shape_cast %add3A_309 : vector<16xi32> to vector<16xi32>
    tpu.vector_store %arg13[%swap3A_310], %swap3A_313 {strides = array<i32>} : memref<80xi32, #tpu.memory_space<vmem>>, vector<16xi32>,
    %add3A_314 = arith.constant 48 : i32
    %add3A_315 = arith.addi %add3A_286, %add3A_314 : i32
    %iota3A_316 = tpu.iota {dimensions = array<i32: 0>} : vector<16xi32>
    %add3A_317 = vector.broadcast %add3A_315 : i32 to vector<16xi32>
    %add3A_318 = arith.addi %add3A_317, %iota3A_316 : vector<16xi32>
    %swap3A_319 = arith.constant 48 : index
    %swap3A_320 = tpu.vector_load %arg13[%swap3A_319] {strides = array<i32>} : memref<80xi32, #tpu.memory_space<vmem>>, vector<16xi32>,
    %swap3A_321 = vector.shape_cast %swap3A_320 : vector<16xi32> to vector<16xi32>
    %swap3A_322 = vector.shape_cast %add3A_318 : vector<16xi32> to vector<16xi32>
    tpu.vector_store %arg13[%swap3A_319], %swap3A_322 {strides = array<i32>} : memref<80xi32, #tpu.memory_space<vmem>>, vector<16xi32>,
    %add3A_323 = arith.constant 64 : i32
    %add3A_324 = arith.addi %add3A_286, %add3A_323 : i32
    %iota3A_325 = tpu.iota {dimensions = array<i32: 0>} : vector<16xi32>
    %add3A_326 = vector.broadcast %add3A_324 : i32 to vector<16xi32>
    %add3A_327 = arith.addi %add3A_326, %iota3A_325 : vector<16xi32>
    %swap3A_328 = arith.constant 64 : index
    %swap3A_329 = tpu.vector_load %arg13[%swap3A_328] {strides = array<i32>} : memref<80xi32, #tpu.memory_space<vmem>>, vector<16xi32>,
    %swap3A_330 = vector.shape_cast %swap3A_329 : vector<16xi32> to vector<16xi32>
    %swap3A_331 = vector.shape_cast %add3A_327 : vector<16xi32> to vector<16xi32>
    tpu.vector_store %arg13[%swap3A_328], %swap3A_331 {strides = array<i32>} : memref<80xi32, #tpu.memory_space<vmem>>, vector<16xi32>,
    "tpu.region"() ({
      %run_scoped3A = tpu.sem_alloc : memref<!tpu.dma_semaphore, #tpu.memory_space<semaphore_mem>>
      %dma_start3A_831 = arith.constant 0 : i32
      %dma_start3A_832 = arith.constant 0 : i32
      %dma_start3A_833 = tpu.memref_slice %arg18[%dma_start3A_831, %dma_start3A_832] : memref<10240x128xf32, #tpu.memory_space<vmem_shared>> -> memref<10240x128xf32, #tpu.memory_space<vmem_shared>>
      tpu.enqueue_indirect_dma source(%arg17 : memref<80x128xf32, #tpu.memory_space<vmem>>) target(%dma_start3A_833 : memref<10240x128xf32, #tpu.memory_space<vmem_shared>>) offsets(%arg13 : memref<80xi32, #tpu.memory_space<vmem>>) semaphore(%run_scoped3A : memref<!tpu.dma_semaphore, #tpu.memory_space<semaphore_mem>>)
      %dma_wait3A_834 = arith.constant 0 : i32
      %dma_wait3A_835 = arith.constant 0 : i32
      %dma_wait3A_836 = tpu.memref_slice %arg18[%dma_wait3A_834, %dma_wait3A_835] : memref<10240x128xf32, #tpu.memory_space<vmem_shared>> -> memref<10240x128xf32, #tpu.memory_space<vmem_shared>>
      tpu.wait_indirect_dma semaphore(%run_scoped3A : memref<!tpu.dma_semaphore, #tpu.memory_space<semaphore_mem>>) src(%arg17 : memref<80x128xf32, #tpu.memory_space<vmem>>) dst(%dma_wait3A_836 : memref<10240x128xf32, #tpu.memory_space<vmem_shared>>)
      tpu.yield
    }) : () -> ()
    %add3A_332 = arith.constant 560 : i32
    %add3A_333 = arith.addi %mul3A_2, %add3A_332 : i32
    %add3A_334 = arith.constant 0 : i32
    %add3A_335 = arith.addi %add3A_333, %add3A_334 : i32
    %iota3A_336 = tpu.iota {dimensions = array<i32: 0>} : vector<16xi32>
    %add3A_337 = vector.broadcast %add3A_335 : i32 to vector<16xi32>
    %add3A_338 = arith.addi %add3A_337, %iota3A_336 : vector<16xi32>
    %swap3A_339 = arith.constant 0 : index
    %swap3A_340 = tpu.vector_load %arg13[%swap3A_339] {strides = array<i32>} : memref<80xi32, #tpu.memory_space<vmem>>, vector<16xi32>,
    %swap3A_341 = vector.shape_cast %swap3A_340 : vector<16xi32> to vector<16xi32>
    %swap3A_342 = vector.shape_cast %add3A_338 : vector<16xi32> to vector<16xi32>
    tpu.vector_store %arg13[%swap3A_339], %swap3A_342 {strides = array<i32>} : memref<80xi32, #tpu.memory_space<vmem>>, vector<16xi32>,
    %add3A_343 = arith.constant 16 : i32
    %add3A_344 = arith.addi %add3A_333, %add3A_343 : i32
    %iota3A_345 = tpu.iota {dimensions = array<i32: 0>} : vector<16xi32>
    %add3A_346 = vector.broadcast %add3A_344 : i32 to vector<16xi32>
    %add3A_347 = arith.addi %add3A_346, %iota3A_345 : vector<16xi32>
    %swap3A_348 = arith.constant 16 : index
    %swap3A_349 = tpu.vector_load %arg13[%swap3A_348] {strides = array<i32>} : memref<80xi32, #tpu.memory_space<vmem>>, vector<16xi32>,
    %swap3A_350 = vector.shape_cast %swap3A_349 : vector<16xi32> to vector<16xi32>
    %swap3A_351 = vector.shape_cast %add3A_347 : vector<16xi32> to vector<16xi32>
    tpu.vector_store %arg13[%swap3A_348], %swap3A_351 {strides = array<i32>} : memref<80xi32, #tpu.memory_space<vmem>>, vector<16xi32>,
    %add3A_352 = arith.constant 32 : i32
    %add3A_353 = arith.addi %add3A_333, %add3A_352 : i32
    %iota3A_354 = tpu.iota {dimensions = array<i32: 0>} : vector<16xi32>
    %add3A_355 = vector.broadcast %add3A_353 : i32 to vector<16xi32>
    %add3A_356 = arith.addi %add3A_355, %iota3A_354 : vector<16xi32>
    %swap3A_357 = arith.constant 32 : index
    %swap3A_358 = tpu.vector_load %arg13[%swap3A_357] {strides = array<i32>} : memref<80xi32, #tpu.memory_space<vmem>>, vector<16xi32>,
    %swap3A_359 = vector.shape_cast %swap3A_358 : vector<16xi32> to vector<16xi32>
    %swap3A_360 = vector.shape_cast %add3A_356 : vector<16xi32> to vector<16xi32>
    tpu.vector_store %arg13[%swap3A_357], %swap3A_360 {strides = array<i32>} : memref<80xi32, #tpu.memory_space<vmem>>, vector<16xi32>,
    %add3A_361 = arith.constant 48 : i32
    %add3A_362 = arith.addi %add3A_333, %add3A_361 : i32
    %iota3A_363 = tpu.iota {dimensions = array<i32: 0>} : vector<16xi32>
    %add3A_364 = vector.broadcast %add3A_362 : i32 to vector<16xi32>
    %add3A_365 = arith.addi %add3A_364, %iota3A_363 : vector<16xi32>
    %swap3A_366 = arith.constant 48 : index
    %swap3A_367 = tpu.vector_load %arg13[%swap3A_366] {strides = array<i32>} : memref<80xi32, #tpu.memory_space<vmem>>, vector<16xi32>,
    %swap3A_368 = vector.shape_cast %swap3A_367 : vector<16xi32> to vector<16xi32>
    %swap3A_369 = vector.shape_cast %add3A_365 : vector<16xi32> to vector<16xi32>
    tpu.vector_store %arg13[%swap3A_366], %swap3A_369 {strides = array<i32>} : memref<80xi32, #tpu.memory_space<vmem>>, vector<16xi32>,
    %add3A_370 = arith.constant 64 : i32
    %add3A_371 = arith.addi %add3A_333, %add3A_370 : i32
    %iota3A_372 = tpu.iota {dimensions = array<i32: 0>} : vector<16xi32>
    %add3A_373 = vector.broadcast %add3A_371 : i32 to vector<16xi32>
    %add3A_374 = arith.addi %add3A_373, %iota3A_372 : vector<16xi32>
    %swap3A_375 = arith.constant 64 : index
    %swap3A_376 = tpu.vector_load %arg13[%swap3A_375] {strides = array<i32>} : memref<80xi32, #tpu.memory_space<vmem>>, vector<16xi32>,
    %swap3A_377 = vector.shape_cast %swap3A_376 : vector<16xi32> to vector<16xi32>
    %swap3A_378 = vector.shape_cast %add3A_374 : vector<16xi32> to vector<16xi32>
    tpu.vector_store %arg13[%swap3A_375], %swap3A_378 {strides = array<i32>} : memref<80xi32, #tpu.memory_space<vmem>>, vector<16xi32>,
    "tpu.region"() ({
      %run_scoped3A = tpu.sem_alloc : memref<!tpu.dma_semaphore, #tpu.memory_space<semaphore_mem>>
      %dma_start3A_831 = arith.constant 0 : i32
      %dma_start3A_832 = arith.constant 0 : i32
      %dma_start3A_833 = tpu.memref_slice %arg18[%dma_start3A_831, %dma_start3A_832] : memref<10240x128xf32, #tpu.memory_space<vmem_shared>> -> memref<10240x128xf32, #tpu.memory_space<vmem_shared>>
      tpu.enqueue_indirect_dma source(%arg17 : memref<80x128xf32, #tpu.memory_space<vmem>>) target(%dma_start3A_833 : memref<10240x128xf32, #tpu.memory_space<vmem_shared>>) offsets(%arg13 : memref<80xi32, #tpu.memory_space<vmem>>) semaphore(%run_scoped3A : memref<!tpu.dma_semaphore, #tpu.memory_space<semaphore_mem>>)
      %dma_wait3A_834 = arith.constant 0 : i32
      %dma_wait3A_835 = arith.constant 0 : i32
      %dma_wait3A_836 = tpu.memref_slice %arg18[%dma_wait3A_834, %dma_wait3A_835] : memref<10240x128xf32, #tpu.memory_space<vmem_shared>> -> memref<10240x128xf32, #tpu.memory_space<vmem_shared>>
      tpu.wait_indirect_dma semaphore(%run_scoped3A : memref<!tpu.dma_semaphore, #tpu.memory_space<semaphore_mem>>) src(%arg17 : memref<80x128xf32, #tpu.memory_space<vmem>>) dst(%dma_wait3A_836 : memref<10240x128xf32, #tpu.memory_space<vmem_shared>>)
      tpu.yield
    }) : () -> ()
    %barrier3A = arith.constant 0 : index
    tpu.barrier barrier_id(%barrier3A)
    %scan3A = arith.constant 0 : i32
    %scan3A_379 = arith.constant 0 : i32
    %scan3A_380 = arith.constant 39 : i32
    %scan3A_381 = arith.addi %scan3A_379, %scan3A_380 : i32
    %scan3A_382 = arith.constant 1 : i32
    scf.for %scan3A_831 = %scan3A_379 to %scan3A_381 step %scan3A_382  : i32 {
      %mul3A_832 = arith.constant 2 : i32
      %mul3A_833 = arith.muli %mul3A_832, %scan3A_831 : i32
      %mul3A_834 = arith.constant 128 : i32
      %mul3A_835 = arith.muli %mul3A_833, %mul3A_834 : i32
      %add3A_836 = arith.addi %mul3A_4, %mul3A_835 : i32
      %add3A_837 = arith.constant 128 : i32
      %add3A_838 = arith.addi %add3A_836, %add3A_837 : i32
      %dma_start3A_839 = tpu.memref_slice %arg3[%add3A_836] : memref<320000xi32, #tpu.memory_space<hbm>> -> memref<128xi32, #tpu.memory_space<hbm>>
      %dma_start3A_840 = tpu.memref_slice %arg3[%add3A_836] : memref<320000xi32, #tpu.memory_space<hbm>> -> memref<128xi32, #tpu.memory_space<hbm>>
      tpu.enqueue_dma source(%dma_start3A_840 : memref<128xi32, #tpu.memory_space<hbm>>) target(%arg7 : memref<128xi32, #tpu.memory_space<vmem>>) target_semaphore(%arg21 : memref<!tpu.dma_semaphore, #tpu.memory_space<semaphore_mem>>)
      %dma_start3A_841 = tpu.memref_slice %arg4[%add3A_836] : memref<320000xi32, #tpu.memory_space<hbm>> -> memref<128xi32, #tpu.memory_space<hbm>>
      %dma_start3A_842 = tpu.memref_slice %arg4[%add3A_836] : memref<320000xi32, #tpu.memory_space<hbm>> -> memref<128xi32, #tpu.memory_space<hbm>>
      tpu.enqueue_dma source(%dma_start3A_842 : memref<128xi32, #tpu.memory_space<hbm>>) target(%arg8 : memref<128xi32, #tpu.memory_space<vmem>>) target_semaphore(%arg21 : memref<!tpu.dma_semaphore, #tpu.memory_space<semaphore_mem>>)
      %dma_start3A_843 = tpu.memref_slice %arg3[%add3A_838] : memref<320000xi32, #tpu.memory_space<hbm>> -> memref<128xi32, #tpu.memory_space<hbm>>
      %dma_start3A_844 = tpu.memref_slice %arg3[%add3A_838] : memref<320000xi32, #tpu.memory_space<hbm>> -> memref<128xi32, #tpu.memory_space<hbm>>
      tpu.enqueue_dma source(%dma_start3A_844 : memref<128xi32, #tpu.memory_space<hbm>>) target(%arg9 : memref<128xi32, #tpu.memory_space<vmem>>) target_semaphore(%arg21 : memref<!tpu.dma_semaphore, #tpu.memory_space<semaphore_mem>>)
      %dma_start3A_845 = tpu.memref_slice %arg4[%add3A_838] : memref<320000xi32, #tpu.memory_space<hbm>> -> memref<128xi32, #tpu.memory_space<hbm>>
      %dma_start3A_846 = tpu.memref_slice %arg4[%add3A_838] : memref<320000xi32, #tpu.memory_space<hbm>> -> memref<128xi32, #tpu.memory_space<hbm>>
      tpu.enqueue_dma source(%dma_start3A_846 : memref<128xi32, #tpu.memory_space<hbm>>) target(%arg10 : memref<128xi32, #tpu.memory_space<vmem>>) target_semaphore(%arg21 : memref<!tpu.dma_semaphore, #tpu.memory_space<semaphore_mem>>)
      %dma_wait3A_847 = tpu.memref_slice %arg3[%add3A_836] : memref<320000xi32, #tpu.memory_space<hbm>> -> memref<128xi32, #tpu.memory_space<hbm>>
      %dma_wait3A_848 = tpu.memref_slice %arg3[%add3A_836] : memref<320000xi32, #tpu.memory_space<hbm>> -> memref<128xi32, #tpu.memory_space<hbm>>
      tpu.wait_dma2 semaphore(%arg21 : memref<!tpu.dma_semaphore, #tpu.memory_space<semaphore_mem>>) src(%dma_wait3A_848 : memref<128xi32, #tpu.memory_space<hbm>>) dst(%arg7 : memref<128xi32, #tpu.memory_space<vmem>>)
      %dma_wait3A_849 = tpu.memref_slice %arg4[%add3A_836] : memref<320000xi32, #tpu.memory_space<hbm>> -> memref<128xi32, #tpu.memory_space<hbm>>
      %dma_wait3A_850 = tpu.memref_slice %arg4[%add3A_836] : memref<320000xi32, #tpu.memory_space<hbm>> -> memref<128xi32, #tpu.memory_space<hbm>>
      tpu.wait_dma2 semaphore(%arg21 : memref<!tpu.dma_semaphore, #tpu.memory_space<semaphore_mem>>) src(%dma_wait3A_850 : memref<128xi32, #tpu.memory_space<hbm>>) dst(%arg8 : memref<128xi32, #tpu.memory_space<vmem>>)
      %dma_wait3A_851 = tpu.memref_slice %arg3[%add3A_838] : memref<320000xi32, #tpu.memory_space<hbm>> -> memref<128xi32, #tpu.memory_space<hbm>>
      %dma_wait3A_852 = tpu.memref_slice %arg3[%add3A_838] : memref<320000xi32, #tpu.memory_space<hbm>> -> memref<128xi32, #tpu.memory_space<hbm>>
      tpu.wait_dma2 semaphore(%arg21 : memref<!tpu.dma_semaphore, #tpu.memory_space<semaphore_mem>>) src(%dma_wait3A_852 : memref<128xi32, #tpu.memory_space<hbm>>) dst(%arg9 : memref<128xi32, #tpu.memory_space<vmem>>)
      %dma_wait3A_853 = tpu.memref_slice %arg4[%add3A_838] : memref<320000xi32, #tpu.memory_space<hbm>> -> memref<128xi32, #tpu.memory_space<hbm>>
      %dma_wait3A_854 = tpu.memref_slice %arg4[%add3A_838] : memref<320000xi32, #tpu.memory_space<hbm>> -> memref<128xi32, #tpu.memory_space<hbm>>
      tpu.wait_dma2 semaphore(%arg21 : memref<!tpu.dma_semaphore, #tpu.memory_space<semaphore_mem>>) src(%dma_wait3A_854 : memref<128xi32, #tpu.memory_space<hbm>>) dst(%arg10 : memref<128xi32, #tpu.memory_space<vmem>>)
      %dma_start3A_855 = arith.constant 0 : i32
      %dma_start3A_856 = arith.constant 0 : i32
      %dma_start3A_857 = tpu.memref_slice %arg2[%dma_start3A_855, %dma_start3A_856] : memref<10000x128xf32, #tpu.memory_space<hbm>> -> memref<10000x128xf32, #tpu.memory_space<hbm>>
      tpu.enqueue_indirect_dma source(%dma_start3A_857 : memref<10000x128xf32, #tpu.memory_space<hbm>>) target(%arg14 : memref<128x128xf32, #tpu.memory_space<vmem>>) offsets(%arg7 : memref<128xi32, #tpu.memory_space<vmem>>) semaphore(%arg19 : memref<!tpu.dma_semaphore, #tpu.memory_space<semaphore_mem>>)
      %dma_start3A_858 = arith.constant 0 : i32
      %dma_start3A_859 = arith.constant 0 : i32
      %dma_start3A_860 = tpu.memref_slice %arg2[%dma_start3A_858, %dma_start3A_859] : memref<10000x128xf32, #tpu.memory_space<hbm>> -> memref<10000x128xf32, #tpu.memory_space<hbm>>
      tpu.enqueue_indirect_dma source(%dma_start3A_860 : memref<10000x128xf32, #tpu.memory_space<hbm>>) target(%arg15 : memref<128x128xf32, #tpu.memory_space<vmem>>) offsets(%arg9 : memref<128xi32, #tpu.memory_space<vmem>>) semaphore(%arg20 : memref<!tpu.dma_semaphore, #tpu.memory_space<semaphore_mem>>)
      %dma_wait3A_861 = arith.constant 0 : i32
      %dma_wait3A_862 = arith.constant 0 : i32
      %dma_wait3A_863 = tpu.memref_slice %arg2[%dma_wait3A_861, %dma_wait3A_862] : memref<10000x128xf32, #tpu.memory_space<hbm>> -> memref<10000x128xf32, #tpu.memory_space<hbm>>
      tpu.wait_indirect_dma semaphore(%arg19 : memref<!tpu.dma_semaphore, #tpu.memory_space<semaphore_mem>>) src(%dma_wait3A_863 : memref<10000x128xf32, #tpu.memory_space<hbm>>) dst(%arg14 : memref<128x128xf32, #tpu.memory_space<vmem>>)
      "tpu.region"() ({
        %run_scoped3A = tpu.sem_alloc : memref<!tpu.dma_semaphore, #tpu.memory_space<semaphore_mem>>
        %dma_start3A_867 = arith.constant 0 : i32
        %dma_start3A_868 = arith.constant 0 : i32
        %dma_start3A_869 = tpu.memref_slice %arg18[%dma_start3A_867, %dma_start3A_868] : memref<10240x128xf32, #tpu.memory_space<vmem_shared>> -> memref<10240x128xf32, #tpu.memory_space<vmem_shared>>
        tpu.enqueue_indirect_dma source(%arg14 : memref<128x128xf32, #tpu.memory_space<vmem>>) target(%dma_start3A_869 : memref<10240x128xf32, #tpu.memory_space<vmem_shared>>) offsets(%arg8 : memref<128xi32, #tpu.memory_space<vmem>>) semaphore(%run_scoped3A : memref<!tpu.dma_semaphore, #tpu.memory_space<semaphore_mem>>) {add = true}
        %dma_wait3A_870 = arith.constant 0 : i32
        %dma_wait3A_871 = arith.constant 0 : i32
        %dma_wait3A_872 = tpu.memref_slice %arg18[%dma_wait3A_870, %dma_wait3A_871] : memref<10240x128xf32, #tpu.memory_space<vmem_shared>> -> memref<10240x128xf32, #tpu.memory_space<vmem_shared>>
        tpu.wait_indirect_dma semaphore(%run_scoped3A : memref<!tpu.dma_semaphore, #tpu.memory_space<semaphore_mem>>) src(%arg14 : memref<128x128xf32, #tpu.memory_space<vmem>>) dst(%dma_wait3A_872 : memref<10240x128xf32, #tpu.memory_space<vmem_shared>>)
        tpu.yield
      }) : () -> ()
      %dma_wait3A_864 = arith.constant 0 : i32
      %dma_wait3A_865 = arith.constant 0 : i32
      %dma_wait3A_866 = tpu.memref_slice %arg2[%dma_wait3A_864, %dma_wait3A_865] : memref<10000x128xf32, #tpu.memory_space<hbm>> -> memref<10000x128xf32, #tpu.memory_space<hbm>>
      tpu.wait_indirect_dma semaphore(%arg20 : memref<!tpu.dma_semaphore, #tpu.memory_space<semaphore_mem>>) src(%dma_wait3A_866 : memref<10000x128xf32, #tpu.memory_space<hbm>>) dst(%arg15 : memref<128x128xf32, #tpu.memory_space<vmem>>)
      "tpu.region"() ({
        %run_scoped3A = tpu.sem_alloc : memref<!tpu.dma_semaphore, #tpu.memory_space<semaphore_mem>>
        %dma_start3A_867 = arith.constant 0 : i32
        %dma_start3A_868 = arith.constant 0 : i32
        %dma_start3A_869 = tpu.memref_slice %arg18[%dma_start3A_867, %dma_start3A_868] : memref<10240x128xf32, #tpu.memory_space<vmem_shared>> -> memref<10240x128xf32, #tpu.memory_space<vmem_shared>>
        tpu.enqueue_indirect_dma source(%arg15 : memref<128x128xf32, #tpu.memory_space<vmem>>) target(%dma_start3A_869 : memref<10240x128xf32, #tpu.memory_space<vmem_shared>>) offsets(%arg10 : memref<128xi32, #tpu.memory_space<vmem>>) semaphore(%run_scoped3A : memref<!tpu.dma_semaphore, #tpu.memory_space<semaphore_mem>>) {add = true}
        %dma_wait3A_870 = arith.constant 0 : i32
        %dma_wait3A_871 = arith.constant 0 : i32
        %dma_wait3A_872 = tpu.memref_slice %arg18[%dma_wait3A_870, %dma_wait3A_871] : memref<10240x128xf32, #tpu.memory_space<vmem_shared>> -> memref<10240x128xf32, #tpu.memory_space<vmem_shared>>
        tpu.wait_indirect_dma semaphore(%run_scoped3A : memref<!tpu.dma_semaphore, #tpu.memory_space<semaphore_mem>>) src(%arg15 : memref<128x128xf32, #tpu.memory_space<vmem>>) dst(%dma_wait3A_872 : memref<10240x128xf32, #tpu.memory_space<vmem_shared>>)
        tpu.yield
      }) : () -> ()
    }
    %scan3A_383 = arith.constant 39 : i32
    %add3A_384 = arith.constant 9984 : i32
    %add3A_385 = arith.addi %mul3A_4, %add3A_384 : i32
    "tpu.region"() ({
      %run_scoped3A = tpu.sem_alloc : memref<!tpu.dma_semaphore, #tpu.memory_space<semaphore_mem>>
      %dma_start3A_831 = tpu.memref_slice %arg3[%add3A_385] : memref<320000xi32, #tpu.memory_space<hbm>> -> memref<16xi32, #tpu.memory_space<hbm>>
      %dma_start3A_832 = tpu.memref_slice %arg3[%add3A_385] : memref<320000xi32, #tpu.memory_space<hbm>> -> memref<16xi32, #tpu.memory_space<hbm>>
      tpu.enqueue_dma source(%dma_start3A_832 : memref<16xi32, #tpu.memory_space<hbm>>) target(%arg11 : memref<16xi32, #tpu.memory_space<vmem>>) target_semaphore(%run_scoped3A : memref<!tpu.dma_semaphore, #tpu.memory_space<semaphore_mem>>)
      %dma_wait3A_833 = tpu.memref_slice %arg3[%add3A_385] : memref<320000xi32, #tpu.memory_space<hbm>> -> memref<16xi32, #tpu.memory_space<hbm>>
      %dma_wait3A_834 = tpu.memref_slice %arg3[%add3A_385] : memref<320000xi32, #tpu.memory_space<hbm>> -> memref<16xi32, #tpu.memory_space<hbm>>
      tpu.wait_dma2 semaphore(%run_scoped3A : memref<!tpu.dma_semaphore, #tpu.memory_space<semaphore_mem>>) src(%dma_wait3A_834 : memref<16xi32, #tpu.memory_space<hbm>>) dst(%arg11 : memref<16xi32, #tpu.memory_space<vmem>>)
      tpu.yield
    }) : () -> ()
    "tpu.region"() ({
      %run_scoped3A = tpu.sem_alloc : memref<!tpu.dma_semaphore, #tpu.memory_space<semaphore_mem>>
      %dma_start3A_831 = tpu.memref_slice %arg4[%add3A_385] : memref<320000xi32, #tpu.memory_space<hbm>> -> memref<16xi32, #tpu.memory_space<hbm>>
      %dma_start3A_832 = tpu.memref_slice %arg4[%add3A_385] : memref<320000xi32, #tpu.memory_space<hbm>> -> memref<16xi32, #tpu.memory_space<hbm>>
      tpu.enqueue_dma source(%dma_start3A_832 : memref<16xi32, #tpu.memory_space<hbm>>) target(%arg12 : memref<16xi32, #tpu.memory_space<vmem>>) target_semaphore(%run_scoped3A : memref<!tpu.dma_semaphore, #tpu.memory_space<semaphore_mem>>)
      %dma_wait3A_833 = tpu.memref_slice %arg4[%add3A_385] : memref<320000xi32, #tpu.memory_space<hbm>> -> memref<16xi32, #tpu.memory_space<hbm>>
      %dma_wait3A_834 = tpu.memref_slice %arg4[%add3A_385] : memref<320000xi32, #tpu.memory_space<hbm>> -> memref<16xi32, #tpu.memory_space<hbm>>
      tpu.wait_dma2 semaphore(%run_scoped3A : memref<!tpu.dma_semaphore, #tpu.memory_space<semaphore_mem>>) src(%dma_wait3A_834 : memref<16xi32, #tpu.memory_space<hbm>>) dst(%arg12 : memref<16xi32, #tpu.memory_space<vmem>>)
      tpu.yield
    }) : () -> ()
    %dma_start3A = arith.constant 0 : i32
    %dma_start3A_386 = arith.constant 0 : i32
    %dma_start3A_387 = tpu.memref_slice %arg2[%dma_start3A, %dma_start3A_386] : memref<10000x128xf32, #tpu.memory_space<hbm>> -> memref<10000x128xf32, #tpu.memory_space<hbm>>
    tpu.enqueue_indirect_dma source(%dma_start3A_387 : memref<10000x128xf32, #tpu.memory_space<hbm>>) target(%arg16 : memref<16x128xf32, #tpu.memory_space<vmem>>) offsets(%arg11 : memref<16xi32, #tpu.memory_space<vmem>>) semaphore(%arg19 : memref<!tpu.dma_semaphore, #tpu.memory_space<semaphore_mem>>)
    %dma_wait3A = arith.constant 0 : i32
    %dma_wait3A_388 = arith.constant 0 : i32
    %dma_wait3A_389 = tpu.memref_slice %arg2[%dma_wait3A, %dma_wait3A_388] : memref<10000x128xf32, #tpu.memory_space<hbm>> -> memref<10000x128xf32, #tpu.memory_space<hbm>>
    tpu.wait_indirect_dma semaphore(%arg19 : memref<!tpu.dma_semaphore, #tpu.memory_space<semaphore_mem>>) src(%dma_wait3A_389 : memref<10000x128xf32, #tpu.memory_space<hbm>>) dst(%arg16 : memref<16x128xf32, #tpu.memory_space<vmem>>)
    "tpu.region"() ({
      %run_scoped3A = tpu.sem_alloc : memref<!tpu.dma_semaphore, #tpu.memory_space<semaphore_mem>>
      %dma_start3A_831 = arith.constant 0 : i32
      %dma_start3A_832 = arith.constant 0 : i32
      %dma_start3A_833 = tpu.memref_slice %arg18[%dma_start3A_831, %dma_start3A_832] : memref<10240x128xf32, #tpu.memory_space<vmem_shared>> -> memref<10240x128xf32, #tpu.memory_space<vmem_shared>>
      tpu.enqueue_indirect_dma source(%arg16 : memref<16x128xf32, #tpu.memory_space<vmem>>) target(%dma_start3A_833 : memref<10240x128xf32, #tpu.memory_space<vmem_shared>>) offsets(%arg12 : memref<16xi32, #tpu.memory_space<vmem>>) semaphore(%run_scoped3A : memref<!tpu.dma_semaphore, #tpu.memory_space<semaphore_mem>>) {add = true}
      %dma_wait3A_834 = arith.constant 0 : i32
      %dma_wait3A_835 = arith.constant 0 : i32
      %dma_wait3A_836 = tpu.memref_slice %arg18[%dma_wait3A_834, %dma_wait3A_835] : memref<10240x128xf32, #tpu.memory_space<vmem_shared>> -> memref<10240x128xf32, #tpu.memory_space<vmem_shared>>
      tpu.wait_indirect_dma semaphore(%run_scoped3A : memref<!tpu.dma_semaphore, #tpu.memory_space<semaphore_mem>>) src(%arg16 : memref<16x128xf32, #tpu.memory_space<vmem>>) dst(%dma_wait3A_836 : memref<10240x128xf32, #tpu.memory_space<vmem_shared>>)
      tpu.yield
    }) : () -> ()
    %barrier3A_390 = arith.constant 0 : index
    tpu.barrier barrier_id(%barrier3A_390)
    %add3A_391 = arith.constant 0 : i32
    %add3A_392 = arith.addi %mul3A_2, %add3A_391 : i32
    %add3A_393 = arith.constant 0 : i32
    %add3A_394 = arith.addi %add3A_392, %add3A_393 : i32
    %iota3A_395 = tpu.iota {dimensions = array<i32: 0>} : vector<16xi32>
    %add3A_396 = vector.broadcast %add3A_394 : i32 to vector<16xi32>
    %add3A_397 = arith.addi %add3A_396, %iota3A_395 : vector<16xi32>
    %swap3A_398 = arith.constant 0 : index
    %swap3A_399 = tpu.vector_load %arg13[%swap3A_398] {strides = array<i32>} : memref<80xi32, #tpu.memory_space<vmem>>, vector<16xi32>,
    %swap3A_400 = vector.shape_cast %swap3A_399 : vector<16xi32> to vector<16xi32>
    %swap3A_401 = vector.shape_cast %add3A_397 : vector<16xi32> to vector<16xi32>
    tpu.vector_store %arg13[%swap3A_398], %swap3A_401 {strides = array<i32>} : memref<80xi32, #tpu.memory_space<vmem>>, vector<16xi32>,
    %add3A_402 = arith.constant 16 : i32
    %add3A_403 = arith.addi %add3A_392, %add3A_402 : i32
    %iota3A_404 = tpu.iota {dimensions = array<i32: 0>} : vector<16xi32>
    %add3A_405 = vector.broadcast %add3A_403 : i32 to vector<16xi32>
    %add3A_406 = arith.addi %add3A_405, %iota3A_404 : vector<16xi32>
    %swap3A_407 = arith.constant 16 : index
    %swap3A_408 = tpu.vector_load %arg13[%swap3A_407] {strides = array<i32>} : memref<80xi32, #tpu.memory_space<vmem>>, vector<16xi32>,
    %swap3A_409 = vector.shape_cast %swap3A_408 : vector<16xi32> to vector<16xi32>
    %swap3A_410 = vector.shape_cast %add3A_406 : vector<16xi32> to vector<16xi32>
    tpu.vector_store %arg13[%swap3A_407], %swap3A_410 {strides = array<i32>} : memref<80xi32, #tpu.memory_space<vmem>>, vector<16xi32>,
    %add3A_411 = arith.constant 32 : i32
    %add3A_412 = arith.addi %add3A_392, %add3A_411 : i32
    %iota3A_413 = tpu.iota {dimensions = array<i32: 0>} : vector<16xi32>
    %add3A_414 = vector.broadcast %add3A_412 : i32 to vector<16xi32>
    %add3A_415 = arith.addi %add3A_414, %iota3A_413 : vector<16xi32>
    %swap3A_416 = arith.constant 32 : index
    %swap3A_417 = tpu.vector_load %arg13[%swap3A_416] {strides = array<i32>} : memref<80xi32, #tpu.memory_space<vmem>>, vector<16xi32>,
    %swap3A_418 = vector.shape_cast %swap3A_417 : vector<16xi32> to vector<16xi32>
    %swap3A_419 = vector.shape_cast %add3A_415 : vector<16xi32> to vector<16xi32>
    tpu.vector_store %arg13[%swap3A_416], %swap3A_419 {strides = array<i32>} : memref<80xi32, #tpu.memory_space<vmem>>, vector<16xi32>,
    %add3A_420 = arith.constant 48 : i32
    %add3A_421 = arith.addi %add3A_392, %add3A_420 : i32
    %iota3A_422 = tpu.iota {dimensions = array<i32: 0>} : vector<16xi32>
    %add3A_423 = vector.broadcast %add3A_421 : i32 to vector<16xi32>
    %add3A_424 = arith.addi %add3A_423, %iota3A_422 : vector<16xi32>
    %swap3A_425 = arith.constant 48 : index
    %swap3A_426 = tpu.vector_load %arg13[%swap3A_425] {strides = array<i32>} : memref<80xi32, #tpu.memory_space<vmem>>, vector<16xi32>,
    %swap3A_427 = vector.shape_cast %swap3A_426 : vector<16xi32> to vector<16xi32>
    %swap3A_428 = vector.shape_cast %add3A_424 : vector<16xi32> to vector<16xi32>
    tpu.vector_store %arg13[%swap3A_425], %swap3A_428 {strides = array<i32>} : memref<80xi32, #tpu.memory_space<vmem>>, vector<16xi32>,
    %add3A_429 = arith.constant 64 : i32
    %add3A_430 = arith.addi %add3A_392, %add3A_429 : i32
    %iota3A_431 = tpu.iota {dimensions = array<i32: 0>} : vector<16xi32>
    %add3A_432 = vector.broadcast %add3A_430 : i32 to vector<16xi32>
    %add3A_433 = arith.addi %add3A_432, %iota3A_431 : vector<16xi32>
    %swap3A_434 = arith.constant 64 : index
    %swap3A_435 = tpu.vector_load %arg13[%swap3A_434] {strides = array<i32>} : memref<80xi32, #tpu.memory_space<vmem>>, vector<16xi32>,
    %swap3A_436 = vector.shape_cast %swap3A_435 : vector<16xi32> to vector<16xi32>
    %swap3A_437 = vector.shape_cast %add3A_433 : vector<16xi32> to vector<16xi32>
    tpu.vector_store %arg13[%swap3A_434], %swap3A_437 {strides = array<i32>} : memref<80xi32, #tpu.memory_space<vmem>>, vector<16xi32>,
    %dma_start3A_438 = arith.constant 0 : i32
    %dma_start3A_439 = arith.constant 0 : i32
    %dma_start3A_440 = tpu.memref_slice %arg18[%dma_start3A_438, %dma_start3A_439] : memref<10240x128xf32, #tpu.memory_space<vmem_shared>> -> memref<10240x128xf32, #tpu.memory_space<vmem_shared>>
    tpu.enqueue_indirect_dma source(%dma_start3A_440 : memref<10240x128xf32, #tpu.memory_space<vmem_shared>>) target(%arg17 : memref<80x128xf32, #tpu.memory_space<vmem>>) offsets(%arg13 : memref<80xi32, #tpu.memory_space<vmem>>) semaphore(%arg19 : memref<!tpu.dma_semaphore, #tpu.memory_space<semaphore_mem>>)
    %dma_wait3A_441 = arith.constant 0 : i32
    %dma_wait3A_442 = arith.constant 0 : i32
    %dma_wait3A_443 = tpu.memref_slice %arg18[%dma_wait3A_441, %dma_wait3A_442] : memref<10240x128xf32, #tpu.memory_space<vmem_shared>> -> memref<10240x128xf32, #tpu.memory_space<vmem_shared>>
    tpu.wait_indirect_dma semaphore(%arg19 : memref<!tpu.dma_semaphore, #tpu.memory_space<semaphore_mem>>) src(%dma_wait3A_443 : memref<10240x128xf32, #tpu.memory_space<vmem_shared>>) dst(%arg17 : memref<80x128xf32, #tpu.memory_space<vmem>>)
    %add3A_444 = arith.constant 0 : i32
    %add3A_445 = arith.addi %mul3A_2, %add3A_444 : i32
    "tpu.region"() ({
      %run_scoped3A = tpu.sem_alloc : memref<!tpu.dma_semaphore, #tpu.memory_space<semaphore_mem>>
      %dma_start3A_831 = arith.constant 0 : i32
      %dma_start3A_832 = tpu.memref_slice %arg6[%arg0, %add3A_445, %dma_start3A_831] : memref<2x10240x128xf32, #tpu.memory_space<hbm>> -> memref<1x80x128xf32, #tpu.memory_space<hbm>>
      %dma_start3A_833 = tpu.memref_squeeze %dma_start3A_832 : memref<1x80x128xf32, #tpu.memory_space<hbm>> -> memref<80x128xf32, #tpu.memory_space<hbm>>
      %dma_start3A_834 = arith.constant 0 : i32
      %dma_start3A_835 = tpu.memref_slice %arg6[%arg0, %add3A_445, %dma_start3A_834] : memref<2x10240x128xf32, #tpu.memory_space<hbm>> -> memref<1x80x128xf32, #tpu.memory_space<hbm>>
      %dma_start3A_836 = tpu.memref_squeeze %dma_start3A_835 : memref<1x80x128xf32, #tpu.memory_space<hbm>> -> memref<80x128xf32, #tpu.memory_space<hbm>>
      tpu.enqueue_dma source(%arg17 : memref<80x128xf32, #tpu.memory_space<vmem>>) target(%dma_start3A_836 : memref<80x128xf32, #tpu.memory_space<hbm>>) target_semaphore(%run_scoped3A : memref<!tpu.dma_semaphore, #tpu.memory_space<semaphore_mem>>)
      %dma_wait3A_837 = arith.constant 0 : i32
      %dma_wait3A_838 = tpu.memref_slice %arg6[%arg0, %add3A_445, %dma_wait3A_837] : memref<2x10240x128xf32, #tpu.memory_space<hbm>> -> memref<1x80x128xf32, #tpu.memory_space<hbm>>
      %dma_wait3A_839 = tpu.memref_squeeze %dma_wait3A_838 : memref<1x80x128xf32, #tpu.memory_space<hbm>> -> memref<80x128xf32, #tpu.memory_space<hbm>>
      %dma_wait3A_840 = arith.constant 0 : i32
      %dma_wait3A_841 = tpu.memref_slice %arg6[%arg0, %add3A_445, %dma_wait3A_840] : memref<2x10240x128xf32, #tpu.memory_space<hbm>> -> memref<1x80x128xf32, #tpu.memory_space<hbm>>
      %dma_wait3A_842 = tpu.memref_squeeze %dma_wait3A_841 : memref<1x80x128xf32, #tpu.memory_space<hbm>> -> memref<80x128xf32, #tpu.memory_space<hbm>>
      tpu.wait_dma2 semaphore(%run_scoped3A : memref<!tpu.dma_semaphore, #tpu.memory_space<semaphore_mem>>) src(%arg17 : memref<80x128xf32, #tpu.memory_space<vmem>>) dst(%dma_wait3A_842 : memref<80x128xf32, #tpu.memory_space<hbm>>)
      tpu.yield
    }) : () -> ()
    %add3A_446 = arith.constant 80 : i32
    %add3A_447 = arith.addi %mul3A_2, %add3A_446 : i32
    %add3A_448 = arith.constant 0 : i32
    %add3A_449 = arith.addi %add3A_447, %add3A_448 : i32
    %iota3A_450 = tpu.iota {dimensions = array<i32: 0>} : vector<16xi32>
    %add3A_451 = vector.broadcast %add3A_449 : i32 to vector<16xi32>
    %add3A_452 = arith.addi %add3A_451, %iota3A_450 : vector<16xi32>
    %swap3A_453 = arith.constant 0 : index
    %swap3A_454 = tpu.vector_load %arg13[%swap3A_453] {strides = array<i32>} : memref<80xi32, #tpu.memory_space<vmem>>, vector<16xi32>,
    %swap3A_455 = vector.shape_cast %swap3A_454 : vector<16xi32> to vector<16xi32>
    %swap3A_456 = vector.shape_cast %add3A_452 : vector<16xi32> to vector<16xi32>
    tpu.vector_store %arg13[%swap3A_453], %swap3A_456 {strides = array<i32>} : memref<80xi32, #tpu.memory_space<vmem>>, vector<16xi32>,
    %add3A_457 = arith.constant 16 : i32
    %add3A_458 = arith.addi %add3A_447, %add3A_457 : i32
    %iota3A_459 = tpu.iota {dimensions = array<i32: 0>} : vector<16xi32>
    %add3A_460 = vector.broadcast %add3A_458 : i32 to vector<16xi32>
    %add3A_461 = arith.addi %add3A_460, %iota3A_459 : vector<16xi32>
    %swap3A_462 = arith.constant 16 : index
    %swap3A_463 = tpu.vector_load %arg13[%swap3A_462] {strides = array<i32>} : memref<80xi32, #tpu.memory_space<vmem>>, vector<16xi32>,
    %swap3A_464 = vector.shape_cast %swap3A_463 : vector<16xi32> to vector<16xi32>
    %swap3A_465 = vector.shape_cast %add3A_461 : vector<16xi32> to vector<16xi32>
    tpu.vector_store %arg13[%swap3A_462], %swap3A_465 {strides = array<i32>} : memref<80xi32, #tpu.memory_space<vmem>>, vector<16xi32>,
    %add3A_466 = arith.constant 32 : i32
    %add3A_467 = arith.addi %add3A_447, %add3A_466 : i32
    %iota3A_468 = tpu.iota {dimensions = array<i32: 0>} : vector<16xi32>
    %add3A_469 = vector.broadcast %add3A_467 : i32 to vector<16xi32>
    %add3A_470 = arith.addi %add3A_469, %iota3A_468 : vector<16xi32>
    %swap3A_471 = arith.constant 32 : index
    %swap3A_472 = tpu.vector_load %arg13[%swap3A_471] {strides = array<i32>} : memref<80xi32, #tpu.memory_space<vmem>>, vector<16xi32>,
    %swap3A_473 = vector.shape_cast %swap3A_472 : vector<16xi32> to vector<16xi32>
    %swap3A_474 = vector.shape_cast %add3A_470 : vector<16xi32> to vector<16xi32>
    tpu.vector_store %arg13[%swap3A_471], %swap3A_474 {strides = array<i32>} : memref<80xi32, #tpu.memory_space<vmem>>, vector<16xi32>,
    %add3A_475 = arith.constant 48 : i32
    %add3A_476 = arith.addi %add3A_447, %add3A_475 : i32
    %iota3A_477 = tpu.iota {dimensions = array<i32: 0>} : vector<16xi32>
    %add3A_478 = vector.broadcast %add3A_476 : i32 to vector<16xi32>
    %add3A_479 = arith.addi %add3A_478, %iota3A_477 : vector<16xi32>
    %swap3A_480 = arith.constant 48 : index
    %swap3A_481 = tpu.vector_load %arg13[%swap3A_480] {strides = array<i32>} : memref<80xi32, #tpu.memory_space<vmem>>, vector<16xi32>,
    %swap3A_482 = vector.shape_cast %swap3A_481 : vector<16xi32> to vector<16xi32>
    %swap3A_483 = vector.shape_cast %add3A_479 : vector<16xi32> to vector<16xi32>
    tpu.vector_store %arg13[%swap3A_480], %swap3A_483 {strides = array<i32>} : memref<80xi32, #tpu.memory_space<vmem>>, vector<16xi32>,
    %add3A_484 = arith.constant 64 : i32
    %add3A_485 = arith.addi %add3A_447, %add3A_484 : i32
    %iota3A_486 = tpu.iota {dimensions = array<i32: 0>} : vector<16xi32>
    %add3A_487 = vector.broadcast %add3A_485 : i32 to vector<16xi32>
    %add3A_488 = arith.addi %add3A_487, %iota3A_486 : vector<16xi32>
    %swap3A_489 = arith.constant 64 : index
    %swap3A_490 = tpu.vector_load %arg13[%swap3A_489] {strides = array<i32>} : memref<80xi32, #tpu.memory_space<vmem>>, vector<16xi32>,
    %swap3A_491 = vector.shape_cast %swap3A_490 : vector<16xi32> to vector<16xi32>
    %swap3A_492 = vector.shape_cast %add3A_488 : vector<16xi32> to vector<16xi32>
    tpu.vector_store %arg13[%swap3A_489], %swap3A_492 {strides = array<i32>} : memref<80xi32, #tpu.memory_space<vmem>>, vector<16xi32>,
    %dma_start3A_493 = arith.constant 0 : i32
    %dma_start3A_494 = arith.constant 0 : i32
    %dma_start3A_495 = tpu.memref_slice %arg18[%dma_start3A_493, %dma_start3A_494] : memref<10240x128xf32, #tpu.memory_space<vmem_shared>> -> memref<10240x128xf32, #tpu.memory_space<vmem_shared>>
    tpu.enqueue_indirect_dma source(%dma_start3A_495 : memref<10240x128xf32, #tpu.memory_space<vmem_shared>>) target(%arg17 : memref<80x128xf32, #tpu.memory_space<vmem>>) offsets(%arg13 : memref<80xi32, #tpu.memory_space<vmem>>) semaphore(%arg19 : memref<!tpu.dma_semaphore, #tpu.memory_space<semaphore_mem>>)
    %dma_wait3A_496 = arith.constant 0 : i32
    %dma_wait3A_497 = arith.constant 0 : i32
    %dma_wait3A_498 = tpu.memref_slice %arg18[%dma_wait3A_496, %dma_wait3A_497] : memref<10240x128xf32, #tpu.memory_space<vmem_shared>> -> memref<10240x128xf32, #tpu.memory_space<vmem_shared>>
    tpu.wait_indirect_dma semaphore(%arg19 : memref<!tpu.dma_semaphore, #tpu.memory_space<semaphore_mem>>) src(%dma_wait3A_498 : memref<10240x128xf32, #tpu.memory_space<vmem_shared>>) dst(%arg17 : memref<80x128xf32, #tpu.memory_space<vmem>>)
    %add3A_499 = arith.constant 80 : i32
    %add3A_500 = arith.addi %mul3A_2, %add3A_499 : i32
    "tpu.region"() ({
      %run_scoped3A = tpu.sem_alloc : memref<!tpu.dma_semaphore, #tpu.memory_space<semaphore_mem>>
      %dma_start3A_831 = arith.constant 0 : i32
      %dma_start3A_832 = tpu.memref_slice %arg6[%arg0, %add3A_500, %dma_start3A_831] : memref<2x10240x128xf32, #tpu.memory_space<hbm>> -> memref<1x80x128xf32, #tpu.memory_space<hbm>>
      %dma_start3A_833 = tpu.memref_squeeze %dma_start3A_832 : memref<1x80x128xf32, #tpu.memory_space<hbm>> -> memref<80x128xf32, #tpu.memory_space<hbm>>
      %dma_start3A_834 = arith.constant 0 : i32
      %dma_start3A_835 = tpu.memref_slice %arg6[%arg0, %add3A_500, %dma_start3A_834] : memref<2x10240x128xf32, #tpu.memory_space<hbm>> -> memref<1x80x128xf32, #tpu.memory_space<hbm>>
      %dma_start3A_836 = tpu.memref_squeeze %dma_start3A_835 : memref<1x80x128xf32, #tpu.memory_space<hbm>> -> memref<80x128xf32, #tpu.memory_space<hbm>>
      tpu.enqueue_dma source(%arg17 : memref<80x128xf32, #tpu.memory_space<vmem>>) target(%dma_start3A_836 : memref<80x128xf32, #tpu.memory_space<hbm>>) target_semaphore(%run_scoped3A : memref<!tpu.dma_semaphore, #tpu.memory_space<semaphore_mem>>)
      %dma_wait3A_837 = arith.constant 0 : i32
      %dma_wait3A_838 = tpu.memref_slice %arg6[%arg0, %add3A_500, %dma_wait3A_837] : memref<2x10240x128xf32, #tpu.memory_space<hbm>> -> memref<1x80x128xf32, #tpu.memory_space<hbm>>
      %dma_wait3A_839 = tpu.memref_squeeze %dma_wait3A_838 : memref<1x80x128xf32, #tpu.memory_space<hbm>> -> memref<80x128xf32, #tpu.memory_space<hbm>>
      %dma_wait3A_840 = arith.constant 0 : i32
      %dma_wait3A_841 = tpu.memref_slice %arg6[%arg0, %add3A_500, %dma_wait3A_840] : memref<2x10240x128xf32, #tpu.memory_space<hbm>> -> memref<1x80x128xf32, #tpu.memory_space<hbm>>
      %dma_wait3A_842 = tpu.memref_squeeze %dma_wait3A_841 : memref<1x80x128xf32, #tpu.memory_space<hbm>> -> memref<80x128xf32, #tpu.memory_space<hbm>>
      tpu.wait_dma2 semaphore(%run_scoped3A : memref<!tpu.dma_semaphore, #tpu.memory_space<semaphore_mem>>) src(%arg17 : memref<80x128xf32, #tpu.memory_space<vmem>>) dst(%dma_wait3A_842 : memref<80x128xf32, #tpu.memory_space<hbm>>)
      tpu.yield
    }) : () -> ()
    %add3A_501 = arith.constant 160 : i32
    %add3A_502 = arith.addi %mul3A_2, %add3A_501 : i32
    %add3A_503 = arith.constant 0 : i32
    %add3A_504 = arith.addi %add3A_502, %add3A_503 : i32
    %iota3A_505 = tpu.iota {dimensions = array<i32: 0>} : vector<16xi32>
    %add3A_506 = vector.broadcast %add3A_504 : i32 to vector<16xi32>
    %add3A_507 = arith.addi %add3A_506, %iota3A_505 : vector<16xi32>
    %swap3A_508 = arith.constant 0 : index
    %swap3A_509 = tpu.vector_load %arg13[%swap3A_508] {strides = array<i32>} : memref<80xi32, #tpu.memory_space<vmem>>, vector<16xi32>,
    %swap3A_510 = vector.shape_cast %swap3A_509 : vector<16xi32> to vector<16xi32>
    %swap3A_511 = vector.shape_cast %add3A_507 : vector<16xi32> to vector<16xi32>
    tpu.vector_store %arg13[%swap3A_508], %swap3A_511 {strides = array<i32>} : memref<80xi32, #tpu.memory_space<vmem>>, vector<16xi32>,
    %add3A_512 = arith.constant 16 : i32
    %add3A_513 = arith.addi %add3A_502, %add3A_512 : i32
    %iota3A_514 = tpu.iota {dimensions = array<i32: 0>} : vector<16xi32>
    %add3A_515 = vector.broadcast %add3A_513 : i32 to vector<16xi32>
    %add3A_516 = arith.addi %add3A_515, %iota3A_514 : vector<16xi32>
    %swap3A_517 = arith.constant 16 : index
    %swap3A_518 = tpu.vector_load %arg13[%swap3A_517] {strides = array<i32>} : memref<80xi32, #tpu.memory_space<vmem>>, vector<16xi32>,
    %swap3A_519 = vector.shape_cast %swap3A_518 : vector<16xi32> to vector<16xi32>
    %swap3A_520 = vector.shape_cast %add3A_516 : vector<16xi32> to vector<16xi32>
    tpu.vector_store %arg13[%swap3A_517], %swap3A_520 {strides = array<i32>} : memref<80xi32, #tpu.memory_space<vmem>>, vector<16xi32>,
    %add3A_521 = arith.constant 32 : i32
    %add3A_522 = arith.addi %add3A_502, %add3A_521 : i32
    %iota3A_523 = tpu.iota {dimensions = array<i32: 0>} : vector<16xi32>
    %add3A_524 = vector.broadcast %add3A_522 : i32 to vector<16xi32>
    %add3A_525 = arith.addi %add3A_524, %iota3A_523 : vector<16xi32>
    %swap3A_526 = arith.constant 32 : index
    %swap3A_527 = tpu.vector_load %arg13[%swap3A_526] {strides = array<i32>} : memref<80xi32, #tpu.memory_space<vmem>>, vector<16xi32>,
    %swap3A_528 = vector.shape_cast %swap3A_527 : vector<16xi32> to vector<16xi32>
    %swap3A_529 = vector.shape_cast %add3A_525 : vector<16xi32> to vector<16xi32>
    tpu.vector_store %arg13[%swap3A_526], %swap3A_529 {strides = array<i32>} : memref<80xi32, #tpu.memory_space<vmem>>, vector<16xi32>,
    %add3A_530 = arith.constant 48 : i32
    %add3A_531 = arith.addi %add3A_502, %add3A_530 : i32
    %iota3A_532 = tpu.iota {dimensions = array<i32: 0>} : vector<16xi32>
    %add3A_533 = vector.broadcast %add3A_531 : i32 to vector<16xi32>
    %add3A_534 = arith.addi %add3A_533, %iota3A_532 : vector<16xi32>
    %swap3A_535 = arith.constant 48 : index
    %swap3A_536 = tpu.vector_load %arg13[%swap3A_535] {strides = array<i32>} : memref<80xi32, #tpu.memory_space<vmem>>, vector<16xi32>,
    %swap3A_537 = vector.shape_cast %swap3A_536 : vector<16xi32> to vector<16xi32>
    %swap3A_538 = vector.shape_cast %add3A_534 : vector<16xi32> to vector<16xi32>
    tpu.vector_store %arg13[%swap3A_535], %swap3A_538 {strides = array<i32>} : memref<80xi32, #tpu.memory_space<vmem>>, vector<16xi32>,
    %add3A_539 = arith.constant 64 : i32
    %add3A_540 = arith.addi %add3A_502, %add3A_539 : i32
    %iota3A_541 = tpu.iota {dimensions = array<i32: 0>} : vector<16xi32>
    %add3A_542 = vector.broadcast %add3A_540 : i32 to vector<16xi32>
    %add3A_543 = arith.addi %add3A_542, %iota3A_541 : vector<16xi32>
    %swap3A_544 = arith.constant 64 : index
    %swap3A_545 = tpu.vector_load %arg13[%swap3A_544] {strides = array<i32>} : memref<80xi32, #tpu.memory_space<vmem>>, vector<16xi32>,
    %swap3A_546 = vector.shape_cast %swap3A_545 : vector<16xi32> to vector<16xi32>
    %swap3A_547 = vector.shape_cast %add3A_543 : vector<16xi32> to vector<16xi32>
    tpu.vector_store %arg13[%swap3A_544], %swap3A_547 {strides = array<i32>} : memref<80xi32, #tpu.memory_space<vmem>>, vector<16xi32>,
    %dma_start3A_548 = arith.constant 0 : i32
    %dma_start3A_549 = arith.constant 0 : i32
    %dma_start3A_550 = tpu.memref_slice %arg18[%dma_start3A_548, %dma_start3A_549] : memref<10240x128xf32, #tpu.memory_space<vmem_shared>> -> memref<10240x128xf32, #tpu.memory_space<vmem_shared>>
    tpu.enqueue_indirect_dma source(%dma_start3A_550 : memref<10240x128xf32, #tpu.memory_space<vmem_shared>>) target(%arg17 : memref<80x128xf32, #tpu.memory_space<vmem>>) offsets(%arg13 : memref<80xi32, #tpu.memory_space<vmem>>) semaphore(%arg19 : memref<!tpu.dma_semaphore, #tpu.memory_space<semaphore_mem>>)
    %dma_wait3A_551 = arith.constant 0 : i32
    %dma_wait3A_552 = arith.constant 0 : i32
    %dma_wait3A_553 = tpu.memref_slice %arg18[%dma_wait3A_551, %dma_wait3A_552] : memref<10240x128xf32, #tpu.memory_space<vmem_shared>> -> memref<10240x128xf32, #tpu.memory_space<vmem_shared>>
    tpu.wait_indirect_dma semaphore(%arg19 : memref<!tpu.dma_semaphore, #tpu.memory_space<semaphore_mem>>) src(%dma_wait3A_553 : memref<10240x128xf32, #tpu.memory_space<vmem_shared>>) dst(%arg17 : memref<80x128xf32, #tpu.memory_space<vmem>>)
    %add3A_554 = arith.constant 160 : i32
    %add3A_555 = arith.addi %mul3A_2, %add3A_554 : i32
    "tpu.region"() ({
      %run_scoped3A = tpu.sem_alloc : memref<!tpu.dma_semaphore, #tpu.memory_space<semaphore_mem>>
      %dma_start3A_831 = arith.constant 0 : i32
      %dma_start3A_832 = tpu.memref_slice %arg6[%arg0, %add3A_555, %dma_start3A_831] : memref<2x10240x128xf32, #tpu.memory_space<hbm>> -> memref<1x80x128xf32, #tpu.memory_space<hbm>>
      %dma_start3A_833 = tpu.memref_squeeze %dma_start3A_832 : memref<1x80x128xf32, #tpu.memory_space<hbm>> -> memref<80x128xf32, #tpu.memory_space<hbm>>
      %dma_start3A_834 = arith.constant 0 : i32
      %dma_start3A_835 = tpu.memref_slice %arg6[%arg0, %add3A_555, %dma_start3A_834] : memref<2x10240x128xf32, #tpu.memory_space<hbm>> -> memref<1x80x128xf32, #tpu.memory_space<hbm>>
      %dma_start3A_836 = tpu.memref_squeeze %dma_start3A_835 : memref<1x80x128xf32, #tpu.memory_space<hbm>> -> memref<80x128xf32, #tpu.memory_space<hbm>>
      tpu.enqueue_dma source(%arg17 : memref<80x128xf32, #tpu.memory_space<vmem>>) target(%dma_start3A_836 : memref<80x128xf32, #tpu.memory_space<hbm>>) target_semaphore(%run_scoped3A : memref<!tpu.dma_semaphore, #tpu.memory_space<semaphore_mem>>)
      %dma_wait3A_837 = arith.constant 0 : i32
      %dma_wait3A_838 = tpu.memref_slice %arg6[%arg0, %add3A_555, %dma_wait3A_837] : memref<2x10240x128xf32, #tpu.memory_space<hbm>> -> memref<1x80x128xf32, #tpu.memory_space<hbm>>
      %dma_wait3A_839 = tpu.memref_squeeze %dma_wait3A_838 : memref<1x80x128xf32, #tpu.memory_space<hbm>> -> memref<80x128xf32, #tpu.memory_space<hbm>>
      %dma_wait3A_840 = arith.constant 0 : i32
      %dma_wait3A_841 = tpu.memref_slice %arg6[%arg0, %add3A_555, %dma_wait3A_840] : memref<2x10240x128xf32, #tpu.memory_space<hbm>> -> memref<1x80x128xf32, #tpu.memory_space<hbm>>
      %dma_wait3A_842 = tpu.memref_squeeze %dma_wait3A_841 : memref<1x80x128xf32, #tpu.memory_space<hbm>> -> memref<80x128xf32, #tpu.memory_space<hbm>>
      tpu.wait_dma2 semaphore(%run_scoped3A : memref<!tpu.dma_semaphore, #tpu.memory_space<semaphore_mem>>) src(%arg17 : memref<80x128xf32, #tpu.memory_space<vmem>>) dst(%dma_wait3A_842 : memref<80x128xf32, #tpu.memory_space<hbm>>)
      tpu.yield
    }) : () -> ()
    %add3A_556 = arith.constant 240 : i32
    %add3A_557 = arith.addi %mul3A_2, %add3A_556 : i32
    %add3A_558 = arith.constant 0 : i32
    %add3A_559 = arith.addi %add3A_557, %add3A_558 : i32
    %iota3A_560 = tpu.iota {dimensions = array<i32: 0>} : vector<16xi32>
    %add3A_561 = vector.broadcast %add3A_559 : i32 to vector<16xi32>
    %add3A_562 = arith.addi %add3A_561, %iota3A_560 : vector<16xi32>
    %swap3A_563 = arith.constant 0 : index
    %swap3A_564 = tpu.vector_load %arg13[%swap3A_563] {strides = array<i32>} : memref<80xi32, #tpu.memory_space<vmem>>, vector<16xi32>,
    %swap3A_565 = vector.shape_cast %swap3A_564 : vector<16xi32> to vector<16xi32>
    %swap3A_566 = vector.shape_cast %add3A_562 : vector<16xi32> to vector<16xi32>
    tpu.vector_store %arg13[%swap3A_563], %swap3A_566 {strides = array<i32>} : memref<80xi32, #tpu.memory_space<vmem>>, vector<16xi32>,
    %add3A_567 = arith.constant 16 : i32
    %add3A_568 = arith.addi %add3A_557, %add3A_567 : i32
    %iota3A_569 = tpu.iota {dimensions = array<i32: 0>} : vector<16xi32>
    %add3A_570 = vector.broadcast %add3A_568 : i32 to vector<16xi32>
    %add3A_571 = arith.addi %add3A_570, %iota3A_569 : vector<16xi32>
    %swap3A_572 = arith.constant 16 : index
    %swap3A_573 = tpu.vector_load %arg13[%swap3A_572] {strides = array<i32>} : memref<80xi32, #tpu.memory_space<vmem>>, vector<16xi32>,
    %swap3A_574 = vector.shape_cast %swap3A_573 : vector<16xi32> to vector<16xi32>
    %swap3A_575 = vector.shape_cast %add3A_571 : vector<16xi32> to vector<16xi32>
    tpu.vector_store %arg13[%swap3A_572], %swap3A_575 {strides = array<i32>} : memref<80xi32, #tpu.memory_space<vmem>>, vector<16xi32>,
    %add3A_576 = arith.constant 32 : i32
    %add3A_577 = arith.addi %add3A_557, %add3A_576 : i32
    %iota3A_578 = tpu.iota {dimensions = array<i32: 0>} : vector<16xi32>
    %add3A_579 = vector.broadcast %add3A_577 : i32 to vector<16xi32>
    %add3A_580 = arith.addi %add3A_579, %iota3A_578 : vector<16xi32>
    %swap3A_581 = arith.constant 32 : index
    %swap3A_582 = tpu.vector_load %arg13[%swap3A_581] {strides = array<i32>} : memref<80xi32, #tpu.memory_space<vmem>>, vector<16xi32>,
    %swap3A_583 = vector.shape_cast %swap3A_582 : vector<16xi32> to vector<16xi32>
    %swap3A_584 = vector.shape_cast %add3A_580 : vector<16xi32> to vector<16xi32>
    tpu.vector_store %arg13[%swap3A_581], %swap3A_584 {strides = array<i32>} : memref<80xi32, #tpu.memory_space<vmem>>, vector<16xi32>,
    %add3A_585 = arith.constant 48 : i32
    %add3A_586 = arith.addi %add3A_557, %add3A_585 : i32
    %iota3A_587 = tpu.iota {dimensions = array<i32: 0>} : vector<16xi32>
    %add3A_588 = vector.broadcast %add3A_586 : i32 to vector<16xi32>
    %add3A_589 = arith.addi %add3A_588, %iota3A_587 : vector<16xi32>
    %swap3A_590 = arith.constant 48 : index
    %swap3A_591 = tpu.vector_load %arg13[%swap3A_590] {strides = array<i32>} : memref<80xi32, #tpu.memory_space<vmem>>, vector<16xi32>,
    %swap3A_592 = vector.shape_cast %swap3A_591 : vector<16xi32> to vector<16xi32>
    %swap3A_593 = vector.shape_cast %add3A_589 : vector<16xi32> to vector<16xi32>
    tpu.vector_store %arg13[%swap3A_590], %swap3A_593 {strides = array<i32>} : memref<80xi32, #tpu.memory_space<vmem>>, vector<16xi32>,
    %add3A_594 = arith.constant 64 : i32
    %add3A_595 = arith.addi %add3A_557, %add3A_594 : i32
    %iota3A_596 = tpu.iota {dimensions = array<i32: 0>} : vector<16xi32>
    %add3A_597 = vector.broadcast %add3A_595 : i32 to vector<16xi32>
    %add3A_598 = arith.addi %add3A_597, %iota3A_596 : vector<16xi32>
    %swap3A_599 = arith.constant 64 : index
    %swap3A_600 = tpu.vector_load %arg13[%swap3A_599] {strides = array<i32>} : memref<80xi32, #tpu.memory_space<vmem>>, vector<16xi32>,
    %swap3A_601 = vector.shape_cast %swap3A_600 : vector<16xi32> to vector<16xi32>
    %swap3A_602 = vector.shape_cast %add3A_598 : vector<16xi32> to vector<16xi32>
    tpu.vector_store %arg13[%swap3A_599], %swap3A_602 {strides = array<i32>} : memref<80xi32, #tpu.memory_space<vmem>>, vector<16xi32>,
    %dma_start3A_603 = arith.constant 0 : i32
    %dma_start3A_604 = arith.constant 0 : i32
    %dma_start3A_605 = tpu.memref_slice %arg18[%dma_start3A_603, %dma_start3A_604] : memref<10240x128xf32, #tpu.memory_space<vmem_shared>> -> memref<10240x128xf32, #tpu.memory_space<vmem_shared>>
    tpu.enqueue_indirect_dma source(%dma_start3A_605 : memref<10240x128xf32, #tpu.memory_space<vmem_shared>>) target(%arg17 : memref<80x128xf32, #tpu.memory_space<vmem>>) offsets(%arg13 : memref<80xi32, #tpu.memory_space<vmem>>) semaphore(%arg19 : memref<!tpu.dma_semaphore, #tpu.memory_space<semaphore_mem>>)
    %dma_wait3A_606 = arith.constant 0 : i32
    %dma_wait3A_607 = arith.constant 0 : i32
    %dma_wait3A_608 = tpu.memref_slice %arg18[%dma_wait3A_606, %dma_wait3A_607] : memref<10240x128xf32, #tpu.memory_space<vmem_shared>> -> memref<10240x128xf32, #tpu.memory_space<vmem_shared>>
    tpu.wait_indirect_dma semaphore(%arg19 : memref<!tpu.dma_semaphore, #tpu.memory_space<semaphore_mem>>) src(%dma_wait3A_608 : memref<10240x128xf32, #tpu.memory_space<vmem_shared>>) dst(%arg17 : memref<80x128xf32, #tpu.memory_space<vmem>>)
    %add3A_609 = arith.constant 240 : i32
    %add3A_610 = arith.addi %mul3A_2, %add3A_609 : i32
    "tpu.region"() ({
      %run_scoped3A = tpu.sem_alloc : memref<!tpu.dma_semaphore, #tpu.memory_space<semaphore_mem>>
      %dma_start3A_831 = arith.constant 0 : i32
      %dma_start3A_832 = tpu.memref_slice %arg6[%arg0, %add3A_610, %dma_start3A_831] : memref<2x10240x128xf32, #tpu.memory_space<hbm>> -> memref<1x80x128xf32, #tpu.memory_space<hbm>>
      %dma_start3A_833 = tpu.memref_squeeze %dma_start3A_832 : memref<1x80x128xf32, #tpu.memory_space<hbm>> -> memref<80x128xf32, #tpu.memory_space<hbm>>
      %dma_start3A_834 = arith.constant 0 : i32
      %dma_start3A_835 = tpu.memref_slice %arg6[%arg0, %add3A_610, %dma_start3A_834] : memref<2x10240x128xf32, #tpu.memory_space<hbm>> -> memref<1x80x128xf32, #tpu.memory_space<hbm>>
      %dma_start3A_836 = tpu.memref_squeeze %dma_start3A_835 : memref<1x80x128xf32, #tpu.memory_space<hbm>> -> memref<80x128xf32, #tpu.memory_space<hbm>>
      tpu.enqueue_dma source(%arg17 : memref<80x128xf32, #tpu.memory_space<vmem>>) target(%dma_start3A_836 : memref<80x128xf32, #tpu.memory_space<hbm>>) target_semaphore(%run_scoped3A : memref<!tpu.dma_semaphore, #tpu.memory_space<semaphore_mem>>)
      %dma_wait3A_837 = arith.constant 0 : i32
      %dma_wait3A_838 = tpu.memref_slice %arg6[%arg0, %add3A_610, %dma_wait3A_837] : memref<2x10240x128xf32, #tpu.memory_space<hbm>> -> memref<1x80x128xf32, #tpu.memory_space<hbm>>
      %dma_wait3A_839 = tpu.memref_squeeze %dma_wait3A_838 : memref<1x80x128xf32, #tpu.memory_space<hbm>> -> memref<80x128xf32, #tpu.memory_space<hbm>>
      %dma_wait3A_840 = arith.constant 0 : i32
      %dma_wait3A_841 = tpu.memref_slice %arg6[%arg0, %add3A_610, %dma_wait3A_840] : memref<2x10240x128xf32, #tpu.memory_space<hbm>> -> memref<1x80x128xf32, #tpu.memory_space<hbm>>
      %dma_wait3A_842 = tpu.memref_squeeze %dma_wait3A_841 : memref<1x80x128xf32, #tpu.memory_space<hbm>> -> memref<80x128xf32, #tpu.memory_space<hbm>>
      tpu.wait_dma2 semaphore(%run_scoped3A : memref<!tpu.dma_semaphore, #tpu.memory_space<semaphore_mem>>) src(%arg17 : memref<80x128xf32, #tpu.memory_space<vmem>>) dst(%dma_wait3A_842 : memref<80x128xf32, #tpu.memory_space<hbm>>)
      tpu.yield
    }) : () -> ()
    %add3A_611 = arith.constant 320 : i32
    %add3A_612 = arith.addi %mul3A_2, %add3A_611 : i32
    %add3A_613 = arith.constant 0 : i32
    %add3A_614 = arith.addi %add3A_612, %add3A_613 : i32
    %iota3A_615 = tpu.iota {dimensions = array<i32: 0>} : vector<16xi32>
    %add3A_616 = vector.broadcast %add3A_614 : i32 to vector<16xi32>
    %add3A_617 = arith.addi %add3A_616, %iota3A_615 : vector<16xi32>
    %swap3A_618 = arith.constant 0 : index
    %swap3A_619 = tpu.vector_load %arg13[%swap3A_618] {strides = array<i32>} : memref<80xi32, #tpu.memory_space<vmem>>, vector<16xi32>,
    %swap3A_620 = vector.shape_cast %swap3A_619 : vector<16xi32> to vector<16xi32>
    %swap3A_621 = vector.shape_cast %add3A_617 : vector<16xi32> to vector<16xi32>
    tpu.vector_store %arg13[%swap3A_618], %swap3A_621 {strides = array<i32>} : memref<80xi32, #tpu.memory_space<vmem>>, vector<16xi32>,
    %add3A_622 = arith.constant 16 : i32
    %add3A_623 = arith.addi %add3A_612, %add3A_622 : i32
    %iota3A_624 = tpu.iota {dimensions = array<i32: 0>} : vector<16xi32>
    %add3A_625 = vector.broadcast %add3A_623 : i32 to vector<16xi32>
    %add3A_626 = arith.addi %add3A_625, %iota3A_624 : vector<16xi32>
    %swap3A_627 = arith.constant 16 : index
    %swap3A_628 = tpu.vector_load %arg13[%swap3A_627] {strides = array<i32>} : memref<80xi32, #tpu.memory_space<vmem>>, vector<16xi32>,
    %swap3A_629 = vector.shape_cast %swap3A_628 : vector<16xi32> to vector<16xi32>
    %swap3A_630 = vector.shape_cast %add3A_626 : vector<16xi32> to vector<16xi32>
    tpu.vector_store %arg13[%swap3A_627], %swap3A_630 {strides = array<i32>} : memref<80xi32, #tpu.memory_space<vmem>>, vector<16xi32>,
    %add3A_631 = arith.constant 32 : i32
    %add3A_632 = arith.addi %add3A_612, %add3A_631 : i32
    %iota3A_633 = tpu.iota {dimensions = array<i32: 0>} : vector<16xi32>
    %add3A_634 = vector.broadcast %add3A_632 : i32 to vector<16xi32>
    %add3A_635 = arith.addi %add3A_634, %iota3A_633 : vector<16xi32>
    %swap3A_636 = arith.constant 32 : index
    %swap3A_637 = tpu.vector_load %arg13[%swap3A_636] {strides = array<i32>} : memref<80xi32, #tpu.memory_space<vmem>>, vector<16xi32>,
    %swap3A_638 = vector.shape_cast %swap3A_637 : vector<16xi32> to vector<16xi32>
    %swap3A_639 = vector.shape_cast %add3A_635 : vector<16xi32> to vector<16xi32>
    tpu.vector_store %arg13[%swap3A_636], %swap3A_639 {strides = array<i32>} : memref<80xi32, #tpu.memory_space<vmem>>, vector<16xi32>,
    %add3A_640 = arith.constant 48 : i32
    %add3A_641 = arith.addi %add3A_612, %add3A_640 : i32
    %iota3A_642 = tpu.iota {dimensions = array<i32: 0>} : vector<16xi32>
    %add3A_643 = vector.broadcast %add3A_641 : i32 to vector<16xi32>
    %add3A_644 = arith.addi %add3A_643, %iota3A_642 : vector<16xi32>
    %swap3A_645 = arith.constant 48 : index
    %swap3A_646 = tpu.vector_load %arg13[%swap3A_645] {strides = array<i32>} : memref<80xi32, #tpu.memory_space<vmem>>, vector<16xi32>,
    %swap3A_647 = vector.shape_cast %swap3A_646 : vector<16xi32> to vector<16xi32>
    %swap3A_648 = vector.shape_cast %add3A_644 : vector<16xi32> to vector<16xi32>
    tpu.vector_store %arg13[%swap3A_645], %swap3A_648 {strides = array<i32>} : memref<80xi32, #tpu.memory_space<vmem>>, vector<16xi32>,
    %add3A_649 = arith.constant 64 : i32
    %add3A_650 = arith.addi %add3A_612, %add3A_649 : i32
    %iota3A_651 = tpu.iota {dimensions = array<i32: 0>} : vector<16xi32>
    %add3A_652 = vector.broadcast %add3A_650 : i32 to vector<16xi32>
    %add3A_653 = arith.addi %add3A_652, %iota3A_651 : vector<16xi32>
    %swap3A_654 = arith.constant 64 : index
    %swap3A_655 = tpu.vector_load %arg13[%swap3A_654] {strides = array<i32>} : memref<80xi32, #tpu.memory_space<vmem>>, vector<16xi32>,
    %swap3A_656 = vector.shape_cast %swap3A_655 : vector<16xi32> to vector<16xi32>
    %swap3A_657 = vector.shape_cast %add3A_653 : vector<16xi32> to vector<16xi32>
    tpu.vector_store %arg13[%swap3A_654], %swap3A_657 {strides = array<i32>} : memref<80xi32, #tpu.memory_space<vmem>>, vector<16xi32>,
    %dma_start3A_658 = arith.constant 0 : i32
    %dma_start3A_659 = arith.constant 0 : i32
    %dma_start3A_660 = tpu.memref_slice %arg18[%dma_start3A_658, %dma_start3A_659] : memref<10240x128xf32, #tpu.memory_space<vmem_shared>> -> memref<10240x128xf32, #tpu.memory_space<vmem_shared>>
    tpu.enqueue_indirect_dma source(%dma_start3A_660 : memref<10240x128xf32, #tpu.memory_space<vmem_shared>>) target(%arg17 : memref<80x128xf32, #tpu.memory_space<vmem>>) offsets(%arg13 : memref<80xi32, #tpu.memory_space<vmem>>) semaphore(%arg19 : memref<!tpu.dma_semaphore, #tpu.memory_space<semaphore_mem>>)
    %dma_wait3A_661 = arith.constant 0 : i32
    %dma_wait3A_662 = arith.constant 0 : i32
    %dma_wait3A_663 = tpu.memref_slice %arg18[%dma_wait3A_661, %dma_wait3A_662] : memref<10240x128xf32, #tpu.memory_space<vmem_shared>> -> memref<10240x128xf32, #tpu.memory_space<vmem_shared>>
    tpu.wait_indirect_dma semaphore(%arg19 : memref<!tpu.dma_semaphore, #tpu.memory_space<semaphore_mem>>) src(%dma_wait3A_663 : memref<10240x128xf32, #tpu.memory_space<vmem_shared>>) dst(%arg17 : memref<80x128xf32, #tpu.memory_space<vmem>>)
    %add3A_664 = arith.constant 320 : i32
    %add3A_665 = arith.addi %mul3A_2, %add3A_664 : i32
    "tpu.region"() ({
      %run_scoped3A = tpu.sem_alloc : memref<!tpu.dma_semaphore, #tpu.memory_space<semaphore_mem>>
      %dma_start3A_831 = arith.constant 0 : i32
      %dma_start3A_832 = tpu.memref_slice %arg6[%arg0, %add3A_665, %dma_start3A_831] : memref<2x10240x128xf32, #tpu.memory_space<hbm>> -> memref<1x80x128xf32, #tpu.memory_space<hbm>>
      %dma_start3A_833 = tpu.memref_squeeze %dma_start3A_832 : memref<1x80x128xf32, #tpu.memory_space<hbm>> -> memref<80x128xf32, #tpu.memory_space<hbm>>
      %dma_start3A_834 = arith.constant 0 : i32
      %dma_start3A_835 = tpu.memref_slice %arg6[%arg0, %add3A_665, %dma_start3A_834] : memref<2x10240x128xf32, #tpu.memory_space<hbm>> -> memref<1x80x128xf32, #tpu.memory_space<hbm>>
      %dma_start3A_836 = tpu.memref_squeeze %dma_start3A_835 : memref<1x80x128xf32, #tpu.memory_space<hbm>> -> memref<80x128xf32, #tpu.memory_space<hbm>>
      tpu.enqueue_dma source(%arg17 : memref<80x128xf32, #tpu.memory_space<vmem>>) target(%dma_start3A_836 : memref<80x128xf32, #tpu.memory_space<hbm>>) target_semaphore(%run_scoped3A : memref<!tpu.dma_semaphore, #tpu.memory_space<semaphore_mem>>)
      %dma_wait3A_837 = arith.constant 0 : i32
      %dma_wait3A_838 = tpu.memref_slice %arg6[%arg0, %add3A_665, %dma_wait3A_837] : memref<2x10240x128xf32, #tpu.memory_space<hbm>> -> memref<1x80x128xf32, #tpu.memory_space<hbm>>
      %dma_wait3A_839 = tpu.memref_squeeze %dma_wait3A_838 : memref<1x80x128xf32, #tpu.memory_space<hbm>> -> memref<80x128xf32, #tpu.memory_space<hbm>>
      %dma_wait3A_840 = arith.constant 0 : i32
      %dma_wait3A_841 = tpu.memref_slice %arg6[%arg0, %add3A_665, %dma_wait3A_840] : memref<2x10240x128xf32, #tpu.memory_space<hbm>> -> memref<1x80x128xf32, #tpu.memory_space<hbm>>
      %dma_wait3A_842 = tpu.memref_squeeze %dma_wait3A_841 : memref<1x80x128xf32, #tpu.memory_space<hbm>> -> memref<80x128xf32, #tpu.memory_space<hbm>>
      tpu.wait_dma2 semaphore(%run_scoped3A : memref<!tpu.dma_semaphore, #tpu.memory_space<semaphore_mem>>) src(%arg17 : memref<80x128xf32, #tpu.memory_space<vmem>>) dst(%dma_wait3A_842 : memref<80x128xf32, #tpu.memory_space<hbm>>)
      tpu.yield
    }) : () -> ()
    %add3A_666 = arith.constant 400 : i32
    %add3A_667 = arith.addi %mul3A_2, %add3A_666 : i32
    %add3A_668 = arith.constant 0 : i32
    %add3A_669 = arith.addi %add3A_667, %add3A_668 : i32
    %iota3A_670 = tpu.iota {dimensions = array<i32: 0>} : vector<16xi32>
    %add3A_671 = vector.broadcast %add3A_669 : i32 to vector<16xi32>
    %add3A_672 = arith.addi %add3A_671, %iota3A_670 : vector<16xi32>
    %swap3A_673 = arith.constant 0 : index
    %swap3A_674 = tpu.vector_load %arg13[%swap3A_673] {strides = array<i32>} : memref<80xi32, #tpu.memory_space<vmem>>, vector<16xi32>,
    %swap3A_675 = vector.shape_cast %swap3A_674 : vector<16xi32> to vector<16xi32>
    %swap3A_676 = vector.shape_cast %add3A_672 : vector<16xi32> to vector<16xi32>
    tpu.vector_store %arg13[%swap3A_673], %swap3A_676 {strides = array<i32>} : memref<80xi32, #tpu.memory_space<vmem>>, vector<16xi32>,
    %add3A_677 = arith.constant 16 : i32
    %add3A_678 = arith.addi %add3A_667, %add3A_677 : i32
    %iota3A_679 = tpu.iota {dimensions = array<i32: 0>} : vector<16xi32>
    %add3A_680 = vector.broadcast %add3A_678 : i32 to vector<16xi32>
    %add3A_681 = arith.addi %add3A_680, %iota3A_679 : vector<16xi32>
    %swap3A_682 = arith.constant 16 : index
    %swap3A_683 = tpu.vector_load %arg13[%swap3A_682] {strides = array<i32>} : memref<80xi32, #tpu.memory_space<vmem>>, vector<16xi32>,
    %swap3A_684 = vector.shape_cast %swap3A_683 : vector<16xi32> to vector<16xi32>
    %swap3A_685 = vector.shape_cast %add3A_681 : vector<16xi32> to vector<16xi32>
    tpu.vector_store %arg13[%swap3A_682], %swap3A_685 {strides = array<i32>} : memref<80xi32, #tpu.memory_space<vmem>>, vector<16xi32>,
    %add3A_686 = arith.constant 32 : i32
    %add3A_687 = arith.addi %add3A_667, %add3A_686 : i32
    %iota3A_688 = tpu.iota {dimensions = array<i32: 0>} : vector<16xi32>
    %add3A_689 = vector.broadcast %add3A_687 : i32 to vector<16xi32>
    %add3A_690 = arith.addi %add3A_689, %iota3A_688 : vector<16xi32>
    %swap3A_691 = arith.constant 32 : index
    %swap3A_692 = tpu.vector_load %arg13[%swap3A_691] {strides = array<i32>} : memref<80xi32, #tpu.memory_space<vmem>>, vector<16xi32>,
    %swap3A_693 = vector.shape_cast %swap3A_692 : vector<16xi32> to vector<16xi32>
    %swap3A_694 = vector.shape_cast %add3A_690 : vector<16xi32> to vector<16xi32>
    tpu.vector_store %arg13[%swap3A_691], %swap3A_694 {strides = array<i32>} : memref<80xi32, #tpu.memory_space<vmem>>, vector<16xi32>,
    %add3A_695 = arith.constant 48 : i32
    %add3A_696 = arith.addi %add3A_667, %add3A_695 : i32
    %iota3A_697 = tpu.iota {dimensions = array<i32: 0>} : vector<16xi32>
    %add3A_698 = vector.broadcast %add3A_696 : i32 to vector<16xi32>
    %add3A_699 = arith.addi %add3A_698, %iota3A_697 : vector<16xi32>
    %swap3A_700 = arith.constant 48 : index
    %swap3A_701 = tpu.vector_load %arg13[%swap3A_700] {strides = array<i32>} : memref<80xi32, #tpu.memory_space<vmem>>, vector<16xi32>,
    %swap3A_702 = vector.shape_cast %swap3A_701 : vector<16xi32> to vector<16xi32>
    %swap3A_703 = vector.shape_cast %add3A_699 : vector<16xi32> to vector<16xi32>
    tpu.vector_store %arg13[%swap3A_700], %swap3A_703 {strides = array<i32>} : memref<80xi32, #tpu.memory_space<vmem>>, vector<16xi32>,
    %add3A_704 = arith.constant 64 : i32
    %add3A_705 = arith.addi %add3A_667, %add3A_704 : i32
    %iota3A_706 = tpu.iota {dimensions = array<i32: 0>} : vector<16xi32>
    %add3A_707 = vector.broadcast %add3A_705 : i32 to vector<16xi32>
    %add3A_708 = arith.addi %add3A_707, %iota3A_706 : vector<16xi32>
    %swap3A_709 = arith.constant 64 : index
    %swap3A_710 = tpu.vector_load %arg13[%swap3A_709] {strides = array<i32>} : memref<80xi32, #tpu.memory_space<vmem>>, vector<16xi32>,
    %swap3A_711 = vector.shape_cast %swap3A_710 : vector<16xi32> to vector<16xi32>
    %swap3A_712 = vector.shape_cast %add3A_708 : vector<16xi32> to vector<16xi32>
    tpu.vector_store %arg13[%swap3A_709], %swap3A_712 {strides = array<i32>} : memref<80xi32, #tpu.memory_space<vmem>>, vector<16xi32>,
    %dma_start3A_713 = arith.constant 0 : i32
    %dma_start3A_714 = arith.constant 0 : i32
    %dma_start3A_715 = tpu.memref_slice %arg18[%dma_start3A_713, %dma_start3A_714] : memref<10240x128xf32, #tpu.memory_space<vmem_shared>> -> memref<10240x128xf32, #tpu.memory_space<vmem_shared>>
    tpu.enqueue_indirect_dma source(%dma_start3A_715 : memref<10240x128xf32, #tpu.memory_space<vmem_shared>>) target(%arg17 : memref<80x128xf32, #tpu.memory_space<vmem>>) offsets(%arg13 : memref<80xi32, #tpu.memory_space<vmem>>) semaphore(%arg19 : memref<!tpu.dma_semaphore, #tpu.memory_space<semaphore_mem>>)
    %dma_wait3A_716 = arith.constant 0 : i32
    %dma_wait3A_717 = arith.constant 0 : i32
    %dma_wait3A_718 = tpu.memref_slice %arg18[%dma_wait3A_716, %dma_wait3A_717] : memref<10240x128xf32, #tpu.memory_space<vmem_shared>> -> memref<10240x128xf32, #tpu.memory_space<vmem_shared>>
    tpu.wait_indirect_dma semaphore(%arg19 : memref<!tpu.dma_semaphore, #tpu.memory_space<semaphore_mem>>) src(%dma_wait3A_718 : memref<10240x128xf32, #tpu.memory_space<vmem_shared>>) dst(%arg17 : memref<80x128xf32, #tpu.memory_space<vmem>>)
    %add3A_719 = arith.constant 400 : i32
    %add3A_720 = arith.addi %mul3A_2, %add3A_719 : i32
    "tpu.region"() ({
      %run_scoped3A = tpu.sem_alloc : memref<!tpu.dma_semaphore, #tpu.memory_space<semaphore_mem>>
      %dma_start3A_831 = arith.constant 0 : i32
      %dma_start3A_832 = tpu.memref_slice %arg6[%arg0, %add3A_720, %dma_start3A_831] : memref<2x10240x128xf32, #tpu.memory_space<hbm>> -> memref<1x80x128xf32, #tpu.memory_space<hbm>>
      %dma_start3A_833 = tpu.memref_squeeze %dma_start3A_832 : memref<1x80x128xf32, #tpu.memory_space<hbm>> -> memref<80x128xf32, #tpu.memory_space<hbm>>
      %dma_start3A_834 = arith.constant 0 : i32
      %dma_start3A_835 = tpu.memref_slice %arg6[%arg0, %add3A_720, %dma_start3A_834] : memref<2x10240x128xf32, #tpu.memory_space<hbm>> -> memref<1x80x128xf32, #tpu.memory_space<hbm>>
      %dma_start3A_836 = tpu.memref_squeeze %dma_start3A_835 : memref<1x80x128xf32, #tpu.memory_space<hbm>> -> memref<80x128xf32, #tpu.memory_space<hbm>>
      tpu.enqueue_dma source(%arg17 : memref<80x128xf32, #tpu.memory_space<vmem>>) target(%dma_start3A_836 : memref<80x128xf32, #tpu.memory_space<hbm>>) target_semaphore(%run_scoped3A : memref<!tpu.dma_semaphore, #tpu.memory_space<semaphore_mem>>)
      %dma_wait3A_837 = arith.constant 0 : i32
      %dma_wait3A_838 = tpu.memref_slice %arg6[%arg0, %add3A_720, %dma_wait3A_837] : memref<2x10240x128xf32, #tpu.memory_space<hbm>> -> memref<1x80x128xf32, #tpu.memory_space<hbm>>
      %dma_wait3A_839 = tpu.memref_squeeze %dma_wait3A_838 : memref<1x80x128xf32, #tpu.memory_space<hbm>> -> memref<80x128xf32, #tpu.memory_space<hbm>>
      %dma_wait3A_840 = arith.constant 0 : i32
      %dma_wait3A_841 = tpu.memref_slice %arg6[%arg0, %add3A_720, %dma_wait3A_840] : memref<2x10240x128xf32, #tpu.memory_space<hbm>> -> memref<1x80x128xf32, #tpu.memory_space<hbm>>
      %dma_wait3A_842 = tpu.memref_squeeze %dma_wait3A_841 : memref<1x80x128xf32, #tpu.memory_space<hbm>> -> memref<80x128xf32, #tpu.memory_space<hbm>>
      tpu.wait_dma2 semaphore(%run_scoped3A : memref<!tpu.dma_semaphore, #tpu.memory_space<semaphore_mem>>) src(%arg17 : memref<80x128xf32, #tpu.memory_space<vmem>>) dst(%dma_wait3A_842 : memref<80x128xf32, #tpu.memory_space<hbm>>)
      tpu.yield
    }) : () -> ()
    %add3A_721 = arith.constant 480 : i32
    %add3A_722 = arith.addi %mul3A_2, %add3A_721 : i32
    %add3A_723 = arith.constant 0 : i32
    %add3A_724 = arith.addi %add3A_722, %add3A_723 : i32
    %iota3A_725 = tpu.iota {dimensions = array<i32: 0>} : vector<16xi32>
    %add3A_726 = vector.broadcast %add3A_724 : i32 to vector<16xi32>
    %add3A_727 = arith.addi %add3A_726, %iota3A_725 : vector<16xi32>
    %swap3A_728 = arith.constant 0 : index
    %swap3A_729 = tpu.vector_load %arg13[%swap3A_728] {strides = array<i32>} : memref<80xi32, #tpu.memory_space<vmem>>, vector<16xi32>,
    %swap3A_730 = vector.shape_cast %swap3A_729 : vector<16xi32> to vector<16xi32>
    %swap3A_731 = vector.shape_cast %add3A_727 : vector<16xi32> to vector<16xi32>
    tpu.vector_store %arg13[%swap3A_728], %swap3A_731 {strides = array<i32>} : memref<80xi32, #tpu.memory_space<vmem>>, vector<16xi32>,
    %add3A_732 = arith.constant 16 : i32
    %add3A_733 = arith.addi %add3A_722, %add3A_732 : i32
    %iota3A_734 = tpu.iota {dimensions = array<i32: 0>} : vector<16xi32>
    %add3A_735 = vector.broadcast %add3A_733 : i32 to vector<16xi32>
    %add3A_736 = arith.addi %add3A_735, %iota3A_734 : vector<16xi32>
    %swap3A_737 = arith.constant 16 : index
    %swap3A_738 = tpu.vector_load %arg13[%swap3A_737] {strides = array<i32>} : memref<80xi32, #tpu.memory_space<vmem>>, vector<16xi32>,
    %swap3A_739 = vector.shape_cast %swap3A_738 : vector<16xi32> to vector<16xi32>
    %swap3A_740 = vector.shape_cast %add3A_736 : vector<16xi32> to vector<16xi32>
    tpu.vector_store %arg13[%swap3A_737], %swap3A_740 {strides = array<i32>} : memref<80xi32, #tpu.memory_space<vmem>>, vector<16xi32>,
    %add3A_741 = arith.constant 32 : i32
    %add3A_742 = arith.addi %add3A_722, %add3A_741 : i32
    %iota3A_743 = tpu.iota {dimensions = array<i32: 0>} : vector<16xi32>
    %add3A_744 = vector.broadcast %add3A_742 : i32 to vector<16xi32>
    %add3A_745 = arith.addi %add3A_744, %iota3A_743 : vector<16xi32>
    %swap3A_746 = arith.constant 32 : index
    %swap3A_747 = tpu.vector_load %arg13[%swap3A_746] {strides = array<i32>} : memref<80xi32, #tpu.memory_space<vmem>>, vector<16xi32>,
    %swap3A_748 = vector.shape_cast %swap3A_747 : vector<16xi32> to vector<16xi32>
    %swap3A_749 = vector.shape_cast %add3A_745 : vector<16xi32> to vector<16xi32>
    tpu.vector_store %arg13[%swap3A_746], %swap3A_749 {strides = array<i32>} : memref<80xi32, #tpu.memory_space<vmem>>, vector<16xi32>,
    %add3A_750 = arith.constant 48 : i32
    %add3A_751 = arith.addi %add3A_722, %add3A_750 : i32
    %iota3A_752 = tpu.iota {dimensions = array<i32: 0>} : vector<16xi32>
    %add3A_753 = vector.broadcast %add3A_751 : i32 to vector<16xi32>
    %add3A_754 = arith.addi %add3A_753, %iota3A_752 : vector<16xi32>
    %swap3A_755 = arith.constant 48 : index
    %swap3A_756 = tpu.vector_load %arg13[%swap3A_755] {strides = array<i32>} : memref<80xi32, #tpu.memory_space<vmem>>, vector<16xi32>,
    %swap3A_757 = vector.shape_cast %swap3A_756 : vector<16xi32> to vector<16xi32>
    %swap3A_758 = vector.shape_cast %add3A_754 : vector<16xi32> to vector<16xi32>
    tpu.vector_store %arg13[%swap3A_755], %swap3A_758 {strides = array<i32>} : memref<80xi32, #tpu.memory_space<vmem>>, vector<16xi32>,
    %add3A_759 = arith.constant 64 : i32
    %add3A_760 = arith.addi %add3A_722, %add3A_759 : i32
    %iota3A_761 = tpu.iota {dimensions = array<i32: 0>} : vector<16xi32>
    %add3A_762 = vector.broadcast %add3A_760 : i32 to vector<16xi32>
    %add3A_763 = arith.addi %add3A_762, %iota3A_761 : vector<16xi32>
    %swap3A_764 = arith.constant 64 : index
    %swap3A_765 = tpu.vector_load %arg13[%swap3A_764] {strides = array<i32>} : memref<80xi32, #tpu.memory_space<vmem>>, vector<16xi32>,
    %swap3A_766 = vector.shape_cast %swap3A_765 : vector<16xi32> to vector<16xi32>
    %swap3A_767 = vector.shape_cast %add3A_763 : vector<16xi32> to vector<16xi32>
    tpu.vector_store %arg13[%swap3A_764], %swap3A_767 {strides = array<i32>} : memref<80xi32, #tpu.memory_space<vmem>>, vector<16xi32>,
    %dma_start3A_768 = arith.constant 0 : i32
    %dma_start3A_769 = arith.constant 0 : i32
    %dma_start3A_770 = tpu.memref_slice %arg18[%dma_start3A_768, %dma_start3A_769] : memref<10240x128xf32, #tpu.memory_space<vmem_shared>> -> memref<10240x128xf32, #tpu.memory_space<vmem_shared>>
    tpu.enqueue_indirect_dma source(%dma_start3A_770 : memref<10240x128xf32, #tpu.memory_space<vmem_shared>>) target(%arg17 : memref<80x128xf32, #tpu.memory_space<vmem>>) offsets(%arg13 : memref<80xi32, #tpu.memory_space<vmem>>) semaphore(%arg19 : memref<!tpu.dma_semaphore, #tpu.memory_space<semaphore_mem>>)
    %dma_wait3A_771 = arith.constant 0 : i32
    %dma_wait3A_772 = arith.constant 0 : i32
    %dma_wait3A_773 = tpu.memref_slice %arg18[%dma_wait3A_771, %dma_wait3A_772] : memref<10240x128xf32, #tpu.memory_space<vmem_shared>> -> memref<10240x128xf32, #tpu.memory_space<vmem_shared>>
    tpu.wait_indirect_dma semaphore(%arg19 : memref<!tpu.dma_semaphore, #tpu.memory_space<semaphore_mem>>) src(%dma_wait3A_773 : memref<10240x128xf32, #tpu.memory_space<vmem_shared>>) dst(%arg17 : memref<80x128xf32, #tpu.memory_space<vmem>>)
    %add3A_774 = arith.constant 480 : i32
    %add3A_775 = arith.addi %mul3A_2, %add3A_774 : i32
    "tpu.region"() ({
      %run_scoped3A = tpu.sem_alloc : memref<!tpu.dma_semaphore, #tpu.memory_space<semaphore_mem>>
      %dma_start3A_831 = arith.constant 0 : i32
      %dma_start3A_832 = tpu.memref_slice %arg6[%arg0, %add3A_775, %dma_start3A_831] : memref<2x10240x128xf32, #tpu.memory_space<hbm>> -> memref<1x80x128xf32, #tpu.memory_space<hbm>>
      %dma_start3A_833 = tpu.memref_squeeze %dma_start3A_832 : memref<1x80x128xf32, #tpu.memory_space<hbm>> -> memref<80x128xf32, #tpu.memory_space<hbm>>
      %dma_start3A_834 = arith.constant 0 : i32
      %dma_start3A_835 = tpu.memref_slice %arg6[%arg0, %add3A_775, %dma_start3A_834] : memref<2x10240x128xf32, #tpu.memory_space<hbm>> -> memref<1x80x128xf32, #tpu.memory_space<hbm>>
      %dma_start3A_836 = tpu.memref_squeeze %dma_start3A_835 : memref<1x80x128xf32, #tpu.memory_space<hbm>> -> memref<80x128xf32, #tpu.memory_space<hbm>>
      tpu.enqueue_dma source(%arg17 : memref<80x128xf32, #tpu.memory_space<vmem>>) target(%dma_start3A_836 : memref<80x128xf32, #tpu.memory_space<hbm>>) target_semaphore(%run_scoped3A : memref<!tpu.dma_semaphore, #tpu.memory_space<semaphore_mem>>)
      %dma_wait3A_837 = arith.constant 0 : i32
      %dma_wait3A_838 = tpu.memref_slice %arg6[%arg0, %add3A_775, %dma_wait3A_837] : memref<2x10240x128xf32, #tpu.memory_space<hbm>> -> memref<1x80x128xf32, #tpu.memory_space<hbm>>
      %dma_wait3A_839 = tpu.memref_squeeze %dma_wait3A_838 : memref<1x80x128xf32, #tpu.memory_space<hbm>> -> memref<80x128xf32, #tpu.memory_space<hbm>>
      %dma_wait3A_840 = arith.constant 0 : i32
      %dma_wait3A_841 = tpu.memref_slice %arg6[%arg0, %add3A_775, %dma_wait3A_840] : memref<2x10240x128xf32, #tpu.memory_space<hbm>> -> memref<1x80x128xf32, #tpu.memory_space<hbm>>
      %dma_wait3A_842 = tpu.memref_squeeze %dma_wait3A_841 : memref<1x80x128xf32, #tpu.memory_space<hbm>> -> memref<80x128xf32, #tpu.memory_space<hbm>>
      tpu.wait_dma2 semaphore(%run_scoped3A : memref<!tpu.dma_semaphore, #tpu.memory_space<semaphore_mem>>) src(%arg17 : memref<80x128xf32, #tpu.memory_space<vmem>>) dst(%dma_wait3A_842 : memref<80x128xf32, #tpu.memory_space<hbm>>)
      tpu.yield
    }) : () -> ()
    %add3A_776 = arith.constant 560 : i32
    %add3A_777 = arith.addi %mul3A_2, %add3A_776 : i32
    %add3A_778 = arith.constant 0 : i32
    %add3A_779 = arith.addi %add3A_777, %add3A_778 : i32
    %iota3A_780 = tpu.iota {dimensions = array<i32: 0>} : vector<16xi32>
    %add3A_781 = vector.broadcast %add3A_779 : i32 to vector<16xi32>
    %add3A_782 = arith.addi %add3A_781, %iota3A_780 : vector<16xi32>
    %swap3A_783 = arith.constant 0 : index
    %swap3A_784 = tpu.vector_load %arg13[%swap3A_783] {strides = array<i32>} : memref<80xi32, #tpu.memory_space<vmem>>, vector<16xi32>,
    %swap3A_785 = vector.shape_cast %swap3A_784 : vector<16xi32> to vector<16xi32>
    %swap3A_786 = vector.shape_cast %add3A_782 : vector<16xi32> to vector<16xi32>
    tpu.vector_store %arg13[%swap3A_783], %swap3A_786 {strides = array<i32>} : memref<80xi32, #tpu.memory_space<vmem>>, vector<16xi32>,
    %add3A_787 = arith.constant 16 : i32
    %add3A_788 = arith.addi %add3A_777, %add3A_787 : i32
    %iota3A_789 = tpu.iota {dimensions = array<i32: 0>} : vector<16xi32>
    %add3A_790 = vector.broadcast %add3A_788 : i32 to vector<16xi32>
    %add3A_791 = arith.addi %add3A_790, %iota3A_789 : vector<16xi32>
    %swap3A_792 = arith.constant 16 : index
    %swap3A_793 = tpu.vector_load %arg13[%swap3A_792] {strides = array<i32>} : memref<80xi32, #tpu.memory_space<vmem>>, vector<16xi32>,
    %swap3A_794 = vector.shape_cast %swap3A_793 : vector<16xi32> to vector<16xi32>
    %swap3A_795 = vector.shape_cast %add3A_791 : vector<16xi32> to vector<16xi32>
    tpu.vector_store %arg13[%swap3A_792], %swap3A_795 {strides = array<i32>} : memref<80xi32, #tpu.memory_space<vmem>>, vector<16xi32>,
    %add3A_796 = arith.constant 32 : i32
    %add3A_797 = arith.addi %add3A_777, %add3A_796 : i32
    %iota3A_798 = tpu.iota {dimensions = array<i32: 0>} : vector<16xi32>
    %add3A_799 = vector.broadcast %add3A_797 : i32 to vector<16xi32>
    %add3A_800 = arith.addi %add3A_799, %iota3A_798 : vector<16xi32>
    %swap3A_801 = arith.constant 32 : index
    %swap3A_802 = tpu.vector_load %arg13[%swap3A_801] {strides = array<i32>} : memref<80xi32, #tpu.memory_space<vmem>>, vector<16xi32>,
    %swap3A_803 = vector.shape_cast %swap3A_802 : vector<16xi32> to vector<16xi32>
    %swap3A_804 = vector.shape_cast %add3A_800 : vector<16xi32> to vector<16xi32>
    tpu.vector_store %arg13[%swap3A_801], %swap3A_804 {strides = array<i32>} : memref<80xi32, #tpu.memory_space<vmem>>, vector<16xi32>,
    %add3A_805 = arith.constant 48 : i32
    %add3A_806 = arith.addi %add3A_777, %add3A_805 : i32
    %iota3A_807 = tpu.iota {dimensions = array<i32: 0>} : vector<16xi32>
    %add3A_808 = vector.broadcast %add3A_806 : i32 to vector<16xi32>
    %add3A_809 = arith.addi %add3A_808, %iota3A_807 : vector<16xi32>
    %swap3A_810 = arith.constant 48 : index
    %swap3A_811 = tpu.vector_load %arg13[%swap3A_810] {strides = array<i32>} : memref<80xi32, #tpu.memory_space<vmem>>, vector<16xi32>,
    %swap3A_812 = vector.shape_cast %swap3A_811 : vector<16xi32> to vector<16xi32>
    %swap3A_813 = vector.shape_cast %add3A_809 : vector<16xi32> to vector<16xi32>
    tpu.vector_store %arg13[%swap3A_810], %swap3A_813 {strides = array<i32>} : memref<80xi32, #tpu.memory_space<vmem>>, vector<16xi32>,
    %add3A_814 = arith.constant 64 : i32
    %add3A_815 = arith.addi %add3A_777, %add3A_814 : i32
    %iota3A_816 = tpu.iota {dimensions = array<i32: 0>} : vector<16xi32>
    %add3A_817 = vector.broadcast %add3A_815 : i32 to vector<16xi32>
    %add3A_818 = arith.addi %add3A_817, %iota3A_816 : vector<16xi32>
    %swap3A_819 = arith.constant 64 : index
    %swap3A_820 = tpu.vector_load %arg13[%swap3A_819] {strides = array<i32>} : memref<80xi32, #tpu.memory_space<vmem>>, vector<16xi32>,
    %swap3A_821 = vector.shape_cast %swap3A_820 : vector<16xi32> to vector<16xi32>
    %swap3A_822 = vector.shape_cast %add3A_818 : vector<16xi32> to vector<16xi32>
    tpu.vector_store %arg13[%swap3A_819], %swap3A_822 {strides = array<i32>} : memref<80xi32, #tpu.memory_space<vmem>>, vector<16xi32>,
    %dma_start3A_823 = arith.constant 0 : i32
    %dma_start3A_824 = arith.constant 0 : i32
    %dma_start3A_825 = tpu.memref_slice %arg18[%dma_start3A_823, %dma_start3A_824] : memref<10240x128xf32, #tpu.memory_space<vmem_shared>> -> memref<10240x128xf32, #tpu.memory_space<vmem_shared>>
    tpu.enqueue_indirect_dma source(%dma_start3A_825 : memref<10240x128xf32, #tpu.memory_space<vmem_shared>>) target(%arg17 : memref<80x128xf32, #tpu.memory_space<vmem>>) offsets(%arg13 : memref<80xi32, #tpu.memory_space<vmem>>) semaphore(%arg19 : memref<!tpu.dma_semaphore, #tpu.memory_space<semaphore_mem>>)
    %dma_wait3A_826 = arith.constant 0 : i32
    %dma_wait3A_827 = arith.constant 0 : i32
    %dma_wait3A_828 = tpu.memref_slice %arg18[%dma_wait3A_826, %dma_wait3A_827] : memref<10240x128xf32, #tpu.memory_space<vmem_shared>> -> memref<10240x128xf32, #tpu.memory_space<vmem_shared>>
    tpu.wait_indirect_dma semaphore(%arg19 : memref<!tpu.dma_semaphore, #tpu.memory_space<semaphore_mem>>) src(%dma_wait3A_828 : memref<10240x128xf32, #tpu.memory_space<vmem_shared>>) dst(%arg17 : memref<80x128xf32, #tpu.memory_space<vmem>>)
    %add3A_829 = arith.constant 560 : i32
    %add3A_830 = arith.addi %mul3A_2, %add3A_829 : i32
    "tpu.region"() ({
      %run_scoped3A = tpu.sem_alloc : memref<!tpu.dma_semaphore, #tpu.memory_space<semaphore_mem>>
      %dma_start3A_831 = arith.constant 0 : i32
      %dma_start3A_832 = tpu.memref_slice %arg6[%arg0, %add3A_830, %dma_start3A_831] : memref<2x10240x128xf32, #tpu.memory_space<hbm>> -> memref<1x80x128xf32, #tpu.memory_space<hbm>>
      %dma_start3A_833 = tpu.memref_squeeze %dma_start3A_832 : memref<1x80x128xf32, #tpu.memory_space<hbm>> -> memref<80x128xf32, #tpu.memory_space<hbm>>
      %dma_start3A_834 = arith.constant 0 : i32
      %dma_start3A_835 = tpu.memref_slice %arg6[%arg0, %add3A_830, %dma_start3A_834] : memref<2x10240x128xf32, #tpu.memory_space<hbm>> -> memref<1x80x128xf32, #tpu.memory_space<hbm>>
      %dma_start3A_836 = tpu.memref_squeeze %dma_start3A_835 : memref<1x80x128xf32, #tpu.memory_space<hbm>> -> memref<80x128xf32, #tpu.memory_space<hbm>>
      tpu.enqueue_dma source(%arg17 : memref<80x128xf32, #tpu.memory_space<vmem>>) target(%dma_start3A_836 : memref<80x128xf32, #tpu.memory_space<hbm>>) target_semaphore(%run_scoped3A : memref<!tpu.dma_semaphore, #tpu.memory_space<semaphore_mem>>)
      %dma_wait3A_837 = arith.constant 0 : i32
      %dma_wait3A_838 = tpu.memref_slice %arg6[%arg0, %add3A_830, %dma_wait3A_837] : memref<2x10240x128xf32, #tpu.memory_space<hbm>> -> memref<1x80x128xf32, #tpu.memory_space<hbm>>
      %dma_wait3A_839 = tpu.memref_squeeze %dma_wait3A_838 : memref<1x80x128xf32, #tpu.memory_space<hbm>> -> memref<80x128xf32, #tpu.memory_space<hbm>>
      %dma_wait3A_840 = arith.constant 0 : i32
      %dma_wait3A_841 = tpu.memref_slice %arg6[%arg0, %add3A_830, %dma_wait3A_840] : memref<2x10240x128xf32, #tpu.memory_space<hbm>> -> memref<1x80x128xf32, #tpu.memory_space<hbm>>
      %dma_wait3A_842 = tpu.memref_squeeze %dma_wait3A_841 : memref<1x80x128xf32, #tpu.memory_space<hbm>> -> memref<80x128xf32, #tpu.memory_space<hbm>>
      tpu.wait_dma2 semaphore(%run_scoped3A : memref<!tpu.dma_semaphore, #tpu.memory_space<semaphore_mem>>) src(%arg17 : memref<80x128xf32, #tpu.memory_space<vmem>>) dst(%dma_wait3A_842 : memref<80x128xf32, #tpu.memory_space<hbm>>)
      tpu.yield
    }) : () -> ()
    return
  }
}

#map = affine_map<(d0, d1) -> (0)>
#map1 = affine_map<(d0, d1) -> (0, 0)>
#map2 = affine_map<(d0, d1) -> (0, 0, 0)>
module attributes {stable_mosaic.version = 14 : i64} {
  func.func @_cnt(%arg0: i32, %arg1: i32, %arg2: memref<320000xi32, #tpu.memory_space<hbm>>, %arg3: memref<80x128xf32, #tpu.memory_space<hbm>>, %arg4: memref<128x128xf32, #tpu.memory_space<hbm>>, %arg5: memref<2x10240x128xf32, #tpu.memory_space<hbm>>, %arg6: memref<128xi32, #tpu.memory_space<vmem>>, %arg7: memref<128xi32, #tpu.memory_space<vmem>>, %arg8: memref<16xi32, #tpu.memory_space<vmem>>, %arg9: memref<80xi32, #tpu.memory_space<vmem>>, %arg10: memref<128x128xf32, #tpu.memory_space<vmem>>, %arg11: memref<16x128xf32, #tpu.memory_space<vmem>>, %arg12: memref<80x128xf32, #tpu.memory_space<vmem>>, %arg13: memref<10240x128xf32, #tpu.memory_space<vmem_shared>>, %arg14: memref<!tpu.dma_semaphore, #tpu.memory_space<semaphore_mem>>, %arg15: memref<!tpu.dma_semaphore, #tpu.memory_space<semaphore_mem>>) attributes {dimension_semantics = [#tpu.dimension_semantics<core_parallel>, #tpu.dimension_semantics<subcore_parallel>], iteration_bounds = array<i64: 2, 16>, scalar_prefetch = 0 : i64, scratch_operands = 10 : i64, tpu.core_type = #tpu.core_type<sc_vector_subcore>, window_params = [{transform_indices = #map}, {transform_indices = #map1}, {transform_indices = #map1}, {transform_indices = #map2}]} {
    %mul3A = arith.constant 2 : i32
    %mul3A_0 = arith.muli %arg1, %mul3A : i32
    %add3A = arith.addi %mul3A_0, %arg0 : i32
    %mul3A_1 = arith.constant 640 : i32
    %mul3A_2 = arith.muli %arg1, %mul3A_1 : i32
    "tpu.region"() ({
      %run_scoped3A = tpu.sem_alloc : memref<!tpu.dma_semaphore, #tpu.memory_space<semaphore_mem>>
      tpu.enqueue_dma source(%arg3 : memref<80x128xf32, #tpu.memory_space<hbm>>) target(%arg12 : memref<80x128xf32, #tpu.memory_space<vmem>>) target_semaphore(%run_scoped3A : memref<!tpu.dma_semaphore, #tpu.memory_space<semaphore_mem>>)
      tpu.wait_dma2 semaphore(%run_scoped3A : memref<!tpu.dma_semaphore, #tpu.memory_space<semaphore_mem>>) src(%arg3 : memref<80x128xf32, #tpu.memory_space<hbm>>) dst(%arg12 : memref<80x128xf32, #tpu.memory_space<vmem>>)
      tpu.yield
    }) : () -> ()
    "tpu.region"() ({
      %run_scoped3A = tpu.sem_alloc : memref<!tpu.dma_semaphore, #tpu.memory_space<semaphore_mem>>
      tpu.enqueue_dma source(%arg4 : memref<128x128xf32, #tpu.memory_space<hbm>>) target(%arg10 : memref<128x128xf32, #tpu.memory_space<vmem>>) target_semaphore(%run_scoped3A : memref<!tpu.dma_semaphore, #tpu.memory_space<semaphore_mem>>)
      tpu.wait_dma2 semaphore(%run_scoped3A : memref<!tpu.dma_semaphore, #tpu.memory_space<semaphore_mem>>) src(%arg4 : memref<128x128xf32, #tpu.memory_space<hbm>>) dst(%arg10 : memref<128x128xf32, #tpu.memory_space<vmem>>)
      tpu.yield
    }) : () -> ()
    "tpu.region"() ({
      %run_scoped3A = tpu.sem_alloc : memref<!tpu.dma_semaphore, #tpu.memory_space<semaphore_mem>>
      %dma_start3A_825 = arith.constant 0 : i32
      %dma_start3A_826 = arith.constant 0 : i32
      %dma_start3A_827 = tpu.memref_slice %arg4[%dma_start3A_825, %dma_start3A_826] : memref<128x128xf32, #tpu.memory_space<hbm>> -> memref<16x128xf32, #tpu.memory_space<hbm>>
      %dma_start3A_828 = arith.constant 0 : i32
      %dma_start3A_829 = arith.constant 0 : i32
      %dma_start3A_830 = tpu.memref_slice %arg4[%dma_start3A_828, %dma_start3A_829] : memref<128x128xf32, #tpu.memory_space<hbm>> -> memref<16x128xf32, #tpu.memory_space<hbm>>
      tpu.enqueue_dma source(%dma_start3A_830 : memref<16x128xf32, #tpu.memory_space<hbm>>) target(%arg11 : memref<16x128xf32, #tpu.memory_space<vmem>>) target_semaphore(%run_scoped3A : memref<!tpu.dma_semaphore, #tpu.memory_space<semaphore_mem>>)
      %dma_wait3A_831 = arith.constant 0 : i32
      %dma_wait3A_832 = arith.constant 0 : i32
      %dma_wait3A_833 = tpu.memref_slice %arg4[%dma_wait3A_831, %dma_wait3A_832] : memref<128x128xf32, #tpu.memory_space<hbm>> -> memref<16x128xf32, #tpu.memory_space<hbm>>
      %dma_wait3A_834 = arith.constant 0 : i32
      %dma_wait3A_835 = arith.constant 0 : i32
      %dma_wait3A_836 = tpu.memref_slice %arg4[%dma_wait3A_834, %dma_wait3A_835] : memref<128x128xf32, #tpu.memory_space<hbm>> -> memref<16x128xf32, #tpu.memory_space<hbm>>
      tpu.wait_dma2 semaphore(%run_scoped3A : memref<!tpu.dma_semaphore, #tpu.memory_space<semaphore_mem>>) src(%dma_wait3A_836 : memref<16x128xf32, #tpu.memory_space<hbm>>) dst(%arg11 : memref<16x128xf32, #tpu.memory_space<vmem>>)
      tpu.yield
    }) : () -> ()
    %add3A_3 = arith.constant 0 : i32
    %add3A_4 = arith.addi %mul3A_2, %add3A_3 : i32
    %add3A_5 = arith.constant 0 : i32
    %add3A_6 = arith.addi %add3A_4, %add3A_5 : i32
    %iota3A = tpu.iota {dimensions = array<i32: 0>} : vector<16xi32>
    %add3A_7 = vector.broadcast %add3A_6 : i32 to vector<16xi32>
    %add3A_8 = arith.addi %add3A_7, %iota3A : vector<16xi32>
    %swap3A = arith.constant 0 : index
    %swap3A_9 = tpu.vector_load %arg9[%swap3A] {strides = array<i32>} : memref<80xi32, #tpu.memory_space<vmem>>, vector<16xi32>,
    %swap3A_10 = vector.shape_cast %swap3A_9 : vector<16xi32> to vector<16xi32>
    %swap3A_11 = vector.shape_cast %add3A_8 : vector<16xi32> to vector<16xi32>
    tpu.vector_store %arg9[%swap3A], %swap3A_11 {strides = array<i32>} : memref<80xi32, #tpu.memory_space<vmem>>, vector<16xi32>,
    %add3A_12 = arith.constant 16 : i32
    %add3A_13 = arith.addi %add3A_4, %add3A_12 : i32
    %iota3A_14 = tpu.iota {dimensions = array<i32: 0>} : vector<16xi32>
    %add3A_15 = vector.broadcast %add3A_13 : i32 to vector<16xi32>
    %add3A_16 = arith.addi %add3A_15, %iota3A_14 : vector<16xi32>
    %swap3A_17 = arith.constant 16 : index
    %swap3A_18 = tpu.vector_load %arg9[%swap3A_17] {strides = array<i32>} : memref<80xi32, #tpu.memory_space<vmem>>, vector<16xi32>,
    %swap3A_19 = vector.shape_cast %swap3A_18 : vector<16xi32> to vector<16xi32>
    %swap3A_20 = vector.shape_cast %add3A_16 : vector<16xi32> to vector<16xi32>
    tpu.vector_store %arg9[%swap3A_17], %swap3A_20 {strides = array<i32>} : memref<80xi32, #tpu.memory_space<vmem>>, vector<16xi32>,
    %add3A_21 = arith.constant 32 : i32
    %add3A_22 = arith.addi %add3A_4, %add3A_21 : i32
    %iota3A_23 = tpu.iota {dimensions = array<i32: 0>} : vector<16xi32>
    %add3A_24 = vector.broadcast %add3A_22 : i32 to vector<16xi32>
    %add3A_25 = arith.addi %add3A_24, %iota3A_23 : vector<16xi32>
    %swap3A_26 = arith.constant 32 : index
    %swap3A_27 = tpu.vector_load %arg9[%swap3A_26] {strides = array<i32>} : memref<80xi32, #tpu.memory_space<vmem>>, vector<16xi32>,
    %swap3A_28 = vector.shape_cast %swap3A_27 : vector<16xi32> to vector<16xi32>
    %swap3A_29 = vector.shape_cast %add3A_25 : vector<16xi32> to vector<16xi32>
    tpu.vector_store %arg9[%swap3A_26], %swap3A_29 {strides = array<i32>} : memref<80xi32, #tpu.memory_space<vmem>>, vector<16xi32>,
    %add3A_30 = arith.constant 48 : i32
    %add3A_31 = arith.addi %add3A_4, %add3A_30 : i32
    %iota3A_32 = tpu.iota {dimensions = array<i32: 0>} : vector<16xi32>
    %add3A_33 = vector.broadcast %add3A_31 : i32 to vector<16xi32>
    %add3A_34 = arith.addi %add3A_33, %iota3A_32 : vector<16xi32>
    %swap3A_35 = arith.constant 48 : index
    %swap3A_36 = tpu.vector_load %arg9[%swap3A_35] {strides = array<i32>} : memref<80xi32, #tpu.memory_space<vmem>>, vector<16xi32>,
    %swap3A_37 = vector.shape_cast %swap3A_36 : vector<16xi32> to vector<16xi32>
    %swap3A_38 = vector.shape_cast %add3A_34 : vector<16xi32> to vector<16xi32>
    tpu.vector_store %arg9[%swap3A_35], %swap3A_38 {strides = array<i32>} : memref<80xi32, #tpu.memory_space<vmem>>, vector<16xi32>,
    %add3A_39 = arith.constant 64 : i32
    %add3A_40 = arith.addi %add3A_4, %add3A_39 : i32
    %iota3A_41 = tpu.iota {dimensions = array<i32: 0>} : vector<16xi32>
    %add3A_42 = vector.broadcast %add3A_40 : i32 to vector<16xi32>
    %add3A_43 = arith.addi %add3A_42, %iota3A_41 : vector<16xi32>
    %swap3A_44 = arith.constant 64 : index
    %swap3A_45 = tpu.vector_load %arg9[%swap3A_44] {strides = array<i32>} : memref<80xi32, #tpu.memory_space<vmem>>, vector<16xi32>,
    %swap3A_46 = vector.shape_cast %swap3A_45 : vector<16xi32> to vector<16xi32>
    %swap3A_47 = vector.shape_cast %add3A_43 : vector<16xi32> to vector<16xi32>
    tpu.vector_store %arg9[%swap3A_44], %swap3A_47 {strides = array<i32>} : memref<80xi32, #tpu.memory_space<vmem>>, vector<16xi32>,
    "tpu.region"() ({
      %run_scoped3A = tpu.sem_alloc : memref<!tpu.dma_semaphore, #tpu.memory_space<semaphore_mem>>
      %dma_start3A_825 = arith.constant 0 : i32
      %dma_start3A_826 = arith.constant 0 : i32
      %dma_start3A_827 = tpu.memref_slice %arg13[%dma_start3A_825, %dma_start3A_826] : memref<10240x128xf32, #tpu.memory_space<vmem_shared>> -> memref<10240x128xf32, #tpu.memory_space<vmem_shared>>
      tpu.enqueue_indirect_dma source(%arg12 : memref<80x128xf32, #tpu.memory_space<vmem>>) target(%dma_start3A_827 : memref<10240x128xf32, #tpu.memory_space<vmem_shared>>) offsets(%arg9 : memref<80xi32, #tpu.memory_space<vmem>>) semaphore(%run_scoped3A : memref<!tpu.dma_semaphore, #tpu.memory_space<semaphore_mem>>)
      %dma_wait3A_828 = arith.constant 0 : i32
      %dma_wait3A_829 = arith.constant 0 : i32
      %dma_wait3A_830 = tpu.memref_slice %arg13[%dma_wait3A_828, %dma_wait3A_829] : memref<10240x128xf32, #tpu.memory_space<vmem_shared>> -> memref<10240x128xf32, #tpu.memory_space<vmem_shared>>
      tpu.wait_indirect_dma semaphore(%run_scoped3A : memref<!tpu.dma_semaphore, #tpu.memory_space<semaphore_mem>>) src(%arg12 : memref<80x128xf32, #tpu.memory_space<vmem>>) dst(%dma_wait3A_830 : memref<10240x128xf32, #tpu.memory_space<vmem_shared>>)
      tpu.yield
    }) : () -> ()
    %add3A_48 = arith.constant 80 : i32
    %add3A_49 = arith.addi %mul3A_2, %add3A_48 : i32
    %add3A_50 = arith.constant 0 : i32
    %add3A_51 = arith.addi %add3A_49, %add3A_50 : i32
    %iota3A_52 = tpu.iota {dimensions = array<i32: 0>} : vector<16xi32>
    %add3A_53 = vector.broadcast %add3A_51 : i32 to vector<16xi32>
    %add3A_54 = arith.addi %add3A_53, %iota3A_52 : vector<16xi32>
    %swap3A_55 = arith.constant 0 : index
    %swap3A_56 = tpu.vector_load %arg9[%swap3A_55] {strides = array<i32>} : memref<80xi32, #tpu.memory_space<vmem>>, vector<16xi32>,
    %swap3A_57 = vector.shape_cast %swap3A_56 : vector<16xi32> to vector<16xi32>
    %swap3A_58 = vector.shape_cast %add3A_54 : vector<16xi32> to vector<16xi32>
    tpu.vector_store %arg9[%swap3A_55], %swap3A_58 {strides = array<i32>} : memref<80xi32, #tpu.memory_space<vmem>>, vector<16xi32>,
    %add3A_59 = arith.constant 16 : i32
    %add3A_60 = arith.addi %add3A_49, %add3A_59 : i32
    %iota3A_61 = tpu.iota {dimensions = array<i32: 0>} : vector<16xi32>
    %add3A_62 = vector.broadcast %add3A_60 : i32 to vector<16xi32>
    %add3A_63 = arith.addi %add3A_62, %iota3A_61 : vector<16xi32>
    %swap3A_64 = arith.constant 16 : index
    %swap3A_65 = tpu.vector_load %arg9[%swap3A_64] {strides = array<i32>} : memref<80xi32, #tpu.memory_space<vmem>>, vector<16xi32>,
    %swap3A_66 = vector.shape_cast %swap3A_65 : vector<16xi32> to vector<16xi32>
    %swap3A_67 = vector.shape_cast %add3A_63 : vector<16xi32> to vector<16xi32>
    tpu.vector_store %arg9[%swap3A_64], %swap3A_67 {strides = array<i32>} : memref<80xi32, #tpu.memory_space<vmem>>, vector<16xi32>,
    %add3A_68 = arith.constant 32 : i32
    %add3A_69 = arith.addi %add3A_49, %add3A_68 : i32
    %iota3A_70 = tpu.iota {dimensions = array<i32: 0>} : vector<16xi32>
    %add3A_71 = vector.broadcast %add3A_69 : i32 to vector<16xi32>
    %add3A_72 = arith.addi %add3A_71, %iota3A_70 : vector<16xi32>
    %swap3A_73 = arith.constant 32 : index
    %swap3A_74 = tpu.vector_load %arg9[%swap3A_73] {strides = array<i32>} : memref<80xi32, #tpu.memory_space<vmem>>, vector<16xi32>,
    %swap3A_75 = vector.shape_cast %swap3A_74 : vector<16xi32> to vector<16xi32>
    %swap3A_76 = vector.shape_cast %add3A_72 : vector<16xi32> to vector<16xi32>
    tpu.vector_store %arg9[%swap3A_73], %swap3A_76 {strides = array<i32>} : memref<80xi32, #tpu.memory_space<vmem>>, vector<16xi32>,
    %add3A_77 = arith.constant 48 : i32
    %add3A_78 = arith.addi %add3A_49, %add3A_77 : i32
    %iota3A_79 = tpu.iota {dimensions = array<i32: 0>} : vector<16xi32>
    %add3A_80 = vector.broadcast %add3A_78 : i32 to vector<16xi32>
    %add3A_81 = arith.addi %add3A_80, %iota3A_79 : vector<16xi32>
    %swap3A_82 = arith.constant 48 : index
    %swap3A_83 = tpu.vector_load %arg9[%swap3A_82] {strides = array<i32>} : memref<80xi32, #tpu.memory_space<vmem>>, vector<16xi32>,
    %swap3A_84 = vector.shape_cast %swap3A_83 : vector<16xi32> to vector<16xi32>
    %swap3A_85 = vector.shape_cast %add3A_81 : vector<16xi32> to vector<16xi32>
    tpu.vector_store %arg9[%swap3A_82], %swap3A_85 {strides = array<i32>} : memref<80xi32, #tpu.memory_space<vmem>>, vector<16xi32>,
    %add3A_86 = arith.constant 64 : i32
    %add3A_87 = arith.addi %add3A_49, %add3A_86 : i32
    %iota3A_88 = tpu.iota {dimensions = array<i32: 0>} : vector<16xi32>
    %add3A_89 = vector.broadcast %add3A_87 : i32 to vector<16xi32>
    %add3A_90 = arith.addi %add3A_89, %iota3A_88 : vector<16xi32>
    %swap3A_91 = arith.constant 64 : index
    %swap3A_92 = tpu.vector_load %arg9[%swap3A_91] {strides = array<i32>} : memref<80xi32, #tpu.memory_space<vmem>>, vector<16xi32>,
    %swap3A_93 = vector.shape_cast %swap3A_92 : vector<16xi32> to vector<16xi32>
    %swap3A_94 = vector.shape_cast %add3A_90 : vector<16xi32> to vector<16xi32>
    tpu.vector_store %arg9[%swap3A_91], %swap3A_94 {strides = array<i32>} : memref<80xi32, #tpu.memory_space<vmem>>, vector<16xi32>,
    "tpu.region"() ({
      %run_scoped3A = tpu.sem_alloc : memref<!tpu.dma_semaphore, #tpu.memory_space<semaphore_mem>>
      %dma_start3A_825 = arith.constant 0 : i32
      %dma_start3A_826 = arith.constant 0 : i32
      %dma_start3A_827 = tpu.memref_slice %arg13[%dma_start3A_825, %dma_start3A_826] : memref<10240x128xf32, #tpu.memory_space<vmem_shared>> -> memref<10240x128xf32, #tpu.memory_space<vmem_shared>>
      tpu.enqueue_indirect_dma source(%arg12 : memref<80x128xf32, #tpu.memory_space<vmem>>) target(%dma_start3A_827 : memref<10240x128xf32, #tpu.memory_space<vmem_shared>>) offsets(%arg9 : memref<80xi32, #tpu.memory_space<vmem>>) semaphore(%run_scoped3A : memref<!tpu.dma_semaphore, #tpu.memory_space<semaphore_mem>>)
      %dma_wait3A_828 = arith.constant 0 : i32
      %dma_wait3A_829 = arith.constant 0 : i32
      %dma_wait3A_830 = tpu.memref_slice %arg13[%dma_wait3A_828, %dma_wait3A_829] : memref<10240x128xf32, #tpu.memory_space<vmem_shared>> -> memref<10240x128xf32, #tpu.memory_space<vmem_shared>>
      tpu.wait_indirect_dma semaphore(%run_scoped3A : memref<!tpu.dma_semaphore, #tpu.memory_space<semaphore_mem>>) src(%arg12 : memref<80x128xf32, #tpu.memory_space<vmem>>) dst(%dma_wait3A_830 : memref<10240x128xf32, #tpu.memory_space<vmem_shared>>)
      tpu.yield
    }) : () -> ()
    %add3A_95 = arith.constant 160 : i32
    %add3A_96 = arith.addi %mul3A_2, %add3A_95 : i32
    %add3A_97 = arith.constant 0 : i32
    %add3A_98 = arith.addi %add3A_96, %add3A_97 : i32
    %iota3A_99 = tpu.iota {dimensions = array<i32: 0>} : vector<16xi32>
    %add3A_100 = vector.broadcast %add3A_98 : i32 to vector<16xi32>
    %add3A_101 = arith.addi %add3A_100, %iota3A_99 : vector<16xi32>
    %swap3A_102 = arith.constant 0 : index
    %swap3A_103 = tpu.vector_load %arg9[%swap3A_102] {strides = array<i32>} : memref<80xi32, #tpu.memory_space<vmem>>, vector<16xi32>,
    %swap3A_104 = vector.shape_cast %swap3A_103 : vector<16xi32> to vector<16xi32>
    %swap3A_105 = vector.shape_cast %add3A_101 : vector<16xi32> to vector<16xi32>
    tpu.vector_store %arg9[%swap3A_102], %swap3A_105 {strides = array<i32>} : memref<80xi32, #tpu.memory_space<vmem>>, vector<16xi32>,
    %add3A_106 = arith.constant 16 : i32
    %add3A_107 = arith.addi %add3A_96, %add3A_106 : i32
    %iota3A_108 = tpu.iota {dimensions = array<i32: 0>} : vector<16xi32>
    %add3A_109 = vector.broadcast %add3A_107 : i32 to vector<16xi32>
    %add3A_110 = arith.addi %add3A_109, %iota3A_108 : vector<16xi32>
    %swap3A_111 = arith.constant 16 : index
    %swap3A_112 = tpu.vector_load %arg9[%swap3A_111] {strides = array<i32>} : memref<80xi32, #tpu.memory_space<vmem>>, vector<16xi32>,
    %swap3A_113 = vector.shape_cast %swap3A_112 : vector<16xi32> to vector<16xi32>
    %swap3A_114 = vector.shape_cast %add3A_110 : vector<16xi32> to vector<16xi32>
    tpu.vector_store %arg9[%swap3A_111], %swap3A_114 {strides = array<i32>} : memref<80xi32, #tpu.memory_space<vmem>>, vector<16xi32>,
    %add3A_115 = arith.constant 32 : i32
    %add3A_116 = arith.addi %add3A_96, %add3A_115 : i32
    %iota3A_117 = tpu.iota {dimensions = array<i32: 0>} : vector<16xi32>
    %add3A_118 = vector.broadcast %add3A_116 : i32 to vector<16xi32>
    %add3A_119 = arith.addi %add3A_118, %iota3A_117 : vector<16xi32>
    %swap3A_120 = arith.constant 32 : index
    %swap3A_121 = tpu.vector_load %arg9[%swap3A_120] {strides = array<i32>} : memref<80xi32, #tpu.memory_space<vmem>>, vector<16xi32>,
    %swap3A_122 = vector.shape_cast %swap3A_121 : vector<16xi32> to vector<16xi32>
    %swap3A_123 = vector.shape_cast %add3A_119 : vector<16xi32> to vector<16xi32>
    tpu.vector_store %arg9[%swap3A_120], %swap3A_123 {strides = array<i32>} : memref<80xi32, #tpu.memory_space<vmem>>, vector<16xi32>,
    %add3A_124 = arith.constant 48 : i32
    %add3A_125 = arith.addi %add3A_96, %add3A_124 : i32
    %iota3A_126 = tpu.iota {dimensions = array<i32: 0>} : vector<16xi32>
    %add3A_127 = vector.broadcast %add3A_125 : i32 to vector<16xi32>
    %add3A_128 = arith.addi %add3A_127, %iota3A_126 : vector<16xi32>
    %swap3A_129 = arith.constant 48 : index
    %swap3A_130 = tpu.vector_load %arg9[%swap3A_129] {strides = array<i32>} : memref<80xi32, #tpu.memory_space<vmem>>, vector<16xi32>,
    %swap3A_131 = vector.shape_cast %swap3A_130 : vector<16xi32> to vector<16xi32>
    %swap3A_132 = vector.shape_cast %add3A_128 : vector<16xi32> to vector<16xi32>
    tpu.vector_store %arg9[%swap3A_129], %swap3A_132 {strides = array<i32>} : memref<80xi32, #tpu.memory_space<vmem>>, vector<16xi32>,
    %add3A_133 = arith.constant 64 : i32
    %add3A_134 = arith.addi %add3A_96, %add3A_133 : i32
    %iota3A_135 = tpu.iota {dimensions = array<i32: 0>} : vector<16xi32>
    %add3A_136 = vector.broadcast %add3A_134 : i32 to vector<16xi32>
    %add3A_137 = arith.addi %add3A_136, %iota3A_135 : vector<16xi32>
    %swap3A_138 = arith.constant 64 : index
    %swap3A_139 = tpu.vector_load %arg9[%swap3A_138] {strides = array<i32>} : memref<80xi32, #tpu.memory_space<vmem>>, vector<16xi32>,
    %swap3A_140 = vector.shape_cast %swap3A_139 : vector<16xi32> to vector<16xi32>
    %swap3A_141 = vector.shape_cast %add3A_137 : vector<16xi32> to vector<16xi32>
    tpu.vector_store %arg9[%swap3A_138], %swap3A_141 {strides = array<i32>} : memref<80xi32, #tpu.memory_space<vmem>>, vector<16xi32>,
    "tpu.region"() ({
      %run_scoped3A = tpu.sem_alloc : memref<!tpu.dma_semaphore, #tpu.memory_space<semaphore_mem>>
      %dma_start3A_825 = arith.constant 0 : i32
      %dma_start3A_826 = arith.constant 0 : i32
      %dma_start3A_827 = tpu.memref_slice %arg13[%dma_start3A_825, %dma_start3A_826] : memref<10240x128xf32, #tpu.memory_space<vmem_shared>> -> memref<10240x128xf32, #tpu.memory_space<vmem_shared>>
      tpu.enqueue_indirect_dma source(%arg12 : memref<80x128xf32, #tpu.memory_space<vmem>>) target(%dma_start3A_827 : memref<10240x128xf32, #tpu.memory_space<vmem_shared>>) offsets(%arg9 : memref<80xi32, #tpu.memory_space<vmem>>) semaphore(%run_scoped3A : memref<!tpu.dma_semaphore, #tpu.memory_space<semaphore_mem>>)
      %dma_wait3A_828 = arith.constant 0 : i32
      %dma_wait3A_829 = arith.constant 0 : i32
      %dma_wait3A_830 = tpu.memref_slice %arg13[%dma_wait3A_828, %dma_wait3A_829] : memref<10240x128xf32, #tpu.memory_space<vmem_shared>> -> memref<10240x128xf32, #tpu.memory_space<vmem_shared>>
      tpu.wait_indirect_dma semaphore(%run_scoped3A : memref<!tpu.dma_semaphore, #tpu.memory_space<semaphore_mem>>) src(%arg12 : memref<80x128xf32, #tpu.memory_space<vmem>>) dst(%dma_wait3A_830 : memref<10240x128xf32, #tpu.memory_space<vmem_shared>>)
      tpu.yield
    }) : () -> ()
    %add3A_142 = arith.constant 240 : i32
    %add3A_143 = arith.addi %mul3A_2, %add3A_142 : i32
    %add3A_144 = arith.constant 0 : i32
    %add3A_145 = arith.addi %add3A_143, %add3A_144 : i32
    %iota3A_146 = tpu.iota {dimensions = array<i32: 0>} : vector<16xi32>
    %add3A_147 = vector.broadcast %add3A_145 : i32 to vector<16xi32>
    %add3A_148 = arith.addi %add3A_147, %iota3A_146 : vector<16xi32>
    %swap3A_149 = arith.constant 0 : index
    %swap3A_150 = tpu.vector_load %arg9[%swap3A_149] {strides = array<i32>} : memref<80xi32, #tpu.memory_space<vmem>>, vector<16xi32>,
    %swap3A_151 = vector.shape_cast %swap3A_150 : vector<16xi32> to vector<16xi32>
    %swap3A_152 = vector.shape_cast %add3A_148 : vector<16xi32> to vector<16xi32>
    tpu.vector_store %arg9[%swap3A_149], %swap3A_152 {strides = array<i32>} : memref<80xi32, #tpu.memory_space<vmem>>, vector<16xi32>,
    %add3A_153 = arith.constant 16 : i32
    %add3A_154 = arith.addi %add3A_143, %add3A_153 : i32
    %iota3A_155 = tpu.iota {dimensions = array<i32: 0>} : vector<16xi32>
    %add3A_156 = vector.broadcast %add3A_154 : i32 to vector<16xi32>
    %add3A_157 = arith.addi %add3A_156, %iota3A_155 : vector<16xi32>
    %swap3A_158 = arith.constant 16 : index
    %swap3A_159 = tpu.vector_load %arg9[%swap3A_158] {strides = array<i32>} : memref<80xi32, #tpu.memory_space<vmem>>, vector<16xi32>,
    %swap3A_160 = vector.shape_cast %swap3A_159 : vector<16xi32> to vector<16xi32>
    %swap3A_161 = vector.shape_cast %add3A_157 : vector<16xi32> to vector<16xi32>
    tpu.vector_store %arg9[%swap3A_158], %swap3A_161 {strides = array<i32>} : memref<80xi32, #tpu.memory_space<vmem>>, vector<16xi32>,
    %add3A_162 = arith.constant 32 : i32
    %add3A_163 = arith.addi %add3A_143, %add3A_162 : i32
    %iota3A_164 = tpu.iota {dimensions = array<i32: 0>} : vector<16xi32>
    %add3A_165 = vector.broadcast %add3A_163 : i32 to vector<16xi32>
    %add3A_166 = arith.addi %add3A_165, %iota3A_164 : vector<16xi32>
    %swap3A_167 = arith.constant 32 : index
    %swap3A_168 = tpu.vector_load %arg9[%swap3A_167] {strides = array<i32>} : memref<80xi32, #tpu.memory_space<vmem>>, vector<16xi32>,
    %swap3A_169 = vector.shape_cast %swap3A_168 : vector<16xi32> to vector<16xi32>
    %swap3A_170 = vector.shape_cast %add3A_166 : vector<16xi32> to vector<16xi32>
    tpu.vector_store %arg9[%swap3A_167], %swap3A_170 {strides = array<i32>} : memref<80xi32, #tpu.memory_space<vmem>>, vector<16xi32>,
    %add3A_171 = arith.constant 48 : i32
    %add3A_172 = arith.addi %add3A_143, %add3A_171 : i32
    %iota3A_173 = tpu.iota {dimensions = array<i32: 0>} : vector<16xi32>
    %add3A_174 = vector.broadcast %add3A_172 : i32 to vector<16xi32>
    %add3A_175 = arith.addi %add3A_174, %iota3A_173 : vector<16xi32>
    %swap3A_176 = arith.constant 48 : index
    %swap3A_177 = tpu.vector_load %arg9[%swap3A_176] {strides = array<i32>} : memref<80xi32, #tpu.memory_space<vmem>>, vector<16xi32>,
    %swap3A_178 = vector.shape_cast %swap3A_177 : vector<16xi32> to vector<16xi32>
    %swap3A_179 = vector.shape_cast %add3A_175 : vector<16xi32> to vector<16xi32>
    tpu.vector_store %arg9[%swap3A_176], %swap3A_179 {strides = array<i32>} : memref<80xi32, #tpu.memory_space<vmem>>, vector<16xi32>,
    %add3A_180 = arith.constant 64 : i32
    %add3A_181 = arith.addi %add3A_143, %add3A_180 : i32
    %iota3A_182 = tpu.iota {dimensions = array<i32: 0>} : vector<16xi32>
    %add3A_183 = vector.broadcast %add3A_181 : i32 to vector<16xi32>
    %add3A_184 = arith.addi %add3A_183, %iota3A_182 : vector<16xi32>
    %swap3A_185 = arith.constant 64 : index
    %swap3A_186 = tpu.vector_load %arg9[%swap3A_185] {strides = array<i32>} : memref<80xi32, #tpu.memory_space<vmem>>, vector<16xi32>,
    %swap3A_187 = vector.shape_cast %swap3A_186 : vector<16xi32> to vector<16xi32>
    %swap3A_188 = vector.shape_cast %add3A_184 : vector<16xi32> to vector<16xi32>
    tpu.vector_store %arg9[%swap3A_185], %swap3A_188 {strides = array<i32>} : memref<80xi32, #tpu.memory_space<vmem>>, vector<16xi32>,
    "tpu.region"() ({
      %run_scoped3A = tpu.sem_alloc : memref<!tpu.dma_semaphore, #tpu.memory_space<semaphore_mem>>
      %dma_start3A_825 = arith.constant 0 : i32
      %dma_start3A_826 = arith.constant 0 : i32
      %dma_start3A_827 = tpu.memref_slice %arg13[%dma_start3A_825, %dma_start3A_826] : memref<10240x128xf32, #tpu.memory_space<vmem_shared>> -> memref<10240x128xf32, #tpu.memory_space<vmem_shared>>
      tpu.enqueue_indirect_dma source(%arg12 : memref<80x128xf32, #tpu.memory_space<vmem>>) target(%dma_start3A_827 : memref<10240x128xf32, #tpu.memory_space<vmem_shared>>) offsets(%arg9 : memref<80xi32, #tpu.memory_space<vmem>>) semaphore(%run_scoped3A : memref<!tpu.dma_semaphore, #tpu.memory_space<semaphore_mem>>)
      %dma_wait3A_828 = arith.constant 0 : i32
      %dma_wait3A_829 = arith.constant 0 : i32
      %dma_wait3A_830 = tpu.memref_slice %arg13[%dma_wait3A_828, %dma_wait3A_829] : memref<10240x128xf32, #tpu.memory_space<vmem_shared>> -> memref<10240x128xf32, #tpu.memory_space<vmem_shared>>
      tpu.wait_indirect_dma semaphore(%run_scoped3A : memref<!tpu.dma_semaphore, #tpu.memory_space<semaphore_mem>>) src(%arg12 : memref<80x128xf32, #tpu.memory_space<vmem>>) dst(%dma_wait3A_830 : memref<10240x128xf32, #tpu.memory_space<vmem_shared>>)
      tpu.yield
    }) : () -> ()
    %add3A_189 = arith.constant 320 : i32
    %add3A_190 = arith.addi %mul3A_2, %add3A_189 : i32
    %add3A_191 = arith.constant 0 : i32
    %add3A_192 = arith.addi %add3A_190, %add3A_191 : i32
    %iota3A_193 = tpu.iota {dimensions = array<i32: 0>} : vector<16xi32>
    %add3A_194 = vector.broadcast %add3A_192 : i32 to vector<16xi32>
    %add3A_195 = arith.addi %add3A_194, %iota3A_193 : vector<16xi32>
    %swap3A_196 = arith.constant 0 : index
    %swap3A_197 = tpu.vector_load %arg9[%swap3A_196] {strides = array<i32>} : memref<80xi32, #tpu.memory_space<vmem>>, vector<16xi32>,
    %swap3A_198 = vector.shape_cast %swap3A_197 : vector<16xi32> to vector<16xi32>
    %swap3A_199 = vector.shape_cast %add3A_195 : vector<16xi32> to vector<16xi32>
    tpu.vector_store %arg9[%swap3A_196], %swap3A_199 {strides = array<i32>} : memref<80xi32, #tpu.memory_space<vmem>>, vector<16xi32>,
    %add3A_200 = arith.constant 16 : i32
    %add3A_201 = arith.addi %add3A_190, %add3A_200 : i32
    %iota3A_202 = tpu.iota {dimensions = array<i32: 0>} : vector<16xi32>
    %add3A_203 = vector.broadcast %add3A_201 : i32 to vector<16xi32>
    %add3A_204 = arith.addi %add3A_203, %iota3A_202 : vector<16xi32>
    %swap3A_205 = arith.constant 16 : index
    %swap3A_206 = tpu.vector_load %arg9[%swap3A_205] {strides = array<i32>} : memref<80xi32, #tpu.memory_space<vmem>>, vector<16xi32>,
    %swap3A_207 = vector.shape_cast %swap3A_206 : vector<16xi32> to vector<16xi32>
    %swap3A_208 = vector.shape_cast %add3A_204 : vector<16xi32> to vector<16xi32>
    tpu.vector_store %arg9[%swap3A_205], %swap3A_208 {strides = array<i32>} : memref<80xi32, #tpu.memory_space<vmem>>, vector<16xi32>,
    %add3A_209 = arith.constant 32 : i32
    %add3A_210 = arith.addi %add3A_190, %add3A_209 : i32
    %iota3A_211 = tpu.iota {dimensions = array<i32: 0>} : vector<16xi32>
    %add3A_212 = vector.broadcast %add3A_210 : i32 to vector<16xi32>
    %add3A_213 = arith.addi %add3A_212, %iota3A_211 : vector<16xi32>
    %swap3A_214 = arith.constant 32 : index
    %swap3A_215 = tpu.vector_load %arg9[%swap3A_214] {strides = array<i32>} : memref<80xi32, #tpu.memory_space<vmem>>, vector<16xi32>,
    %swap3A_216 = vector.shape_cast %swap3A_215 : vector<16xi32> to vector<16xi32>
    %swap3A_217 = vector.shape_cast %add3A_213 : vector<16xi32> to vector<16xi32>
    tpu.vector_store %arg9[%swap3A_214], %swap3A_217 {strides = array<i32>} : memref<80xi32, #tpu.memory_space<vmem>>, vector<16xi32>,
    %add3A_218 = arith.constant 48 : i32
    %add3A_219 = arith.addi %add3A_190, %add3A_218 : i32
    %iota3A_220 = tpu.iota {dimensions = array<i32: 0>} : vector<16xi32>
    %add3A_221 = vector.broadcast %add3A_219 : i32 to vector<16xi32>
    %add3A_222 = arith.addi %add3A_221, %iota3A_220 : vector<16xi32>
    %swap3A_223 = arith.constant 48 : index
    %swap3A_224 = tpu.vector_load %arg9[%swap3A_223] {strides = array<i32>} : memref<80xi32, #tpu.memory_space<vmem>>, vector<16xi32>,
    %swap3A_225 = vector.shape_cast %swap3A_224 : vector<16xi32> to vector<16xi32>
    %swap3A_226 = vector.shape_cast %add3A_222 : vector<16xi32> to vector<16xi32>
    tpu.vector_store %arg9[%swap3A_223], %swap3A_226 {strides = array<i32>} : memref<80xi32, #tpu.memory_space<vmem>>, vector<16xi32>,
    %add3A_227 = arith.constant 64 : i32
    %add3A_228 = arith.addi %add3A_190, %add3A_227 : i32
    %iota3A_229 = tpu.iota {dimensions = array<i32: 0>} : vector<16xi32>
    %add3A_230 = vector.broadcast %add3A_228 : i32 to vector<16xi32>
    %add3A_231 = arith.addi %add3A_230, %iota3A_229 : vector<16xi32>
    %swap3A_232 = arith.constant 64 : index
    %swap3A_233 = tpu.vector_load %arg9[%swap3A_232] {strides = array<i32>} : memref<80xi32, #tpu.memory_space<vmem>>, vector<16xi32>,
    %swap3A_234 = vector.shape_cast %swap3A_233 : vector<16xi32> to vector<16xi32>
    %swap3A_235 = vector.shape_cast %add3A_231 : vector<16xi32> to vector<16xi32>
    tpu.vector_store %arg9[%swap3A_232], %swap3A_235 {strides = array<i32>} : memref<80xi32, #tpu.memory_space<vmem>>, vector<16xi32>,
    "tpu.region"() ({
      %run_scoped3A = tpu.sem_alloc : memref<!tpu.dma_semaphore, #tpu.memory_space<semaphore_mem>>
      %dma_start3A_825 = arith.constant 0 : i32
      %dma_start3A_826 = arith.constant 0 : i32
      %dma_start3A_827 = tpu.memref_slice %arg13[%dma_start3A_825, %dma_start3A_826] : memref<10240x128xf32, #tpu.memory_space<vmem_shared>> -> memref<10240x128xf32, #tpu.memory_space<vmem_shared>>
      tpu.enqueue_indirect_dma source(%arg12 : memref<80x128xf32, #tpu.memory_space<vmem>>) target(%dma_start3A_827 : memref<10240x128xf32, #tpu.memory_space<vmem_shared>>) offsets(%arg9 : memref<80xi32, #tpu.memory_space<vmem>>) semaphore(%run_scoped3A : memref<!tpu.dma_semaphore, #tpu.memory_space<semaphore_mem>>)
      %dma_wait3A_828 = arith.constant 0 : i32
      %dma_wait3A_829 = arith.constant 0 : i32
      %dma_wait3A_830 = tpu.memref_slice %arg13[%dma_wait3A_828, %dma_wait3A_829] : memref<10240x128xf32, #tpu.memory_space<vmem_shared>> -> memref<10240x128xf32, #tpu.memory_space<vmem_shared>>
      tpu.wait_indirect_dma semaphore(%run_scoped3A : memref<!tpu.dma_semaphore, #tpu.memory_space<semaphore_mem>>) src(%arg12 : memref<80x128xf32, #tpu.memory_space<vmem>>) dst(%dma_wait3A_830 : memref<10240x128xf32, #tpu.memory_space<vmem_shared>>)
      tpu.yield
    }) : () -> ()
    %add3A_236 = arith.constant 400 : i32
    %add3A_237 = arith.addi %mul3A_2, %add3A_236 : i32
    %add3A_238 = arith.constant 0 : i32
    %add3A_239 = arith.addi %add3A_237, %add3A_238 : i32
    %iota3A_240 = tpu.iota {dimensions = array<i32: 0>} : vector<16xi32>
    %add3A_241 = vector.broadcast %add3A_239 : i32 to vector<16xi32>
    %add3A_242 = arith.addi %add3A_241, %iota3A_240 : vector<16xi32>
    %swap3A_243 = arith.constant 0 : index
    %swap3A_244 = tpu.vector_load %arg9[%swap3A_243] {strides = array<i32>} : memref<80xi32, #tpu.memory_space<vmem>>, vector<16xi32>,
    %swap3A_245 = vector.shape_cast %swap3A_244 : vector<16xi32> to vector<16xi32>
    %swap3A_246 = vector.shape_cast %add3A_242 : vector<16xi32> to vector<16xi32>
    tpu.vector_store %arg9[%swap3A_243], %swap3A_246 {strides = array<i32>} : memref<80xi32, #tpu.memory_space<vmem>>, vector<16xi32>,
    %add3A_247 = arith.constant 16 : i32
    %add3A_248 = arith.addi %add3A_237, %add3A_247 : i32
    %iota3A_249 = tpu.iota {dimensions = array<i32: 0>} : vector<16xi32>
    %add3A_250 = vector.broadcast %add3A_248 : i32 to vector<16xi32>
    %add3A_251 = arith.addi %add3A_250, %iota3A_249 : vector<16xi32>
    %swap3A_252 = arith.constant 16 : index
    %swap3A_253 = tpu.vector_load %arg9[%swap3A_252] {strides = array<i32>} : memref<80xi32, #tpu.memory_space<vmem>>, vector<16xi32>,
    %swap3A_254 = vector.shape_cast %swap3A_253 : vector<16xi32> to vector<16xi32>
    %swap3A_255 = vector.shape_cast %add3A_251 : vector<16xi32> to vector<16xi32>
    tpu.vector_store %arg9[%swap3A_252], %swap3A_255 {strides = array<i32>} : memref<80xi32, #tpu.memory_space<vmem>>, vector<16xi32>,
    %add3A_256 = arith.constant 32 : i32
    %add3A_257 = arith.addi %add3A_237, %add3A_256 : i32
    %iota3A_258 = tpu.iota {dimensions = array<i32: 0>} : vector<16xi32>
    %add3A_259 = vector.broadcast %add3A_257 : i32 to vector<16xi32>
    %add3A_260 = arith.addi %add3A_259, %iota3A_258 : vector<16xi32>
    %swap3A_261 = arith.constant 32 : index
    %swap3A_262 = tpu.vector_load %arg9[%swap3A_261] {strides = array<i32>} : memref<80xi32, #tpu.memory_space<vmem>>, vector<16xi32>,
    %swap3A_263 = vector.shape_cast %swap3A_262 : vector<16xi32> to vector<16xi32>
    %swap3A_264 = vector.shape_cast %add3A_260 : vector<16xi32> to vector<16xi32>
    tpu.vector_store %arg9[%swap3A_261], %swap3A_264 {strides = array<i32>} : memref<80xi32, #tpu.memory_space<vmem>>, vector<16xi32>,
    %add3A_265 = arith.constant 48 : i32
    %add3A_266 = arith.addi %add3A_237, %add3A_265 : i32
    %iota3A_267 = tpu.iota {dimensions = array<i32: 0>} : vector<16xi32>
    %add3A_268 = vector.broadcast %add3A_266 : i32 to vector<16xi32>
    %add3A_269 = arith.addi %add3A_268, %iota3A_267 : vector<16xi32>
    %swap3A_270 = arith.constant 48 : index
    %swap3A_271 = tpu.vector_load %arg9[%swap3A_270] {strides = array<i32>} : memref<80xi32, #tpu.memory_space<vmem>>, vector<16xi32>,
    %swap3A_272 = vector.shape_cast %swap3A_271 : vector<16xi32> to vector<16xi32>
    %swap3A_273 = vector.shape_cast %add3A_269 : vector<16xi32> to vector<16xi32>
    tpu.vector_store %arg9[%swap3A_270], %swap3A_273 {strides = array<i32>} : memref<80xi32, #tpu.memory_space<vmem>>, vector<16xi32>,
    %add3A_274 = arith.constant 64 : i32
    %add3A_275 = arith.addi %add3A_237, %add3A_274 : i32
    %iota3A_276 = tpu.iota {dimensions = array<i32: 0>} : vector<16xi32>
    %add3A_277 = vector.broadcast %add3A_275 : i32 to vector<16xi32>
    %add3A_278 = arith.addi %add3A_277, %iota3A_276 : vector<16xi32>
    %swap3A_279 = arith.constant 64 : index
    %swap3A_280 = tpu.vector_load %arg9[%swap3A_279] {strides = array<i32>} : memref<80xi32, #tpu.memory_space<vmem>>, vector<16xi32>,
    %swap3A_281 = vector.shape_cast %swap3A_280 : vector<16xi32> to vector<16xi32>
    %swap3A_282 = vector.shape_cast %add3A_278 : vector<16xi32> to vector<16xi32>
    tpu.vector_store %arg9[%swap3A_279], %swap3A_282 {strides = array<i32>} : memref<80xi32, #tpu.memory_space<vmem>>, vector<16xi32>,
    "tpu.region"() ({
      %run_scoped3A = tpu.sem_alloc : memref<!tpu.dma_semaphore, #tpu.memory_space<semaphore_mem>>
      %dma_start3A_825 = arith.constant 0 : i32
      %dma_start3A_826 = arith.constant 0 : i32
      %dma_start3A_827 = tpu.memref_slice %arg13[%dma_start3A_825, %dma_start3A_826] : memref<10240x128xf32, #tpu.memory_space<vmem_shared>> -> memref<10240x128xf32, #tpu.memory_space<vmem_shared>>
      tpu.enqueue_indirect_dma source(%arg12 : memref<80x128xf32, #tpu.memory_space<vmem>>) target(%dma_start3A_827 : memref<10240x128xf32, #tpu.memory_space<vmem_shared>>) offsets(%arg9 : memref<80xi32, #tpu.memory_space<vmem>>) semaphore(%run_scoped3A : memref<!tpu.dma_semaphore, #tpu.memory_space<semaphore_mem>>)
      %dma_wait3A_828 = arith.constant 0 : i32
      %dma_wait3A_829 = arith.constant 0 : i32
      %dma_wait3A_830 = tpu.memref_slice %arg13[%dma_wait3A_828, %dma_wait3A_829] : memref<10240x128xf32, #tpu.memory_space<vmem_shared>> -> memref<10240x128xf32, #tpu.memory_space<vmem_shared>>
      tpu.wait_indirect_dma semaphore(%run_scoped3A : memref<!tpu.dma_semaphore, #tpu.memory_space<semaphore_mem>>) src(%arg12 : memref<80x128xf32, #tpu.memory_space<vmem>>) dst(%dma_wait3A_830 : memref<10240x128xf32, #tpu.memory_space<vmem_shared>>)
      tpu.yield
    }) : () -> ()
    %add3A_283 = arith.constant 480 : i32
    %add3A_284 = arith.addi %mul3A_2, %add3A_283 : i32
    %add3A_285 = arith.constant 0 : i32
    %add3A_286 = arith.addi %add3A_284, %add3A_285 : i32
    %iota3A_287 = tpu.iota {dimensions = array<i32: 0>} : vector<16xi32>
    %add3A_288 = vector.broadcast %add3A_286 : i32 to vector<16xi32>
    %add3A_289 = arith.addi %add3A_288, %iota3A_287 : vector<16xi32>
    %swap3A_290 = arith.constant 0 : index
    %swap3A_291 = tpu.vector_load %arg9[%swap3A_290] {strides = array<i32>} : memref<80xi32, #tpu.memory_space<vmem>>, vector<16xi32>,
    %swap3A_292 = vector.shape_cast %swap3A_291 : vector<16xi32> to vector<16xi32>
    %swap3A_293 = vector.shape_cast %add3A_289 : vector<16xi32> to vector<16xi32>
    tpu.vector_store %arg9[%swap3A_290], %swap3A_293 {strides = array<i32>} : memref<80xi32, #tpu.memory_space<vmem>>, vector<16xi32>,
    %add3A_294 = arith.constant 16 : i32
    %add3A_295 = arith.addi %add3A_284, %add3A_294 : i32
    %iota3A_296 = tpu.iota {dimensions = array<i32: 0>} : vector<16xi32>
    %add3A_297 = vector.broadcast %add3A_295 : i32 to vector<16xi32>
    %add3A_298 = arith.addi %add3A_297, %iota3A_296 : vector<16xi32>
    %swap3A_299 = arith.constant 16 : index
    %swap3A_300 = tpu.vector_load %arg9[%swap3A_299] {strides = array<i32>} : memref<80xi32, #tpu.memory_space<vmem>>, vector<16xi32>,
    %swap3A_301 = vector.shape_cast %swap3A_300 : vector<16xi32> to vector<16xi32>
    %swap3A_302 = vector.shape_cast %add3A_298 : vector<16xi32> to vector<16xi32>
    tpu.vector_store %arg9[%swap3A_299], %swap3A_302 {strides = array<i32>} : memref<80xi32, #tpu.memory_space<vmem>>, vector<16xi32>,
    %add3A_303 = arith.constant 32 : i32
    %add3A_304 = arith.addi %add3A_284, %add3A_303 : i32
    %iota3A_305 = tpu.iota {dimensions = array<i32: 0>} : vector<16xi32>
    %add3A_306 = vector.broadcast %add3A_304 : i32 to vector<16xi32>
    %add3A_307 = arith.addi %add3A_306, %iota3A_305 : vector<16xi32>
    %swap3A_308 = arith.constant 32 : index
    %swap3A_309 = tpu.vector_load %arg9[%swap3A_308] {strides = array<i32>} : memref<80xi32, #tpu.memory_space<vmem>>, vector<16xi32>,
    %swap3A_310 = vector.shape_cast %swap3A_309 : vector<16xi32> to vector<16xi32>
    %swap3A_311 = vector.shape_cast %add3A_307 : vector<16xi32> to vector<16xi32>
    tpu.vector_store %arg9[%swap3A_308], %swap3A_311 {strides = array<i32>} : memref<80xi32, #tpu.memory_space<vmem>>, vector<16xi32>,
    %add3A_312 = arith.constant 48 : i32
    %add3A_313 = arith.addi %add3A_284, %add3A_312 : i32
    %iota3A_314 = tpu.iota {dimensions = array<i32: 0>} : vector<16xi32>
    %add3A_315 = vector.broadcast %add3A_313 : i32 to vector<16xi32>
    %add3A_316 = arith.addi %add3A_315, %iota3A_314 : vector<16xi32>
    %swap3A_317 = arith.constant 48 : index
    %swap3A_318 = tpu.vector_load %arg9[%swap3A_317] {strides = array<i32>} : memref<80xi32, #tpu.memory_space<vmem>>, vector<16xi32>,
    %swap3A_319 = vector.shape_cast %swap3A_318 : vector<16xi32> to vector<16xi32>
    %swap3A_320 = vector.shape_cast %add3A_316 : vector<16xi32> to vector<16xi32>
    tpu.vector_store %arg9[%swap3A_317], %swap3A_320 {strides = array<i32>} : memref<80xi32, #tpu.memory_space<vmem>>, vector<16xi32>,
    %add3A_321 = arith.constant 64 : i32
    %add3A_322 = arith.addi %add3A_284, %add3A_321 : i32
    %iota3A_323 = tpu.iota {dimensions = array<i32: 0>} : vector<16xi32>
    %add3A_324 = vector.broadcast %add3A_322 : i32 to vector<16xi32>
    %add3A_325 = arith.addi %add3A_324, %iota3A_323 : vector<16xi32>
    %swap3A_326 = arith.constant 64 : index
    %swap3A_327 = tpu.vector_load %arg9[%swap3A_326] {strides = array<i32>} : memref<80xi32, #tpu.memory_space<vmem>>, vector<16xi32>,
    %swap3A_328 = vector.shape_cast %swap3A_327 : vector<16xi32> to vector<16xi32>
    %swap3A_329 = vector.shape_cast %add3A_325 : vector<16xi32> to vector<16xi32>
    tpu.vector_store %arg9[%swap3A_326], %swap3A_329 {strides = array<i32>} : memref<80xi32, #tpu.memory_space<vmem>>, vector<16xi32>,
    "tpu.region"() ({
      %run_scoped3A = tpu.sem_alloc : memref<!tpu.dma_semaphore, #tpu.memory_space<semaphore_mem>>
      %dma_start3A_825 = arith.constant 0 : i32
      %dma_start3A_826 = arith.constant 0 : i32
      %dma_start3A_827 = tpu.memref_slice %arg13[%dma_start3A_825, %dma_start3A_826] : memref<10240x128xf32, #tpu.memory_space<vmem_shared>> -> memref<10240x128xf32, #tpu.memory_space<vmem_shared>>
      tpu.enqueue_indirect_dma source(%arg12 : memref<80x128xf32, #tpu.memory_space<vmem>>) target(%dma_start3A_827 : memref<10240x128xf32, #tpu.memory_space<vmem_shared>>) offsets(%arg9 : memref<80xi32, #tpu.memory_space<vmem>>) semaphore(%run_scoped3A : memref<!tpu.dma_semaphore, #tpu.memory_space<semaphore_mem>>)
      %dma_wait3A_828 = arith.constant 0 : i32
      %dma_wait3A_829 = arith.constant 0 : i32
      %dma_wait3A_830 = tpu.memref_slice %arg13[%dma_wait3A_828, %dma_wait3A_829] : memref<10240x128xf32, #tpu.memory_space<vmem_shared>> -> memref<10240x128xf32, #tpu.memory_space<vmem_shared>>
      tpu.wait_indirect_dma semaphore(%run_scoped3A : memref<!tpu.dma_semaphore, #tpu.memory_space<semaphore_mem>>) src(%arg12 : memref<80x128xf32, #tpu.memory_space<vmem>>) dst(%dma_wait3A_830 : memref<10240x128xf32, #tpu.memory_space<vmem_shared>>)
      tpu.yield
    }) : () -> ()
    %add3A_330 = arith.constant 560 : i32
    %add3A_331 = arith.addi %mul3A_2, %add3A_330 : i32
    %add3A_332 = arith.constant 0 : i32
    %add3A_333 = arith.addi %add3A_331, %add3A_332 : i32
    %iota3A_334 = tpu.iota {dimensions = array<i32: 0>} : vector<16xi32>
    %add3A_335 = vector.broadcast %add3A_333 : i32 to vector<16xi32>
    %add3A_336 = arith.addi %add3A_335, %iota3A_334 : vector<16xi32>
    %swap3A_337 = arith.constant 0 : index
    %swap3A_338 = tpu.vector_load %arg9[%swap3A_337] {strides = array<i32>} : memref<80xi32, #tpu.memory_space<vmem>>, vector<16xi32>,
    %swap3A_339 = vector.shape_cast %swap3A_338 : vector<16xi32> to vector<16xi32>
    %swap3A_340 = vector.shape_cast %add3A_336 : vector<16xi32> to vector<16xi32>
    tpu.vector_store %arg9[%swap3A_337], %swap3A_340 {strides = array<i32>} : memref<80xi32, #tpu.memory_space<vmem>>, vector<16xi32>,
    %add3A_341 = arith.constant 16 : i32
    %add3A_342 = arith.addi %add3A_331, %add3A_341 : i32
    %iota3A_343 = tpu.iota {dimensions = array<i32: 0>} : vector<16xi32>
    %add3A_344 = vector.broadcast %add3A_342 : i32 to vector<16xi32>
    %add3A_345 = arith.addi %add3A_344, %iota3A_343 : vector<16xi32>
    %swap3A_346 = arith.constant 16 : index
    %swap3A_347 = tpu.vector_load %arg9[%swap3A_346] {strides = array<i32>} : memref<80xi32, #tpu.memory_space<vmem>>, vector<16xi32>,
    %swap3A_348 = vector.shape_cast %swap3A_347 : vector<16xi32> to vector<16xi32>
    %swap3A_349 = vector.shape_cast %add3A_345 : vector<16xi32> to vector<16xi32>
    tpu.vector_store %arg9[%swap3A_346], %swap3A_349 {strides = array<i32>} : memref<80xi32, #tpu.memory_space<vmem>>, vector<16xi32>,
    %add3A_350 = arith.constant 32 : i32
    %add3A_351 = arith.addi %add3A_331, %add3A_350 : i32
    %iota3A_352 = tpu.iota {dimensions = array<i32: 0>} : vector<16xi32>
    %add3A_353 = vector.broadcast %add3A_351 : i32 to vector<16xi32>
    %add3A_354 = arith.addi %add3A_353, %iota3A_352 : vector<16xi32>
    %swap3A_355 = arith.constant 32 : index
    %swap3A_356 = tpu.vector_load %arg9[%swap3A_355] {strides = array<i32>} : memref<80xi32, #tpu.memory_space<vmem>>, vector<16xi32>,
    %swap3A_357 = vector.shape_cast %swap3A_356 : vector<16xi32> to vector<16xi32>
    %swap3A_358 = vector.shape_cast %add3A_354 : vector<16xi32> to vector<16xi32>
    tpu.vector_store %arg9[%swap3A_355], %swap3A_358 {strides = array<i32>} : memref<80xi32, #tpu.memory_space<vmem>>, vector<16xi32>,
    %add3A_359 = arith.constant 48 : i32
    %add3A_360 = arith.addi %add3A_331, %add3A_359 : i32
    %iota3A_361 = tpu.iota {dimensions = array<i32: 0>} : vector<16xi32>
    %add3A_362 = vector.broadcast %add3A_360 : i32 to vector<16xi32>
    %add3A_363 = arith.addi %add3A_362, %iota3A_361 : vector<16xi32>
    %swap3A_364 = arith.constant 48 : index
    %swap3A_365 = tpu.vector_load %arg9[%swap3A_364] {strides = array<i32>} : memref<80xi32, #tpu.memory_space<vmem>>, vector<16xi32>,
    %swap3A_366 = vector.shape_cast %swap3A_365 : vector<16xi32> to vector<16xi32>
    %swap3A_367 = vector.shape_cast %add3A_363 : vector<16xi32> to vector<16xi32>
    tpu.vector_store %arg9[%swap3A_364], %swap3A_367 {strides = array<i32>} : memref<80xi32, #tpu.memory_space<vmem>>, vector<16xi32>,
    %add3A_368 = arith.constant 64 : i32
    %add3A_369 = arith.addi %add3A_331, %add3A_368 : i32
    %iota3A_370 = tpu.iota {dimensions = array<i32: 0>} : vector<16xi32>
    %add3A_371 = vector.broadcast %add3A_369 : i32 to vector<16xi32>
    %add3A_372 = arith.addi %add3A_371, %iota3A_370 : vector<16xi32>
    %swap3A_373 = arith.constant 64 : index
    %swap3A_374 = tpu.vector_load %arg9[%swap3A_373] {strides = array<i32>} : memref<80xi32, #tpu.memory_space<vmem>>, vector<16xi32>,
    %swap3A_375 = vector.shape_cast %swap3A_374 : vector<16xi32> to vector<16xi32>
    %swap3A_376 = vector.shape_cast %add3A_372 : vector<16xi32> to vector<16xi32>
    tpu.vector_store %arg9[%swap3A_373], %swap3A_376 {strides = array<i32>} : memref<80xi32, #tpu.memory_space<vmem>>, vector<16xi32>,
    "tpu.region"() ({
      %run_scoped3A = tpu.sem_alloc : memref<!tpu.dma_semaphore, #tpu.memory_space<semaphore_mem>>
      %dma_start3A_825 = arith.constant 0 : i32
      %dma_start3A_826 = arith.constant 0 : i32
      %dma_start3A_827 = tpu.memref_slice %arg13[%dma_start3A_825, %dma_start3A_826] : memref<10240x128xf32, #tpu.memory_space<vmem_shared>> -> memref<10240x128xf32, #tpu.memory_space<vmem_shared>>
      tpu.enqueue_indirect_dma source(%arg12 : memref<80x128xf32, #tpu.memory_space<vmem>>) target(%dma_start3A_827 : memref<10240x128xf32, #tpu.memory_space<vmem_shared>>) offsets(%arg9 : memref<80xi32, #tpu.memory_space<vmem>>) semaphore(%run_scoped3A : memref<!tpu.dma_semaphore, #tpu.memory_space<semaphore_mem>>)
      %dma_wait3A_828 = arith.constant 0 : i32
      %dma_wait3A_829 = arith.constant 0 : i32
      %dma_wait3A_830 = tpu.memref_slice %arg13[%dma_wait3A_828, %dma_wait3A_829] : memref<10240x128xf32, #tpu.memory_space<vmem_shared>> -> memref<10240x128xf32, #tpu.memory_space<vmem_shared>>
      tpu.wait_indirect_dma semaphore(%run_scoped3A : memref<!tpu.dma_semaphore, #tpu.memory_space<semaphore_mem>>) src(%arg12 : memref<80x128xf32, #tpu.memory_space<vmem>>) dst(%dma_wait3A_830 : memref<10240x128xf32, #tpu.memory_space<vmem_shared>>)
      tpu.yield
    }) : () -> ()
    %barrier3A = arith.constant 0 : index
    tpu.barrier barrier_id(%barrier3A)
    %mul3A_377 = arith.constant 10000 : i32
    %mul3A_378 = arith.muli %add3A, %mul3A_377 : i32
    %scan3A = arith.constant 0 : i32
    %scan3A_379 = arith.constant 0 : i32
    %scan3A_380 = arith.constant 39 : i32
    %scan3A_381 = arith.addi %scan3A_379, %scan3A_380 : i32
    %scan3A_382 = arith.constant 1 : i32
    scf.for %scan3A_825 = %scan3A_379 to %scan3A_381 step %scan3A_382  : i32 {
      %mul3A_826 = arith.constant 2 : i32
      %mul3A_827 = arith.muli %mul3A_826, %scan3A_825 : i32
      %mul3A_828 = arith.constant 128 : i32
      %mul3A_829 = arith.muli %mul3A_827, %mul3A_828 : i32
      %add3A_830 = arith.addi %mul3A_378, %mul3A_829 : i32
      %add3A_831 = arith.constant 128 : i32
      %add3A_832 = arith.addi %add3A_830, %add3A_831 : i32
      %dma_start3A_833 = tpu.memref_slice %arg2[%add3A_830] : memref<320000xi32, #tpu.memory_space<hbm>> -> memref<128xi32, #tpu.memory_space<hbm>>
      %dma_start3A_834 = tpu.memref_slice %arg2[%add3A_830] : memref<320000xi32, #tpu.memory_space<hbm>> -> memref<128xi32, #tpu.memory_space<hbm>>
      tpu.enqueue_dma source(%dma_start3A_834 : memref<128xi32, #tpu.memory_space<hbm>>) target(%arg6 : memref<128xi32, #tpu.memory_space<vmem>>) target_semaphore(%arg14 : memref<!tpu.dma_semaphore, #tpu.memory_space<semaphore_mem>>)
      %dma_start3A_835 = tpu.memref_slice %arg2[%add3A_832] : memref<320000xi32, #tpu.memory_space<hbm>> -> memref<128xi32, #tpu.memory_space<hbm>>
      %dma_start3A_836 = tpu.memref_slice %arg2[%add3A_832] : memref<320000xi32, #tpu.memory_space<hbm>> -> memref<128xi32, #tpu.memory_space<hbm>>
      tpu.enqueue_dma source(%dma_start3A_836 : memref<128xi32, #tpu.memory_space<hbm>>) target(%arg7 : memref<128xi32, #tpu.memory_space<vmem>>) target_semaphore(%arg15 : memref<!tpu.dma_semaphore, #tpu.memory_space<semaphore_mem>>)
      %dma_wait3A_837 = tpu.memref_slice %arg2[%add3A_830] : memref<320000xi32, #tpu.memory_space<hbm>> -> memref<128xi32, #tpu.memory_space<hbm>>
      %dma_wait3A_838 = tpu.memref_slice %arg2[%add3A_830] : memref<320000xi32, #tpu.memory_space<hbm>> -> memref<128xi32, #tpu.memory_space<hbm>>
      tpu.wait_dma2 semaphore(%arg14 : memref<!tpu.dma_semaphore, #tpu.memory_space<semaphore_mem>>) src(%dma_wait3A_838 : memref<128xi32, #tpu.memory_space<hbm>>) dst(%arg6 : memref<128xi32, #tpu.memory_space<vmem>>)
      "tpu.region"() ({
        %run_scoped3A = tpu.sem_alloc : memref<!tpu.dma_semaphore, #tpu.memory_space<semaphore_mem>>
        %dma_start3A_841 = arith.constant 0 : i32
        %dma_start3A_842 = arith.constant 0 : i32
        %dma_start3A_843 = tpu.memref_slice %arg13[%dma_start3A_841, %dma_start3A_842] : memref<10240x128xf32, #tpu.memory_space<vmem_shared>> -> memref<10240x128xf32, #tpu.memory_space<vmem_shared>>
        tpu.enqueue_indirect_dma source(%arg10 : memref<128x128xf32, #tpu.memory_space<vmem>>) target(%dma_start3A_843 : memref<10240x128xf32, #tpu.memory_space<vmem_shared>>) offsets(%arg6 : memref<128xi32, #tpu.memory_space<vmem>>) semaphore(%run_scoped3A : memref<!tpu.dma_semaphore, #tpu.memory_space<semaphore_mem>>) {add = true}
        %dma_wait3A_844 = arith.constant 0 : i32
        %dma_wait3A_845 = arith.constant 0 : i32
        %dma_wait3A_846 = tpu.memref_slice %arg13[%dma_wait3A_844, %dma_wait3A_845] : memref<10240x128xf32, #tpu.memory_space<vmem_shared>> -> memref<10240x128xf32, #tpu.memory_space<vmem_shared>>
        tpu.wait_indirect_dma semaphore(%run_scoped3A : memref<!tpu.dma_semaphore, #tpu.memory_space<semaphore_mem>>) src(%arg10 : memref<128x128xf32, #tpu.memory_space<vmem>>) dst(%dma_wait3A_846 : memref<10240x128xf32, #tpu.memory_space<vmem_shared>>)
        tpu.yield
      }) : () -> ()
      %dma_wait3A_839 = tpu.memref_slice %arg2[%add3A_832] : memref<320000xi32, #tpu.memory_space<hbm>> -> memref<128xi32, #tpu.memory_space<hbm>>
      %dma_wait3A_840 = tpu.memref_slice %arg2[%add3A_832] : memref<320000xi32, #tpu.memory_space<hbm>> -> memref<128xi32, #tpu.memory_space<hbm>>
      tpu.wait_dma2 semaphore(%arg15 : memref<!tpu.dma_semaphore, #tpu.memory_space<semaphore_mem>>) src(%dma_wait3A_840 : memref<128xi32, #tpu.memory_space<hbm>>) dst(%arg7 : memref<128xi32, #tpu.memory_space<vmem>>)
      "tpu.region"() ({
        %run_scoped3A = tpu.sem_alloc : memref<!tpu.dma_semaphore, #tpu.memory_space<semaphore_mem>>
        %dma_start3A_841 = arith.constant 0 : i32
        %dma_start3A_842 = arith.constant 0 : i32
        %dma_start3A_843 = tpu.memref_slice %arg13[%dma_start3A_841, %dma_start3A_842] : memref<10240x128xf32, #tpu.memory_space<vmem_shared>> -> memref<10240x128xf32, #tpu.memory_space<vmem_shared>>
        tpu.enqueue_indirect_dma source(%arg10 : memref<128x128xf32, #tpu.memory_space<vmem>>) target(%dma_start3A_843 : memref<10240x128xf32, #tpu.memory_space<vmem_shared>>) offsets(%arg7 : memref<128xi32, #tpu.memory_space<vmem>>) semaphore(%run_scoped3A : memref<!tpu.dma_semaphore, #tpu.memory_space<semaphore_mem>>) {add = true}
        %dma_wait3A_844 = arith.constant 0 : i32
        %dma_wait3A_845 = arith.constant 0 : i32
        %dma_wait3A_846 = tpu.memref_slice %arg13[%dma_wait3A_844, %dma_wait3A_845] : memref<10240x128xf32, #tpu.memory_space<vmem_shared>> -> memref<10240x128xf32, #tpu.memory_space<vmem_shared>>
        tpu.wait_indirect_dma semaphore(%run_scoped3A : memref<!tpu.dma_semaphore, #tpu.memory_space<semaphore_mem>>) src(%arg10 : memref<128x128xf32, #tpu.memory_space<vmem>>) dst(%dma_wait3A_846 : memref<10240x128xf32, #tpu.memory_space<vmem_shared>>)
        tpu.yield
      }) : () -> ()
    }
    %scan3A_383 = arith.constant 39 : i32
    %add3A_384 = arith.constant 9984 : i32
    %add3A_385 = arith.addi %mul3A_378, %add3A_384 : i32
    "tpu.region"() ({
      %run_scoped3A = tpu.sem_alloc : memref<!tpu.dma_semaphore, #tpu.memory_space<semaphore_mem>>
      %dma_start3A_825 = tpu.memref_slice %arg2[%add3A_385] : memref<320000xi32, #tpu.memory_space<hbm>> -> memref<16xi32, #tpu.memory_space<hbm>>
      %dma_start3A_826 = tpu.memref_slice %arg2[%add3A_385] : memref<320000xi32, #tpu.memory_space<hbm>> -> memref<16xi32, #tpu.memory_space<hbm>>
      tpu.enqueue_dma source(%dma_start3A_826 : memref<16xi32, #tpu.memory_space<hbm>>) target(%arg8 : memref<16xi32, #tpu.memory_space<vmem>>) target_semaphore(%run_scoped3A : memref<!tpu.dma_semaphore, #tpu.memory_space<semaphore_mem>>)
      %dma_wait3A_827 = tpu.memref_slice %arg2[%add3A_385] : memref<320000xi32, #tpu.memory_space<hbm>> -> memref<16xi32, #tpu.memory_space<hbm>>
      %dma_wait3A_828 = tpu.memref_slice %arg2[%add3A_385] : memref<320000xi32, #tpu.memory_space<hbm>> -> memref<16xi32, #tpu.memory_space<hbm>>
      tpu.wait_dma2 semaphore(%run_scoped3A : memref<!tpu.dma_semaphore, #tpu.memory_space<semaphore_mem>>) src(%dma_wait3A_828 : memref<16xi32, #tpu.memory_space<hbm>>) dst(%arg8 : memref<16xi32, #tpu.memory_space<vmem>>)
      tpu.yield
    }) : () -> ()
    "tpu.region"() ({
      %run_scoped3A = tpu.sem_alloc : memref<!tpu.dma_semaphore, #tpu.memory_space<semaphore_mem>>
      %dma_start3A_825 = arith.constant 0 : i32
      %dma_start3A_826 = arith.constant 0 : i32
      %dma_start3A_827 = tpu.memref_slice %arg13[%dma_start3A_825, %dma_start3A_826] : memref<10240x128xf32, #tpu.memory_space<vmem_shared>> -> memref<10240x128xf32, #tpu.memory_space<vmem_shared>>
      tpu.enqueue_indirect_dma source(%arg11 : memref<16x128xf32, #tpu.memory_space<vmem>>) target(%dma_start3A_827 : memref<10240x128xf32, #tpu.memory_space<vmem_shared>>) offsets(%arg8 : memref<16xi32, #tpu.memory_space<vmem>>) semaphore(%run_scoped3A : memref<!tpu.dma_semaphore, #tpu.memory_space<semaphore_mem>>) {add = true}
      %dma_wait3A_828 = arith.constant 0 : i32
      %dma_wait3A_829 = arith.constant 0 : i32
      %dma_wait3A_830 = tpu.memref_slice %arg13[%dma_wait3A_828, %dma_wait3A_829] : memref<10240x128xf32, #tpu.memory_space<vmem_shared>> -> memref<10240x128xf32, #tpu.memory_space<vmem_shared>>
      tpu.wait_indirect_dma semaphore(%run_scoped3A : memref<!tpu.dma_semaphore, #tpu.memory_space<semaphore_mem>>) src(%arg11 : memref<16x128xf32, #tpu.memory_space<vmem>>) dst(%dma_wait3A_830 : memref<10240x128xf32, #tpu.memory_space<vmem_shared>>)
      tpu.yield
    }) : () -> ()
    %barrier3A_386 = arith.constant 0 : index
    tpu.barrier barrier_id(%barrier3A_386)
    %add3A_387 = arith.constant 0 : i32
    %add3A_388 = arith.addi %mul3A_2, %add3A_387 : i32
    %add3A_389 = arith.constant 0 : i32
    %add3A_390 = arith.addi %add3A_388, %add3A_389 : i32
    %iota3A_391 = tpu.iota {dimensions = array<i32: 0>} : vector<16xi32>
    %add3A_392 = vector.broadcast %add3A_390 : i32 to vector<16xi32>
    %add3A_393 = arith.addi %add3A_392, %iota3A_391 : vector<16xi32>
    %swap3A_394 = arith.constant 0 : index
    %swap3A_395 = tpu.vector_load %arg9[%swap3A_394] {strides = array<i32>} : memref<80xi32, #tpu.memory_space<vmem>>, vector<16xi32>,
    %swap3A_396 = vector.shape_cast %swap3A_395 : vector<16xi32> to vector<16xi32>
    %swap3A_397 = vector.shape_cast %add3A_393 : vector<16xi32> to vector<16xi32>
    tpu.vector_store %arg9[%swap3A_394], %swap3A_397 {strides = array<i32>} : memref<80xi32, #tpu.memory_space<vmem>>, vector<16xi32>,
    %add3A_398 = arith.constant 16 : i32
    %add3A_399 = arith.addi %add3A_388, %add3A_398 : i32
    %iota3A_400 = tpu.iota {dimensions = array<i32: 0>} : vector<16xi32>
    %add3A_401 = vector.broadcast %add3A_399 : i32 to vector<16xi32>
    %add3A_402 = arith.addi %add3A_401, %iota3A_400 : vector<16xi32>
    %swap3A_403 = arith.constant 16 : index
    %swap3A_404 = tpu.vector_load %arg9[%swap3A_403] {strides = array<i32>} : memref<80xi32, #tpu.memory_space<vmem>>, vector<16xi32>,
    %swap3A_405 = vector.shape_cast %swap3A_404 : vector<16xi32> to vector<16xi32>
    %swap3A_406 = vector.shape_cast %add3A_402 : vector<16xi32> to vector<16xi32>
    tpu.vector_store %arg9[%swap3A_403], %swap3A_406 {strides = array<i32>} : memref<80xi32, #tpu.memory_space<vmem>>, vector<16xi32>,
    %add3A_407 = arith.constant 32 : i32
    %add3A_408 = arith.addi %add3A_388, %add3A_407 : i32
    %iota3A_409 = tpu.iota {dimensions = array<i32: 0>} : vector<16xi32>
    %add3A_410 = vector.broadcast %add3A_408 : i32 to vector<16xi32>
    %add3A_411 = arith.addi %add3A_410, %iota3A_409 : vector<16xi32>
    %swap3A_412 = arith.constant 32 : index
    %swap3A_413 = tpu.vector_load %arg9[%swap3A_412] {strides = array<i32>} : memref<80xi32, #tpu.memory_space<vmem>>, vector<16xi32>,
    %swap3A_414 = vector.shape_cast %swap3A_413 : vector<16xi32> to vector<16xi32>
    %swap3A_415 = vector.shape_cast %add3A_411 : vector<16xi32> to vector<16xi32>
    tpu.vector_store %arg9[%swap3A_412], %swap3A_415 {strides = array<i32>} : memref<80xi32, #tpu.memory_space<vmem>>, vector<16xi32>,
    %add3A_416 = arith.constant 48 : i32
    %add3A_417 = arith.addi %add3A_388, %add3A_416 : i32
    %iota3A_418 = tpu.iota {dimensions = array<i32: 0>} : vector<16xi32>
    %add3A_419 = vector.broadcast %add3A_417 : i32 to vector<16xi32>
    %add3A_420 = arith.addi %add3A_419, %iota3A_418 : vector<16xi32>
    %swap3A_421 = arith.constant 48 : index
    %swap3A_422 = tpu.vector_load %arg9[%swap3A_421] {strides = array<i32>} : memref<80xi32, #tpu.memory_space<vmem>>, vector<16xi32>,
    %swap3A_423 = vector.shape_cast %swap3A_422 : vector<16xi32> to vector<16xi32>
    %swap3A_424 = vector.shape_cast %add3A_420 : vector<16xi32> to vector<16xi32>
    tpu.vector_store %arg9[%swap3A_421], %swap3A_424 {strides = array<i32>} : memref<80xi32, #tpu.memory_space<vmem>>, vector<16xi32>,
    %add3A_425 = arith.constant 64 : i32
    %add3A_426 = arith.addi %add3A_388, %add3A_425 : i32
    %iota3A_427 = tpu.iota {dimensions = array<i32: 0>} : vector<16xi32>
    %add3A_428 = vector.broadcast %add3A_426 : i32 to vector<16xi32>
    %add3A_429 = arith.addi %add3A_428, %iota3A_427 : vector<16xi32>
    %swap3A_430 = arith.constant 64 : index
    %swap3A_431 = tpu.vector_load %arg9[%swap3A_430] {strides = array<i32>} : memref<80xi32, #tpu.memory_space<vmem>>, vector<16xi32>,
    %swap3A_432 = vector.shape_cast %swap3A_431 : vector<16xi32> to vector<16xi32>
    %swap3A_433 = vector.shape_cast %add3A_429 : vector<16xi32> to vector<16xi32>
    tpu.vector_store %arg9[%swap3A_430], %swap3A_433 {strides = array<i32>} : memref<80xi32, #tpu.memory_space<vmem>>, vector<16xi32>,
    %dma_start3A = arith.constant 0 : i32
    %dma_start3A_434 = arith.constant 0 : i32
    %dma_start3A_435 = tpu.memref_slice %arg13[%dma_start3A, %dma_start3A_434] : memref<10240x128xf32, #tpu.memory_space<vmem_shared>> -> memref<10240x128xf32, #tpu.memory_space<vmem_shared>>
    tpu.enqueue_indirect_dma source(%dma_start3A_435 : memref<10240x128xf32, #tpu.memory_space<vmem_shared>>) target(%arg12 : memref<80x128xf32, #tpu.memory_space<vmem>>) offsets(%arg9 : memref<80xi32, #tpu.memory_space<vmem>>) semaphore(%arg14 : memref<!tpu.dma_semaphore, #tpu.memory_space<semaphore_mem>>)
    %dma_wait3A = arith.constant 0 : i32
    %dma_wait3A_436 = arith.constant 0 : i32
    %dma_wait3A_437 = tpu.memref_slice %arg13[%dma_wait3A, %dma_wait3A_436] : memref<10240x128xf32, #tpu.memory_space<vmem_shared>> -> memref<10240x128xf32, #tpu.memory_space<vmem_shared>>
    tpu.wait_indirect_dma semaphore(%arg14 : memref<!tpu.dma_semaphore, #tpu.memory_space<semaphore_mem>>) src(%dma_wait3A_437 : memref<10240x128xf32, #tpu.memory_space<vmem_shared>>) dst(%arg12 : memref<80x128xf32, #tpu.memory_space<vmem>>)
    %add3A_438 = arith.constant 0 : i32
    %add3A_439 = arith.addi %mul3A_2, %add3A_438 : i32
    "tpu.region"() ({
      %run_scoped3A = tpu.sem_alloc : memref<!tpu.dma_semaphore, #tpu.memory_space<semaphore_mem>>
      %dma_start3A_825 = arith.constant 0 : i32
      %dma_start3A_826 = tpu.memref_slice %arg5[%arg0, %add3A_439, %dma_start3A_825] : memref<2x10240x128xf32, #tpu.memory_space<hbm>> -> memref<1x80x128xf32, #tpu.memory_space<hbm>>
      %dma_start3A_827 = tpu.memref_squeeze %dma_start3A_826 : memref<1x80x128xf32, #tpu.memory_space<hbm>> -> memref<80x128xf32, #tpu.memory_space<hbm>>
      %dma_start3A_828 = arith.constant 0 : i32
      %dma_start3A_829 = tpu.memref_slice %arg5[%arg0, %add3A_439, %dma_start3A_828] : memref<2x10240x128xf32, #tpu.memory_space<hbm>> -> memref<1x80x128xf32, #tpu.memory_space<hbm>>
      %dma_start3A_830 = tpu.memref_squeeze %dma_start3A_829 : memref<1x80x128xf32, #tpu.memory_space<hbm>> -> memref<80x128xf32, #tpu.memory_space<hbm>>
      tpu.enqueue_dma source(%arg12 : memref<80x128xf32, #tpu.memory_space<vmem>>) target(%dma_start3A_830 : memref<80x128xf32, #tpu.memory_space<hbm>>) target_semaphore(%run_scoped3A : memref<!tpu.dma_semaphore, #tpu.memory_space<semaphore_mem>>)
      %dma_wait3A_831 = arith.constant 0 : i32
      %dma_wait3A_832 = tpu.memref_slice %arg5[%arg0, %add3A_439, %dma_wait3A_831] : memref<2x10240x128xf32, #tpu.memory_space<hbm>> -> memref<1x80x128xf32, #tpu.memory_space<hbm>>
      %dma_wait3A_833 = tpu.memref_squeeze %dma_wait3A_832 : memref<1x80x128xf32, #tpu.memory_space<hbm>> -> memref<80x128xf32, #tpu.memory_space<hbm>>
      %dma_wait3A_834 = arith.constant 0 : i32
      %dma_wait3A_835 = tpu.memref_slice %arg5[%arg0, %add3A_439, %dma_wait3A_834] : memref<2x10240x128xf32, #tpu.memory_space<hbm>> -> memref<1x80x128xf32, #tpu.memory_space<hbm>>
      %dma_wait3A_836 = tpu.memref_squeeze %dma_wait3A_835 : memref<1x80x128xf32, #tpu.memory_space<hbm>> -> memref<80x128xf32, #tpu.memory_space<hbm>>
      tpu.wait_dma2 semaphore(%run_scoped3A : memref<!tpu.dma_semaphore, #tpu.memory_space<semaphore_mem>>) src(%arg12 : memref<80x128xf32, #tpu.memory_space<vmem>>) dst(%dma_wait3A_836 : memref<80x128xf32, #tpu.memory_space<hbm>>)
      tpu.yield
    }) : () -> ()
    %add3A_440 = arith.constant 80 : i32
    %add3A_441 = arith.addi %mul3A_2, %add3A_440 : i32
    %add3A_442 = arith.constant 0 : i32
    %add3A_443 = arith.addi %add3A_441, %add3A_442 : i32
    %iota3A_444 = tpu.iota {dimensions = array<i32: 0>} : vector<16xi32>
    %add3A_445 = vector.broadcast %add3A_443 : i32 to vector<16xi32>
    %add3A_446 = arith.addi %add3A_445, %iota3A_444 : vector<16xi32>
    %swap3A_447 = arith.constant 0 : index
    %swap3A_448 = tpu.vector_load %arg9[%swap3A_447] {strides = array<i32>} : memref<80xi32, #tpu.memory_space<vmem>>, vector<16xi32>,
    %swap3A_449 = vector.shape_cast %swap3A_448 : vector<16xi32> to vector<16xi32>
    %swap3A_450 = vector.shape_cast %add3A_446 : vector<16xi32> to vector<16xi32>
    tpu.vector_store %arg9[%swap3A_447], %swap3A_450 {strides = array<i32>} : memref<80xi32, #tpu.memory_space<vmem>>, vector<16xi32>,
    %add3A_451 = arith.constant 16 : i32
    %add3A_452 = arith.addi %add3A_441, %add3A_451 : i32
    %iota3A_453 = tpu.iota {dimensions = array<i32: 0>} : vector<16xi32>
    %add3A_454 = vector.broadcast %add3A_452 : i32 to vector<16xi32>
    %add3A_455 = arith.addi %add3A_454, %iota3A_453 : vector<16xi32>
    %swap3A_456 = arith.constant 16 : index
    %swap3A_457 = tpu.vector_load %arg9[%swap3A_456] {strides = array<i32>} : memref<80xi32, #tpu.memory_space<vmem>>, vector<16xi32>,
    %swap3A_458 = vector.shape_cast %swap3A_457 : vector<16xi32> to vector<16xi32>
    %swap3A_459 = vector.shape_cast %add3A_455 : vector<16xi32> to vector<16xi32>
    tpu.vector_store %arg9[%swap3A_456], %swap3A_459 {strides = array<i32>} : memref<80xi32, #tpu.memory_space<vmem>>, vector<16xi32>,
    %add3A_460 = arith.constant 32 : i32
    %add3A_461 = arith.addi %add3A_441, %add3A_460 : i32
    %iota3A_462 = tpu.iota {dimensions = array<i32: 0>} : vector<16xi32>
    %add3A_463 = vector.broadcast %add3A_461 : i32 to vector<16xi32>
    %add3A_464 = arith.addi %add3A_463, %iota3A_462 : vector<16xi32>
    %swap3A_465 = arith.constant 32 : index
    %swap3A_466 = tpu.vector_load %arg9[%swap3A_465] {strides = array<i32>} : memref<80xi32, #tpu.memory_space<vmem>>, vector<16xi32>,
    %swap3A_467 = vector.shape_cast %swap3A_466 : vector<16xi32> to vector<16xi32>
    %swap3A_468 = vector.shape_cast %add3A_464 : vector<16xi32> to vector<16xi32>
    tpu.vector_store %arg9[%swap3A_465], %swap3A_468 {strides = array<i32>} : memref<80xi32, #tpu.memory_space<vmem>>, vector<16xi32>,
    %add3A_469 = arith.constant 48 : i32
    %add3A_470 = arith.addi %add3A_441, %add3A_469 : i32
    %iota3A_471 = tpu.iota {dimensions = array<i32: 0>} : vector<16xi32>
    %add3A_472 = vector.broadcast %add3A_470 : i32 to vector<16xi32>
    %add3A_473 = arith.addi %add3A_472, %iota3A_471 : vector<16xi32>
    %swap3A_474 = arith.constant 48 : index
    %swap3A_475 = tpu.vector_load %arg9[%swap3A_474] {strides = array<i32>} : memref<80xi32, #tpu.memory_space<vmem>>, vector<16xi32>,
    %swap3A_476 = vector.shape_cast %swap3A_475 : vector<16xi32> to vector<16xi32>
    %swap3A_477 = vector.shape_cast %add3A_473 : vector<16xi32> to vector<16xi32>
    tpu.vector_store %arg9[%swap3A_474], %swap3A_477 {strides = array<i32>} : memref<80xi32, #tpu.memory_space<vmem>>, vector<16xi32>,
    %add3A_478 = arith.constant 64 : i32
    %add3A_479 = arith.addi %add3A_441, %add3A_478 : i32
    %iota3A_480 = tpu.iota {dimensions = array<i32: 0>} : vector<16xi32>
    %add3A_481 = vector.broadcast %add3A_479 : i32 to vector<16xi32>
    %add3A_482 = arith.addi %add3A_481, %iota3A_480 : vector<16xi32>
    %swap3A_483 = arith.constant 64 : index
    %swap3A_484 = tpu.vector_load %arg9[%swap3A_483] {strides = array<i32>} : memref<80xi32, #tpu.memory_space<vmem>>, vector<16xi32>,
    %swap3A_485 = vector.shape_cast %swap3A_484 : vector<16xi32> to vector<16xi32>
    %swap3A_486 = vector.shape_cast %add3A_482 : vector<16xi32> to vector<16xi32>
    tpu.vector_store %arg9[%swap3A_483], %swap3A_486 {strides = array<i32>} : memref<80xi32, #tpu.memory_space<vmem>>, vector<16xi32>,
    %dma_start3A_487 = arith.constant 0 : i32
    %dma_start3A_488 = arith.constant 0 : i32
    %dma_start3A_489 = tpu.memref_slice %arg13[%dma_start3A_487, %dma_start3A_488] : memref<10240x128xf32, #tpu.memory_space<vmem_shared>> -> memref<10240x128xf32, #tpu.memory_space<vmem_shared>>
    tpu.enqueue_indirect_dma source(%dma_start3A_489 : memref<10240x128xf32, #tpu.memory_space<vmem_shared>>) target(%arg12 : memref<80x128xf32, #tpu.memory_space<vmem>>) offsets(%arg9 : memref<80xi32, #tpu.memory_space<vmem>>) semaphore(%arg14 : memref<!tpu.dma_semaphore, #tpu.memory_space<semaphore_mem>>)
    %dma_wait3A_490 = arith.constant 0 : i32
    %dma_wait3A_491 = arith.constant 0 : i32
    %dma_wait3A_492 = tpu.memref_slice %arg13[%dma_wait3A_490, %dma_wait3A_491] : memref<10240x128xf32, #tpu.memory_space<vmem_shared>> -> memref<10240x128xf32, #tpu.memory_space<vmem_shared>>
    tpu.wait_indirect_dma semaphore(%arg14 : memref<!tpu.dma_semaphore, #tpu.memory_space<semaphore_mem>>) src(%dma_wait3A_492 : memref<10240x128xf32, #tpu.memory_space<vmem_shared>>) dst(%arg12 : memref<80x128xf32, #tpu.memory_space<vmem>>)
    %add3A_493 = arith.constant 80 : i32
    %add3A_494 = arith.addi %mul3A_2, %add3A_493 : i32
    "tpu.region"() ({
      %run_scoped3A = tpu.sem_alloc : memref<!tpu.dma_semaphore, #tpu.memory_space<semaphore_mem>>
      %dma_start3A_825 = arith.constant 0 : i32
      %dma_start3A_826 = tpu.memref_slice %arg5[%arg0, %add3A_494, %dma_start3A_825] : memref<2x10240x128xf32, #tpu.memory_space<hbm>> -> memref<1x80x128xf32, #tpu.memory_space<hbm>>
      %dma_start3A_827 = tpu.memref_squeeze %dma_start3A_826 : memref<1x80x128xf32, #tpu.memory_space<hbm>> -> memref<80x128xf32, #tpu.memory_space<hbm>>
      %dma_start3A_828 = arith.constant 0 : i32
      %dma_start3A_829 = tpu.memref_slice %arg5[%arg0, %add3A_494, %dma_start3A_828] : memref<2x10240x128xf32, #tpu.memory_space<hbm>> -> memref<1x80x128xf32, #tpu.memory_space<hbm>>
      %dma_start3A_830 = tpu.memref_squeeze %dma_start3A_829 : memref<1x80x128xf32, #tpu.memory_space<hbm>> -> memref<80x128xf32, #tpu.memory_space<hbm>>
      tpu.enqueue_dma source(%arg12 : memref<80x128xf32, #tpu.memory_space<vmem>>) target(%dma_start3A_830 : memref<80x128xf32, #tpu.memory_space<hbm>>) target_semaphore(%run_scoped3A : memref<!tpu.dma_semaphore, #tpu.memory_space<semaphore_mem>>)
      %dma_wait3A_831 = arith.constant 0 : i32
      %dma_wait3A_832 = tpu.memref_slice %arg5[%arg0, %add3A_494, %dma_wait3A_831] : memref<2x10240x128xf32, #tpu.memory_space<hbm>> -> memref<1x80x128xf32, #tpu.memory_space<hbm>>
      %dma_wait3A_833 = tpu.memref_squeeze %dma_wait3A_832 : memref<1x80x128xf32, #tpu.memory_space<hbm>> -> memref<80x128xf32, #tpu.memory_space<hbm>>
      %dma_wait3A_834 = arith.constant 0 : i32
      %dma_wait3A_835 = tpu.memref_slice %arg5[%arg0, %add3A_494, %dma_wait3A_834] : memref<2x10240x128xf32, #tpu.memory_space<hbm>> -> memref<1x80x128xf32, #tpu.memory_space<hbm>>
      %dma_wait3A_836 = tpu.memref_squeeze %dma_wait3A_835 : memref<1x80x128xf32, #tpu.memory_space<hbm>> -> memref<80x128xf32, #tpu.memory_space<hbm>>
      tpu.wait_dma2 semaphore(%run_scoped3A : memref<!tpu.dma_semaphore, #tpu.memory_space<semaphore_mem>>) src(%arg12 : memref<80x128xf32, #tpu.memory_space<vmem>>) dst(%dma_wait3A_836 : memref<80x128xf32, #tpu.memory_space<hbm>>)
      tpu.yield
    }) : () -> ()
    %add3A_495 = arith.constant 160 : i32
    %add3A_496 = arith.addi %mul3A_2, %add3A_495 : i32
    %add3A_497 = arith.constant 0 : i32
    %add3A_498 = arith.addi %add3A_496, %add3A_497 : i32
    %iota3A_499 = tpu.iota {dimensions = array<i32: 0>} : vector<16xi32>
    %add3A_500 = vector.broadcast %add3A_498 : i32 to vector<16xi32>
    %add3A_501 = arith.addi %add3A_500, %iota3A_499 : vector<16xi32>
    %swap3A_502 = arith.constant 0 : index
    %swap3A_503 = tpu.vector_load %arg9[%swap3A_502] {strides = array<i32>} : memref<80xi32, #tpu.memory_space<vmem>>, vector<16xi32>,
    %swap3A_504 = vector.shape_cast %swap3A_503 : vector<16xi32> to vector<16xi32>
    %swap3A_505 = vector.shape_cast %add3A_501 : vector<16xi32> to vector<16xi32>
    tpu.vector_store %arg9[%swap3A_502], %swap3A_505 {strides = array<i32>} : memref<80xi32, #tpu.memory_space<vmem>>, vector<16xi32>,
    %add3A_506 = arith.constant 16 : i32
    %add3A_507 = arith.addi %add3A_496, %add3A_506 : i32
    %iota3A_508 = tpu.iota {dimensions = array<i32: 0>} : vector<16xi32>
    %add3A_509 = vector.broadcast %add3A_507 : i32 to vector<16xi32>
    %add3A_510 = arith.addi %add3A_509, %iota3A_508 : vector<16xi32>
    %swap3A_511 = arith.constant 16 : index
    %swap3A_512 = tpu.vector_load %arg9[%swap3A_511] {strides = array<i32>} : memref<80xi32, #tpu.memory_space<vmem>>, vector<16xi32>,
    %swap3A_513 = vector.shape_cast %swap3A_512 : vector<16xi32> to vector<16xi32>
    %swap3A_514 = vector.shape_cast %add3A_510 : vector<16xi32> to vector<16xi32>
    tpu.vector_store %arg9[%swap3A_511], %swap3A_514 {strides = array<i32>} : memref<80xi32, #tpu.memory_space<vmem>>, vector<16xi32>,
    %add3A_515 = arith.constant 32 : i32
    %add3A_516 = arith.addi %add3A_496, %add3A_515 : i32
    %iota3A_517 = tpu.iota {dimensions = array<i32: 0>} : vector<16xi32>
    %add3A_518 = vector.broadcast %add3A_516 : i32 to vector<16xi32>
    %add3A_519 = arith.addi %add3A_518, %iota3A_517 : vector<16xi32>
    %swap3A_520 = arith.constant 32 : index
    %swap3A_521 = tpu.vector_load %arg9[%swap3A_520] {strides = array<i32>} : memref<80xi32, #tpu.memory_space<vmem>>, vector<16xi32>,
    %swap3A_522 = vector.shape_cast %swap3A_521 : vector<16xi32> to vector<16xi32>
    %swap3A_523 = vector.shape_cast %add3A_519 : vector<16xi32> to vector<16xi32>
    tpu.vector_store %arg9[%swap3A_520], %swap3A_523 {strides = array<i32>} : memref<80xi32, #tpu.memory_space<vmem>>, vector<16xi32>,
    %add3A_524 = arith.constant 48 : i32
    %add3A_525 = arith.addi %add3A_496, %add3A_524 : i32
    %iota3A_526 = tpu.iota {dimensions = array<i32: 0>} : vector<16xi32>
    %add3A_527 = vector.broadcast %add3A_525 : i32 to vector<16xi32>
    %add3A_528 = arith.addi %add3A_527, %iota3A_526 : vector<16xi32>
    %swap3A_529 = arith.constant 48 : index
    %swap3A_530 = tpu.vector_load %arg9[%swap3A_529] {strides = array<i32>} : memref<80xi32, #tpu.memory_space<vmem>>, vector<16xi32>,
    %swap3A_531 = vector.shape_cast %swap3A_530 : vector<16xi32> to vector<16xi32>
    %swap3A_532 = vector.shape_cast %add3A_528 : vector<16xi32> to vector<16xi32>
    tpu.vector_store %arg9[%swap3A_529], %swap3A_532 {strides = array<i32>} : memref<80xi32, #tpu.memory_space<vmem>>, vector<16xi32>,
    %add3A_533 = arith.constant 64 : i32
    %add3A_534 = arith.addi %add3A_496, %add3A_533 : i32
    %iota3A_535 = tpu.iota {dimensions = array<i32: 0>} : vector<16xi32>
    %add3A_536 = vector.broadcast %add3A_534 : i32 to vector<16xi32>
    %add3A_537 = arith.addi %add3A_536, %iota3A_535 : vector<16xi32>
    %swap3A_538 = arith.constant 64 : index
    %swap3A_539 = tpu.vector_load %arg9[%swap3A_538] {strides = array<i32>} : memref<80xi32, #tpu.memory_space<vmem>>, vector<16xi32>,
    %swap3A_540 = vector.shape_cast %swap3A_539 : vector<16xi32> to vector<16xi32>
    %swap3A_541 = vector.shape_cast %add3A_537 : vector<16xi32> to vector<16xi32>
    tpu.vector_store %arg9[%swap3A_538], %swap3A_541 {strides = array<i32>} : memref<80xi32, #tpu.memory_space<vmem>>, vector<16xi32>,
    %dma_start3A_542 = arith.constant 0 : i32
    %dma_start3A_543 = arith.constant 0 : i32
    %dma_start3A_544 = tpu.memref_slice %arg13[%dma_start3A_542, %dma_start3A_543] : memref<10240x128xf32, #tpu.memory_space<vmem_shared>> -> memref<10240x128xf32, #tpu.memory_space<vmem_shared>>
    tpu.enqueue_indirect_dma source(%dma_start3A_544 : memref<10240x128xf32, #tpu.memory_space<vmem_shared>>) target(%arg12 : memref<80x128xf32, #tpu.memory_space<vmem>>) offsets(%arg9 : memref<80xi32, #tpu.memory_space<vmem>>) semaphore(%arg14 : memref<!tpu.dma_semaphore, #tpu.memory_space<semaphore_mem>>)
    %dma_wait3A_545 = arith.constant 0 : i32
    %dma_wait3A_546 = arith.constant 0 : i32
    %dma_wait3A_547 = tpu.memref_slice %arg13[%dma_wait3A_545, %dma_wait3A_546] : memref<10240x128xf32, #tpu.memory_space<vmem_shared>> -> memref<10240x128xf32, #tpu.memory_space<vmem_shared>>
    tpu.wait_indirect_dma semaphore(%arg14 : memref<!tpu.dma_semaphore, #tpu.memory_space<semaphore_mem>>) src(%dma_wait3A_547 : memref<10240x128xf32, #tpu.memory_space<vmem_shared>>) dst(%arg12 : memref<80x128xf32, #tpu.memory_space<vmem>>)
    %add3A_548 = arith.constant 160 : i32
    %add3A_549 = arith.addi %mul3A_2, %add3A_548 : i32
    "tpu.region"() ({
      %run_scoped3A = tpu.sem_alloc : memref<!tpu.dma_semaphore, #tpu.memory_space<semaphore_mem>>
      %dma_start3A_825 = arith.constant 0 : i32
      %dma_start3A_826 = tpu.memref_slice %arg5[%arg0, %add3A_549, %dma_start3A_825] : memref<2x10240x128xf32, #tpu.memory_space<hbm>> -> memref<1x80x128xf32, #tpu.memory_space<hbm>>
      %dma_start3A_827 = tpu.memref_squeeze %dma_start3A_826 : memref<1x80x128xf32, #tpu.memory_space<hbm>> -> memref<80x128xf32, #tpu.memory_space<hbm>>
      %dma_start3A_828 = arith.constant 0 : i32
      %dma_start3A_829 = tpu.memref_slice %arg5[%arg0, %add3A_549, %dma_start3A_828] : memref<2x10240x128xf32, #tpu.memory_space<hbm>> -> memref<1x80x128xf32, #tpu.memory_space<hbm>>
      %dma_start3A_830 = tpu.memref_squeeze %dma_start3A_829 : memref<1x80x128xf32, #tpu.memory_space<hbm>> -> memref<80x128xf32, #tpu.memory_space<hbm>>
      tpu.enqueue_dma source(%arg12 : memref<80x128xf32, #tpu.memory_space<vmem>>) target(%dma_start3A_830 : memref<80x128xf32, #tpu.memory_space<hbm>>) target_semaphore(%run_scoped3A : memref<!tpu.dma_semaphore, #tpu.memory_space<semaphore_mem>>)
      %dma_wait3A_831 = arith.constant 0 : i32
      %dma_wait3A_832 = tpu.memref_slice %arg5[%arg0, %add3A_549, %dma_wait3A_831] : memref<2x10240x128xf32, #tpu.memory_space<hbm>> -> memref<1x80x128xf32, #tpu.memory_space<hbm>>
      %dma_wait3A_833 = tpu.memref_squeeze %dma_wait3A_832 : memref<1x80x128xf32, #tpu.memory_space<hbm>> -> memref<80x128xf32, #tpu.memory_space<hbm>>
      %dma_wait3A_834 = arith.constant 0 : i32
      %dma_wait3A_835 = tpu.memref_slice %arg5[%arg0, %add3A_549, %dma_wait3A_834] : memref<2x10240x128xf32, #tpu.memory_space<hbm>> -> memref<1x80x128xf32, #tpu.memory_space<hbm>>
      %dma_wait3A_836 = tpu.memref_squeeze %dma_wait3A_835 : memref<1x80x128xf32, #tpu.memory_space<hbm>> -> memref<80x128xf32, #tpu.memory_space<hbm>>
      tpu.wait_dma2 semaphore(%run_scoped3A : memref<!tpu.dma_semaphore, #tpu.memory_space<semaphore_mem>>) src(%arg12 : memref<80x128xf32, #tpu.memory_space<vmem>>) dst(%dma_wait3A_836 : memref<80x128xf32, #tpu.memory_space<hbm>>)
      tpu.yield
    }) : () -> ()
    %add3A_550 = arith.constant 240 : i32
    %add3A_551 = arith.addi %mul3A_2, %add3A_550 : i32
    %add3A_552 = arith.constant 0 : i32
    %add3A_553 = arith.addi %add3A_551, %add3A_552 : i32
    %iota3A_554 = tpu.iota {dimensions = array<i32: 0>} : vector<16xi32>
    %add3A_555 = vector.broadcast %add3A_553 : i32 to vector<16xi32>
    %add3A_556 = arith.addi %add3A_555, %iota3A_554 : vector<16xi32>
    %swap3A_557 = arith.constant 0 : index
    %swap3A_558 = tpu.vector_load %arg9[%swap3A_557] {strides = array<i32>} : memref<80xi32, #tpu.memory_space<vmem>>, vector<16xi32>,
    %swap3A_559 = vector.shape_cast %swap3A_558 : vector<16xi32> to vector<16xi32>
    %swap3A_560 = vector.shape_cast %add3A_556 : vector<16xi32> to vector<16xi32>
    tpu.vector_store %arg9[%swap3A_557], %swap3A_560 {strides = array<i32>} : memref<80xi32, #tpu.memory_space<vmem>>, vector<16xi32>,
    %add3A_561 = arith.constant 16 : i32
    %add3A_562 = arith.addi %add3A_551, %add3A_561 : i32
    %iota3A_563 = tpu.iota {dimensions = array<i32: 0>} : vector<16xi32>
    %add3A_564 = vector.broadcast %add3A_562 : i32 to vector<16xi32>
    %add3A_565 = arith.addi %add3A_564, %iota3A_563 : vector<16xi32>
    %swap3A_566 = arith.constant 16 : index
    %swap3A_567 = tpu.vector_load %arg9[%swap3A_566] {strides = array<i32>} : memref<80xi32, #tpu.memory_space<vmem>>, vector<16xi32>,
    %swap3A_568 = vector.shape_cast %swap3A_567 : vector<16xi32> to vector<16xi32>
    %swap3A_569 = vector.shape_cast %add3A_565 : vector<16xi32> to vector<16xi32>
    tpu.vector_store %arg9[%swap3A_566], %swap3A_569 {strides = array<i32>} : memref<80xi32, #tpu.memory_space<vmem>>, vector<16xi32>,
    %add3A_570 = arith.constant 32 : i32
    %add3A_571 = arith.addi %add3A_551, %add3A_570 : i32
    %iota3A_572 = tpu.iota {dimensions = array<i32: 0>} : vector<16xi32>
    %add3A_573 = vector.broadcast %add3A_571 : i32 to vector<16xi32>
    %add3A_574 = arith.addi %add3A_573, %iota3A_572 : vector<16xi32>
    %swap3A_575 = arith.constant 32 : index
    %swap3A_576 = tpu.vector_load %arg9[%swap3A_575] {strides = array<i32>} : memref<80xi32, #tpu.memory_space<vmem>>, vector<16xi32>,
    %swap3A_577 = vector.shape_cast %swap3A_576 : vector<16xi32> to vector<16xi32>
    %swap3A_578 = vector.shape_cast %add3A_574 : vector<16xi32> to vector<16xi32>
    tpu.vector_store %arg9[%swap3A_575], %swap3A_578 {strides = array<i32>} : memref<80xi32, #tpu.memory_space<vmem>>, vector<16xi32>,
    %add3A_579 = arith.constant 48 : i32
    %add3A_580 = arith.addi %add3A_551, %add3A_579 : i32
    %iota3A_581 = tpu.iota {dimensions = array<i32: 0>} : vector<16xi32>
    %add3A_582 = vector.broadcast %add3A_580 : i32 to vector<16xi32>
    %add3A_583 = arith.addi %add3A_582, %iota3A_581 : vector<16xi32>
    %swap3A_584 = arith.constant 48 : index
    %swap3A_585 = tpu.vector_load %arg9[%swap3A_584] {strides = array<i32>} : memref<80xi32, #tpu.memory_space<vmem>>, vector<16xi32>,
    %swap3A_586 = vector.shape_cast %swap3A_585 : vector<16xi32> to vector<16xi32>
    %swap3A_587 = vector.shape_cast %add3A_583 : vector<16xi32> to vector<16xi32>
    tpu.vector_store %arg9[%swap3A_584], %swap3A_587 {strides = array<i32>} : memref<80xi32, #tpu.memory_space<vmem>>, vector<16xi32>,
    %add3A_588 = arith.constant 64 : i32
    %add3A_589 = arith.addi %add3A_551, %add3A_588 : i32
    %iota3A_590 = tpu.iota {dimensions = array<i32: 0>} : vector<16xi32>
    %add3A_591 = vector.broadcast %add3A_589 : i32 to vector<16xi32>
    %add3A_592 = arith.addi %add3A_591, %iota3A_590 : vector<16xi32>
    %swap3A_593 = arith.constant 64 : index
    %swap3A_594 = tpu.vector_load %arg9[%swap3A_593] {strides = array<i32>} : memref<80xi32, #tpu.memory_space<vmem>>, vector<16xi32>,
    %swap3A_595 = vector.shape_cast %swap3A_594 : vector<16xi32> to vector<16xi32>
    %swap3A_596 = vector.shape_cast %add3A_592 : vector<16xi32> to vector<16xi32>
    tpu.vector_store %arg9[%swap3A_593], %swap3A_596 {strides = array<i32>} : memref<80xi32, #tpu.memory_space<vmem>>, vector<16xi32>,
    %dma_start3A_597 = arith.constant 0 : i32
    %dma_start3A_598 = arith.constant 0 : i32
    %dma_start3A_599 = tpu.memref_slice %arg13[%dma_start3A_597, %dma_start3A_598] : memref<10240x128xf32, #tpu.memory_space<vmem_shared>> -> memref<10240x128xf32, #tpu.memory_space<vmem_shared>>
    tpu.enqueue_indirect_dma source(%dma_start3A_599 : memref<10240x128xf32, #tpu.memory_space<vmem_shared>>) target(%arg12 : memref<80x128xf32, #tpu.memory_space<vmem>>) offsets(%arg9 : memref<80xi32, #tpu.memory_space<vmem>>) semaphore(%arg14 : memref<!tpu.dma_semaphore, #tpu.memory_space<semaphore_mem>>)
    %dma_wait3A_600 = arith.constant 0 : i32
    %dma_wait3A_601 = arith.constant 0 : i32
    %dma_wait3A_602 = tpu.memref_slice %arg13[%dma_wait3A_600, %dma_wait3A_601] : memref<10240x128xf32, #tpu.memory_space<vmem_shared>> -> memref<10240x128xf32, #tpu.memory_space<vmem_shared>>
    tpu.wait_indirect_dma semaphore(%arg14 : memref<!tpu.dma_semaphore, #tpu.memory_space<semaphore_mem>>) src(%dma_wait3A_602 : memref<10240x128xf32, #tpu.memory_space<vmem_shared>>) dst(%arg12 : memref<80x128xf32, #tpu.memory_space<vmem>>)
    %add3A_603 = arith.constant 240 : i32
    %add3A_604 = arith.addi %mul3A_2, %add3A_603 : i32
    "tpu.region"() ({
      %run_scoped3A = tpu.sem_alloc : memref<!tpu.dma_semaphore, #tpu.memory_space<semaphore_mem>>
      %dma_start3A_825 = arith.constant 0 : i32
      %dma_start3A_826 = tpu.memref_slice %arg5[%arg0, %add3A_604, %dma_start3A_825] : memref<2x10240x128xf32, #tpu.memory_space<hbm>> -> memref<1x80x128xf32, #tpu.memory_space<hbm>>
      %dma_start3A_827 = tpu.memref_squeeze %dma_start3A_826 : memref<1x80x128xf32, #tpu.memory_space<hbm>> -> memref<80x128xf32, #tpu.memory_space<hbm>>
      %dma_start3A_828 = arith.constant 0 : i32
      %dma_start3A_829 = tpu.memref_slice %arg5[%arg0, %add3A_604, %dma_start3A_828] : memref<2x10240x128xf32, #tpu.memory_space<hbm>> -> memref<1x80x128xf32, #tpu.memory_space<hbm>>
      %dma_start3A_830 = tpu.memref_squeeze %dma_start3A_829 : memref<1x80x128xf32, #tpu.memory_space<hbm>> -> memref<80x128xf32, #tpu.memory_space<hbm>>
      tpu.enqueue_dma source(%arg12 : memref<80x128xf32, #tpu.memory_space<vmem>>) target(%dma_start3A_830 : memref<80x128xf32, #tpu.memory_space<hbm>>) target_semaphore(%run_scoped3A : memref<!tpu.dma_semaphore, #tpu.memory_space<semaphore_mem>>)
      %dma_wait3A_831 = arith.constant 0 : i32
      %dma_wait3A_832 = tpu.memref_slice %arg5[%arg0, %add3A_604, %dma_wait3A_831] : memref<2x10240x128xf32, #tpu.memory_space<hbm>> -> memref<1x80x128xf32, #tpu.memory_space<hbm>>
      %dma_wait3A_833 = tpu.memref_squeeze %dma_wait3A_832 : memref<1x80x128xf32, #tpu.memory_space<hbm>> -> memref<80x128xf32, #tpu.memory_space<hbm>>
      %dma_wait3A_834 = arith.constant 0 : i32
      %dma_wait3A_835 = tpu.memref_slice %arg5[%arg0, %add3A_604, %dma_wait3A_834] : memref<2x10240x128xf32, #tpu.memory_space<hbm>> -> memref<1x80x128xf32, #tpu.memory_space<hbm>>
      %dma_wait3A_836 = tpu.memref_squeeze %dma_wait3A_835 : memref<1x80x128xf32, #tpu.memory_space<hbm>> -> memref<80x128xf32, #tpu.memory_space<hbm>>
      tpu.wait_dma2 semaphore(%run_scoped3A : memref<!tpu.dma_semaphore, #tpu.memory_space<semaphore_mem>>) src(%arg12 : memref<80x128xf32, #tpu.memory_space<vmem>>) dst(%dma_wait3A_836 : memref<80x128xf32, #tpu.memory_space<hbm>>)
      tpu.yield
    }) : () -> ()
    %add3A_605 = arith.constant 320 : i32
    %add3A_606 = arith.addi %mul3A_2, %add3A_605 : i32
    %add3A_607 = arith.constant 0 : i32
    %add3A_608 = arith.addi %add3A_606, %add3A_607 : i32
    %iota3A_609 = tpu.iota {dimensions = array<i32: 0>} : vector<16xi32>
    %add3A_610 = vector.broadcast %add3A_608 : i32 to vector<16xi32>
    %add3A_611 = arith.addi %add3A_610, %iota3A_609 : vector<16xi32>
    %swap3A_612 = arith.constant 0 : index
    %swap3A_613 = tpu.vector_load %arg9[%swap3A_612] {strides = array<i32>} : memref<80xi32, #tpu.memory_space<vmem>>, vector<16xi32>,
    %swap3A_614 = vector.shape_cast %swap3A_613 : vector<16xi32> to vector<16xi32>
    %swap3A_615 = vector.shape_cast %add3A_611 : vector<16xi32> to vector<16xi32>
    tpu.vector_store %arg9[%swap3A_612], %swap3A_615 {strides = array<i32>} : memref<80xi32, #tpu.memory_space<vmem>>, vector<16xi32>,
    %add3A_616 = arith.constant 16 : i32
    %add3A_617 = arith.addi %add3A_606, %add3A_616 : i32
    %iota3A_618 = tpu.iota {dimensions = array<i32: 0>} : vector<16xi32>
    %add3A_619 = vector.broadcast %add3A_617 : i32 to vector<16xi32>
    %add3A_620 = arith.addi %add3A_619, %iota3A_618 : vector<16xi32>
    %swap3A_621 = arith.constant 16 : index
    %swap3A_622 = tpu.vector_load %arg9[%swap3A_621] {strides = array<i32>} : memref<80xi32, #tpu.memory_space<vmem>>, vector<16xi32>,
    %swap3A_623 = vector.shape_cast %swap3A_622 : vector<16xi32> to vector<16xi32>
    %swap3A_624 = vector.shape_cast %add3A_620 : vector<16xi32> to vector<16xi32>
    tpu.vector_store %arg9[%swap3A_621], %swap3A_624 {strides = array<i32>} : memref<80xi32, #tpu.memory_space<vmem>>, vector<16xi32>,
    %add3A_625 = arith.constant 32 : i32
    %add3A_626 = arith.addi %add3A_606, %add3A_625 : i32
    %iota3A_627 = tpu.iota {dimensions = array<i32: 0>} : vector<16xi32>
    %add3A_628 = vector.broadcast %add3A_626 : i32 to vector<16xi32>
    %add3A_629 = arith.addi %add3A_628, %iota3A_627 : vector<16xi32>
    %swap3A_630 = arith.constant 32 : index
    %swap3A_631 = tpu.vector_load %arg9[%swap3A_630] {strides = array<i32>} : memref<80xi32, #tpu.memory_space<vmem>>, vector<16xi32>,
    %swap3A_632 = vector.shape_cast %swap3A_631 : vector<16xi32> to vector<16xi32>
    %swap3A_633 = vector.shape_cast %add3A_629 : vector<16xi32> to vector<16xi32>
    tpu.vector_store %arg9[%swap3A_630], %swap3A_633 {strides = array<i32>} : memref<80xi32, #tpu.memory_space<vmem>>, vector<16xi32>,
    %add3A_634 = arith.constant 48 : i32
    %add3A_635 = arith.addi %add3A_606, %add3A_634 : i32
    %iota3A_636 = tpu.iota {dimensions = array<i32: 0>} : vector<16xi32>
    %add3A_637 = vector.broadcast %add3A_635 : i32 to vector<16xi32>
    %add3A_638 = arith.addi %add3A_637, %iota3A_636 : vector<16xi32>
    %swap3A_639 = arith.constant 48 : index
    %swap3A_640 = tpu.vector_load %arg9[%swap3A_639] {strides = array<i32>} : memref<80xi32, #tpu.memory_space<vmem>>, vector<16xi32>,
    %swap3A_641 = vector.shape_cast %swap3A_640 : vector<16xi32> to vector<16xi32>
    %swap3A_642 = vector.shape_cast %add3A_638 : vector<16xi32> to vector<16xi32>
    tpu.vector_store %arg9[%swap3A_639], %swap3A_642 {strides = array<i32>} : memref<80xi32, #tpu.memory_space<vmem>>, vector<16xi32>,
    %add3A_643 = arith.constant 64 : i32
    %add3A_644 = arith.addi %add3A_606, %add3A_643 : i32
    %iota3A_645 = tpu.iota {dimensions = array<i32: 0>} : vector<16xi32>
    %add3A_646 = vector.broadcast %add3A_644 : i32 to vector<16xi32>
    %add3A_647 = arith.addi %add3A_646, %iota3A_645 : vector<16xi32>
    %swap3A_648 = arith.constant 64 : index
    %swap3A_649 = tpu.vector_load %arg9[%swap3A_648] {strides = array<i32>} : memref<80xi32, #tpu.memory_space<vmem>>, vector<16xi32>,
    %swap3A_650 = vector.shape_cast %swap3A_649 : vector<16xi32> to vector<16xi32>
    %swap3A_651 = vector.shape_cast %add3A_647 : vector<16xi32> to vector<16xi32>
    tpu.vector_store %arg9[%swap3A_648], %swap3A_651 {strides = array<i32>} : memref<80xi32, #tpu.memory_space<vmem>>, vector<16xi32>,
    %dma_start3A_652 = arith.constant 0 : i32
    %dma_start3A_653 = arith.constant 0 : i32
    %dma_start3A_654 = tpu.memref_slice %arg13[%dma_start3A_652, %dma_start3A_653] : memref<10240x128xf32, #tpu.memory_space<vmem_shared>> -> memref<10240x128xf32, #tpu.memory_space<vmem_shared>>
    tpu.enqueue_indirect_dma source(%dma_start3A_654 : memref<10240x128xf32, #tpu.memory_space<vmem_shared>>) target(%arg12 : memref<80x128xf32, #tpu.memory_space<vmem>>) offsets(%arg9 : memref<80xi32, #tpu.memory_space<vmem>>) semaphore(%arg14 : memref<!tpu.dma_semaphore, #tpu.memory_space<semaphore_mem>>)
    %dma_wait3A_655 = arith.constant 0 : i32
    %dma_wait3A_656 = arith.constant 0 : i32
    %dma_wait3A_657 = tpu.memref_slice %arg13[%dma_wait3A_655, %dma_wait3A_656] : memref<10240x128xf32, #tpu.memory_space<vmem_shared>> -> memref<10240x128xf32, #tpu.memory_space<vmem_shared>>
    tpu.wait_indirect_dma semaphore(%arg14 : memref<!tpu.dma_semaphore, #tpu.memory_space<semaphore_mem>>) src(%dma_wait3A_657 : memref<10240x128xf32, #tpu.memory_space<vmem_shared>>) dst(%arg12 : memref<80x128xf32, #tpu.memory_space<vmem>>)
    %add3A_658 = arith.constant 320 : i32
    %add3A_659 = arith.addi %mul3A_2, %add3A_658 : i32
    "tpu.region"() ({
      %run_scoped3A = tpu.sem_alloc : memref<!tpu.dma_semaphore, #tpu.memory_space<semaphore_mem>>
      %dma_start3A_825 = arith.constant 0 : i32
      %dma_start3A_826 = tpu.memref_slice %arg5[%arg0, %add3A_659, %dma_start3A_825] : memref<2x10240x128xf32, #tpu.memory_space<hbm>> -> memref<1x80x128xf32, #tpu.memory_space<hbm>>
      %dma_start3A_827 = tpu.memref_squeeze %dma_start3A_826 : memref<1x80x128xf32, #tpu.memory_space<hbm>> -> memref<80x128xf32, #tpu.memory_space<hbm>>
      %dma_start3A_828 = arith.constant 0 : i32
      %dma_start3A_829 = tpu.memref_slice %arg5[%arg0, %add3A_659, %dma_start3A_828] : memref<2x10240x128xf32, #tpu.memory_space<hbm>> -> memref<1x80x128xf32, #tpu.memory_space<hbm>>
      %dma_start3A_830 = tpu.memref_squeeze %dma_start3A_829 : memref<1x80x128xf32, #tpu.memory_space<hbm>> -> memref<80x128xf32, #tpu.memory_space<hbm>>
      tpu.enqueue_dma source(%arg12 : memref<80x128xf32, #tpu.memory_space<vmem>>) target(%dma_start3A_830 : memref<80x128xf32, #tpu.memory_space<hbm>>) target_semaphore(%run_scoped3A : memref<!tpu.dma_semaphore, #tpu.memory_space<semaphore_mem>>)
      %dma_wait3A_831 = arith.constant 0 : i32
      %dma_wait3A_832 = tpu.memref_slice %arg5[%arg0, %add3A_659, %dma_wait3A_831] : memref<2x10240x128xf32, #tpu.memory_space<hbm>> -> memref<1x80x128xf32, #tpu.memory_space<hbm>>
      %dma_wait3A_833 = tpu.memref_squeeze %dma_wait3A_832 : memref<1x80x128xf32, #tpu.memory_space<hbm>> -> memref<80x128xf32, #tpu.memory_space<hbm>>
      %dma_wait3A_834 = arith.constant 0 : i32
      %dma_wait3A_835 = tpu.memref_slice %arg5[%arg0, %add3A_659, %dma_wait3A_834] : memref<2x10240x128xf32, #tpu.memory_space<hbm>> -> memref<1x80x128xf32, #tpu.memory_space<hbm>>
      %dma_wait3A_836 = tpu.memref_squeeze %dma_wait3A_835 : memref<1x80x128xf32, #tpu.memory_space<hbm>> -> memref<80x128xf32, #tpu.memory_space<hbm>>
      tpu.wait_dma2 semaphore(%run_scoped3A : memref<!tpu.dma_semaphore, #tpu.memory_space<semaphore_mem>>) src(%arg12 : memref<80x128xf32, #tpu.memory_space<vmem>>) dst(%dma_wait3A_836 : memref<80x128xf32, #tpu.memory_space<hbm>>)
      tpu.yield
    }) : () -> ()
    %add3A_660 = arith.constant 400 : i32
    %add3A_661 = arith.addi %mul3A_2, %add3A_660 : i32
    %add3A_662 = arith.constant 0 : i32
    %add3A_663 = arith.addi %add3A_661, %add3A_662 : i32
    %iota3A_664 = tpu.iota {dimensions = array<i32: 0>} : vector<16xi32>
    %add3A_665 = vector.broadcast %add3A_663 : i32 to vector<16xi32>
    %add3A_666 = arith.addi %add3A_665, %iota3A_664 : vector<16xi32>
    %swap3A_667 = arith.constant 0 : index
    %swap3A_668 = tpu.vector_load %arg9[%swap3A_667] {strides = array<i32>} : memref<80xi32, #tpu.memory_space<vmem>>, vector<16xi32>,
    %swap3A_669 = vector.shape_cast %swap3A_668 : vector<16xi32> to vector<16xi32>
    %swap3A_670 = vector.shape_cast %add3A_666 : vector<16xi32> to vector<16xi32>
    tpu.vector_store %arg9[%swap3A_667], %swap3A_670 {strides = array<i32>} : memref<80xi32, #tpu.memory_space<vmem>>, vector<16xi32>,
    %add3A_671 = arith.constant 16 : i32
    %add3A_672 = arith.addi %add3A_661, %add3A_671 : i32
    %iota3A_673 = tpu.iota {dimensions = array<i32: 0>} : vector<16xi32>
    %add3A_674 = vector.broadcast %add3A_672 : i32 to vector<16xi32>
    %add3A_675 = arith.addi %add3A_674, %iota3A_673 : vector<16xi32>
    %swap3A_676 = arith.constant 16 : index
    %swap3A_677 = tpu.vector_load %arg9[%swap3A_676] {strides = array<i32>} : memref<80xi32, #tpu.memory_space<vmem>>, vector<16xi32>,
    %swap3A_678 = vector.shape_cast %swap3A_677 : vector<16xi32> to vector<16xi32>
    %swap3A_679 = vector.shape_cast %add3A_675 : vector<16xi32> to vector<16xi32>
    tpu.vector_store %arg9[%swap3A_676], %swap3A_679 {strides = array<i32>} : memref<80xi32, #tpu.memory_space<vmem>>, vector<16xi32>,
    %add3A_680 = arith.constant 32 : i32
    %add3A_681 = arith.addi %add3A_661, %add3A_680 : i32
    %iota3A_682 = tpu.iota {dimensions = array<i32: 0>} : vector<16xi32>
    %add3A_683 = vector.broadcast %add3A_681 : i32 to vector<16xi32>
    %add3A_684 = arith.addi %add3A_683, %iota3A_682 : vector<16xi32>
    %swap3A_685 = arith.constant 32 : index
    %swap3A_686 = tpu.vector_load %arg9[%swap3A_685] {strides = array<i32>} : memref<80xi32, #tpu.memory_space<vmem>>, vector<16xi32>,
    %swap3A_687 = vector.shape_cast %swap3A_686 : vector<16xi32> to vector<16xi32>
    %swap3A_688 = vector.shape_cast %add3A_684 : vector<16xi32> to vector<16xi32>
    tpu.vector_store %arg9[%swap3A_685], %swap3A_688 {strides = array<i32>} : memref<80xi32, #tpu.memory_space<vmem>>, vector<16xi32>,
    %add3A_689 = arith.constant 48 : i32
    %add3A_690 = arith.addi %add3A_661, %add3A_689 : i32
    %iota3A_691 = tpu.iota {dimensions = array<i32: 0>} : vector<16xi32>
    %add3A_692 = vector.broadcast %add3A_690 : i32 to vector<16xi32>
    %add3A_693 = arith.addi %add3A_692, %iota3A_691 : vector<16xi32>
    %swap3A_694 = arith.constant 48 : index
    %swap3A_695 = tpu.vector_load %arg9[%swap3A_694] {strides = array<i32>} : memref<80xi32, #tpu.memory_space<vmem>>, vector<16xi32>,
    %swap3A_696 = vector.shape_cast %swap3A_695 : vector<16xi32> to vector<16xi32>
    %swap3A_697 = vector.shape_cast %add3A_693 : vector<16xi32> to vector<16xi32>
    tpu.vector_store %arg9[%swap3A_694], %swap3A_697 {strides = array<i32>} : memref<80xi32, #tpu.memory_space<vmem>>, vector<16xi32>,
    %add3A_698 = arith.constant 64 : i32
    %add3A_699 = arith.addi %add3A_661, %add3A_698 : i32
    %iota3A_700 = tpu.iota {dimensions = array<i32: 0>} : vector<16xi32>
    %add3A_701 = vector.broadcast %add3A_699 : i32 to vector<16xi32>
    %add3A_702 = arith.addi %add3A_701, %iota3A_700 : vector<16xi32>
    %swap3A_703 = arith.constant 64 : index
    %swap3A_704 = tpu.vector_load %arg9[%swap3A_703] {strides = array<i32>} : memref<80xi32, #tpu.memory_space<vmem>>, vector<16xi32>,
    %swap3A_705 = vector.shape_cast %swap3A_704 : vector<16xi32> to vector<16xi32>
    %swap3A_706 = vector.shape_cast %add3A_702 : vector<16xi32> to vector<16xi32>
    tpu.vector_store %arg9[%swap3A_703], %swap3A_706 {strides = array<i32>} : memref<80xi32, #tpu.memory_space<vmem>>, vector<16xi32>,
    %dma_start3A_707 = arith.constant 0 : i32
    %dma_start3A_708 = arith.constant 0 : i32
    %dma_start3A_709 = tpu.memref_slice %arg13[%dma_start3A_707, %dma_start3A_708] : memref<10240x128xf32, #tpu.memory_space<vmem_shared>> -> memref<10240x128xf32, #tpu.memory_space<vmem_shared>>
    tpu.enqueue_indirect_dma source(%dma_start3A_709 : memref<10240x128xf32, #tpu.memory_space<vmem_shared>>) target(%arg12 : memref<80x128xf32, #tpu.memory_space<vmem>>) offsets(%arg9 : memref<80xi32, #tpu.memory_space<vmem>>) semaphore(%arg14 : memref<!tpu.dma_semaphore, #tpu.memory_space<semaphore_mem>>)
    %dma_wait3A_710 = arith.constant 0 : i32
    %dma_wait3A_711 = arith.constant 0 : i32
    %dma_wait3A_712 = tpu.memref_slice %arg13[%dma_wait3A_710, %dma_wait3A_711] : memref<10240x128xf32, #tpu.memory_space<vmem_shared>> -> memref<10240x128xf32, #tpu.memory_space<vmem_shared>>
    tpu.wait_indirect_dma semaphore(%arg14 : memref<!tpu.dma_semaphore, #tpu.memory_space<semaphore_mem>>) src(%dma_wait3A_712 : memref<10240x128xf32, #tpu.memory_space<vmem_shared>>) dst(%arg12 : memref<80x128xf32, #tpu.memory_space<vmem>>)
    %add3A_713 = arith.constant 400 : i32
    %add3A_714 = arith.addi %mul3A_2, %add3A_713 : i32
    "tpu.region"() ({
      %run_scoped3A = tpu.sem_alloc : memref<!tpu.dma_semaphore, #tpu.memory_space<semaphore_mem>>
      %dma_start3A_825 = arith.constant 0 : i32
      %dma_start3A_826 = tpu.memref_slice %arg5[%arg0, %add3A_714, %dma_start3A_825] : memref<2x10240x128xf32, #tpu.memory_space<hbm>> -> memref<1x80x128xf32, #tpu.memory_space<hbm>>
      %dma_start3A_827 = tpu.memref_squeeze %dma_start3A_826 : memref<1x80x128xf32, #tpu.memory_space<hbm>> -> memref<80x128xf32, #tpu.memory_space<hbm>>
      %dma_start3A_828 = arith.constant 0 : i32
      %dma_start3A_829 = tpu.memref_slice %arg5[%arg0, %add3A_714, %dma_start3A_828] : memref<2x10240x128xf32, #tpu.memory_space<hbm>> -> memref<1x80x128xf32, #tpu.memory_space<hbm>>
      %dma_start3A_830 = tpu.memref_squeeze %dma_start3A_829 : memref<1x80x128xf32, #tpu.memory_space<hbm>> -> memref<80x128xf32, #tpu.memory_space<hbm>>
      tpu.enqueue_dma source(%arg12 : memref<80x128xf32, #tpu.memory_space<vmem>>) target(%dma_start3A_830 : memref<80x128xf32, #tpu.memory_space<hbm>>) target_semaphore(%run_scoped3A : memref<!tpu.dma_semaphore, #tpu.memory_space<semaphore_mem>>)
      %dma_wait3A_831 = arith.constant 0 : i32
      %dma_wait3A_832 = tpu.memref_slice %arg5[%arg0, %add3A_714, %dma_wait3A_831] : memref<2x10240x128xf32, #tpu.memory_space<hbm>> -> memref<1x80x128xf32, #tpu.memory_space<hbm>>
      %dma_wait3A_833 = tpu.memref_squeeze %dma_wait3A_832 : memref<1x80x128xf32, #tpu.memory_space<hbm>> -> memref<80x128xf32, #tpu.memory_space<hbm>>
      %dma_wait3A_834 = arith.constant 0 : i32
      %dma_wait3A_835 = tpu.memref_slice %arg5[%arg0, %add3A_714, %dma_wait3A_834] : memref<2x10240x128xf32, #tpu.memory_space<hbm>> -> memref<1x80x128xf32, #tpu.memory_space<hbm>>
      %dma_wait3A_836 = tpu.memref_squeeze %dma_wait3A_835 : memref<1x80x128xf32, #tpu.memory_space<hbm>> -> memref<80x128xf32, #tpu.memory_space<hbm>>
      tpu.wait_dma2 semaphore(%run_scoped3A : memref<!tpu.dma_semaphore, #tpu.memory_space<semaphore_mem>>) src(%arg12 : memref<80x128xf32, #tpu.memory_space<vmem>>) dst(%dma_wait3A_836 : memref<80x128xf32, #tpu.memory_space<hbm>>)
      tpu.yield
    }) : () -> ()
    %add3A_715 = arith.constant 480 : i32
    %add3A_716 = arith.addi %mul3A_2, %add3A_715 : i32
    %add3A_717 = arith.constant 0 : i32
    %add3A_718 = arith.addi %add3A_716, %add3A_717 : i32
    %iota3A_719 = tpu.iota {dimensions = array<i32: 0>} : vector<16xi32>
    %add3A_720 = vector.broadcast %add3A_718 : i32 to vector<16xi32>
    %add3A_721 = arith.addi %add3A_720, %iota3A_719 : vector<16xi32>
    %swap3A_722 = arith.constant 0 : index
    %swap3A_723 = tpu.vector_load %arg9[%swap3A_722] {strides = array<i32>} : memref<80xi32, #tpu.memory_space<vmem>>, vector<16xi32>,
    %swap3A_724 = vector.shape_cast %swap3A_723 : vector<16xi32> to vector<16xi32>
    %swap3A_725 = vector.shape_cast %add3A_721 : vector<16xi32> to vector<16xi32>
    tpu.vector_store %arg9[%swap3A_722], %swap3A_725 {strides = array<i32>} : memref<80xi32, #tpu.memory_space<vmem>>, vector<16xi32>,
    %add3A_726 = arith.constant 16 : i32
    %add3A_727 = arith.addi %add3A_716, %add3A_726 : i32
    %iota3A_728 = tpu.iota {dimensions = array<i32: 0>} : vector<16xi32>
    %add3A_729 = vector.broadcast %add3A_727 : i32 to vector<16xi32>
    %add3A_730 = arith.addi %add3A_729, %iota3A_728 : vector<16xi32>
    %swap3A_731 = arith.constant 16 : index
    %swap3A_732 = tpu.vector_load %arg9[%swap3A_731] {strides = array<i32>} : memref<80xi32, #tpu.memory_space<vmem>>, vector<16xi32>,
    %swap3A_733 = vector.shape_cast %swap3A_732 : vector<16xi32> to vector<16xi32>
    %swap3A_734 = vector.shape_cast %add3A_730 : vector<16xi32> to vector<16xi32>
    tpu.vector_store %arg9[%swap3A_731], %swap3A_734 {strides = array<i32>} : memref<80xi32, #tpu.memory_space<vmem>>, vector<16xi32>,
    %add3A_735 = arith.constant 32 : i32
    %add3A_736 = arith.addi %add3A_716, %add3A_735 : i32
    %iota3A_737 = tpu.iota {dimensions = array<i32: 0>} : vector<16xi32>
    %add3A_738 = vector.broadcast %add3A_736 : i32 to vector<16xi32>
    %add3A_739 = arith.addi %add3A_738, %iota3A_737 : vector<16xi32>
    %swap3A_740 = arith.constant 32 : index
    %swap3A_741 = tpu.vector_load %arg9[%swap3A_740] {strides = array<i32>} : memref<80xi32, #tpu.memory_space<vmem>>, vector<16xi32>,
    %swap3A_742 = vector.shape_cast %swap3A_741 : vector<16xi32> to vector<16xi32>
    %swap3A_743 = vector.shape_cast %add3A_739 : vector<16xi32> to vector<16xi32>
    tpu.vector_store %arg9[%swap3A_740], %swap3A_743 {strides = array<i32>} : memref<80xi32, #tpu.memory_space<vmem>>, vector<16xi32>,
    %add3A_744 = arith.constant 48 : i32
    %add3A_745 = arith.addi %add3A_716, %add3A_744 : i32
    %iota3A_746 = tpu.iota {dimensions = array<i32: 0>} : vector<16xi32>
    %add3A_747 = vector.broadcast %add3A_745 : i32 to vector<16xi32>
    %add3A_748 = arith.addi %add3A_747, %iota3A_746 : vector<16xi32>
    %swap3A_749 = arith.constant 48 : index
    %swap3A_750 = tpu.vector_load %arg9[%swap3A_749] {strides = array<i32>} : memref<80xi32, #tpu.memory_space<vmem>>, vector<16xi32>,
    %swap3A_751 = vector.shape_cast %swap3A_750 : vector<16xi32> to vector<16xi32>
    %swap3A_752 = vector.shape_cast %add3A_748 : vector<16xi32> to vector<16xi32>
    tpu.vector_store %arg9[%swap3A_749], %swap3A_752 {strides = array<i32>} : memref<80xi32, #tpu.memory_space<vmem>>, vector<16xi32>,
    %add3A_753 = arith.constant 64 : i32
    %add3A_754 = arith.addi %add3A_716, %add3A_753 : i32
    %iota3A_755 = tpu.iota {dimensions = array<i32: 0>} : vector<16xi32>
    %add3A_756 = vector.broadcast %add3A_754 : i32 to vector<16xi32>
    %add3A_757 = arith.addi %add3A_756, %iota3A_755 : vector<16xi32>
    %swap3A_758 = arith.constant 64 : index
    %swap3A_759 = tpu.vector_load %arg9[%swap3A_758] {strides = array<i32>} : memref<80xi32, #tpu.memory_space<vmem>>, vector<16xi32>,
    %swap3A_760 = vector.shape_cast %swap3A_759 : vector<16xi32> to vector<16xi32>
    %swap3A_761 = vector.shape_cast %add3A_757 : vector<16xi32> to vector<16xi32>
    tpu.vector_store %arg9[%swap3A_758], %swap3A_761 {strides = array<i32>} : memref<80xi32, #tpu.memory_space<vmem>>, vector<16xi32>,
    %dma_start3A_762 = arith.constant 0 : i32
    %dma_start3A_763 = arith.constant 0 : i32
    %dma_start3A_764 = tpu.memref_slice %arg13[%dma_start3A_762, %dma_start3A_763] : memref<10240x128xf32, #tpu.memory_space<vmem_shared>> -> memref<10240x128xf32, #tpu.memory_space<vmem_shared>>
    tpu.enqueue_indirect_dma source(%dma_start3A_764 : memref<10240x128xf32, #tpu.memory_space<vmem_shared>>) target(%arg12 : memref<80x128xf32, #tpu.memory_space<vmem>>) offsets(%arg9 : memref<80xi32, #tpu.memory_space<vmem>>) semaphore(%arg14 : memref<!tpu.dma_semaphore, #tpu.memory_space<semaphore_mem>>)
    %dma_wait3A_765 = arith.constant 0 : i32
    %dma_wait3A_766 = arith.constant 0 : i32
    %dma_wait3A_767 = tpu.memref_slice %arg13[%dma_wait3A_765, %dma_wait3A_766] : memref<10240x128xf32, #tpu.memory_space<vmem_shared>> -> memref<10240x128xf32, #tpu.memory_space<vmem_shared>>
    tpu.wait_indirect_dma semaphore(%arg14 : memref<!tpu.dma_semaphore, #tpu.memory_space<semaphore_mem>>) src(%dma_wait3A_767 : memref<10240x128xf32, #tpu.memory_space<vmem_shared>>) dst(%arg12 : memref<80x128xf32, #tpu.memory_space<vmem>>)
    %add3A_768 = arith.constant 480 : i32
    %add3A_769 = arith.addi %mul3A_2, %add3A_768 : i32
    "tpu.region"() ({
      %run_scoped3A = tpu.sem_alloc : memref<!tpu.dma_semaphore, #tpu.memory_space<semaphore_mem>>
      %dma_start3A_825 = arith.constant 0 : i32
      %dma_start3A_826 = tpu.memref_slice %arg5[%arg0, %add3A_769, %dma_start3A_825] : memref<2x10240x128xf32, #tpu.memory_space<hbm>> -> memref<1x80x128xf32, #tpu.memory_space<hbm>>
      %dma_start3A_827 = tpu.memref_squeeze %dma_start3A_826 : memref<1x80x128xf32, #tpu.memory_space<hbm>> -> memref<80x128xf32, #tpu.memory_space<hbm>>
      %dma_start3A_828 = arith.constant 0 : i32
      %dma_start3A_829 = tpu.memref_slice %arg5[%arg0, %add3A_769, %dma_start3A_828] : memref<2x10240x128xf32, #tpu.memory_space<hbm>> -> memref<1x80x128xf32, #tpu.memory_space<hbm>>
      %dma_start3A_830 = tpu.memref_squeeze %dma_start3A_829 : memref<1x80x128xf32, #tpu.memory_space<hbm>> -> memref<80x128xf32, #tpu.memory_space<hbm>>
      tpu.enqueue_dma source(%arg12 : memref<80x128xf32, #tpu.memory_space<vmem>>) target(%dma_start3A_830 : memref<80x128xf32, #tpu.memory_space<hbm>>) target_semaphore(%run_scoped3A : memref<!tpu.dma_semaphore, #tpu.memory_space<semaphore_mem>>)
      %dma_wait3A_831 = arith.constant 0 : i32
      %dma_wait3A_832 = tpu.memref_slice %arg5[%arg0, %add3A_769, %dma_wait3A_831] : memref<2x10240x128xf32, #tpu.memory_space<hbm>> -> memref<1x80x128xf32, #tpu.memory_space<hbm>>
      %dma_wait3A_833 = tpu.memref_squeeze %dma_wait3A_832 : memref<1x80x128xf32, #tpu.memory_space<hbm>> -> memref<80x128xf32, #tpu.memory_space<hbm>>
      %dma_wait3A_834 = arith.constant 0 : i32
      %dma_wait3A_835 = tpu.memref_slice %arg5[%arg0, %add3A_769, %dma_wait3A_834] : memref<2x10240x128xf32, #tpu.memory_space<hbm>> -> memref<1x80x128xf32, #tpu.memory_space<hbm>>
      %dma_wait3A_836 = tpu.memref_squeeze %dma_wait3A_835 : memref<1x80x128xf32, #tpu.memory_space<hbm>> -> memref<80x128xf32, #tpu.memory_space<hbm>>
      tpu.wait_dma2 semaphore(%run_scoped3A : memref<!tpu.dma_semaphore, #tpu.memory_space<semaphore_mem>>) src(%arg12 : memref<80x128xf32, #tpu.memory_space<vmem>>) dst(%dma_wait3A_836 : memref<80x128xf32, #tpu.memory_space<hbm>>)
      tpu.yield
    }) : () -> ()
    %add3A_770 = arith.constant 560 : i32
    %add3A_771 = arith.addi %mul3A_2, %add3A_770 : i32
    %add3A_772 = arith.constant 0 : i32
    %add3A_773 = arith.addi %add3A_771, %add3A_772 : i32
    %iota3A_774 = tpu.iota {dimensions = array<i32: 0>} : vector<16xi32>
    %add3A_775 = vector.broadcast %add3A_773 : i32 to vector<16xi32>
    %add3A_776 = arith.addi %add3A_775, %iota3A_774 : vector<16xi32>
    %swap3A_777 = arith.constant 0 : index
    %swap3A_778 = tpu.vector_load %arg9[%swap3A_777] {strides = array<i32>} : memref<80xi32, #tpu.memory_space<vmem>>, vector<16xi32>,
    %swap3A_779 = vector.shape_cast %swap3A_778 : vector<16xi32> to vector<16xi32>
    %swap3A_780 = vector.shape_cast %add3A_776 : vector<16xi32> to vector<16xi32>
    tpu.vector_store %arg9[%swap3A_777], %swap3A_780 {strides = array<i32>} : memref<80xi32, #tpu.memory_space<vmem>>, vector<16xi32>,
    %add3A_781 = arith.constant 16 : i32
    %add3A_782 = arith.addi %add3A_771, %add3A_781 : i32
    %iota3A_783 = tpu.iota {dimensions = array<i32: 0>} : vector<16xi32>
    %add3A_784 = vector.broadcast %add3A_782 : i32 to vector<16xi32>
    %add3A_785 = arith.addi %add3A_784, %iota3A_783 : vector<16xi32>
    %swap3A_786 = arith.constant 16 : index
    %swap3A_787 = tpu.vector_load %arg9[%swap3A_786] {strides = array<i32>} : memref<80xi32, #tpu.memory_space<vmem>>, vector<16xi32>,
    %swap3A_788 = vector.shape_cast %swap3A_787 : vector<16xi32> to vector<16xi32>
    %swap3A_789 = vector.shape_cast %add3A_785 : vector<16xi32> to vector<16xi32>
    tpu.vector_store %arg9[%swap3A_786], %swap3A_789 {strides = array<i32>} : memref<80xi32, #tpu.memory_space<vmem>>, vector<16xi32>,
    %add3A_790 = arith.constant 32 : i32
    %add3A_791 = arith.addi %add3A_771, %add3A_790 : i32
    %iota3A_792 = tpu.iota {dimensions = array<i32: 0>} : vector<16xi32>
    %add3A_793 = vector.broadcast %add3A_791 : i32 to vector<16xi32>
    %add3A_794 = arith.addi %add3A_793, %iota3A_792 : vector<16xi32>
    %swap3A_795 = arith.constant 32 : index
    %swap3A_796 = tpu.vector_load %arg9[%swap3A_795] {strides = array<i32>} : memref<80xi32, #tpu.memory_space<vmem>>, vector<16xi32>,
    %swap3A_797 = vector.shape_cast %swap3A_796 : vector<16xi32> to vector<16xi32>
    %swap3A_798 = vector.shape_cast %add3A_794 : vector<16xi32> to vector<16xi32>
    tpu.vector_store %arg9[%swap3A_795], %swap3A_798 {strides = array<i32>} : memref<80xi32, #tpu.memory_space<vmem>>, vector<16xi32>,
    %add3A_799 = arith.constant 48 : i32
    %add3A_800 = arith.addi %add3A_771, %add3A_799 : i32
    %iota3A_801 = tpu.iota {dimensions = array<i32: 0>} : vector<16xi32>
    %add3A_802 = vector.broadcast %add3A_800 : i32 to vector<16xi32>
    %add3A_803 = arith.addi %add3A_802, %iota3A_801 : vector<16xi32>
    %swap3A_804 = arith.constant 48 : index
    %swap3A_805 = tpu.vector_load %arg9[%swap3A_804] {strides = array<i32>} : memref<80xi32, #tpu.memory_space<vmem>>, vector<16xi32>,
    %swap3A_806 = vector.shape_cast %swap3A_805 : vector<16xi32> to vector<16xi32>
    %swap3A_807 = vector.shape_cast %add3A_803 : vector<16xi32> to vector<16xi32>
    tpu.vector_store %arg9[%swap3A_804], %swap3A_807 {strides = array<i32>} : memref<80xi32, #tpu.memory_space<vmem>>, vector<16xi32>,
    %add3A_808 = arith.constant 64 : i32
    %add3A_809 = arith.addi %add3A_771, %add3A_808 : i32
    %iota3A_810 = tpu.iota {dimensions = array<i32: 0>} : vector<16xi32>
    %add3A_811 = vector.broadcast %add3A_809 : i32 to vector<16xi32>
    %add3A_812 = arith.addi %add3A_811, %iota3A_810 : vector<16xi32>
    %swap3A_813 = arith.constant 64 : index
    %swap3A_814 = tpu.vector_load %arg9[%swap3A_813] {strides = array<i32>} : memref<80xi32, #tpu.memory_space<vmem>>, vector<16xi32>,
    %swap3A_815 = vector.shape_cast %swap3A_814 : vector<16xi32> to vector<16xi32>
    %swap3A_816 = vector.shape_cast %add3A_812 : vector<16xi32> to vector<16xi32>
    tpu.vector_store %arg9[%swap3A_813], %swap3A_816 {strides = array<i32>} : memref<80xi32, #tpu.memory_space<vmem>>, vector<16xi32>,
    %dma_start3A_817 = arith.constant 0 : i32
    %dma_start3A_818 = arith.constant 0 : i32
    %dma_start3A_819 = tpu.memref_slice %arg13[%dma_start3A_817, %dma_start3A_818] : memref<10240x128xf32, #tpu.memory_space<vmem_shared>> -> memref<10240x128xf32, #tpu.memory_space<vmem_shared>>
    tpu.enqueue_indirect_dma source(%dma_start3A_819 : memref<10240x128xf32, #tpu.memory_space<vmem_shared>>) target(%arg12 : memref<80x128xf32, #tpu.memory_space<vmem>>) offsets(%arg9 : memref<80xi32, #tpu.memory_space<vmem>>) semaphore(%arg14 : memref<!tpu.dma_semaphore, #tpu.memory_space<semaphore_mem>>)
    %dma_wait3A_820 = arith.constant 0 : i32
    %dma_wait3A_821 = arith.constant 0 : i32
    %dma_wait3A_822 = tpu.memref_slice %arg13[%dma_wait3A_820, %dma_wait3A_821] : memref<10240x128xf32, #tpu.memory_space<vmem_shared>> -> memref<10240x128xf32, #tpu.memory_space<vmem_shared>>
    tpu.wait_indirect_dma semaphore(%arg14 : memref<!tpu.dma_semaphore, #tpu.memory_space<semaphore_mem>>) src(%dma_wait3A_822 : memref<10240x128xf32, #tpu.memory_space<vmem_shared>>) dst(%arg12 : memref<80x128xf32, #tpu.memory_space<vmem>>)
    %add3A_823 = arith.constant 560 : i32
    %add3A_824 = arith.addi %mul3A_2, %add3A_823 : i32
    "tpu.region"() ({
      %run_scoped3A = tpu.sem_alloc : memref<!tpu.dma_semaphore, #tpu.memory_space<semaphore_mem>>
      %dma_start3A_825 = arith.constant 0 : i32
      %dma_start3A_826 = tpu.memref_slice %arg5[%arg0, %add3A_824, %dma_start3A_825] : memref<2x10240x128xf32, #tpu.memory_space<hbm>> -> memref<1x80x128xf32, #tpu.memory_space<hbm>>
      %dma_start3A_827 = tpu.memref_squeeze %dma_start3A_826 : memref<1x80x128xf32, #tpu.memory_space<hbm>> -> memref<80x128xf32, #tpu.memory_space<hbm>>
      %dma_start3A_828 = arith.constant 0 : i32
      %dma_start3A_829 = tpu.memref_slice %arg5[%arg0, %add3A_824, %dma_start3A_828] : memref<2x10240x128xf32, #tpu.memory_space<hbm>> -> memref<1x80x128xf32, #tpu.memory_space<hbm>>
      %dma_start3A_830 = tpu.memref_squeeze %dma_start3A_829 : memref<1x80x128xf32, #tpu.memory_space<hbm>> -> memref<80x128xf32, #tpu.memory_space<hbm>>
      tpu.enqueue_dma source(%arg12 : memref<80x128xf32, #tpu.memory_space<vmem>>) target(%dma_start3A_830 : memref<80x128xf32, #tpu.memory_space<hbm>>) target_semaphore(%run_scoped3A : memref<!tpu.dma_semaphore, #tpu.memory_space<semaphore_mem>>)
      %dma_wait3A_831 = arith.constant 0 : i32
      %dma_wait3A_832 = tpu.memref_slice %arg5[%arg0, %add3A_824, %dma_wait3A_831] : memref<2x10240x128xf32, #tpu.memory_space<hbm>> -> memref<1x80x128xf32, #tpu.memory_space<hbm>>
      %dma_wait3A_833 = tpu.memref_squeeze %dma_wait3A_832 : memref<1x80x128xf32, #tpu.memory_space<hbm>> -> memref<80x128xf32, #tpu.memory_space<hbm>>
      %dma_wait3A_834 = arith.constant 0 : i32
      %dma_wait3A_835 = tpu.memref_slice %arg5[%arg0, %add3A_824, %dma_wait3A_834] : memref<2x10240x128xf32, #tpu.memory_space<hbm>> -> memref<1x80x128xf32, #tpu.memory_space<hbm>>
      %dma_wait3A_836 = tpu.memref_squeeze %dma_wait3A_835 : memref<1x80x128xf32, #tpu.memory_space<hbm>> -> memref<80x128xf32, #tpu.memory_space<hbm>>
      tpu.wait_dma2 semaphore(%run_scoped3A : memref<!tpu.dma_semaphore, #tpu.memory_space<semaphore_mem>>) src(%arg12 : memref<80x128xf32, #tpu.memory_space<vmem>>) dst(%dma_wait3A_836 : memref<80x128xf32, #tpu.memory_space<hbm>>)
      tpu.yield
    }) : () -> ()
    return
  }
}

module attributes {stable_mosaic.version = 14 : i64} {
  func.func @_dense_body(%arg0: i32, %arg1: memref<1000x128xf32, #tpu.memory_space<vmem>>, %arg2: memref<2x1000x128xf32, #tpu.memory_space<vmem>>, %arg3: memref<2x1000x1xf32, #tpu.memory_space<vmem>>, %arg4: memref<128x128xf32, #tpu.memory_space<vmem>>, %arg5: memref<128x128xf32, #tpu.memory_space<vmem>>, %arg6: memref<1x128xf32, #tpu.memory_space<vmem>>, %arg7: memref<1000x128xf32, #tpu.memory_space<vmem>>) attributes {dimension_semantics = [#tpu.dimension_semantics<arbitrary>], iteration_bounds = array<i64: 10>, scalar_prefetch = 0 : i64, scratch_operands = 0 : i64, tpu.core_type = #tpu.core_type<tc>, window_params = [{transform_indices = @transform_0, window_bounds = array<i64: 1000, 128>}, {transform_indices = @transform_1, window_bounds = array<i64: 2, 1000, 128>}, {transform_indices = @transform_2, window_bounds = array<i64: 2, 1000, 1>}, {pipeline_mode = #tpu.pipeline_mode<synchronous>, transform_indices = @transform_3, window_bounds = array<i64: 128, 128>}, {pipeline_mode = #tpu.pipeline_mode<synchronous>, transform_indices = @transform_4, window_bounds = array<i64: 128, 128>}, {pipeline_mode = #tpu.pipeline_mode<synchronous>, transform_indices = @transform_5, window_bounds = array<i64: 1, 128>}, {transform_indices = @transform_6, window_bounds = array<i64: 1000, 128>}]} {
    %get3A = arith.constant 0 : index
    %get3A_0 = arith.constant 0 : index
    %get3A_1 = arith.constant 0 : index
    %get3A_2 = vector.load %arg2[%get3A, %get3A_0, %get3A_1] : memref<2x1000x128xf32, #tpu.memory_space<vmem>>, vector<1x1000x128xf32>
    %get3A_3 = vector.shape_cast %get3A_2 : vector<1x1000x128xf32> to vector<1000x128xf32>
    %get3A_4 = arith.constant 1 : index
    %get3A_5 = arith.constant 0 : index
    %get3A_6 = arith.constant 0 : index
    %get3A_7 = vector.load %arg2[%get3A_4, %get3A_5, %get3A_6] : memref<2x1000x128xf32, #tpu.memory_space<vmem>>, vector<1x1000x128xf32>
    %get3A_8 = vector.shape_cast %get3A_7 : vector<1x1000x128xf32> to vector<1000x128xf32>
    %add3A = arith.addf %get3A_3, %get3A_8 : vector<1000x128xf32>
    %get3A_9 = arith.constant 0 : index
    %get3A_10 = arith.constant 0 : index
    %get3A_11 = arith.constant 0 : index
    %get3A_12 = vector.load %arg3[%get3A_9, %get3A_10, %get3A_11] : memref<2x1000x1xf32, #tpu.memory_space<vmem>>, vector<1x1000x1xf32>
    %get3A_13 = vector.shape_cast %get3A_12 : vector<1x1000x1xf32> to vector<1000x1xf32>
    %get3A_14 = arith.constant 1 : index
    %get3A_15 = arith.constant 0 : index
    %get3A_16 = arith.constant 0 : index
    %get3A_17 = vector.load %arg3[%get3A_14, %get3A_15, %get3A_16] : memref<2x1000x1xf32, #tpu.memory_space<vmem>>, vector<1x1000x1xf32>
    %get3A_18 = vector.shape_cast %get3A_17 : vector<1x1000x1xf32> to vector<1000x1xf32>
    %add3A_19 = arith.addf %get3A_13, %get3A_18 : vector<1000x1xf32>
    %max3A = arith.constant 1.000000e+00 : f32
    %max3A_20 = vector.broadcast %max3A : f32 to vector<1000x1xf32>
    %max3A_21 = arith.maximumf %add3A_19, %max3A_20 : vector<1000x1xf32>
    %div3A = vector.broadcast %max3A_21 : vector<1000x1xf32> to vector<1000x128xf32>
    %div3A_22 = arith.divf %add3A, %div3A : vector<1000x128xf32>
    %get3A_23 = arith.constant 0 : index
    %get3A_24 = arith.constant 0 : index
    %get3A_25 = vector.load %arg1[%get3A_23, %get3A_24] : memref<1000x128xf32, #tpu.memory_space<vmem>>, vector<1000x128xf32>
    %get3A_26 = arith.constant 0 : index
    %get3A_27 = arith.constant 0 : index
    %get3A_28 = vector.load %arg4[%get3A_26, %get3A_27] : memref<128x128xf32, #tpu.memory_space<vmem>>, vector<128x128xf32>
    %dot_general3A = arith.constant dense<0.000000e+00> : vector<1000x128xf32>
    %dot_general3A_29 = tpu.matmul %div3A_22, %get3A_28, %dot_general3A {dimension_numbers = #tpu.dot_dimension_numbers<[1], [0], [0], [1], [0, 0, 1, 1], [], []>, transpose_lhs_hint = false} : vector<1000x128xf32>, vector<128x128xf32>, vector<1000x128xf32> -> vector<1000x128xf32>
    %get3A_30 = arith.constant 0 : index
    %get3A_31 = arith.constant 0 : index
    %get3A_32 = vector.load %arg5[%get3A_30, %get3A_31] : memref<128x128xf32, #tpu.memory_space<vmem>>, vector<128x128xf32>
    %dot_general3A_33 = arith.constant dense<0.000000e+00> : vector<1000x128xf32>
    %dot_general3A_34 = tpu.matmul %get3A_25, %get3A_32, %dot_general3A_33 {dimension_numbers = #tpu.dot_dimension_numbers<[1], [0], [0], [1], [0, 0, 1, 1], [], []>, transpose_lhs_hint = false} : vector<1000x128xf32>, vector<128x128xf32>, vector<1000x128xf32> -> vector<1000x128xf32>
    %add3A_35 = arith.addf %dot_general3A_29, %dot_general3A_34 : vector<1000x128xf32>
    %get3A_36 = arith.constant 0 : index
    %get3A_37 = arith.constant 0 : index
    %get3A_38 = vector.load %arg6[%get3A_36, %get3A_37] : memref<1x128xf32, #tpu.memory_space<vmem>>, vector<1x128xf32>
    %add3A_39 = vector.broadcast %get3A_38 : vector<1x128xf32> to vector<1000x128xf32>
    %add3A_40 = arith.addf %add3A_35, %add3A_39 : vector<1000x128xf32>
    %max3A_41 = arith.constant 0.000000e+00 : f32
    %max3A_42 = vector.broadcast %max3A_41 : f32 to vector<1000x128xf32>
    %max3A_43 = arith.maximumf %add3A_40, %max3A_42 : vector<1000x128xf32>
    %add3A_44 = arith.addf %max3A_43, %get3A_25 : vector<1000x128xf32>
    %swap3A = arith.constant 0 : index
    %swap3A_45 = arith.constant 0 : index
    %swap3A_46 = vector.load %arg7[%swap3A, %swap3A_45] : memref<1000x128xf32, #tpu.memory_space<vmem>>, vector<1000x128xf32>
    tpu.vector_store %arg7[%swap3A, %swap3A_45], %add3A_44 {strides = array<i32>} : memref<1000x128xf32, #tpu.memory_space<vmem>>, vector<1000x128xf32>,
    return
  }
  func.func @transform_0(%arg0: i32) -> (i32, i32) {
    %c0_i32 = arith.constant 0 : i32
    %c0_i32_0 = arith.constant 0 : i32
    return %arg0, %c0_i32 : i32, i32
  }
  func.func @transform_1(%arg0: i32) -> (i32, i32, i32) {
    %c0_i32 = arith.constant 0 : i32
    %c0_i32_0 = arith.constant 0 : i32
    %c0_i32_1 = arith.constant 0 : i32
    return %c0_i32, %arg0, %c0_i32_0 : i32, i32, i32
  }
  func.func @transform_2(%arg0: i32) -> (i32, i32, i32) {
    %c0_i32 = arith.constant 0 : i32
    %c0_i32_0 = arith.constant 0 : i32
    %c0_i32_1 = arith.constant 0 : i32
    return %c0_i32, %arg0, %c0_i32_0 : i32, i32, i32
  }
  func.func @transform_3(%arg0: i32) -> (i32, i32) {
    %c0_i32 = arith.constant 0 : i32
    %c0_i32_0 = arith.constant 0 : i32
    %c0_i32_1 = arith.constant 0 : i32
    return %c0_i32, %c0_i32_0 : i32, i32
  }
  func.func @transform_4(%arg0: i32) -> (i32, i32) {
    %c0_i32 = arith.constant 0 : i32
    %c0_i32_0 = arith.constant 0 : i32
    %c0_i32_1 = arith.constant 0 : i32
    return %c0_i32, %c0_i32_0 : i32, i32
  }
  func.func @transform_5(%arg0: i32) -> (i32, i32) {
    %c0_i32 = arith.constant 0 : i32
    %c0_i32_0 = arith.constant 0 : i32
    %c0_i32_1 = arith.constant 0 : i32
    return %c0_i32, %c0_i32_0 : i32, i32
  }
  func.func @transform_6(%arg0: i32) -> (i32, i32) {
    %c0_i32 = arith.constant 0 : i32
    %c0_i32_0 = arith.constant 0 : i32
    return %arg0, %c0_i32 : i32, i32
  }
}

module attributes {stable_mosaic.version = 14 : i64} {
  func.func @_dense_body(%arg0: i32, %arg1: memref<1000x128xf32, #tpu.memory_space<vmem>>, %arg2: memref<2x1000x128xf32, #tpu.memory_space<vmem>>, %arg3: memref<2x1000x1xf32, #tpu.memory_space<vmem>>, %arg4: memref<128x128xf32, #tpu.memory_space<vmem>>, %arg5: memref<128x128xf32, #tpu.memory_space<vmem>>, %arg6: memref<1x128xf32, #tpu.memory_space<vmem>>, %arg7: memref<1000x128xf32, #tpu.memory_space<vmem>>) attributes {dimension_semantics = [#tpu.dimension_semantics<arbitrary>], iteration_bounds = array<i64: 10>, scalar_prefetch = 0 : i64, scratch_operands = 0 : i64, tpu.core_type = #tpu.core_type<tc>, window_params = [{transform_indices = @transform_0, window_bounds = array<i64: 1000, 128>}, {transform_indices = @transform_1, window_bounds = array<i64: 2, 1000, 128>}, {transform_indices = @transform_2, window_bounds = array<i64: 2, 1000, 1>}, {pipeline_mode = #tpu.pipeline_mode<synchronous>, transform_indices = @transform_3, window_bounds = array<i64: 128, 128>}, {pipeline_mode = #tpu.pipeline_mode<synchronous>, transform_indices = @transform_4, window_bounds = array<i64: 128, 128>}, {pipeline_mode = #tpu.pipeline_mode<synchronous>, transform_indices = @transform_5, window_bounds = array<i64: 1, 128>}, {transform_indices = @transform_6, window_bounds = array<i64: 1000, 128>}]} {
    %get3A = arith.constant 0 : index
    %get3A_0 = arith.constant 0 : index
    %get3A_1 = arith.constant 0 : index
    %get3A_2 = vector.load %arg2[%get3A, %get3A_0, %get3A_1] : memref<2x1000x128xf32, #tpu.memory_space<vmem>>, vector<1x1000x128xf32>
    %get3A_3 = vector.shape_cast %get3A_2 : vector<1x1000x128xf32> to vector<1000x128xf32>
    %get3A_4 = arith.constant 1 : index
    %get3A_5 = arith.constant 0 : index
    %get3A_6 = arith.constant 0 : index
    %get3A_7 = vector.load %arg2[%get3A_4, %get3A_5, %get3A_6] : memref<2x1000x128xf32, #tpu.memory_space<vmem>>, vector<1x1000x128xf32>
    %get3A_8 = vector.shape_cast %get3A_7 : vector<1x1000x128xf32> to vector<1000x128xf32>
    %add3A = arith.addf %get3A_3, %get3A_8 : vector<1000x128xf32>
    %get3A_9 = arith.constant 0 : index
    %get3A_10 = arith.constant 0 : index
    %get3A_11 = arith.constant 0 : index
    %get3A_12 = vector.load %arg3[%get3A_9, %get3A_10, %get3A_11] : memref<2x1000x1xf32, #tpu.memory_space<vmem>>, vector<1x1000x1xf32>
    %get3A_13 = vector.shape_cast %get3A_12 : vector<1x1000x1xf32> to vector<1000x1xf32>
    %get3A_14 = arith.constant 1 : index
    %get3A_15 = arith.constant 0 : index
    %get3A_16 = arith.constant 0 : index
    %get3A_17 = vector.load %arg3[%get3A_14, %get3A_15, %get3A_16] : memref<2x1000x1xf32, #tpu.memory_space<vmem>>, vector<1x1000x1xf32>
    %get3A_18 = vector.shape_cast %get3A_17 : vector<1x1000x1xf32> to vector<1000x1xf32>
    %add3A_19 = arith.addf %get3A_13, %get3A_18 : vector<1000x1xf32>
    %max3A = arith.constant 1.000000e+00 : f32
    %max3A_20 = vector.broadcast %max3A : f32 to vector<1000x1xf32>
    %max3A_21 = arith.maximumf %add3A_19, %max3A_20 : vector<1000x1xf32>
    %div3A = vector.broadcast %max3A_21 : vector<1000x1xf32> to vector<1000x128xf32>
    %div3A_22 = arith.divf %add3A, %div3A : vector<1000x128xf32>
    %get3A_23 = arith.constant 0 : index
    %get3A_24 = arith.constant 0 : index
    %get3A_25 = vector.load %arg1[%get3A_23, %get3A_24] : memref<1000x128xf32, #tpu.memory_space<vmem>>, vector<1000x128xf32>
    %get3A_26 = arith.constant 0 : index
    %get3A_27 = arith.constant 0 : index
    %get3A_28 = vector.load %arg4[%get3A_26, %get3A_27] : memref<128x128xf32, #tpu.memory_space<vmem>>, vector<128x128xf32>
    %dot_general3A = arith.constant dense<0.000000e+00> : vector<1000x128xf32>
    %dot_general3A_29 = tpu.matmul %div3A_22, %get3A_28, %dot_general3A {dimension_numbers = #tpu.dot_dimension_numbers<[1], [0], [0], [1], [0, 0, 1, 1], [], []>, transpose_lhs_hint = false} : vector<1000x128xf32>, vector<128x128xf32>, vector<1000x128xf32> -> vector<1000x128xf32>
    %get3A_30 = arith.constant 0 : index
    %get3A_31 = arith.constant 0 : index
    %get3A_32 = vector.load %arg5[%get3A_30, %get3A_31] : memref<128x128xf32, #tpu.memory_space<vmem>>, vector<128x128xf32>
    %dot_general3A_33 = arith.constant dense<0.000000e+00> : vector<1000x128xf32>
    %dot_general3A_34 = tpu.matmul %get3A_25, %get3A_32, %dot_general3A_33 {dimension_numbers = #tpu.dot_dimension_numbers<[1], [0], [0], [1], [0, 0, 1, 1], [], []>, transpose_lhs_hint = false} : vector<1000x128xf32>, vector<128x128xf32>, vector<1000x128xf32> -> vector<1000x128xf32>
    %add3A_35 = arith.addf %dot_general3A_29, %dot_general3A_34 : vector<1000x128xf32>
    %get3A_36 = arith.constant 0 : index
    %get3A_37 = arith.constant 0 : index
    %get3A_38 = vector.load %arg6[%get3A_36, %get3A_37] : memref<1x128xf32, #tpu.memory_space<vmem>>, vector<1x128xf32>
    %add3A_39 = vector.broadcast %get3A_38 : vector<1x128xf32> to vector<1000x128xf32>
    %add3A_40 = arith.addf %add3A_35, %add3A_39 : vector<1000x128xf32>
    %max3A_41 = arith.constant 0.000000e+00 : f32
    %max3A_42 = vector.broadcast %max3A_41 : f32 to vector<1000x128xf32>
    %max3A_43 = arith.maximumf %add3A_40, %max3A_42 : vector<1000x128xf32>
    %add3A_44 = arith.addf %max3A_43, %get3A_25 : vector<1000x128xf32>
    %swap3A = arith.constant 0 : index
    %swap3A_45 = arith.constant 0 : index
    %swap3A_46 = vector.load %arg7[%swap3A, %swap3A_45] : memref<1000x128xf32, #tpu.memory_space<vmem>>, vector<1000x128xf32>
    tpu.vector_store %arg7[%swap3A, %swap3A_45], %add3A_44 {strides = array<i32>} : memref<1000x128xf32, #tpu.memory_space<vmem>>, vector<1000x128xf32>,
    return
  }
  func.func @transform_0(%arg0: i32) -> (i32, i32) {
    %c0_i32 = arith.constant 0 : i32
    %c0_i32_0 = arith.constant 0 : i32
    return %arg0, %c0_i32 : i32, i32
  }
  func.func @transform_1(%arg0: i32) -> (i32, i32, i32) {
    %c0_i32 = arith.constant 0 : i32
    %c0_i32_0 = arith.constant 0 : i32
    %c0_i32_1 = arith.constant 0 : i32
    return %c0_i32, %arg0, %c0_i32_0 : i32, i32, i32
  }
  func.func @transform_2(%arg0: i32) -> (i32, i32, i32) {
    %c0_i32 = arith.constant 0 : i32
    %c0_i32_0 = arith.constant 0 : i32
    %c0_i32_1 = arith.constant 0 : i32
    return %c0_i32, %arg0, %c0_i32_0 : i32, i32, i32
  }
  func.func @transform_3(%arg0: i32) -> (i32, i32) {
    %c0_i32 = arith.constant 0 : i32
    %c0_i32_0 = arith.constant 0 : i32
    %c0_i32_1 = arith.constant 0 : i32
    return %c0_i32, %c0_i32_0 : i32, i32
  }
  func.func @transform_4(%arg0: i32) -> (i32, i32) {
    %c0_i32 = arith.constant 0 : i32
    %c0_i32_0 = arith.constant 0 : i32
    %c0_i32_1 = arith.constant 0 : i32
    return %c0_i32, %c0_i32_0 : i32, i32
  }
  func.func @transform_5(%arg0: i32) -> (i32, i32) {
    %c0_i32 = arith.constant 0 : i32
    %c0_i32_0 = arith.constant 0 : i32
    %c0_i32_1 = arith.constant 0 : i32
    return %c0_i32, %c0_i32_0 : i32, i32
  }
  func.func @transform_6(%arg0: i32) -> (i32, i32) {
    %c0_i32 = arith.constant 0 : i32
    %c0_i32_0 = arith.constant 0 : i32
    return %arg0, %c0_i32 : i32, i32
  }
}

</mosaic_0001>

<sc_bundles>
// kernel: kernel.10.cloned.1.call-start
scs
__scs_entry_jumppad:
0x0: {  	(pc) =	sbr.rel $0x88, $3  }
0x1: {  	(tag) =	ssettag $0x0;
	lr =	simm.s32 $0x1  }
0x2: {  	[smem:$0x3F99] =	sst lr;
	_ =	strace $0xD0000000  }
0x3: {  	_ = 	snop  }
0x4: {  	_ = 	snop  }
0x5: {  	_ = 	snop  }
0x6: {  	_ = 	snop  }
0x7: {  	_ = 	snop  }
__scs_overlays_trampoline_lowered:
0x8: {  	[smem:$0x3FA8] =	sst s0  }
0x9: {  	[smem:$0x3FA9] =	sst s1  }
0xa: {  	[smem:$0x3FAA] =	sst s2  }
0xb: {  	[smem:$0x3FAB] =	sst s3  }
0xc: {  	[smem:$0x3FAC] =	sst s4  }
0xd: {  	[smem:$0x3FAD] =	sst s5  }
0xe: {  	[smem:$0x3FAE] =	sst s6  }
0xf: {  	[smem:$0x3FAF] =	sst s7  }
0x10: {  	[smem:$0x3FB0] =	sst s8  }
0x11: {  	[smem:$0x3FB1] =	sst s9;
	s0 =	simm.s32 @!p0 $0x0  }
0x12: {  	s1 =	sld [smem:$0x3F97];
	s0 =	simm.s32 @p0 $0x1  }
0x13: {  	[smem:$0x3FB2] =	sst s0;
	s0 =	simm.s32 @!p1 $0x0  }
0x14: {  	s2 =	sld [smem:$0x3F96];
	s0 =	simm.s32 @p1 $0x1  }
0x15: {  	[smem:$0x3FB3] =	sst s0;
	s0 =	simm.s32 @!p2 $0x0  }
0x16: {  	s3 =	sld [smem:$0x3FDB];
	s0 =	simm.s32 @p2 $0x1  }
0x17: {  	s4 =	simm.s32 $0x1BF5;
	[smem:$0x3FB5] =	sst s0  }
0x18: {  	s0 =	sld [smem:$0x3F98];
	_ =	swait.ge [sflag:s4], $0x0  }
0x19: {  	s7 =	sld [smem:$0x3F99]  }
0x1a: {  	s8 =	sadd.s32 $0xFFFFE003, lr  }
0x1b: {  	s9 =	sadd.s32 $0xFFFFFEF7, lr;
	s5 =	simm.s32 $0xFFFFFFFF;
	p2 =	slt.u32 s8, $0xFFFFF086  }
0x1c: {  	p1 =	slt.u32 s9, $0xF7A;
	s5 =	simm.s32 @!p2 $0x0  }
0x1d: {  	s5 =	simm.s32 @p1 $0x1;
	p0 =	seq.s32 s7, s2  }
0x1e: {  	s7 =	smul.u32 @!p0 $0xF7A, s2;
	p2 =	seq.s32 @!p0 s5, $0x0  }
0x1f: {  	s9 =	smul.u32 $0xF7A, s1;
	s8 =	simm.s32 @!p0 $0x1BF5;
	p2 =	por !p2, p0  }
0x20: {  	[sflag:s8] =	ssyncset.s32 @!p0 $0xFFFFF086;
	s6 =	sadd.s32 @!p0 s3, s7;
	s7 =	simm.s32 @!p0 $0x108  }
0x21: {  	s3 =	sadd.s32 s3, s9;
	s6 =	sadd.s32 @!p0 $0x88, s6;
	s7 =	simm.s32 @p2 $0x1082  }
0x22: {  	[simem:s7], [sflag:s8] =	dma.local @!p0 [hbm:s6], $0xF7A  }
0x23: {  	s9 =	sor.u32 $0xD0000000, s2;
	s6 =	simm.s32 $0x108;
	_ =	swait.ge @!p0 [sflag:s8], $0x0  }
0x24: {  	s3 =	sadd.s32 $0x88, s3;
	s6 =	simm.s32 @!p1 $0x1082;
	[sflag:s4] =	ssyncset.s32 $0xFFFFF086  }
0x25: {  	[simem:s6], [sflag:s4] =	dma.local [hbm:s3], $0xF7A  }
0x26: {  	[smem:$0x3F99] =	sst s1;
	(tag) =	ssettag s2;
	_ =	strace s9  }
0x27: {  	s1 =	sld [smem:$0x3FA9]  }
0x28: {  	s2 =	sld [smem:$0x3FAA]  }
0x29: {  	s4 =	sld [smem:$0x3FAC]  }
0x2a: {  	p0 =	seq.s32 s5, $0x0;
	s5 =	sld [smem:$0x3FAD]  }
0x2b: {  	s6 =	sld [smem:$0x3FAE]  }
0x2c: {  	s7 =	sld [smem:$0x3FAF]  }
0x2d: {  	s3 =	simm.s32 $0x108;
	s8 =	sld [smem:$0x3FB0]  }
0x2e: {  	s3 =	simm.s32 @!p0 $0x1082;
	s9 =	sld [smem:$0x3FB1]  }
0x2f: {  	lr =	sadd.s32 s0, s3;
	s0 =	sld [smem:$0x3FA8]  }
0x30: {  	s3 =	sld [smem:$0x3FAB]  }
0x31: {  	[smem:$0x3FB4] =	sst s10  }
0x32: {  	s10 =	sld [smem:$0x3FB2];
	_ =	sdelay $0x3  }
0x33: {  	p0 =	seq.s32 s10, $0x1;
	s10 =	sld [smem:$0x3FB4];
	_ =	sdelay $0x3  }
0x34: {  	[smem:$0x3FB4] =	sst s10  }
0x35: {  	s10 =	sld [smem:$0x3FB3];
	_ =	sdelay $0x3  }
0x36: {  	p1 =	seq.s32 s10, $0x1;
	s10 =	sld [smem:$0x3FB4];
	_ =	sdelay $0x3  }
0x37: {  	[smem:$0x3FB4] =	sst s10  }
0x38: {  	s10 =	sld [smem:$0x3FB5]  }
0x39: {  	_ = 	snop;
	(pc) =	sbr.ind lr, $3  }
0x3a: {  	_ = 	snop  }
0x3b: {  	_ = 	snop  }
0x3c: {  	p2 =	seq.s32 s10, $0x1;
	s10 =	sld [smem:$0x3FB4]  }
0x3d: {  	_ =	shalt  }
0x3e: {  	_ =	shalt  }
0x3f: {  	_ =	shalt  }
0x40: {  	_ =	shalt  }
0x41: {  	_ =	shalt  }
0x42: {  	_ =	shalt  }
0x43: {  	_ =	shalt  }
0x44: {  	_ =	shalt  }
0x45: {  	_ =	shalt  }
0x46: {  	_ =	shalt  }
0x47: {  	_ =	shalt  }
0x48: {  	_ =	shalt  }
0x49: {  	_ =	shalt  }
0x4a: {  	_ =	shalt  }
0x4b: {  	_ =	shalt  }
0x4c: {  	_ =	shalt  }
0x4d: {  	_ =	shalt  }
0x4e: {  	_ =	shalt  }
0x4f: {  	_ =	shalt  }
0x50: {  	_ =	shalt  }
0x51: {  	_ =	shalt  }
0x52: {  	_ =	shalt  }
0x53: {  	_ =	shalt  }
0x54: {  	_ =	shalt  }
0x55: {  	_ =	shalt  }
0x56: {  	_ =	shalt  }
0x57: {  	_ =	shalt  }
0x58: {  	_ =	shalt  }
0x59: {  	_ =	shalt  }
0x5a: {  	_ =	shalt  }
0x5b: {  	_ =	shalt  }
0x5c: {  	_ =	shalt  }
0x5d: {  	_ =	shalt  }
0x5e: {  	_ =	shalt  }
0x5f: {  	_ =	shalt  }
0x60: {  	_ =	shalt  }
0x61: {  	_ =	shalt  }
0x62: {  	_ =	shalt  }
0x63: {  	_ =	shalt  }
0x64: {  	_ =	shalt  }
0x65: {  	_ =	shalt  }
0x66: {  	_ =	shalt  }
0x67: {  	_ =	shalt  }
0x68: {  	_ =	shalt  }
0x69: {  	_ =	shalt  }
0x6a: {  	_ =	shalt  }
0x6b: {  	_ =	shalt  }
0x6c: {  	_ =	shalt  }
0x6d: {  	_ =	shalt  }
0x6e: {  	_ =	shalt  }
0x6f: {  	_ =	shalt  }
0x70: {  	_ =	shalt  }
0x71: {  	_ =	shalt  }
0x72: {  	_ =	shalt  }
0x73: {  	_ =	shalt  }
0x74: {  	_ =	shalt  }
0x75: {  	_ =	shalt  }
0x76: {  	_ =	shalt  }
0x77: {  	_ =	shalt  }
0x78: {  	_ =	shalt  }
0x79: {  	_ =	shalt  }
0x7a: {  	_ =	shalt  }
0x7b: {  	_ =	shalt  }
0x7c: {  	_ =	shalt  }
0x7d: {  	_ =	shalt  }
0x7e: {  	_ =	shalt  }
0x7f: {  	_ =	shalt  }
0x80: {  	_ =	shalt  }
0x81: {  	_ =	shalt  }
0x82: {  	_ =	shalt  }
0x83: {  	_ =	shalt  }
0x84: {  	_ =	shalt  }
0x85: {  	_ =	shalt  }
0x86: {  	_ =	shalt  }
0x87: {  	_ =	shalt  }
.Lfunc_end0:
.L_simem_size_0:
called_computation.1_lowered:
.L_overlay_start_0:
0x88: {  	s2 =	sld [smem:$0x3FD9]  }
0x89: {  	s3 =	sld [smem:$0x3FFE];
	_ =	sdelay $0x1  }
0x8a: {  	s1 =	srdreg.scid  }
0x8b: {  	s0 =	sand.u32 $0x1, s1  }
0x8c: {  	s15 =	sshll.u32 s0, $0xA;
	s2 =	sadd.s32 s3, s2  }
0x8d: {  	s2 =	sadd.s32 s2, s15  }
0x8e: {  	[smem:$0x3FC0] =	sst s2  }
0x8f: {  	_ = 	snop  }
0x90: {  	s2 =	sld [smem:$0x3FD0];
	_ =	sdelay $0x2  }
0x91: {  	s4 =	simm.s32 $0xB;
	s16 =	simm.s32 $0x10  }
0x92: {  	[smem:s16], [sflag:s4] =	dma.local [hbm:s2], $0x1  }
0x93: {  	_ =	swait.eq [sflag:s4], $0x1  }
0x94: {  	[sflag:s4] =	ssyncset.done $0x0  }
0x95: {  	s17 =	sld [smem:$0x10];
	[sflag:s4] =	ssyncadd.s32 $0xFFFFFFFF  }
0x96: {  	s18 =	sld [smem:$0x11];
	(tm) =	ssettm $0x1  }
0x97: {  	s19 =	sld [smem:$0x3FFB];
	_ =	sdelay $0x3  }
0x98: {  	_ =	strace s19  }
0x99: {  	s2 =	sld [smem:$0x3FFC];
	_ =	sdelay $0x3  }
0x9a: {  	_ =	strace s2  }
0x9b: {  	s2 =	sld [smem:$0x3FFD];
	_ =	sdelay $0x3  }
0x9c: {  	_ =	strace s2  }
0x9d: {  	_ =	strace $0x8FFFFFFF  }
0x9e: {  	s20 =	sld [smem:$0x3FDB];
	_ =	sdelay $0x1  }
0x9f: {  	s5 =	simm.s32 $_scs_section_size  }
0xa0: {  	s6 =	simm.s32 $_size__tile_overlayer_lowered;
	s7 =	simm.s32 $_tile_overlayer_lowered  }
0xa1: {  	s8 =	simm.s32 $0x1BFF;
	s21 =	sshll.u32 s7, $0x1;
	s5 =	sadd.s32 s5, s20  }
0xa2: {  	s22 =	simm.s32 $0x0;
	s6 =	sshll.u32 s6, $0x1;
	s7 =	sadd.s32 s21, s5  }
0xa3: {  	[timem:s22], [sflag:s8] =	dma.local [hbm:s7], s6  }
0xa4: {  	_ =	swait.ge [sflag:s8], s6  }
0xa5: {  	s6 =	ssub.s32 $0x0, s6;
	[sflag:s8] =	ssyncset.done $0x0  }
0xa6: {  	[sflag:s8] =	ssyncadd.s32 s6;
	_ =	sdelay $0x1  }
0xa7: {  	s23 =	simm.s32 $0x1B8B  }
0xa8: {  	_ =	swait.ge [sflag:s23], $0x1  }
0xa9: {  	[sflag:s23] =	ssyncset.done $0x0  }
0xaa: {  	[sflag:s23] =	ssyncadd.s32 $0xFFFFFFFF  }
0xab: {  	s6 =	sld [smem:$0x0]  }
0xac: {  	s7 =	sand.u32 $0xFFFFFFFE, s1  }
0xad: {  	p0 =	sne.s32 s1, s7  }
0xae: {  	s7 =	sshll.u32 @p0 s7, $0xE  }
0xaf: {  	s7 =	sadd.s32 @p0 $0x11B8D, s7;
	s8 =	sshll.u32 @p0 s6, $0x11  }
0xb0: {  	s7 =	sor.u32 @p0 s8, s7  }
0xb1: {  	[sflag:s7] =	ssyncadd.remote.s32 @p0 $0x1;
	_ =	sdelay $0x1  }
0xb2: {  	s7 =	simm.s32 @p0 $0x1B8D  }
0xb3: {  	_ =	swait.eq @p0 [sflag:s7], $0x1  }
0xb4: {  	[sflag:s7] =	ssyncadd.s32 @p0 $0xFFFFFFFF  }
0xb5: {  	s8 =	sshll.u32 @!p0 s1, $0xE  }
0xb6: {  	s8 =	sor.u32 @!p0 $0x4000, s8;
	s7 =	simm.s32 @!p0 $0x1B8D  }
0xb7: {  	s6 =	sshll.u32 @!p0 s6, $0x11;
	s8 =	sadd.s32 @!p0 $0x11B8D, s8;
	_ =	swait.eq @!p0 [sflag:s7], $0x1  }
0xb8: {  	s6 =	sor.u32 @!p0 s6, s8;
	[sflag:s7] =	ssyncadd.s32 @!p0 $0xFFFFFFFF  }
0xb9: {  	s25 =	simm.s32 $0x1B8E;
	s24 =	sld [smem:$0x3FFE];
	[sflag:s6] =	ssyncadd.remote.s32 @!p0 $0x1  }
0xba: {  	s26 =	simm.s32 $execute0_lowered;
	[smem:$0x3FD2] =	sst s25  }
0xbb: {  	s7 =	sshll.u32 s26, $0x1;
	_ =	strace $0x80000049;
	[dreg:$0x1] =	wrdreg $0xFFFFFFFF  }
0xbc: {  	s28 =	simm.s32 $_size_execute0_lowered;
	s5 =	sadd.s32 s5, s7;
	[dreg:$0x0] =	wrdreg $0x0  }
0xbd: {  	s7 =	sshll.u32 s28, $0x1;
	[dreg:$0x2] =	wrdreg s5  }
0xbe: {  	[dreg:$0x3] =	wrdreg s7  }
0xbf: {  	[dreg:$0x4] =	wrdreg $0xC0  }
0xc0: {  	_ =	task [dreg:s22], $0x5FFFF  }
0xc1: {  	[dreg:$0x1] =	wrdreg $0xFFFFFFFF  }
0xc2: {  	[dreg:$0x0] =	wrdreg $0x60  }
0xc3: {  	[dreg:$0x2] =	wrdreg s18  }
0xc4: {  	[dreg:$0x3] =	wrdreg s24  }
0xc5: {  	[dreg:$0x4] =	wrdreg s17  }
0xc6: {  	[dreg:$0x5] =	wrdreg $0x72000  }
0xc7: {  	[dreg:$0x6] =	wrdreg $0xA  }
0xc8: {  	_ =	task.clear_ibuf [dreg:s22], $0x7FFFF;
	_ =	strace $0x90000049  }
0xc9: {  	s29 =	simm.s32 $0xA;
	_ =	strace $0x8000004B  }
0xca: {  	_ =	swait.ge [sflag:s29], $0x1  }
0xcb: {  	[sflag:s29] =	ssyncadd.s32 $0xFFFFFFFF  }
0xcc: {  	_ =	strace $0x9000004B  }
0xcd: {  	_ =	sfence  }
0xce: {  	s30 =	sld [smem:$0x0];
	_ =	sdelay $0x2  }
0xcf: {  	s31 =	sshll.u32 s1, $0xD;
	s1 =	sshrl.u32 s1, $0x2  }
0xd0: {  	s4 =	sand.u32 $0x4000, s31;
	s1 =	sadd.s32 s1, s30  }
0xd1: {  	s0 =	sor.u32 s4, s0;
	s1 =	sshll.u32 s1, $0x11  }
0xd2: {  	s0 =	sor.u32 s1, s0  }
0xd3: {  	s0 =	sadd.s32 $0x8F2B, s0  }
0xd4: {  	[sflag:s0] =	ssyncadd.remote.s32 $0x1  }
0xd5: {  	_ =	sfence.sel $0xFFFF  }
0xd6: {  	[dreg:$0x0] =	wrdreg $0xFFFFFFFF;
	(pc) =	sbr.abs _section_cstart, $3  }
0xd7: {  	[dreg:$0x1] =	wrdreg $0xFFFFFFFF  }
0xd8: {  	_ =	task.clear_ibuf [dreg:s22], $0x2FFFF;
	_ =	strace $0x9FFFFFFF  }
0xd9: {  	(tm) =	ssettm $0x7FFFFFFF  }
tec
execute0_lowered:
.L_overlay_start_1:
0x0: {  	(tag) =	ssettag $0x1  }
0x1: {  	s14 =	rddreg [dreg:$0x0]  }
0x2: {  	s1 =	srdreg.scid;
	s0 =	stileid.u32  }
0x3: {  	s15 =	rddreg [dreg:$0x1];
	s16 =	smul.u32 $0x280, s0  }
0x4: {  	s2 =	rddreg [dreg:$0x3];
	s31 =	smul.u32 $0x14000, s0  }
0x5: {  	s3 =	sand.u32 $0x1, s1;
	s6 =	sshll.u32 s0, $0x1;
	s12 =	smul.u32 $0x4E20, s0  }
0x6: {  	s1 =	sadd.s32 $0x5C600, s15;
	s15 =	sadd.s32 $0xC000, s15;
	s29 =	smul.u32 $0x140000, s3  }
0x7: {  	s4 =	ssub.s32 $0x2, s3;
	s26 =	sor.u32 s3, s6;
	s3 =	smul.u32 $0x2710, s3  }
0x8: {  	s5 =	sshrl.u32 s4, $0x1;
	s25 =	sor.u32 $0x50, s16;
	s23 =	sadd.s32 $0xA0, s16  }
0x9: {  	s21 =	sadd.s32 $0xF0, s16;
	s20 =	sadd.s32 $0x140, s16;
	s19 =	sadd.s32 $0x190, s16  }
0xa: {  	s18 =	sadd.s32 $0x1E0, s16;
	s24 =	sadd.s32 $0x230, s16;
	s0 =	sor.u32 $0x20, s16  }
0xb: {  	s28 =	sor.u32 $0x30, s16;
	s30 =	sor.u32 $0x70, s16;
	s17 =	ssub.s32 s4, s5  }
0xc: {  	s4 =	smul.u32 $0x2710, s26;
	s6 =	sadd.s32 s31, s29;
	s7 =	sshll.u32 s25, $0x7  }
0xd: {  	s8 =	sshll.u32 s23, $0x7;
	s9 =	sshll.u32 s21, $0x7;
	s10 =	sshll.u32 s20, $0x7  }
0xe: {  	s11 =	sshll.u32 s19, $0x7;
	s13 =	sshll.u32 s18, $0x7;
	s22 =	sshll.u32 s24, $0x7  }
0xf: {  	v39 =	vlaneseq.u32;
	s3 =	sadd.s32 s3, s12;
	s12 =	simm.s32 $0x0;
	s31 =	sor.u32 $0x10, s16  }
0x10: {  	v1 =	vor.u32 s0, v39;
	v2 =	vor.u32 s28, v39;
	s28 =	sadd.s32 $0xB0, s16;
	v6 =	vor.u32 s30, v39;
	s0 =	sadd.s32 $0xD0, s16;
	s30 =	sadd.s32 $0x100, s16  }
0x11: {  	v4 =	vor.u32 s25, v39;
	v9 =	vor.u32 s23, v39;
	s23 =	sadd.s32 $0x110, s16;
	v14 =	vor.u32 s21, v39;
	s25 =	sadd.s32 $0x1A0, s16;
	s21 =	sadd.s32 $0x260, s16  }
0x12: {  	v19 =	vor.u32 s20, v39;
	v24 =	vor.u32 s19, v39;
	v30 =	vor.u32 s18, v39;
	s18 =	simm.s32 $0x4A00;
	s19 =	simm.s32 $0x3;
	s20 =	simm.s32 $0x200  }
0x13: {  	v35 =	vor.u32 s24, v39;
	s24 =	simm.s32 $0x80;
	s7 =	sadd.s32 s29, s7;
	s8 =	sadd.s32 s29, s8  }
0x14: {  	s9 =	sadd.s32 s29, s9;
	s10 =	sadd.s32 s29, s10;
	s11 =	sadd.s32 s29, s11  }
0x15: {  	s13 =	sadd.s32 s29, s13;
	s26 =	sadd.s32 s29, s22;
	s5 =	sshrl.u32 s6, $0x3  }
0x16: {  	[smem:$0x7FF] =	sst s12;
	v0 =	vor.u32 s31, v39;
	s31 =	sadd.s32 $0x80, s16;
	v12 =	vor.u32 s0, v39;
	s0 =	sadd.s32 $0x150, s16  }
0x17: {  	v10 =	vor.u32 s28, v39;
	s28 =	sadd.s32 $0x160, s16;
	v15 =	vor.u32 s30, v39;
	s30 =	sadd.s32 $0x1B0, s16;
	v16 =	vor.u32 s23, v39;
	s23 =	sadd.s32 $0x1C0, s16  }
0x18: {  	v25 =	vor.u32 s25, v39;
	s17 =	smax.u32 s17, $0x1;
	s25 =	simm.s32 $0x1;
	s4 =	sshrl.u32 s4, $0x3  }
0x19: {  	s6 =	sshrl.u32 s7, $0x3;
	s7 =	sshrl.u32 s8, $0x3;
	s8 =	sshrl.u32 s9, $0x3  }
0x1a: {  	s9 =	sshrl.u32 s10, $0x3;
	s10 =	sshrl.u32 s11, $0x3;
	s11 =	sshrl.u32 s13, $0x3  }
0x1b: {  	s13 =	sshrl.u32 s26, $0x3;
	s26 =	sadd.s32 $0x80, s3;
	s3 =	sshrl.u32 s3, $0x3  }
0x1c: {  	_ =	strace $0x8000004A;
	v7 =	vor.u32 s31, v39;
	s31 =	sadd.s32 $0x130, s16;
	v21 =	vor.u32 s28, v39;
	s28 =	sadd.s32 $0x210, s16  }
0x1d: {  	v20 =	vor.u32 s0, v39;
	s0 =	sadd.s32 $0x220, s16;
	[dreg:$0x5] =	wrdreg s21;
	v26 =	vor.u32 s30, v39;
	s30 =	sadd.s32 $0x270, s16  }
0x1e: {  	v28 =	vor.u32 s23, v39;
	s21 =	simm.s32 $0x4200;
	s23 =	simm.s32 $0x180;
	s22 =	sadd.s32 s14, s4  }
0x1f: {  	s4 =	sadd.s32 s1, s5;
	s5 =	sadd.s32 s1, s6;
	s6 =	sadd.s32 s1, s7  }
0x20: {  	s7 =	sadd.s32 s1, s8;
	s8 =	sadd.s32 s1, s9;
	s9 =	sadd.s32 s1, s10  }
0x21: {  	s10 =	sadd.s32 s1, s11;
	s11 =	sadd.s32 s1, s13;
	s29 =	sshrl.u32 s26, $0x3  }
0x22: {  	v27 =	vor.u32 s16, v39;
	s13 =	sadd.s32 s3, s14;
	s1 =	sor.u32 $0x60, s16;
	s26 =	sadd.s32 $0x90, s16  }
0x23: {  	v18 =	vor.u32 s31, v39;
	s31 =	sadd.s32 $0x1F0, s16;
	s3 =	sadd.s32 $0x200, s16;
	v33 =	vor.u32 s28, v39;
	v34 =	vor.u32 s0, v39;
	s28 =	simm.s32 $0x100  }
0x24: {  	s14 =	sadd.s32 s29, s14;
	s29 =	sor.u32 $0x40, s16;
	v5 =	vor.u32 s1, v39;
	s1 =	sadd.s32 $0xE0, s16;
	v8 =	vor.u32 s26, v39;
	v31 =	vor.u32 s31, v39  }
0x25: {  	s26 =	sadd.s32 $0x120, s16;
	v32 =	vor.u32 s3, v39;
	s31 =	rddreg [dreg:$0x5];
	v3 =	vor.u32 s29, v39;
	s29 =	sadd.s32 $0xC0, s16;
	v13 =	vor.u32 s1, v39  }
0x26: {  	s1 =	sadd.s32 $0x180, s16;
	v17 =	vor.u32 s26, v39;
	s26 =	sadd.s32 $0x1D0, s16;
	v38 =	vor.u32 s31, v39;
	v11 =	vor.u32 s29, v39;
	s29 =	sadd.s32 $0x170, s16  }
0x27: {  	v23 =	vor.u32 s1, v39;
	s1 =	sadd.s32 $0x250, s16;
	v29 =	vor.u32 s26, v39;
	s26 =	simm.s32 $0x2;
	v22 =	vor.u32 s29, v39;
	s29 =	sadd.s32 $0x240, s16  }
0x28: {  	s16 =	sadd.s32 $0x4E0, s22;
	s22 =	simm.s32 $0x50;
	v37 =	vor.u32 s1, v39;
	v36 =	vor.u32 s29, v39;
	v39 =	vor.u32 s30, v39;
	s30 =	simm.s32 $0x0  }
.LBB2_1:
0x29: {  	[tilespmem:s18], [sflag:$0x3] =	stream.linear.gather [hbm4b:s15+s12], $0x2800, $0x38;
	[tilespmem:$0x1B200] =	vst v63  }
0x2a: {  	_ =	swait.ge [sflag:s19], $0x2800  }
0x2b: {  	[sflag:s19] =	ssyncset.done $0x0  }
0x2c: {  	[sflag:s19] =	ssyncadd.s32 $0xFFFFD800  }
0x2d: {  	s0 =	rddreg [dreg:$0x2]  }
0x2e: {  	[tilespmem:s20], [sflag:$0x3] =	stream.linear.gather [hbm4b:s0+s12], $0x4000, $0x38;
	[tilespmem:$0x1B200] =	vst v63  }
0x2f: {  	_ =	swait.ge [sflag:s19], $0x4000  }
0x30: {  	[sflag:s19] =	ssyncset.done $0x0  }
0x31: {  	[sflag:s19] =	ssyncadd.s32 $0xFFFFC000  }
0x32: {  	[tilespmem:s21], [sflag:$0x3] =	stream.linear.gather [hbm4b:s0+s12], $0x800, $0x38;
	[tilespmem:$0x1B200] =	vst v63  }
0x33: {  	_ =	swait.ge [sflag:s19], $0x800  }
0x34: {  	[sflag:s19] =	ssyncset.done $0x0  }
0x35: {  	[sflag:s19] =	ssyncadd.s32 $0xFFFFF800  }
0x36: {  	[tilespmem:$0x180] =	vst v27  }
0x37: {  	[tilespmem:$0x190] =	vst v0  }
0x38: {  	[tilespmem:$0x1A0] =	vst v1  }
0x39: {  	[tilespmem:$0x1B0] =	vst v2  }
0x3a: {  	[tilespmem:$0x1C0] =	vst v3  }
0x3b: {  	[spmem:s2] =	stream.indirect.scatter [tilespmem:s18], [sflag:$0x3], $0x80, s23, s22, $0xb8;
	[tilespmem:$0x1B200] =	vst v63  }
0x3c: {  	_ =	swait.ge [sflag:s19], $0x2800  }
0x3d: {  	[sflag:s19] =	ssyncset.done $0x0  }
0x3e: {  	[sflag:s19] =	ssyncadd.s32 $0xFFFFD800  }
0x3f: {  	[tilespmem:$0x180] =	vst v4  }
0x40: {  	[tilespmem:$0x190] =	vst v5  }
0x41: {  	[tilespmem:$0x1A0] =	vst v6  }
0x42: {  	[tilespmem:$0x1B0] =	vst v7  }
0x43: {  	[tilespmem:$0x1C0] =	vst v8  }
0x44: {  	[spmem:s2] =	stream.indirect.scatter [tilespmem:s18], [sflag:$0x3], $0x80, s23, s22, $0xb8;
	[tilespmem:$0x1B200] =	vst v63  }
0x45: {  	_ =	swait.ge [sflag:s19], $0x2800  }
0x46: {  	[sflag:s19] =	ssyncset.done $0x0  }
0x47: {  	[sflag:s19] =	ssyncadd.s32 $0xFFFFD800  }
0x48: {  	[tilespmem:$0x180] =	vst v9  }
0x49: {  	[tilespmem:$0x190] =	vst v10  }
0x4a: {  	[tilespmem:$0x1A0] =	vst v11  }
0x4b: {  	[tilespmem:$0x1B0] =	vst v12  }
0x4c: {  	[tilespmem:$0x1C0] =	vst v13  }
0x4d: {  	[spmem:s2] =	stream.indirect.scatter [tilespmem:s18], [sflag:$0x3], $0x80, s23, s22, $0xb8;
	[tilespmem:$0x1B200] =	vst v63  }
0x4e: {  	_ =	swait.ge [sflag:s19], $0x2800  }
0x4f: {  	[sflag:s19] =	ssyncset.done $0x0  }
0x50: {  	[sflag:s19] =	ssyncadd.s32 $0xFFFFD800  }
0x51: {  	[tilespmem:$0x180] =	vst v14  }
0x52: {  	[tilespmem:$0x190] =	vst v15  }
0x53: {  	[tilespmem:$0x1A0] =	vst v16  }
0x54: {  	[tilespmem:$0x1B0] =	vst v17  }
0x55: {  	[tilespmem:$0x1C0] =	vst v18  }
0x56: {  	[spmem:s2] =	stream.indirect.scatter [tilespmem:s18], [sflag:$0x3], $0x80, s23, s22, $0xb8;
	[tilespmem:$0x1B200] =	vst v63  }
0x57: {  	_ =	swait.ge [sflag:s19], $0x2800  }
0x58: {  	[sflag:s19] =	ssyncset.done $0x0  }
0x59: {  	[sflag:s19] =	ssyncadd.s32 $0xFFFFD800  }
0x5a: {  	[tilespmem:$0x180] =	vst v19  }
0x5b: {  	[tilespmem:$0x190] =	vst v20  }
0x5c: {  	[tilespmem:$0x1A0] =	vst v21  }
0x5d: {  	[tilespmem:$0x1B0] =	vst v22  }
0x5e: {  	[tilespmem:$0x1C0] =	vst v23  }
0x5f: {  	[spmem:s2] =	stream.indirect.scatter [tilespmem:s18], [sflag:$0x3], $0x80, s23, s22, $0xb8;
	[tilespmem:$0x1B200] =	vst v63  }
0x60: {  	_ =	swait.ge [sflag:s19], $0x2800  }
0x61: {  	[sflag:s19] =	ssyncset.done $0x0  }
0x62: {  	[sflag:s19] =	ssyncadd.s32 $0xFFFFD800  }
0x63: {  	[tilespmem:$0x180] =	vst v24  }
0x64: {  	[tilespmem:$0x190] =	vst v25  }
0x65: {  	[tilespmem:$0x1A0] =	vst v26  }
0x66: {  	[tilespmem:$0x1B0] =	vst v28  }
0x67: {  	[tilespmem:$0x1C0] =	vst v29  }
0x68: {  	[spmem:s2] =	stream.indirect.scatter [tilespmem:s18], [sflag:$0x3], $0x80, s23, s22, $0xb8;
	[tilespmem:$0x1B200] =	vst v63  }
0x69: {  	_ =	swait.ge [sflag:s19], $0x2800  }
0x6a: {  	[sflag:s19] =	ssyncset.done $0x0  }
0x6b: {  	[sflag:s19] =	ssyncadd.s32 $0xFFFFD800  }
0x6c: {  	[tilespmem:$0x180] =	vst v30  }
0x6d: {  	[tilespmem:$0x190] =	vst v31  }
0x6e: {  	[tilespmem:$0x1A0] =	vst v32  }
0x6f: {  	[tilespmem:$0x1B0] =	vst v33  }
0x70: {  	[tilespmem:$0x1C0] =	vst v34  }
0x71: {  	[spmem:s2] =	stream.indirect.scatter [tilespmem:s18], [sflag:$0x3], $0x80, s23, s22, $0xb8;
	[tilespmem:$0x1B200] =	vst v63  }
0x72: {  	_ =	swait.ge [sflag:s19], $0x2800  }
0x73: {  	[sflag:s19] =	ssyncset.done $0x0  }
0x74: {  	[sflag:s19] =	ssyncadd.s32 $0xFFFFD800  }
0x75: {  	[tilespmem:$0x180] =	vst v35  }
0x76: {  	[tilespmem:$0x190] =	vst v36  }
0x77: {  	[tilespmem:$0x1A0] =	vst v37  }
0x78: {  	[tilespmem:$0x1B0] =	vst v38  }
0x79: {  	[tilespmem:$0x1C0] =	vst v39  }
0x7a: {  	[spmem:s2] =	stream.indirect.scatter [tilespmem:s18], [sflag:$0x3], $0x80, s23, s22, $0xb8;
	[tilespmem:$0x1B200] =	vst v63  }
0x7b: {  	_ =	swait.ge [sflag:s19], $0x2800  }
0x7c: {  	[sflag:s19] =	ssyncset.done $0x0  }
0x7d: {  	[sflag:s19] =	ssyncadd.s32 $0xFFFFD800  }
0x7e: {  	s3 =	sadd.s32 $0x0, s13;
	[bflag:$0x0] =	sbarrier.arrive $0xFFFF  }
0x7f: {  	[tilespmem:s12], [sflag:$0x1] =	stream.linear.gather [hbm4b:s3+s12], $0x80, $0x38;
	[tilespmem:$0x1B200] =	vst v63  }
0x80: {  	s29 =	sadd.s32 $0x0, s14  }
0x81: {  	[tilespmem:s24], [sflag:$0x2] =	stream.linear.gather [hbm4b:s29+s12], $0x80, $0x38;
	[tilespmem:$0x1B200] =	vst v63  }
0x82: {  	_ =	swait.ge [sflag:s25], $0x80  }
0x83: {  	[sflag:s25] =	ssyncset.done $0x0  }
0x84: {  	[sflag:s25] =	ssyncadd.s32 $0xFFFFFF80  }
0x85: {  	[spmem:s2] =	stream.indirect.scatter.add.f32 [tilespmem:s20], [sflag:$0x3], $0x80, s12, s24, $0xb8;
	[tilespmem:$0x1B200] =	vst v63  }
0x86: {  	_ =	swait.ge [sflag:s19], $0x4000  }
0x87: {  	[sflag:s19] =	ssyncset.done $0x0  }
0x88: {  	[sflag:s19] =	ssyncadd.s32 $0xFFFFC000  }
0x89: {  	_ =	swait.ge [sflag:s26], $0x80  }
0x8a: {  	[sflag:s26] =	ssyncset.done $0x0  }
0x8b: {  	[sflag:s26] =	ssyncadd.s32 $0xFFFFFF80  }
0x8c: {  	[spmem:s2] =	stream.indirect.scatter.add.f32 [tilespmem:s20], [sflag:$0x3], $0x80, s24, s24, $0xb8;
	[tilespmem:$0x1B200] =	vst v63  }
0x8d: {  	_ =	swait.ge [sflag:s19], $0x4000  }
0x8e: {  	s31 =	simm.s32 $0x20;
	s3 =	simm.s32 $0x40;
	[sflag:s19] =	ssyncset.done $0x0  }
.LBB2_2:
0x8f: {  	s0 =	sadd.s32 s31, s13  }
0x90: {  	[sflag:s19] =	ssyncadd.s32 $0xFFFFC000;
	s29 =	smov.u32 s3;
	s1 =	sadd.s32 $0x20, s3  }
0x91: {  	[tilespmem:s12], [sflag:$0x1] =	stream.linear.gather [hbm4b:s0+s12], $0x80, $0x38;
	[tilespmem:$0x1B200] =	vst v63  }
0x92: {  	p0 =	sne.s32 s3, $0x4C0;
	s0 =	sadd.s32 s31, s14;
	s31 =	smov.u32 s29  }
0x93: {  	[tilespmem:s24], [sflag:$0x2] =	stream.linear.gather [hbm4b:s0+s12], $0x80, $0x38;
	[tilespmem:$0x1B200] =	vst v63  }
0x94: {  	_ =	swait.ge [sflag:s25], $0x80  }
0x95: {  	[sflag:s25] =	ssyncset.done $0x0  }
0x96: {  	[sflag:s25] =	ssyncadd.s32 $0xFFFFFF80  }
0x97: {  	[spmem:s2] =	stream.indirect.scatter.add.f32 [tilespmem:s20], [sflag:$0x3], $0x80, s12, s24, $0xb8;
	[tilespmem:$0x1B200] =	vst v63  }
0x98: {  	_ =	swait.ge [sflag:s19], $0x4000  }
0x99: {  	[sflag:s19] =	ssyncset.done $0x0  }
0x9a: {  	[sflag:s19] =	ssyncadd.s32 $0xFFFFC000  }
0x9b: {  	_ =	swait.ge [sflag:s26], $0x80  }
.Ltmp0:
0x9c: {  	[sflag:s26] =	ssyncset.done $0x0;
	(pc) =	sbr.rel @p0 .LBB2_2-.Ltmp0, $4  }
0x9d: {  	[sflag:s26] =	ssyncadd.s32 $0xFFFFFF80  }
0x9e: {  	[spmem:s2] =	stream.indirect.scatter.add.f32 [tilespmem:s20], [sflag:$0x3], $0x80, s24, s24, $0xb8;
	[tilespmem:$0x1B200] =	vst v63  }
0x9f: {  	_ =	swait.ge [sflag:s19], $0x4000  }
0xa0: {  	s3 =	smov.u32 s1;
	[sflag:s19] =	ssyncset.done $0x0  }
0xa1: {  	s0 =	sadd.s32 s31, s13;
	[sflag:s19] =	ssyncadd.s32 $0xFFFFC000  }
0xa2: {  	[tilespmem:s12], [sflag:$0x1] =	stream.linear.gather [hbm4b:s0+s12], $0x80, $0x38;
	[tilespmem:$0x1B200] =	vst v63  }
0xa3: {  	s29 =	sadd.s32 s31, s14  }
0xa4: {  	[tilespmem:s24], [sflag:$0x2] =	stream.linear.gather [hbm4b:s29+s12], $0x80, $0x38;
	[tilespmem:$0x1B200] =	vst v63  }
0xa5: {  	_ =	swait.ge [sflag:s25], $0x80  }
0xa6: {  	[sflag:s25] =	ssyncset.done $0x0  }
0xa7: {  	[sflag:s25] =	ssyncadd.s32 $0xFFFFFF80  }
0xa8: {  	[spmem:s2] =	stream.indirect.scatter.add.f32 [tilespmem:s20], [sflag:$0x3], $0x80, s12, s24, $0xb8;
	[tilespmem:$0x1B200] =	vst v63  }
0xa9: {  	_ =	swait.ge [sflag:s19], $0x4000  }
0xaa: {  	[sflag:s19] =	ssyncset.done $0x0  }
0xab: {  	[sflag:s19] =	ssyncadd.s32 $0xFFFFC000  }
0xac: {  	_ =	swait.ge [sflag:s26], $0x80  }
0xad: {  	[sflag:s26] =	ssyncset.done $0x0  }
0xae: {  	[sflag:s26] =	ssyncadd.s32 $0xFFFFFF80  }
0xaf: {  	[spmem:s2] =	stream.indirect.scatter.add.f32 [tilespmem:s20], [sflag:$0x3], $0x80, s24, s24, $0xb8;
	[tilespmem:$0x1B200] =	vst v63  }
0xb0: {  	_ =	swait.ge [sflag:s19], $0x4000  }
0xb1: {  	[sflag:s19] =	ssyncset.done $0x0  }
0xb2: {  	[sflag:s19] =	ssyncadd.s32 $0xFFFFC000  }
0xb3: {  	[tilespmem:s28], [sflag:$0x3] =	stream.linear.gather [hbm4b:s16+s12], $0x10, $0x38;
	[tilespmem:$0x1B200] =	vst v63  }
0xb4: {  	_ =	swait.ge [sflag:s19], $0x10  }
0xb5: {  	[sflag:s19] =	ssyncset.done $0x0  }
0xb6: {  	s31 =	simm.s32 $0x10;
	[sflag:s19] =	ssyncadd.s32 $0xFFFFFFF0  }
0xb7: {  	[spmem:s2] =	stream.indirect.scatter.add.f32 [tilespmem:s21], [sflag:$0x3], $0x80, s28, s31, $0xb8;
	[tilespmem:$0x1B200] =	vst v63  }
0xb8: {  	_ =	swait.ge [sflag:s19], $0x800  }
0xb9: {  	[sflag:s19] =	ssyncset.done $0x0  }
0xba: {  	[sflag:s19] =	ssyncadd.s32 $0xFFFFF800  }
0xbb: {  	[bflag:$0x0] =	sbarrier.arrive $0xFFFF  }
0xbc: {  	[tilespmem:$0x180] =	vst v27  }
0xbd: {  	[tilespmem:$0x190] =	vst v0  }
0xbe: {  	[tilespmem:$0x1A0] =	vst v1  }
0xbf: {  	[tilespmem:$0x1B0] =	vst v2  }
0xc0: {  	[tilespmem:$0x1C0] =	vst v3  }
0xc1: {  	[tilespmem:s18], [sflag:$0x1] =	stream.indirect.gather [spmem:s2], $0x80, s23, s22, $0xb8;
	[tilespmem:$0x1B200] =	vst v63  }
0xc2: {  	_ =	swait.ge [sflag:s25], $0x2800  }
0xc3: {  	[sflag:s25] =	ssyncset.done $0x0  }
0xc4: {  	[sflag:s25] =	ssyncadd.s32 $0xFFFFD800  }
0xc5: {  	[hbm4b:s4+s12] =	stream.linear.scatter [tilespmem:s18], [sflag:$0x3], $0x2800, $0x38;
	[tilespmem:$0x1B200] =	vst v63  }
0xc6: {  	_ =	swait.ge [sflag:s19], $0x2800  }
0xc7: {  	[sflag:s19] =	ssyncset.done $0x0  }
0xc8: {  	[sflag:s19] =	ssyncadd.s32 $0xFFFFD800  }
0xc9: {  	[tilespmem:$0x180] =	vst v4  }
0xca: {  	[tilespmem:$0x190] =	vst v5  }
0xcb: {  	[tilespmem:$0x1A0] =	vst v6  }
0xcc: {  	[tilespmem:$0x1B0] =	vst v7  }
0xcd: {  	[tilespmem:$0x1C0] =	vst v8  }
0xce: {  	[tilespmem:s18], [sflag:$0x1] =	stream.indirect.gather [spmem:s2], $0x80, s23, s22, $0xb8;
	[tilespmem:$0x1B200] =	vst v63  }
0xcf: {  	_ =	swait.ge [sflag:s25], $0x2800  }
0xd0: {  	[sflag:s25] =	ssyncset.done $0x0  }
0xd1: {  	[sflag:s25] =	ssyncadd.s32 $0xFFFFD800  }
0xd2: {  	[hbm4b:s5+s12] =	stream.linear.scatter [tilespmem:s18], [sflag:$0x3], $0x2800, $0x38;
	[tilespmem:$0x1B200] =	vst v63  }
0xd3: {  	_ =	swait.ge [sflag:s19], $0x2800  }
0xd4: {  	[sflag:s19] =	ssyncset.done $0x0  }
0xd5: {  	[sflag:s19] =	ssyncadd.s32 $0xFFFFD800  }
0xd6: {  	[tilespmem:$0x180] =	vst v9  }
0xd7: {  	[tilespmem:$0x190] =	vst v10  }
0xd8: {  	[tilespmem:$0x1A0] =	vst v11  }
0xd9: {  	[tilespmem:$0x1B0] =	vst v12  }
0xda: {  	[tilespmem:$0x1C0] =	vst v13  }
0xdb: {  	[tilespmem:s18], [sflag:$0x1] =	stream.indirect.gather [spmem:s2], $0x80, s23, s22, $0xb8;
	[tilespmem:$0x1B200] =	vst v63  }
0xdc: {  	_ =	swait.ge [sflag:s25], $0x2800  }
0xdd: {  	[sflag:s25] =	ssyncset.done $0x0  }
0xde: {  	[sflag:s25] =	ssyncadd.s32 $0xFFFFD800  }
0xdf: {  	[hbm4b:s6+s12] =	stream.linear.scatter [tilespmem:s18], [sflag:$0x3], $0x2800, $0x38;
	[tilespmem:$0x1B200] =	vst v63  }
0xe0: {  	_ =	swait.ge [sflag:s19], $0x2800  }
0xe1: {  	[sflag:s19] =	ssyncset.done $0x0  }
0xe2: {  	[sflag:s19] =	ssyncadd.s32 $0xFFFFD800  }
0xe3: {  	[tilespmem:$0x180] =	vst v14  }
0xe4: {  	[tilespmem:$0x190] =	vst v15  }
0xe5: {  	[tilespmem:$0x1A0] =	vst v16  }
0xe6: {  	[tilespmem:$0x1B0] =	vst v17  }
0xe7: {  	[tilespmem:$0x1C0] =	vst v18  }
0xe8: {  	[tilespmem:s18], [sflag:$0x1] =	stream.indirect.gather [spmem:s2], $0x80, s23, s22, $0xb8;
	[tilespmem:$0x1B200] =	vst v63  }
0xe9: {  	_ =	swait.ge [sflag:s25], $0x2800  }
0xea: {  	[sflag:s25] =	ssyncset.done $0x0  }
0xeb: {  	[sflag:s25] =	ssyncadd.s32 $0xFFFFD800  }
0xec: {  	[hbm4b:s7+s12] =	stream.linear.scatter [tilespmem:s18], [sflag:$0x3], $0x2800, $0x38;
	[tilespmem:$0x1B200] =	vst v63  }
0xed: {  	_ =	swait.ge [sflag:s19], $0x2800  }
0xee: {  	[sflag:s19] =	ssyncset.done $0x0  }
0xef: {  	[sflag:s19] =	ssyncadd.s32 $0xFFFFD800  }
0xf0: {  	[tilespmem:$0x180] =	vst v19  }
0xf1: {  	[tilespmem:$0x190] =	vst v20  }
0xf2: {  	[tilespmem:$0x1A0] =	vst v21  }
0xf3: {  	[tilespmem:$0x1B0] =	vst v22  }
0xf4: {  	[tilespmem:$0x1C0] =	vst v23  }
0xf5: {  	[tilespmem:s18], [sflag:$0x1] =	stream.indirect.gather [spmem:s2], $0x80, s23, s22, $0xb8;
	[tilespmem:$0x1B200] =	vst v63  }
0xf6: {  	_ =	swait.ge [sflag:s25], $0x2800  }
0xf7: {  	[sflag:s25] =	ssyncset.done $0x0  }
0xf8: {  	[sflag:s25] =	ssyncadd.s32 $0xFFFFD800  }
0xf9: {  	[hbm4b:s8+s12] =	stream.linear.scatter [tilespmem:s18], [sflag:$0x3], $0x2800, $0x38;
	[tilespmem:$0x1B200] =	vst v63  }
0xfa: {  	_ =	swait.ge [sflag:s19], $0x2800  }
0xfb: {  	[sflag:s19] =	ssyncset.done $0x0  }
0xfc: {  	[sflag:s19] =	ssyncadd.s32 $0xFFFFD800  }
0xfd: {  	[tilespmem:$0x180] =	vst v24  }
0xfe: {  	[tilespmem:$0x190] =	vst v25  }
0xff: {  	[tilespmem:$0x1A0] =	vst v26  }
0x100: {  	[tilespmem:$0x1B0] =	vst v28  }
0x101: {  	[tilespmem:$0x1C0] =	vst v29  }
0x102: {  	[tilespmem:s18], [sflag:$0x1] =	stream.indirect.gather [spmem:s2], $0x80, s23, s22, $0xb8;
	[tilespmem:$0x1B200] =	vst v63  }
0x103: {  	_ =	swait.ge [sflag:s25], $0x2800  }
0x104: {  	[sflag:s25] =	ssyncset.done $0x0  }
0x105: {  	[sflag:s25] =	ssyncadd.s32 $0xFFFFD800  }
0x106: {  	[hbm4b:s9+s12] =	stream.linear.scatter [tilespmem:s18], [sflag:$0x3], $0x2800, $0x38;
	[tilespmem:$0x1B200] =	vst v63  }
0x107: {  	_ =	swait.ge [sflag:s19], $0x2800  }
0x108: {  	[sflag:s19] =	ssyncset.done $0x0  }
0x109: {  	[sflag:s19] =	ssyncadd.s32 $0xFFFFD800  }
0x10a: {  	[tilespmem:$0x180] =	vst v30  }
0x10b: {  	[tilespmem:$0x190] =	vst v31  }
0x10c: {  	[tilespmem:$0x1A0] =	vst v32  }
0x10d: {  	[tilespmem:$0x1B0] =	vst v33  }
0x10e: {  	[tilespmem:$0x1C0] =	vst v34  }
0x10f: {  	[tilespmem:s18], [sflag:$0x1] =	stream.indirect.gather [spmem:s2], $0x80, s23, s22, $0xb8;
	[tilespmem:$0x1B200] =	vst v63  }
0x110: {  	_ =	swait.ge [sflag:s25], $0x2800  }
0x111: {  	[sflag:s25] =	ssyncset.done $0x0  }
0x112: {  	[sflag:s25] =	ssyncadd.s32 $0xFFFFD800  }
0x113: {  	[hbm4b:s10+s12] =	stream.linear.scatter [tilespmem:s18], [sflag:$0x3], $0x2800, $0x38;
	[tilespmem:$0x1B200] =	vst v63  }
0x114: {  	_ =	swait.ge [sflag:s19], $0x2800  }
0x115: {  	[sflag:s19] =	ssyncset.done $0x0  }
0x116: {  	[sflag:s19] =	ssyncadd.s32 $0xFFFFD800  }
0x117: {  	[tilespmem:$0x180] =	vst v35  }
0x118: {  	[tilespmem:$0x190] =	vst v36  }
0x119: {  	[tilespmem:$0x1A0] =	vst v37  }
0x11a: {  	[tilespmem:$0x1B0] =	vst v38  }
0x11b: {  	[tilespmem:$0x1C0] =	vst v39  }
0x11c: {  	[tilespmem:s18], [sflag:$0x1] =	stream.indirect.gather [spmem:s2], $0x80, s23, s22, $0xb8;
	[tilespmem:$0x1B200] =	vst v63  }
0x11d: {  	s30 =	sadd.s32 $0x1, s30;
	_ =	swait.ge [sflag:s25], $0x2800  }
0x11e: {  	p0 =	sne.s32 s30, s17;
	[sflag:s25] =	ssyncset.done $0x0  }
.Ltmp1:
0x11f: {  	[sflag:s25] =	ssyncadd.s32 $0xFFFFD800;
	(pc) =	sbr.rel @p0 .LBB2_1-.Ltmp1, $4  }
0x120: {  	[hbm4b:s11+s12] =	stream.linear.scatter [tilespmem:s18], [sflag:$0x3], $0x2800, $0x38;
	[tilespmem:$0x1B200] =	vst v63  }
0x121: {  	_ =	swait.ge [sflag:s19], $0x2800  }
0x122: {  	[sflag:s19] =	ssyncset.done $0x0  }
0x123: {  	[sflag:s19] =	ssyncadd.s32 $0xFFFFD800  }
0x124: {  	_ =	sfence.sel $0x180000  }
0x125: {  	[bflag:$0x0] =	sbarrier.arrive $0xFFFF  }
0x126: {  	_ =	strace $0x9000004A  }
0x127: {  	s0 =	stileid.u32;
	[bflag:$0x2] =	sbarrier.arrive $0xFFFF  }
0x128: {  	p0 =	sne.s32 s0, $0x0;
	s0 =	rddreg [dreg:$0x4]  }
0x129: {  	s0 =	sadd.s32 @!p0 $0x100000, s0  }
0x12a: {  	[sflag:s0] =	ssyncadd.tile.s32 @!p0 $0x1;
	_ =	shalt  }
.Lfunc_end2:
_tile_overlayer_lowered:
.L_overlay_start_2:
0x12b: {  	(tag) =	ssettag $0x2  }
0x12c: {  	s0 =	rddreg [dreg:$0x0];
	s2 =	stileid.u32  }
0x12d: {  	s1 =	rddreg [dreg:$0x1];
	p0 =	sne.s32 s2, $0x0  }
0x12e: {  	s3 =	rddreg [dreg:$0x2];
	[bflag:$0x3] =	sbarrier.arrive $0xFFFF;
	s2 =	simm.s32 @!p0 $0x1C03  }
0x12f: {  	[timem:s3], [sflag:s2] =	dma.local @!p0 [hbm:s0], s1  }
0x130: {  	s0 =	simm.s32 @!p0 $0x3  }
0x131: {  	_ =	swait.ge @!p0 [sflag:s0], s1  }
0x132: {  	s1 =	ssub.s32 @!p0 $0x0, s1;
	[sflag:s0] =	ssyncset.done @!p0 $0x0  }
0x133: {  	[sflag:s0] =	ssyncadd.s32 @!p0 s1  }
0x134: {  	[bflag:$0x3] =	sbarrier.arrive $0xFFFF  }
0x135: {  	_ =	shalt  }

// kernel: kernel.13.cloned.1.call-start
scs
__scs_entry_jumppad:
0x0: {  	(pc) =	sbr.rel $0x88, $3  }
0x1: {  	(tag) =	ssettag $0x0;
	lr =	simm.s32 $0x1  }
0x2: {  	[smem:$0x3F99] =	sst lr;
	_ =	strace $0xD0000000  }
0x3: {  	_ = 	snop  }
0x4: {  	_ = 	snop  }
0x5: {  	_ = 	snop  }
0x6: {  	_ = 	snop  }
0x7: {  	_ = 	snop  }
__scs_overlays_trampoline_lowered:
0x8: {  	[smem:$0x3FA8] =	sst s0  }
0x9: {  	[smem:$0x3FA9] =	sst s1  }
0xa: {  	[smem:$0x3FAA] =	sst s2  }
0xb: {  	[smem:$0x3FAB] =	sst s3  }
0xc: {  	[smem:$0x3FAC] =	sst s4  }
0xd: {  	[smem:$0x3FAD] =	sst s5  }
0xe: {  	[smem:$0x3FAE] =	sst s6  }
0xf: {  	[smem:$0x3FAF] =	sst s7  }
0x10: {  	[smem:$0x3FB0] =	sst s8  }
0x11: {  	[smem:$0x3FB1] =	sst s9;
	s0 =	simm.s32 @!p0 $0x0  }
0x12: {  	s1 =	sld [smem:$0x3F97];
	s0 =	simm.s32 @p0 $0x1  }
0x13: {  	[smem:$0x3FB2] =	sst s0;
	s0 =	simm.s32 @!p1 $0x0  }
0x14: {  	s2 =	sld [smem:$0x3F96];
	s0 =	simm.s32 @p1 $0x1  }
0x15: {  	[smem:$0x3FB3] =	sst s0;
	s0 =	simm.s32 @!p2 $0x0  }
0x16: {  	s3 =	sld [smem:$0x3FDB];
	s0 =	simm.s32 @p2 $0x1  }
0x17: {  	s4 =	simm.s32 $0x1BF5;
	[smem:$0x3FB5] =	sst s0  }
0x18: {  	s0 =	sld [smem:$0x3F98];
	_ =	swait.ge [sflag:s4], $0x0  }
0x19: {  	s7 =	sld [smem:$0x3F99]  }
0x1a: {  	s8 =	sadd.s32 $0xFFFFE003, lr  }
0x1b: {  	s9 =	sadd.s32 $0xFFFFFEF7, lr;
	s5 =	simm.s32 $0xFFFFFFFF;
	p2 =	slt.u32 s8, $0xFFFFF086  }
0x1c: {  	p1 =	slt.u32 s9, $0xF7A;
	s5 =	simm.s32 @!p2 $0x0  }
0x1d: {  	s5 =	simm.s32 @p1 $0x1;
	p0 =	seq.s32 s7, s2  }
0x1e: {  	s7 =	smul.u32 @!p0 $0xF7A, s2;
	p2 =	seq.s32 @!p0 s5, $0x0  }
0x1f: {  	s9 =	smul.u32 $0xF7A, s1;
	s8 =	simm.s32 @!p0 $0x1BF5;
	p2 =	por !p2, p0  }
0x20: {  	[sflag:s8] =	ssyncset.s32 @!p0 $0xFFFFF086;
	s6 =	sadd.s32 @!p0 s3, s7;
	s7 =	simm.s32 @!p0 $0x108  }
0x21: {  	s3 =	sadd.s32 s3, s9;
	s6 =	sadd.s32 @!p0 $0x88, s6;
	s7 =	simm.s32 @p2 $0x1082  }
0x22: {  	[simem:s7], [sflag:s8] =	dma.local @!p0 [hbm:s6], $0xF7A  }
0x23: {  	s9 =	sor.u32 $0xD0000000, s2;
	s6 =	simm.s32 $0x108;
	_ =	swait.ge @!p0 [sflag:s8], $0x0  }
0x24: {  	s3 =	sadd.s32 $0x88, s3;
	s6 =	simm.s32 @!p1 $0x1082;
	[sflag:s4] =	ssyncset.s32 $0xFFFFF086  }
0x25: {  	[simem:s6], [sflag:s4] =	dma.local [hbm:s3], $0xF7A  }
0x26: {  	[smem:$0x3F99] =	sst s1;
	(tag) =	ssettag s2;
	_ =	strace s9  }
0x27: {  	s1 =	sld [smem:$0x3FA9]  }
0x28: {  	s2 =	sld [smem:$0x3FAA]  }
0x29: {  	s4 =	sld [smem:$0x3FAC]  }
0x2a: {  	p0 =	seq.s32 s5, $0x0;
	s5 =	sld [smem:$0x3FAD]  }
0x2b: {  	s6 =	sld [smem:$0x3FAE]  }
0x2c: {  	s7 =	sld [smem:$0x3FAF]  }
0x2d: {  	s3 =	simm.s32 $0x108;
	s8 =	sld [smem:$0x3FB0]  }
0x2e: {  	s3 =	simm.s32 @!p0 $0x1082;
	s9 =	sld [smem:$0x3FB1]  }
0x2f: {  	lr =	sadd.s32 s0, s3;
	s0 =	sld [smem:$0x3FA8]  }
0x30: {  	s3 =	sld [smem:$0x3FAB]  }
0x31: {  	[smem:$0x3FB4] =	sst s10  }
0x32: {  	s10 =	sld [smem:$0x3FB2];
	_ =	sdelay $0x3  }
0x33: {  	p0 =	seq.s32 s10, $0x1;
	s10 =	sld [smem:$0x3FB4];
	_ =	sdelay $0x3  }
0x34: {  	[smem:$0x3FB4] =	sst s10  }
0x35: {  	s10 =	sld [smem:$0x3FB3];
	_ =	sdelay $0x3  }
0x36: {  	p1 =	seq.s32 s10, $0x1;
	s10 =	sld [smem:$0x3FB4];
	_ =	sdelay $0x3  }
0x37: {  	[smem:$0x3FB4] =	sst s10  }
0x38: {  	s10 =	sld [smem:$0x3FB5]  }
0x39: {  	_ = 	snop;
	(pc) =	sbr.ind lr, $3  }
0x3a: {  	_ = 	snop  }
0x3b: {  	_ = 	snop  }
0x3c: {  	p2 =	seq.s32 s10, $0x1;
	s10 =	sld [smem:$0x3FB4]  }
0x3d: {  	_ =	shalt  }
0x3e: {  	_ =	shalt  }
0x3f: {  	_ =	shalt  }
0x40: {  	_ =	shalt  }
0x41: {  	_ =	shalt  }
0x42: {  	_ =	shalt  }
0x43: {  	_ =	shalt  }
0x44: {  	_ =	shalt  }
0x45: {  	_ =	shalt  }
0x46: {  	_ =	shalt  }
0x47: {  	_ =	shalt  }
0x48: {  	_ =	shalt  }
0x49: {  	_ =	shalt  }
0x4a: {  	_ =	shalt  }
0x4b: {  	_ =	shalt  }
0x4c: {  	_ =	shalt  }
0x4d: {  	_ =	shalt  }
0x4e: {  	_ =	shalt  }
0x4f: {  	_ =	shalt  }
0x50: {  	_ =	shalt  }
0x51: {  	_ =	shalt  }
0x52: {  	_ =	shalt  }
0x53: {  	_ =	shalt  }
0x54: {  	_ =	shalt  }
0x55: {  	_ =	shalt  }
0x56: {  	_ =	shalt  }
0x57: {  	_ =	shalt  }
0x58: {  	_ =	shalt  }
0x59: {  	_ =	shalt  }
0x5a: {  	_ =	shalt  }
0x5b: {  	_ =	shalt  }
0x5c: {  	_ =	shalt  }
0x5d: {  	_ =	shalt  }
0x5e: {  	_ =	shalt  }
0x5f: {  	_ =	shalt  }
0x60: {  	_ =	shalt  }
0x61: {  	_ =	shalt  }
0x62: {  	_ =	shalt  }
0x63: {  	_ =	shalt  }
0x64: {  	_ =	shalt  }
0x65: {  	_ =	shalt  }
0x66: {  	_ =	shalt  }
0x67: {  	_ =	shalt  }
0x68: {  	_ =	shalt  }
0x69: {  	_ =	shalt  }
0x6a: {  	_ =	shalt  }
0x6b: {  	_ =	shalt  }
0x6c: {  	_ =	shalt  }
0x6d: {  	_ =	shalt  }
0x6e: {  	_ =	shalt  }
0x6f: {  	_ =	shalt  }
0x70: {  	_ =	shalt  }
0x71: {  	_ =	shalt  }
0x72: {  	_ =	shalt  }
0x73: {  	_ =	shalt  }
0x74: {  	_ =	shalt  }
0x75: {  	_ =	shalt  }
0x76: {  	_ =	shalt  }
0x77: {  	_ =	shalt  }
0x78: {  	_ =	shalt  }
0x79: {  	_ =	shalt  }
0x7a: {  	_ =	shalt  }
0x7b: {  	_ =	shalt  }
0x7c: {  	_ =	shalt  }
0x7d: {  	_ =	shalt  }
0x7e: {  	_ =	shalt  }
0x7f: {  	_ =	shalt  }
0x80: {  	_ =	shalt  }
0x81: {  	_ =	shalt  }
0x82: {  	_ =	shalt  }
0x83: {  	_ =	shalt  }
0x84: {  	_ =	shalt  }
0x85: {  	_ =	shalt  }
0x86: {  	_ =	shalt  }
0x87: {  	_ =	shalt  }
.Lfunc_end0:
.L_simem_size_0:
called_computation.2_lowered:
.L_overlay_start_0:
0x88: {  	s2 =	sld [smem:$0x3FD9]  }
0x89: {  	s3 =	sld [smem:$0x3FFE];
	_ =	sdelay $0x1  }
0x8a: {  	s1 =	srdreg.scid  }
0x8b: {  	s0 =	sand.u32 $0x1, s1  }
0x8c: {  	s14 =	sshll.u32 s0, $0xA;
	s2 =	sadd.s32 s3, s2  }
0x8d: {  	s2 =	sadd.s32 s2, s14  }
0x8e: {  	[smem:$0x3FC0] =	sst s2  }
0x8f: {  	_ = 	snop  }
0x90: {  	s2 =	sld [smem:$0x3FD0];
	_ =	sdelay $0x2  }
0x91: {  	s15 =	simm.s32 $0xB;
	s4 =	simm.s32 $0x10  }
0x92: {  	[smem:s4], [sflag:s15] =	dma.local [hbm:s2], $0x1  }
0x93: {  	_ =	swait.eq [sflag:s15], $0x1  }
0x94: {  	[sflag:s15] =	ssyncset.done $0x0  }
0x95: {  	s16 =	sld [smem:$0x10];
	[sflag:s15] =	ssyncadd.s32 $0xFFFFFFFF  }
0x96: {  	s17 =	sld [smem:$0x11];
	(tm) =	ssettm $0x1  }
0x97: {  	s18 =	sld [smem:$0x3FFB];
	_ =	sdelay $0x3  }
0x98: {  	_ =	strace s18  }
0x99: {  	s4 =	sld [smem:$0x3FFC];
	_ =	sdelay $0x3  }
0x9a: {  	_ =	strace s4  }
0x9b: {  	s4 =	sld [smem:$0x3FFD];
	_ =	sdelay $0x3  }
0x9c: {  	_ =	strace s4  }
0x9d: {  	_ =	strace $0x8FFFFFFF  }
0x9e: {  	s19 =	sld [smem:$0x3FDB];
	_ =	sdelay $0x1  }
0x9f: {  	s5 =	simm.s32 $_scs_section_size  }
0xa0: {  	s6 =	simm.s32 $_size__tile_overlayer_lowered;
	s7 =	simm.s32 $_tile_overlayer_lowered  }
0xa1: {  	s22 =	simm.s32 $0x1BFF;
	s21 =	sshll.u32 s7, $0x1;
	s4 =	sadd.s32 s5, s19  }
0xa2: {  	s8 =	simm.s32 $0x0;
	s20 =	sshll.u32 s6, $0x1;
	s6 =	sadd.s32 s21, s4  }
0xa3: {  	[timem:s8], [sflag:s22] =	dma.local [hbm:s6], s20  }
0xa4: {  	_ =	swait.ge [sflag:s22], s20  }
0xa5: {  	s5 =	ssub.s32 $0x0, s20;
	[sflag:s22] =	ssyncset.done $0x0  }
0xa6: {  	[sflag:s22] =	ssyncadd.s32 s5;
	_ =	sdelay $0x1  }
0xa7: {  	s23 =	simm.s32 $0x1B8B  }
0xa8: {  	_ =	swait.ge [sflag:s23], $0x1  }
0xa9: {  	[sflag:s23] =	ssyncset.done $0x0  }
0xaa: {  	s25 =	simm.s32 $0x1B8E;
	s24 =	sld [smem:$0x3FFE];
	[sflag:s23] =	ssyncadd.s32 $0xFFFFFFFF  }
0xab: {  	s26 =	simm.s32 $execute0_lowered;
	[smem:$0x3FD2] =	sst s25  }
0xac: {  	s6 =	sshll.u32 s26, $0x1;
	_ =	strace $0x8000004C;
	[dreg:$0x1] =	wrdreg $0xFFFFFFFF  }
0xad: {  	s28 =	simm.s32 $_size_execute0_lowered;
	s4 =	sadd.s32 s4, s6;
	[dreg:$0x0] =	wrdreg $0x0  }
0xae: {  	s6 =	sshll.u32 s28, $0x1;
	[dreg:$0x2] =	wrdreg s4  }
0xaf: {  	[dreg:$0x3] =	wrdreg s6  }
0xb0: {  	[dreg:$0x4] =	wrdreg $0xC0  }
0xb1: {  	_ =	task [dreg:s8], $0x5FFFF  }
0xb2: {  	[dreg:$0x1] =	wrdreg $0xFFFFFFFF  }
0xb3: {  	[dreg:$0x0] =	wrdreg $0x60  }
0xb4: {  	[dreg:$0x2] =	wrdreg s16  }
0xb5: {  	[dreg:$0x3] =	wrdreg s24  }
0xb6: {  	[dreg:$0x4] =	wrdreg s17  }
0xb7: {  	[dreg:$0x5] =	wrdreg $0xB3800  }
0xb8: {  	[dreg:$0x6] =	wrdreg $0x9  }
0xb9: {  	_ =	task.clear_ibuf [dreg:s8], $0x7FFFF;
	_ =	strace $0x9000004C  }
0xba: {  	s29 =	simm.s32 $0x9;
	_ =	strace $0x8000004E  }
0xbb: {  	_ =	swait.ge [sflag:s29], $0x1  }
0xbc: {  	[sflag:s29] =	ssyncadd.s32 $0xFFFFFFFF  }
0xbd: {  	_ =	strace $0x9000004E  }
0xbe: {  	_ =	sfence  }
0xbf: {  	s30 =	sld [smem:$0x0];
	_ =	sdelay $0x2  }
0xc0: {  	s31 =	sshll.u32 s1, $0xD;
	s1 =	sshrl.u32 s1, $0x2  }
0xc1: {  	s3 =	sand.u32 $0x4000, s31;
	s1 =	sadd.s32 s1, s30  }
0xc2: {  	s0 =	sor.u32 s3, s0;
	s1 =	sshll.u32 s1, $0x11  }
0xc3: {  	s0 =	sor.u32 s1, s0  }
0xc4: {  	s0 =	sadd.s32 $0x8F2B, s0  }
0xc5: {  	[sflag:s0] =	ssyncadd.remote.s32 $0x1  }
0xc6: {  	_ =	sfence.sel $0xFFFF  }
0xc7: {  	[dreg:$0x0] =	wrdreg $0xFFFFFFFF;
	(pc) =	sbr.abs _section_cstart, $3  }
0xc8: {  	[dreg:$0x1] =	wrdreg $0xFFFFFFFF  }
0xc9: {  	_ =	task.clear_ibuf [dreg:s8], $0x2FFFF;
	_ =	strace $0x9FFFFFFF  }
0xca: {  	(tm) =	ssettm $0x7FFFFFFF  }
0xcb: {  	_ =	shalt  }
tec
execute0_lowered:
.L_overlay_start_1:
0x0: {  	(tag) =	ssettag $0x1  }
0x1: {  	s0 =	rddreg [dreg:$0x0]  }
0x2: {  	s19 =	rddreg [dreg:$0x1]  }
0x3: {  	s9 =	rddreg [dreg:$0x2]  }
0x4: {  	s2 =	simm.s32 $0x0;
	s1 =	srdreg.scid;
	s6 =	stileid.u32  }
0x5: {  	[smem:$0x7FF] =	sst s2;
	s5 =	smul.u32 $0x280, s6  }
0x6: {  	s10 =	sand.u32 $0x1, s1;
	s3 =	sshll.u32 s6, $0x1;
	s15 =	smul.u32 $0x14000, s6  }
0x7: {  	s11 =	sadd.s32 $0xC600, s19;
	s1 =	ssub.s32 $0x2, s10;
	s14 =	smul.u32 $0x140000, s10  }
0x8: {  	s3 =	sor.u32 s10, s3;
	s10 =	smul.u32 $0x2710, s10;
	s4 =	sshrl.u32 s1, $0x1  }
0x9: {  	s12 =	smul.u32 $0x2710, s3;
	s20 =	sor.u32 $0x50, s5;
	s8 =	sadd.s32 $0xA0, s5  }
0xa: {  	s13 =	sadd.s32 $0xF0, s5;
	s7 =	sadd.s32 $0x140, s5;
	s18 =	sadd.s32 $0x1E0, s5  }
0xb: {  	s3 =	sadd.s32 $0x230, s5;
	s28 =	sadd.s32 $0xC0, s5;
	s29 =	sadd.s32 $0xD0, s5  }
0xc: {  	s30 =	sadd.s32 $0x200, s5;
	s31 =	sadd.s32 $0x210, s5;
	[dreg:$0x11] =	wrdreg s18  }
0xd: {  	s1 =	ssub.s32 s1, s4;
	s4 =	sadd.s32 $0x190, s5;
	[dreg:$0x10] =	wrdreg s3  }
0xe: {  	s16 =	sshll.u32 s20, $0x7;
	s15 =	sadd.s32 s15, s14;
	s17 =	sshll.u32 s8, $0x7  }
0xf: {  	v39 =	vlaneseq.u32;
	s25 =	sshll.u32 s13, $0x7;
	s26 =	sshll.u32 s7, $0x7;
	s3 =	sshll.u32 s3, $0x7  }
0x10: {  	v9 =	vor.u32 s8, v39;
	s8 =	sadd.s32 $0x160, s5;
	v11 =	vor.u32 s28, v39;
	v12 =	vor.u32 s29, v39;
	s28 =	sadd.s32 $0x1B0, s5;
	s29 =	sadd.s32 $0x1C0, s5  }
0x11: {  	v14 =	vor.u32 s13, v39;
	s13 =	sadd.s32 $0x1D0, s5;
	v19 =	vor.u32 s7, v39;
	s7 =	sadd.s32 $0x250, s5;
	v32 =	vor.u32 s30, v39;
	s30 =	simm.s32 $0x380  }
0x12: {  	v33 =	vor.u32 s31, v39;
	s31 =	simm.s32 $0x4380;
	[dreg:$0xf] =	wrdreg s1;
	s12 =	sshrl.u32 s12, $0x3  }
0x13: {  	s16 =	sadd.s32 s14, s16;
	s15 =	sshrl.u32 s15, $0x3;
	s24 =	sadd.s32 s14, s17  }
0x14: {  	s21 =	sadd.s32 s14, s25;
	s1 =	sshll.u32 s18, $0x7;
	s18 =	smul.u32 $0x4E20, s6  }
0x15: {  	s6 =	sor.u32 $0x20, s5;
	v27 =	vor.u32 s28, v39;
	v28 =	vor.u32 s29, v39;
	s28 =	simm.s32 $0x180;
	s29 =	simm.s32 $0x3  }
0x16: {  	v29 =	vor.u32 s13, v39;
	s13 =	simm.s32 $0x1;
	v37 =	vor.u32 s7, v39;
	s7 =	simm.s32 $0x0;
	s16 =	sshrl.u32 s16, $0x3  }
0x17: {  	s22 =	sadd.s32 s11, s15;
	s15 =	sshrl.u32 s24, $0x3;
	s12 =	sadd.s32 $0x4E0, s12  }
0x18: {  	v1 =	vor.u32 s6, v39;
	s6 =	sadd.s32 $0x150, s5;
	[dreg:$0x5] =	wrdreg s22;
	s23 =	sadd.s32 s11, s16  }
0x19: {  	s15 =	sadd.s32 s11, s15;
	s22 =	sadd.s32 s14, s26;
	[dreg:$0x6] =	wrdreg s23  }
0x1a: {  	s10 =	sadd.s32 s10, s18;
	v20 =	vor.u32 s6, v39;
	s6 =	sadd.s32 $0x260, s5;
	[dreg:$0x7] =	wrdreg s15  }
0x1b: {  	s15 =	sshrl.u32 s21, $0x3;
	s16 =	sshrl.u32 s22, $0x3;
	s23 =	sshll.u32 s4, $0x7  }
0x1c: {  	v25 =	vor.u32 s4, v39;
	s4 =	simm.s32 $0x280;
	v38 =	vor.u32 s6, v39;
	s6 =	simm.s32 $0x8380;
	s24 =	sadd.s32 s11, s15  }
0x1d: {  	s25 =	sadd.s32 s11, s16;
	s26 =	sadd.s32 s14, s23;
	s16 =	sadd.s32 s14, s1  }
0x1e: {  	s14 =	sadd.s32 s14, s3;
	s1 =	sshrl.u32 s10, $0x3;
	[dreg:$0x8] =	wrdreg s24  }
0x1f: {  	s10 =	sadd.s32 $0x80, s10;
	s3 =	sor.u32 $0x10, s5;
	[dreg:$0x9] =	wrdreg s25  }
0x20: {  	s15 =	sshrl.u32 s26, $0x3;
	s16 =	sshrl.u32 s16, $0x3;
	s14 =	sshrl.u32 s14, $0x3  }
0x21: {  	s24 =	sadd.s32 $0x2200, s19;
	s26 =	sadd.s32 s9, s12;
	s10 =	sshrl.u32 s10, $0x3  }
0x22: {  	s19 =	sadd.s32 $0xC000, s19;
	v0 =	vor.u32 s3, v39;
	s3 =	sadd.s32 $0x130, s5;
	s21 =	sadd.s32 s11, s15  }
0x23: {  	s22 =	sadd.s32 s11, s16;
	s23 =	sadd.s32 s11, s14;
	[dreg:$0xe] =	wrdreg s26  }
0x24: {  	s25 =	sadd.s32 s24, s12;
	s14 =	rddreg [dreg:$0x3];
	s15 =	sadd.s32 s1, s9  }
0x25: {  	s16 =	sadd.s32 s1, s24;
	s17 =	sadd.s32 s10, s9;
	s18 =	sadd.s32 s10, s24  }
0x26: {  	s24 =	sor.u32 $0x70, s5;
	s26 =	sadd.s32 $0x90, s5;
	[dreg:$0xa] =	wrdreg s21  }
0x27: {  	s11 =	sadd.s32 $0xB0, s5;
	s1 =	sadd.s32 $0x100, s5;
	[dreg:$0xb] =	wrdreg s22  }
0x28: {  	s12 =	sadd.s32 $0x110, s5;
	v18 =	vor.u32 s3, v39;
	s3 =	sadd.s32 $0x240, s5;
	[dreg:$0xc] =	wrdreg s23  }
0x29: {  	[dreg:$0xd] =	wrdreg s25;
	s21 =	sor.u32 $0x30, s5;
	s22 =	sor.u32 $0x40, s5  }
0x2a: {  	v21 =	vor.u32 s5, v39;
	s23 =	sor.u32 $0x60, s5;
	s25 =	sadd.s32 $0x80, s5;
	v6 =	vor.u32 s24, v39;
	s24 =	sadd.s32 $0x120, s5  }
0x2b: {  	v8 =	vor.u32 s26, v39;
	s26 =	sadd.s32 $0x180, s5;
	v10 =	vor.u32 s11, v39;
	s11 =	sadd.s32 $0x1A0, s5;
	v15 =	vor.u32 s1, v39;
	s1 =	sadd.s32 $0x1F0, s5  }
0x2c: {  	v4 =	vor.u32 s20, v39;
	v16 =	vor.u32 s12, v39;
	s12 =	sadd.s32 $0x220, s5;
	v36 =	vor.u32 s3, v39;
	s3 =	simm.s32 $0x200;
	_ =	strace $0x8000004D  }
0x2d: {  	v22 =	vor.u32 s8, v39;
	v3 =	vor.u32 s22, v39;
	s22 =	sadd.s32 $0xE0, s5;
	v7 =	vor.u32 s25, v39;
	s25 =	sadd.s32 $0x170, s5;
	s5 =	sadd.s32 $0x270, s5  }
0x2e: {  	v2 =	vor.u32 s21, v39;
	v5 =	vor.u32 s23, v39;
	v24 =	vor.u32 s26, v39;
	s21 =	simm.s32 $0x8B80;
	s23 =	simm.s32 $0x50;
	s26 =	rddreg [dreg:$0xf]  }
0x2f: {  	v17 =	vor.u32 s24, v39;
	v26 =	vor.u32 s11, v39;
	s24 =	simm.s32 $0x300;
	v31 =	vor.u32 s1, v39;
	s1 =	simm.s32 $0x2;
	s11 =	rddreg [dreg:$0x11]  }
0x30: {  	v34 =	vor.u32 s12, v39;
	v13 =	vor.u32 s22, v39;
	v23 =	vor.u32 s25, v39;
	s22 =	simm.s32 $0x4;
	s25 =	simm.s32 $0x80;
	s12 =	rddreg [dreg:$0x10]  }
0x31: {  	s20 =	smax.u32 s26, $0x1;
	v30 =	vor.u32 s11, v39;
	s26 =	simm.s32 $0x100;
	v35 =	vor.u32 s12, v39;
	v39 =	vor.u32 s5, v39;
	s5 =	simm.s32 $0x10  }
.LBB2_1:
0x32: {  	[tilespmem:s21], [sflag:$0x4] =	stream.linear.gather [hbm4b:s19+s2], $0x2800, $0x38;
	[tilespmem:$0x1F380] =	vst v63  }
0x33: {  	_ =	swait.ge [sflag:s22], $0x2800  }
0x34: {  	[sflag:s22] =	ssyncset.done $0x0  }
0x35: {  	[sflag:s22] =	ssyncadd.s32 $0xFFFFD800  }
0x36: {  	[tilespmem:$0x300] =	vst v21  }
0x37: {  	[tilespmem:$0x310] =	vst v0  }
0x38: {  	[tilespmem:$0x320] =	vst v1  }
0x39: {  	[tilespmem:$0x330] =	vst v2  }
0x3a: {  	[tilespmem:$0x340] =	vst v3  }
0x3b: {  	[spmem:s14] =	stream.indirect.scatter [tilespmem:s21], [sflag:$0x4], $0x80, s24, s23, $0xb8;
	[tilespmem:$0x1F380] =	vst v63  }
0x3c: {  	_ =	swait.ge [sflag:s22], $0x2800  }
0x3d: {  	[sflag:s22] =	ssyncset.done $0x0  }
0x3e: {  	[sflag:s22] =	ssyncadd.s32 $0xFFFFD800  }
0x3f: {  	[tilespmem:$0x300] =	vst v4  }
0x40: {  	[tilespmem:$0x310] =	vst v5  }
0x41: {  	[tilespmem:$0x320] =	vst v6  }
0x42: {  	[tilespmem:$0x330] =	vst v7  }
0x43: {  	[tilespmem:$0x340] =	vst v8  }
0x44: {  	[spmem:s14] =	stream.indirect.scatter [tilespmem:s21], [sflag:$0x4], $0x80, s24, s23, $0xb8;
	[tilespmem:$0x1F380] =	vst v63  }
0x45: {  	_ =	swait.ge [sflag:s22], $0x2800  }
0x46: {  	[sflag:s22] =	ssyncset.done $0x0  }
0x47: {  	[sflag:s22] =	ssyncadd.s32 $0xFFFFD800  }
0x48: {  	[tilespmem:$0x300] =	vst v9  }
0x49: {  	[tilespmem:$0x310] =	vst v10  }
0x4a: {  	[tilespmem:$0x320] =	vst v11  }
0x4b: {  	[tilespmem:$0x330] =	vst v12  }
0x4c: {  	[tilespmem:$0x340] =	vst v13  }
0x4d: {  	[spmem:s14] =	stream.indirect.scatter [tilespmem:s21], [sflag:$0x4], $0x80, s24, s23, $0xb8;
	[tilespmem:$0x1F380] =	vst v63  }
0x4e: {  	_ =	swait.ge [sflag:s22], $0x2800  }
0x4f: {  	[sflag:s22] =	ssyncset.done $0x0  }
0x50: {  	[sflag:s22] =	ssyncadd.s32 $0xFFFFD800  }
0x51: {  	[tilespmem:$0x300] =	vst v14  }
0x52: {  	[tilespmem:$0x310] =	vst v15  }
0x53: {  	[tilespmem:$0x320] =	vst v16  }
0x54: {  	[tilespmem:$0x330] =	vst v17  }
0x55: {  	[tilespmem:$0x340] =	vst v18  }
0x56: {  	[spmem:s14] =	stream.indirect.scatter [tilespmem:s21], [sflag:$0x4], $0x80, s24, s23, $0xb8;
	[tilespmem:$0x1F380] =	vst v63  }
0x57: {  	_ =	swait.ge [sflag:s22], $0x2800  }
0x58: {  	[sflag:s22] =	ssyncset.done $0x0  }
0x59: {  	[sflag:s22] =	ssyncadd.s32 $0xFFFFD800  }
0x5a: {  	[tilespmem:$0x300] =	vst v19  }
0x5b: {  	[tilespmem:$0x310] =	vst v20  }
0x5c: {  	[tilespmem:$0x320] =	vst v22  }
0x5d: {  	[tilespmem:$0x330] =	vst v23  }
0x5e: {  	[tilespmem:$0x340] =	vst v24  }
0x5f: {  	[spmem:s14] =	stream.indirect.scatter [tilespmem:s21], [sflag:$0x4], $0x80, s24, s23, $0xb8;
	[tilespmem:$0x1F380] =	vst v63  }
0x60: {  	_ =	swait.ge [sflag:s22], $0x2800  }
0x61: {  	[sflag:s22] =	ssyncset.done $0x0  }
0x62: {  	[sflag:s22] =	ssyncadd.s32 $0xFFFFD800  }
0x63: {  	[tilespmem:$0x300] =	vst v25  }
0x64: {  	[tilespmem:$0x310] =	vst v26  }
0x65: {  	[tilespmem:$0x320] =	vst v27  }
0x66: {  	[tilespmem:$0x330] =	vst v28  }
0x67: {  	[tilespmem:$0x340] =	vst v29  }
0x68: {  	[spmem:s14] =	stream.indirect.scatter [tilespmem:s21], [sflag:$0x4], $0x80, s24, s23, $0xb8;
	[tilespmem:$0x1F380] =	vst v63  }
0x69: {  	_ =	swait.ge [sflag:s22], $0x2800  }
0x6a: {  	[sflag:s22] =	ssyncset.done $0x0  }
0x6b: {  	[sflag:s22] =	ssyncadd.s32 $0xFFFFD800  }
0x6c: {  	[tilespmem:$0x300] =	vst v30  }
0x6d: {  	[tilespmem:$0x310] =	vst v31  }
0x6e: {  	[tilespmem:$0x320] =	vst v32  }
0x6f: {  	[tilespmem:$0x330] =	vst v33  }
0x70: {  	[tilespmem:$0x340] =	vst v34  }
0x71: {  	[spmem:s14] =	stream.indirect.scatter [tilespmem:s21], [sflag:$0x4], $0x80, s24, s23, $0xb8;
	[tilespmem:$0x1F380] =	vst v63  }
0x72: {  	_ =	swait.ge [sflag:s22], $0x2800  }
0x73: {  	[sflag:s22] =	ssyncset.done $0x0  }
0x74: {  	[sflag:s22] =	ssyncadd.s32 $0xFFFFD800  }
0x75: {  	[tilespmem:$0x300] =	vst v35  }
0x76: {  	[tilespmem:$0x310] =	vst v36  }
0x77: {  	[tilespmem:$0x320] =	vst v37  }
0x78: {  	[tilespmem:$0x330] =	vst v38  }
0x79: {  	[tilespmem:$0x340] =	vst v39  }
0x7a: {  	[spmem:s14] =	stream.indirect.scatter [tilespmem:s21], [sflag:$0x4], $0x80, s24, s23, $0xb8;
	[tilespmem:$0x1F380] =	vst v63  }
0x7b: {  	_ =	swait.ge [sflag:s22], $0x2800  }
0x7c: {  	[sflag:s22] =	ssyncset.done $0x0  }
0x7d: {  	[sflag:s22] =	ssyncadd.s32 $0xFFFFD800  }
0x7e: {  	s8 =	sadd.s32 $0x0, s16;
	[bflag:$0x0] =	sbarrier.arrive $0xFFFF  }
0x7f: {  	[tilespmem:s2], [sflag:$0x3] =	stream.linear.gather [hbm4b:s8+s2], $0x80, $0x38;
	[tilespmem:$0x1F380] =	vst v63  }
0x80: {  	s10 =	sadd.s32 $0x0, s15  }
0x81: {  	[tilespmem:s25], [sflag:$0x3] =	stream.linear.gather [hbm4b:s10+s2], $0x80, $0x38;
	[tilespmem:$0x1F380] =	vst v63  }
0x82: {  	s11 =	sadd.s32 $0x0, s18  }
0x83: {  	[tilespmem:s26], [sflag:$0x3] =	stream.linear.gather [hbm4b:s11+s2], $0x80, $0x38;
	[tilespmem:$0x1F380] =	vst v63  }
0x84: {  	s12 =	sadd.s32 $0x0, s17  }
0x85: {  	[tilespmem:s28], [sflag:$0x3] =	stream.linear.gather [hbm4b:s12+s2], $0x80, $0x38;
	[tilespmem:$0x1F380] =	vst v63  }
0x86: {  	_ =	swait.ge [sflag:s29], $0x80  }
0x87: {  	[sflag:s29] =	ssyncset.done $0x0  }
0x88: {  	[sflag:s29] =	ssyncadd.s32 $0xFFFFFF80  }
0x89: {  	_ =	swait.ge [sflag:s29], $0x80  }
0x8a: {  	[sflag:s29] =	ssyncset.done $0x0  }
0x8b: {  	[sflag:s29] =	ssyncadd.s32 $0xFFFFFF80  }
0x8c: {  	_ =	swait.ge [sflag:s29], $0x80  }
0x8d: {  	[sflag:s29] =	ssyncset.done $0x0  }
0x8e: {  	[sflag:s29] =	ssyncadd.s32 $0xFFFFFF80  }
0x8f: {  	_ =	swait.ge [sflag:s29], $0x80  }
0x90: {  	[sflag:s29] =	ssyncset.done $0x0  }
0x91: {  	[sflag:s29] =	ssyncadd.s32 $0xFFFFFF80  }
0x92: {  	[tilespmem:s30], [sflag:$0x1] =	stream.indirect.gather [hbm4b:s0+s25], $0x80, s2, s25, $0xb8;
	[tilespmem:$0x1F380] =	vst v63  }
0x93: {  	_ = 	snop  }
0x94: {  	[tilespmem:s31], [sflag:$0x2] =	stream.indirect.gather [hbm4b:s0+s25], $0x80, s26, s25, $0xb8;
	[tilespmem:$0x1F380] =	vst v63  }
0x95: {  	_ =	swait.ge [sflag:s13], $0x4000  }
0x96: {  	[sflag:s13] =	ssyncset.done $0x0  }
0x97: {  	[sflag:s13] =	ssyncadd.s32 $0xFFFFC000  }
0x98: {  	[spmem:s14] =	stream.indirect.scatter.add.f32 [tilespmem:s30], [sflag:$0x4], $0x80, s25, s25, $0xb8;
	[tilespmem:$0x1F380] =	vst v63  }
0x99: {  	_ =	swait.ge [sflag:s22], $0x4000  }
0x9a: {  	[sflag:s22] =	ssyncset.done $0x0  }
0x9b: {  	[sflag:s22] =	ssyncadd.s32 $0xFFFFC000  }
0x9c: {  	_ =	swait.ge [sflag:s1], $0x4000  }
0x9d: {  	[sflag:s1] =	ssyncset.done $0x0  }
0x9e: {  	[sflag:s1] =	ssyncadd.s32 $0xFFFFC000  }
0x9f: {  	[spmem:s14] =	stream.indirect.scatter.add.f32 [tilespmem:s31], [sflag:$0x4], $0x80, s28, s25, $0xb8;
	[tilespmem:$0x1F380] =	vst v63  }
0xa0: {  	_ =	swait.ge [sflag:s22], $0x4000  }
0xa1: {  	s9 =	simm.s32 $0x40;
	s8 =	simm.s32 $0x20;
	[sflag:s22] =	ssyncset.done $0x0  }
.LBB2_2:
0xa2: {  	s11 =	sadd.s32 s8, s16  }
0xa3: {  	[sflag:s22] =	ssyncadd.s32 $0xFFFFC000;
	s12 =	smov.u32 s9;
	s10 =	sadd.s32 $0x20, s9  }
0xa4: {  	[tilespmem:s2], [sflag:$0x3] =	stream.linear.gather [hbm4b:s11+s2], $0x80, $0x38;
	[tilespmem:$0x1F380] =	vst v63  }
0xa5: {  	p0 =	sne.s32 s9, $0x4C0;
	s9 =	sadd.s32 s8, s15  }
0xa6: {  	[tilespmem:s25], [sflag:$0x3] =	stream.linear.gather [hbm4b:s9+s2], $0x80, $0x38;
	[tilespmem:$0x1F380] =	vst v63  }
0xa7: {  	s9 =	sadd.s32 s8, s18  }
0xa8: {  	[tilespmem:s26], [sflag:$0x3] =	stream.linear.gather [hbm4b:s9+s2], $0x80, $0x38;
	[tilespmem:$0x1F380] =	vst v63  }
0xa9: {  	s9 =	sadd.s32 s8, s17;
	s8 =	smov.u32 s12  }
0xaa: {  	[tilespmem:s28], [sflag:$0x3] =	stream.linear.gather [hbm4b:s9+s2], $0x80, $0x38;
	[tilespmem:$0x1F380] =	vst v63  }
0xab: {  	_ =	swait.ge [sflag:s29], $0x80  }
0xac: {  	[sflag:s29] =	ssyncset.done $0x0  }
0xad: {  	[sflag:s29] =	ssyncadd.s32 $0xFFFFFF80  }
0xae: {  	_ =	swait.ge [sflag:s29], $0x80  }
0xaf: {  	[sflag:s29] =	ssyncset.done $0x0  }
0xb0: {  	[sflag:s29] =	ssyncadd.s32 $0xFFFFFF80  }
0xb1: {  	_ =	swait.ge [sflag:s29], $0x80  }
0xb2: {  	[sflag:s29] =	ssyncset.done $0x0  }
0xb3: {  	[sflag:s29] =	ssyncadd.s32 $0xFFFFFF80  }
0xb4: {  	_ =	swait.ge [sflag:s29], $0x80  }
0xb5: {  	[sflag:s29] =	ssyncset.done $0x0  }
0xb6: {  	[sflag:s29] =	ssyncadd.s32 $0xFFFFFF80  }
0xb7: {  	[tilespmem:s30], [sflag:$0x1] =	stream.indirect.gather [hbm4b:s0+s25], $0x80, s2, s25, $0xb8;
	[tilespmem:$0x1F380] =	vst v63  }
0xb8: {  	_ = 	snop  }
0xb9: {  	[tilespmem:s31], [sflag:$0x2] =	stream.indirect.gather [hbm4b:s0+s25], $0x80, s26, s25, $0xb8;
	[tilespmem:$0x1F380] =	vst v63  }
0xba: {  	_ =	swait.ge [sflag:s13], $0x4000  }
0xbb: {  	[sflag:s13] =	ssyncset.done $0x0  }
0xbc: {  	[sflag:s13] =	ssyncadd.s32 $0xFFFFC000  }
0xbd: {  	[spmem:s14] =	stream.indirect.scatter.add.f32 [tilespmem:s30], [sflag:$0x4], $0x80, s25, s25, $0xb8;
	[tilespmem:$0x1F380] =	vst v63  }
0xbe: {  	_ =	swait.ge [sflag:s22], $0x4000  }
0xbf: {  	[sflag:s22] =	ssyncset.done $0x0  }
0xc0: {  	[sflag:s22] =	ssyncadd.s32 $0xFFFFC000  }
0xc1: {  	_ =	swait.ge [sflag:s1], $0x4000  }
.Ltmp0:
0xc2: {  	[sflag:s1] =	ssyncset.done $0x0;
	(pc) =	sbr.rel @p0 .LBB2_2-.Ltmp0, $4  }
0xc3: {  	[sflag:s1] =	ssyncadd.s32 $0xFFFFC000  }
0xc4: {  	[spmem:s14] =	stream.indirect.scatter.add.f32 [tilespmem:s31], [sflag:$0x4], $0x80, s28, s25, $0xb8;
	[tilespmem:$0x1F380] =	vst v63  }
0xc5: {  	_ =	swait.ge [sflag:s22], $0x4000  }
0xc6: {  	s9 =	smov.u32 s10;
	[sflag:s22] =	ssyncset.done $0x0  }
0xc7: {  	s9 =	sadd.s32 s8, s16;
	[sflag:s22] =	ssyncadd.s32 $0xFFFFC000  }
0xc8: {  	[tilespmem:s2], [sflag:$0x3] =	stream.linear.gather [hbm4b:s9+s2], $0x80, $0x38;
	[tilespmem:$0x1F380] =	vst v63  }
0xc9: {  	s11 =	sadd.s32 s8, s15  }
0xca: {  	[tilespmem:s25], [sflag:$0x3] =	stream.linear.gather [hbm4b:s11+s2], $0x80, $0x38;
	[tilespmem:$0x1F380] =	vst v63  }
0xcb: {  	s12 =	sadd.s32 s8, s18  }
0xcc: {  	[tilespmem:s26], [sflag:$0x3] =	stream.linear.gather [hbm4b:s12+s2], $0x80, $0x38;
	[tilespmem:$0x1F380] =	vst v63  }
0xcd: {  	s10 =	sadd.s32 s8, s17  }
0xce: {  	[tilespmem:s28], [sflag:$0x3] =	stream.linear.gather [hbm4b:s10+s2], $0x80, $0x38;
	[tilespmem:$0x1F380] =	vst v63  }
0xcf: {  	_ =	swait.ge [sflag:s29], $0x80  }
0xd0: {  	[sflag:s29] =	ssyncset.done $0x0  }
0xd1: {  	[sflag:s29] =	ssyncadd.s32 $0xFFFFFF80  }
0xd2: {  	_ =	swait.ge [sflag:s29], $0x80  }
0xd3: {  	[sflag:s29] =	ssyncset.done $0x0  }
0xd4: {  	[sflag:s29] =	ssyncadd.s32 $0xFFFFFF80  }
0xd5: {  	_ =	swait.ge [sflag:s29], $0x80  }
0xd6: {  	[sflag:s29] =	ssyncset.done $0x0  }
0xd7: {  	[sflag:s29] =	ssyncadd.s32 $0xFFFFFF80  }
0xd8: {  	_ =	swait.ge [sflag:s29], $0x80  }
0xd9: {  	[sflag:s29] =	ssyncset.done $0x0  }
0xda: {  	[sflag:s29] =	ssyncadd.s32 $0xFFFFFF80  }
0xdb: {  	[tilespmem:s30], [sflag:$0x1] =	stream.indirect.gather [hbm4b:s0+s25], $0x80, s2, s25, $0xb8;
	[tilespmem:$0x1F380] =	vst v63  }
0xdc: {  	_ = 	snop  }
0xdd: {  	[tilespmem:s31], [sflag:$0x2] =	stream.indirect.gather [hbm4b:s0+s25], $0x80, s26, s25, $0xb8;
	[tilespmem:$0x1F380] =	vst v63  }
0xde: {  	_ =	swait.ge [sflag:s13], $0x4000  }
0xdf: {  	[sflag:s13] =	ssyncset.done $0x0  }
0xe0: {  	[sflag:s13] =	ssyncadd.s32 $0xFFFFC000  }
0xe1: {  	[spmem:s14] =	stream.indirect.scatter.add.f32 [tilespmem:s30], [sflag:$0x4], $0x80, s25, s25, $0xb8;
	[tilespmem:$0x1F380] =	vst v63  }
0xe2: {  	_ =	swait.ge [sflag:s22], $0x4000  }
0xe3: {  	[sflag:s22] =	ssyncset.done $0x0  }
0xe4: {  	[sflag:s22] =	ssyncadd.s32 $0xFFFFC000  }
0xe5: {  	_ =	swait.ge [sflag:s1], $0x4000  }
0xe6: {  	[sflag:s1] =	ssyncset.done $0x0  }
0xe7: {  	[sflag:s1] =	ssyncadd.s32 $0xFFFFC000  }
0xe8: {  	[spmem:s14] =	stream.indirect.scatter.add.f32 [tilespmem:s31], [sflag:$0x4], $0x80, s28, s25, $0xb8;
	[tilespmem:$0x1F380] =	vst v63  }
0xe9: {  	_ =	swait.ge [sflag:s22], $0x4000  }
0xea: {  	[sflag:s22] =	ssyncset.done $0x0  }
0xeb: {  	s11 =	rddreg [dreg:$0xd];
	[sflag:s22] =	ssyncadd.s32 $0xFFFFC000  }
0xec: {  	[tilespmem:s3], [sflag:$0x4] =	stream.linear.gather [hbm4b:s11+s2], $0x10, $0x38;
	[tilespmem:$0x1F380] =	vst v63  }
0xed: {  	_ =	swait.ge [sflag:s22], $0x10  }
0xee: {  	[sflag:s22] =	ssyncset.done $0x0  }
0xef: {  	s12 =	rddreg [dreg:$0xe];
	[sflag:s22] =	ssyncadd.s32 $0xFFFFFFF0  }
0xf0: {  	[tilespmem:s4], [sflag:$0x4] =	stream.linear.gather [hbm4b:s12+s2], $0x10, $0x38;
	[tilespmem:$0x1F380] =	vst v63  }
0xf1: {  	_ =	swait.ge [sflag:s22], $0x10  }
0xf2: {  	[sflag:s22] =	ssyncset.done $0x0  }
0xf3: {  	[sflag:s22] =	ssyncadd.s32 $0xFFFFFFF0  }
0xf4: {  	[tilespmem:s6], [sflag:$0x1] =	stream.indirect.gather [hbm4b:s0+s5], $0x80, s3, s5, $0xb8;
	[tilespmem:$0x1F380] =	vst v63  }
0xf5: {  	_ =	swait.ge [sflag:s13], $0x800  }
0xf6: {  	[sflag:s13] =	ssyncset.done $0x0  }
0xf7: {  	[sflag:s13] =	ssyncadd.s32 $0xFFFFF800  }
0xf8: {  	[spmem:s14] =	stream.indirect.scatter.add.f32 [tilespmem:s6], [sflag:$0x4], $0x80, s4, s5, $0xb8;
	[tilespmem:$0x1F380] =	vst v63  }
0xf9: {  	_ =	swait.ge [sflag:s22], $0x800  }
0xfa: {  	[sflag:s22] =	ssyncset.done $0x0  }
0xfb: {  	[sflag:s22] =	ssyncadd.s32 $0xFFFFF800  }
0xfc: {  	[bflag:$0x0] =	sbarrier.arrive $0xFFFF  }
0xfd: {  	[tilespmem:$0x300] =	vst v21  }
0xfe: {  	[tilespmem:$0x310] =	vst v0  }
0xff: {  	[tilespmem:$0x320] =	vst v1  }
0x100: {  	[tilespmem:$0x330] =	vst v2  }
0x101: {  	[tilespmem:$0x340] =	vst v3  }
0x102: {  	[tilespmem:s21], [sflag:$0x1] =	stream.indirect.gather [spmem:s14], $0x80, s24, s23, $0xb8;
	[tilespmem:$0x1F380] =	vst v63  }
0x103: {  	_ =	swait.ge [sflag:s13], $0x2800  }
0x104: {  	[sflag:s13] =	ssyncset.done $0x0  }
0x105: {  	s9 =	rddreg [dreg:$0x5];
	[sflag:s13] =	ssyncadd.s32 $0xFFFFD800  }
0x106: {  	[hbm4b:s9+s2] =	stream.linear.scatter [tilespmem:s21], [sflag:$0x4], $0x2800, $0x38;
	[tilespmem:$0x1F380] =	vst v63  }
0x107: {  	_ =	swait.ge [sflag:s22], $0x2800  }
0x108: {  	[sflag:s22] =	ssyncset.done $0x0  }
0x109: {  	[sflag:s22] =	ssyncadd.s32 $0xFFFFD800  }
0x10a: {  	[tilespmem:$0x300] =	vst v4  }
0x10b: {  	[tilespmem:$0x310] =	vst v5  }
0x10c: {  	[tilespmem:$0x320] =	vst v6  }
0x10d: {  	[tilespmem:$0x330] =	vst v7  }
0x10e: {  	[tilespmem:$0x340] =	vst v8  }
0x10f: {  	[tilespmem:s21], [sflag:$0x1] =	stream.indirect.gather [spmem:s14], $0x80, s24, s23, $0xb8;
	[tilespmem:$0x1F380] =	vst v63  }
0x110: {  	_ =	swait.ge [sflag:s13], $0x2800  }
0x111: {  	[sflag:s13] =	ssyncset.done $0x0  }
0x112: {  	s10 =	rddreg [dreg:$0x6];
	[sflag:s13] =	ssyncadd.s32 $0xFFFFD800  }
0x113: {  	[hbm4b:s10+s2] =	stream.linear.scatter [tilespmem:s21], [sflag:$0x4], $0x2800, $0x38;
	[tilespmem:$0x1F380] =	vst v63  }
0x114: {  	_ =	swait.ge [sflag:s22], $0x2800  }
0x115: {  	[sflag:s22] =	ssyncset.done $0x0  }
0x116: {  	[sflag:s22] =	ssyncadd.s32 $0xFFFFD800  }
0x117: {  	[tilespmem:$0x300] =	vst v9  }
0x118: {  	[tilespmem:$0x310] =	vst v10  }
0x119: {  	[tilespmem:$0x320] =	vst v11  }
0x11a: {  	[tilespmem:$0x330] =	vst v12  }
0x11b: {  	[tilespmem:$0x340] =	vst v13  }
0x11c: {  	[tilespmem:s21], [sflag:$0x1] =	stream.indirect.gather [spmem:s14], $0x80, s24, s23, $0xb8;
	[tilespmem:$0x1F380] =	vst v63  }
0x11d: {  	_ =	swait.ge [sflag:s13], $0x2800  }
0x11e: {  	[sflag:s13] =	ssyncset.done $0x0  }
0x11f: {  	s11 =	rddreg [dreg:$0x7];
	[sflag:s13] =	ssyncadd.s32 $0xFFFFD800  }
0x120: {  	[hbm4b:s11+s2] =	stream.linear.scatter [tilespmem:s21], [sflag:$0x4], $0x2800, $0x38;
	[tilespmem:$0x1F380] =	vst v63  }
0x121: {  	_ =	swait.ge [sflag:s22], $0x2800  }
0x122: {  	[sflag:s22] =	ssyncset.done $0x0  }
0x123: {  	[sflag:s22] =	ssyncadd.s32 $0xFFFFD800  }
0x124: {  	[tilespmem:$0x300] =	vst v14  }
0x125: {  	[tilespmem:$0x310] =	vst v15  }
0x126: {  	[tilespmem:$0x320] =	vst v16  }
0x127: {  	[tilespmem:$0x330] =	vst v17  }
0x128: {  	[tilespmem:$0x340] =	vst v18  }
0x129: {  	[tilespmem:s21], [sflag:$0x1] =	stream.indirect.gather [spmem:s14], $0x80, s24, s23, $0xb8;
	[tilespmem:$0x1F380] =	vst v63  }
0x12a: {  	_ =	swait.ge [sflag:s13], $0x2800  }
0x12b: {  	[sflag:s13] =	ssyncset.done $0x0  }
0x12c: {  	s12 =	rddreg [dreg:$0x8];
	[sflag:s13] =	ssyncadd.s32 $0xFFFFD800  }
0x12d: {  	[hbm4b:s12+s2] =	stream.linear.scatter [tilespmem:s21], [sflag:$0x4], $0x2800, $0x38;
	[tilespmem:$0x1F380] =	vst v63  }
0x12e: {  	_ =	swait.ge [sflag:s22], $0x2800  }
0x12f: {  	[sflag:s22] =	ssyncset.done $0x0  }
0x130: {  	[sflag:s22] =	ssyncadd.s32 $0xFFFFD800  }
0x131: {  	[tilespmem:$0x300] =	vst v19  }
0x132: {  	[tilespmem:$0x310] =	vst v20  }
0x133: {  	[tilespmem:$0x320] =	vst v22  }
0x134: {  	[tilespmem:$0x330] =	vst v23  }
0x135: {  	[tilespmem:$0x340] =	vst v24  }
0x136: {  	[tilespmem:s21], [sflag:$0x1] =	stream.indirect.gather [spmem:s14], $0x80, s24, s23, $0xb8;
	[tilespmem:$0x1F380] =	vst v63  }
0x137: {  	_ =	swait.ge [sflag:s13], $0x2800  }
0x138: {  	[sflag:s13] =	ssyncset.done $0x0  }
0x139: {  	s9 =	rddreg [dreg:$0x9];
	[sflag:s13] =	ssyncadd.s32 $0xFFFFD800  }
0x13a: {  	[hbm4b:s9+s2] =	stream.linear.scatter [tilespmem:s21], [sflag:$0x4], $0x2800, $0x38;
	[tilespmem:$0x1F380] =	vst v63  }
0x13b: {  	_ =	swait.ge [sflag:s22], $0x2800  }
0x13c: {  	[sflag:s22] =	ssyncset.done $0x0  }
0x13d: {  	[sflag:s22] =	ssyncadd.s32 $0xFFFFD800  }
0x13e: {  	[tilespmem:$0x300] =	vst v25  }
0x13f: {  	[tilespmem:$0x310] =	vst v26  }
0x140: {  	[tilespmem:$0x320] =	vst v27  }
0x141: {  	[tilespmem:$0x330] =	vst v28  }
0x142: {  	[tilespmem:$0x340] =	vst v29  }
0x143: {  	[tilespmem:s21], [sflag:$0x1] =	stream.indirect.gather [spmem:s14], $0x80, s24, s23, $0xb8;
	[tilespmem:$0x1F380] =	vst v63  }
0x144: {  	_ =	swait.ge [sflag:s13], $0x2800  }
0x145: {  	[sflag:s13] =	ssyncset.done $0x0  }
0x146: {  	s10 =	rddreg [dreg:$0xa];
	[sflag:s13] =	ssyncadd.s32 $0xFFFFD800  }
0x147: {  	[hbm4b:s10+s2] =	stream.linear.scatter [tilespmem:s21], [sflag:$0x4], $0x2800, $0x38;
	[tilespmem:$0x1F380] =	vst v63  }
0x148: {  	_ =	swait.ge [sflag:s22], $0x2800  }
0x149: {  	[sflag:s22] =	ssyncset.done $0x0  }
0x14a: {  	[sflag:s22] =	ssyncadd.s32 $0xFFFFD800  }
0x14b: {  	[tilespmem:$0x300] =	vst v30  }
0x14c: {  	[tilespmem:$0x310] =	vst v31  }
0x14d: {  	[tilespmem:$0x320] =	vst v32  }
0x14e: {  	[tilespmem:$0x330] =	vst v33  }
0x14f: {  	[tilespmem:$0x340] =	vst v34  }
0x150: {  	[tilespmem:s21], [sflag:$0x1] =	stream.indirect.gather [spmem:s14], $0x80, s24, s23, $0xb8;
	[tilespmem:$0x1F380] =	vst v63  }
0x151: {  	_ =	swait.ge [sflag:s13], $0x2800  }
0x152: {  	[sflag:s13] =	ssyncset.done $0x0  }
0x153: {  	s11 =	rddreg [dreg:$0xb];
	[sflag:s13] =	ssyncadd.s32 $0xFFFFD800  }
0x154: {  	[hbm4b:s11+s2] =	stream.linear.scatter [tilespmem:s21], [sflag:$0x4], $0x2800, $0x38;
	[tilespmem:$0x1F380] =	vst v63  }
0x155: {  	_ =	swait.ge [sflag:s22], $0x2800  }
0x156: {  	[sflag:s22] =	ssyncset.done $0x0  }
0x157: {  	[sflag:s22] =	ssyncadd.s32 $0xFFFFD800  }
0x158: {  	[tilespmem:$0x300] =	vst v35  }
0x159: {  	[tilespmem:$0x310] =	vst v36  }
0x15a: {  	[tilespmem:$0x320] =	vst v37  }
0x15b: {  	[tilespmem:$0x330] =	vst v38  }
0x15c: {  	[tilespmem:$0x340] =	vst v39  }
0x15d: {  	[tilespmem:s21], [sflag:$0x1] =	stream.indirect.gather [spmem:s14], $0x80, s24, s23, $0xb8;
	[tilespmem:$0x1F380] =	vst v63  }
0x15e: {  	s7 =	sadd.s32 $0x1, s7;
	_ =	swait.ge [sflag:s13], $0x2800  }
0x15f: {  	p0 =	sne.s32 s7, s20;
	[sflag:s13] =	ssyncset.done $0x0  }
.Ltmp1:
0x160: {  	s12 =	rddreg [dreg:$0xc];
	[sflag:s13] =	ssyncadd.s32 $0xFFFFD800;
	(pc) =	sbr.rel @p0 .LBB2_1-.Ltmp1, $4  }
0x161: {  	[hbm4b:s12+s2] =	stream.linear.scatter [tilespmem:s21], [sflag:$0x4], $0x2800, $0x38;
	[tilespmem:$0x1F380] =	vst v63  }
0x162: {  	_ =	swait.ge [sflag:s22], $0x2800  }
0x163: {  	[sflag:s22] =	ssyncset.done $0x0  }
0x164: {  	[sflag:s22] =	ssyncadd.s32 $0xFFFFD800  }
0x165: {  	_ =	sfence.sel $0x180000  }
0x166: {  	[bflag:$0x0] =	sbarrier.arrive $0xFFFF  }
0x167: {  	_ =	strace $0x9000004D  }
0x168: {  	s0 =	stileid.u32;
	[bflag:$0x2] =	sbarrier.arrive $0xFFFF  }
0x169: {  	p0 =	sne.s32 s0, $0x0;
	s0 =	rddreg [dreg:$0x4]  }
0x16a: {  	s0 =	sadd.s32 @!p0 $0x100000, s0  }
0x16b: {  	[sflag:s0] =	ssyncadd.tile.s32 @!p0 $0x1;
	_ =	shalt  }
.Lfunc_end2:
_tile_overlayer_lowered:
.L_overlay_start_2:
0x16c: {  	(tag) =	ssettag $0x2  }
0x16d: {  	s0 =	rddreg [dreg:$0x0];
	s2 =	stileid.u32  }
0x16e: {  	s1 =	rddreg [dreg:$0x1];
	p0 =	sne.s32 s2, $0x0  }
0x16f: {  	s3 =	rddreg [dreg:$0x2];
	[bflag:$0x3] =	sbarrier.arrive $0xFFFF;
	s2 =	simm.s32 @!p0 $0x1C04  }
0x170: {  	[timem:s3], [sflag:s2] =	dma.local @!p0 [hbm:s0], s1  }
0x171: {  	s0 =	simm.s32 @!p0 $0x4  }
0x172: {  	_ =	swait.ge @!p0 [sflag:s0], s1  }
0x173: {  	s1 =	ssub.s32 @!p0 $0x0, s1;
	[sflag:s0] =	ssyncset.done @!p0 $0x0  }
0x174: {  	[sflag:s0] =	ssyncadd.s32 @!p0 s1  }
0x175: {  	[bflag:$0x3] =	sbarrier.arrive $0xFFFF  }
0x176: {  	_ =	shalt  }

// kernel: kernel.7.cloned.1.call-start
scs
__scs_entry_jumppad:
0x0: {  	(pc) =	sbr.rel $0x88, $3  }
0x1: {  	(tag) =	ssettag $0x0;
	lr =	simm.s32 $0x1  }
0x2: {  	[smem:$0x3F99] =	sst lr;
	_ =	strace $0xD0000000  }
0x3: {  	_ = 	snop  }
0x4: {  	_ = 	snop  }
0x5: {  	_ = 	snop  }
0x6: {  	_ = 	snop  }
0x7: {  	_ = 	snop  }
__scs_overlays_trampoline_lowered:
0x8: {  	[smem:$0x3FA8] =	sst s0  }
0x9: {  	[smem:$0x3FA9] =	sst s1  }
0xa: {  	[smem:$0x3FAA] =	sst s2  }
0xb: {  	[smem:$0x3FAB] =	sst s3  }
0xc: {  	[smem:$0x3FAC] =	sst s4  }
0xd: {  	[smem:$0x3FAD] =	sst s5  }
0xe: {  	[smem:$0x3FAE] =	sst s6  }
0xf: {  	[smem:$0x3FAF] =	sst s7  }
0x10: {  	[smem:$0x3FB0] =	sst s8  }
0x11: {  	[smem:$0x3FB1] =	sst s9;
	s0 =	simm.s32 @!p0 $0x0  }
0x12: {  	s1 =	sld [smem:$0x3F97];
	s0 =	simm.s32 @p0 $0x1  }
0x13: {  	[smem:$0x3FB2] =	sst s0;
	s0 =	simm.s32 @!p1 $0x0  }
0x14: {  	s2 =	sld [smem:$0x3F96];
	s0 =	simm.s32 @p1 $0x1  }
0x15: {  	[smem:$0x3FB3] =	sst s0;
	s0 =	simm.s32 @!p2 $0x0  }
0x16: {  	s3 =	sld [smem:$0x3FDB];
	s0 =	simm.s32 @p2 $0x1  }
0x17: {  	s4 =	simm.s32 $0x1BF5;
	[smem:$0x3FB5] =	sst s0  }
0x18: {  	s0 =	sld [smem:$0x3F98];
	_ =	swait.ge [sflag:s4], $0x0  }
0x19: {  	s7 =	sld [smem:$0x3F99]  }
0x1a: {  	s8 =	sadd.s32 $0xFFFFE003, lr  }
0x1b: {  	s9 =	sadd.s32 $0xFFFFFEF7, lr;
	s5 =	simm.s32 $0xFFFFFFFF;
	p2 =	slt.u32 s8, $0xFFFFF086  }
0x1c: {  	p1 =	slt.u32 s9, $0xF7A;
	s5 =	simm.s32 @!p2 $0x0  }
0x1d: {  	s5 =	simm.s32 @p1 $0x1;
	p0 =	seq.s32 s7, s2  }
0x1e: {  	s7 =	smul.u32 @!p0 $0xF7A, s2;
	p2 =	seq.s32 @!p0 s5, $0x0  }
0x1f: {  	s9 =	smul.u32 $0xF7A, s1;
	s8 =	simm.s32 @!p0 $0x1BF5;
	p2 =	por !p2, p0  }
0x20: {  	[sflag:s8] =	ssyncset.s32 @!p0 $0xFFFFF086;
	s6 =	sadd.s32 @!p0 s3, s7;
	s7 =	simm.s32 @!p0 $0x108  }
0x21: {  	s3 =	sadd.s32 s3, s9;
	s6 =	sadd.s32 @!p0 $0x88, s6;
	s7 =	simm.s32 @p2 $0x1082  }
0x22: {  	[simem:s7], [sflag:s8] =	dma.local @!p0 [hbm:s6], $0xF7A  }
0x23: {  	s9 =	sor.u32 $0xD0000000, s2;
	s6 =	simm.s32 $0x108;
	_ =	swait.ge @!p0 [sflag:s8], $0x0  }
0x24: {  	s3 =	sadd.s32 $0x88, s3;
	s6 =	simm.s32 @!p1 $0x1082;
	[sflag:s4] =	ssyncset.s32 $0xFFFFF086  }
0x25: {  	[simem:s6], [sflag:s4] =	dma.local [hbm:s3], $0xF7A  }
0x26: {  	[smem:$0x3F99] =	sst s1;
	(tag) =	ssettag s2;
	_ =	strace s9  }
0x27: {  	s1 =	sld [smem:$0x3FA9]  }
0x28: {  	s2 =	sld [smem:$0x3FAA]  }
0x29: {  	s4 =	sld [smem:$0x3FAC]  }
0x2a: {  	p0 =	seq.s32 s5, $0x0;
	s5 =	sld [smem:$0x3FAD]  }
0x2b: {  	s6 =	sld [smem:$0x3FAE]  }
0x2c: {  	s7 =	sld [smem:$0x3FAF]  }
0x2d: {  	s3 =	simm.s32 $0x108;
	s8 =	sld [smem:$0x3FB0]  }
0x2e: {  	s3 =	simm.s32 @!p0 $0x1082;
	s9 =	sld [smem:$0x3FB1]  }
0x2f: {  	lr =	sadd.s32 s0, s3;
	s0 =	sld [smem:$0x3FA8]  }
0x30: {  	s3 =	sld [smem:$0x3FAB]  }
0x31: {  	[smem:$0x3FB4] =	sst s10  }
0x32: {  	s10 =	sld [smem:$0x3FB2];
	_ =	sdelay $0x3  }
0x33: {  	p0 =	seq.s32 s10, $0x1;
	s10 =	sld [smem:$0x3FB4];
	_ =	sdelay $0x3  }
0x34: {  	[smem:$0x3FB4] =	sst s10  }
0x35: {  	s10 =	sld [smem:$0x3FB3];
	_ =	sdelay $0x3  }
0x36: {  	p1 =	seq.s32 s10, $0x1;
	s10 =	sld [smem:$0x3FB4];
	_ =	sdelay $0x3  }
0x37: {  	[smem:$0x3FB4] =	sst s10  }
0x38: {  	s10 =	sld [smem:$0x3FB5]  }
0x39: {  	_ = 	snop;
	(pc) =	sbr.ind lr, $3  }
0x3a: {  	_ = 	snop  }
0x3b: {  	_ = 	snop  }
0x3c: {  	p2 =	seq.s32 s10, $0x1;
	s10 =	sld [smem:$0x3FB4]  }
0x3d: {  	_ =	shalt  }
0x3e: {  	_ =	shalt  }
0x3f: {  	_ =	shalt  }
0x40: {  	_ =	shalt  }
0x41: {  	_ =	shalt  }
0x42: {  	_ =	shalt  }
0x43: {  	_ =	shalt  }
0x44: {  	_ =	shalt  }
0x45: {  	_ =	shalt  }
0x46: {  	_ =	shalt  }
0x47: {  	_ =	shalt  }
0x48: {  	_ =	shalt  }
0x49: {  	_ =	shalt  }
0x4a: {  	_ =	shalt  }
0x4b: {  	_ =	shalt  }
0x4c: {  	_ =	shalt  }
0x4d: {  	_ =	shalt  }
0x4e: {  	_ =	shalt  }
0x4f: {  	_ =	shalt  }
0x50: {  	_ =	shalt  }
0x51: {  	_ =	shalt  }
0x52: {  	_ =	shalt  }
0x53: {  	_ =	shalt  }
0x54: {  	_ =	shalt  }
0x55: {  	_ =	shalt  }
0x56: {  	_ =	shalt  }
0x57: {  	_ =	shalt  }
0x58: {  	_ =	shalt  }
0x59: {  	_ =	shalt  }
0x5a: {  	_ =	shalt  }
0x5b: {  	_ =	shalt  }
0x5c: {  	_ =	shalt  }
0x5d: {  	_ =	shalt  }
0x5e: {  	_ =	shalt  }
0x5f: {  	_ =	shalt  }
0x60: {  	_ =	shalt  }
0x61: {  	_ =	shalt  }
0x62: {  	_ =	shalt  }
0x63: {  	_ =	shalt  }
0x64: {  	_ =	shalt  }
0x65: {  	_ =	shalt  }
0x66: {  	_ =	shalt  }
0x67: {  	_ =	shalt  }
0x68: {  	_ =	shalt  }
0x69: {  	_ =	shalt  }
0x6a: {  	_ =	shalt  }
0x6b: {  	_ =	shalt  }
0x6c: {  	_ =	shalt  }
0x6d: {  	_ =	shalt  }
0x6e: {  	_ =	shalt  }
0x6f: {  	_ =	shalt  }
0x70: {  	_ =	shalt  }
0x71: {  	_ =	shalt  }
0x72: {  	_ =	shalt  }
0x73: {  	_ =	shalt  }
0x74: {  	_ =	shalt  }
0x75: {  	_ =	shalt  }
0x76: {  	_ =	shalt  }
0x77: {  	_ =	shalt  }
0x78: {  	_ =	shalt  }
0x79: {  	_ =	shalt  }
0x7a: {  	_ =	shalt  }
0x7b: {  	_ =	shalt  }
0x7c: {  	_ =	shalt  }
0x7d: {  	_ =	shalt  }
0x7e: {  	_ =	shalt  }
0x7f: {  	_ =	shalt  }
0x80: {  	_ =	shalt  }
0x81: {  	_ =	shalt  }
0x82: {  	_ =	shalt  }
0x83: {  	_ =	shalt  }
0x84: {  	_ =	shalt  }
0x85: {  	_ =	shalt  }
0x86: {  	_ =	shalt  }
0x87: {  	_ =	shalt  }
.Lfunc_end0:
.L_simem_size_0:
called_computation_lowered:
.L_overlay_start_0:
0x88: {  	s2 =	sld [smem:$0x3FD9]  }
0x89: {  	s3 =	sld [smem:$0x3FFE];
	_ =	sdelay $0x1  }
0x8a: {  	s1 =	srdreg.scid  }
0x8b: {  	s0 =	sand.u32 $0x1, s1  }
0x8c: {  	s14 =	sshll.u32 s0, $0xA;
	s2 =	sadd.s32 s3, s2  }
0x8d: {  	s2 =	sadd.s32 s2, s14  }
0x8e: {  	[smem:$0x3FC0] =	sst s2  }
0x8f: {  	_ = 	snop  }
0x90: {  	s2 =	sld [smem:$0x3FD0];
	_ =	sdelay $0x2  }
0x91: {  	s4 =	simm.s32 $0xB;
	s5 =	simm.s32 $0x10;
	s15 =	sld [smem:$0x3FC9]  }
0x92: {  	[smem:s5], [sflag:s4] =	dma.local [hbm:s2], $0x1  }
0x93: {  	_ =	swait.eq [sflag:s4], $0x1  }
0x94: {  	[sflag:s4] =	ssyncset.done $0x0  }
0x95: {  	[sflag:s4] =	ssyncadd.s32 $0xFFFFFFFF  }
0x96: {  	s16 =	sld [smem:$0x11];
	(tm) =	ssettm $0x1  }
0x97: {  	s17 =	sld [smem:$0x3FFB];
	_ =	sdelay $0x3  }
0x98: {  	_ =	strace s17  }
0x99: {  	s4 =	sld [smem:$0x3FFC];
	_ =	sdelay $0x3  }
0x9a: {  	_ =	strace s4  }
0x9b: {  	s4 =	sld [smem:$0x3FFD];
	_ =	sdelay $0x3  }
0x9c: {  	_ =	strace s4  }
0x9d: {  	_ =	strace $0x8FFFFFFF  }
0x9e: {  	s18 =	sld [smem:$0x3FDB];
	_ =	sdelay $0x1  }
0x9f: {  	s19 =	simm.s32 $_scs_section_size  }
0xa0: {  	s6 =	simm.s32 $_size__tile_overlayer_lowered;
	s7 =	simm.s32 $_tile_overlayer_lowered  }
0xa1: {  	s22 =	simm.s32 $0x1BFF;
	s21 =	sshll.u32 s7, $0x1;
	s4 =	sadd.s32 s19, s18  }
0xa2: {  	s8 =	simm.s32 $0x0;
	s20 =	sshll.u32 s6, $0x1;
	s6 =	sadd.s32 s21, s4  }
0xa3: {  	[timem:s8], [sflag:s22] =	dma.local [hbm:s6], s20  }
0xa4: {  	_ =	swait.ge [sflag:s22], s20  }
0xa5: {  	s5 =	ssub.s32 $0x0, s20;
	[sflag:s22] =	ssyncset.done $0x0  }
0xa6: {  	[sflag:s22] =	ssyncadd.s32 s5;
	_ =	sdelay $0x1  }
0xa7: {  	s23 =	simm.s32 $0x1B8B  }
0xa8: {  	_ =	swait.ge [sflag:s23], $0x1  }
0xa9: {  	[sflag:s23] =	ssyncset.done $0x0  }
0xaa: {  	s25 =	simm.s32 $0x1B8E;
	s24 =	sld [smem:$0x3FFE];
	[sflag:s23] =	ssyncadd.s32 $0xFFFFFFFF  }
0xab: {  	s26 =	simm.s32 $execute0_lowered;
	[smem:$0x3FD2] =	sst s25  }
0xac: {  	s6 =	sshll.u32 s26, $0x1;
	_ =	strace $0x80000046;
	[dreg:$0x1] =	wrdreg $0xFFFFFFFF  }
0xad: {  	s28 =	simm.s32 $_size_execute0_lowered;
	s4 =	sadd.s32 s4, s6;
	[dreg:$0x0] =	wrdreg $0x0  }
0xae: {  	s6 =	sshll.u32 s28, $0x1;
	[dreg:$0x2] =	wrdreg s4  }
0xaf: {  	[dreg:$0x3] =	wrdreg s6  }
0xb0: {  	[dreg:$0x4] =	wrdreg $0xC0  }
0xb1: {  	_ =	task [dreg:s8], $0x5FFFF  }
0xb2: {  	[dreg:$0x1] =	wrdreg $0xFFFFFFFF  }
0xb3: {  	[dreg:$0x0] =	wrdreg $0x60  }
0xb4: {  	[dreg:$0x2] =	wrdreg s15  }
0xb5: {  	[dreg:$0x3] =	wrdreg s24  }
0xb6: {  	[dreg:$0x4] =	wrdreg s16  }
0xb7: {  	[dreg:$0x5] =	wrdreg $0xB3800  }
0xb8: {  	[dreg:$0x6] =	wrdreg $0x9  }
0xb9: {  	_ =	task.clear_ibuf [dreg:s8], $0x7FFFF;
	_ =	strace $0x90000046  }
0xba: {  	s29 =	simm.s32 $0x9;
	_ =	strace $0x80000048  }
0xbb: {  	_ =	swait.ge [sflag:s29], $0x1  }
0xbc: {  	[sflag:s29] =	ssyncadd.s32 $0xFFFFFFFF  }
0xbd: {  	_ =	strace $0x90000048  }
0xbe: {  	_ =	sfence  }
0xbf: {  	s30 =	sld [smem:$0x0];
	_ =	sdelay $0x2  }
0xc0: {  	s31 =	sshll.u32 s1, $0xD;
	s1 =	sshrl.u32 s1, $0x2  }
0xc1: {  	s3 =	sand.u32 $0x4000, s31;
	s1 =	sadd.s32 s1, s30  }
0xc2: {  	s0 =	sor.u32 s3, s0;
	s1 =	sshll.u32 s1, $0x11  }
0xc3: {  	s0 =	sor.u32 s1, s0  }
0xc4: {  	s0 =	sadd.s32 $0x8F2B, s0  }
0xc5: {  	[sflag:s0] =	ssyncadd.remote.s32 $0x1  }
0xc6: {  	_ =	sfence.sel $0xFFFF  }
0xc7: {  	[dreg:$0x0] =	wrdreg $0xFFFFFFFF;
	(pc) =	sbr.abs _section_cstart, $3  }
0xc8: {  	[dreg:$0x1] =	wrdreg $0xFFFFFFFF  }
0xc9: {  	_ =	task.clear_ibuf [dreg:s8], $0x2FFFF;
	_ =	strace $0x9FFFFFFF  }
0xca: {  	(tm) =	ssettm $0x7FFFFFFF  }
0xcb: {  	_ =	shalt  }
tec
execute0_lowered:
.L_overlay_start_1:
0x0: {  	(tag) =	ssettag $0x1  }
0x1: {  	s0 =	rddreg [dreg:$0x0]  }
0x2: {  	s19 =	rddreg [dreg:$0x1]  }
0x3: {  	s9 =	rddreg [dreg:$0x2]  }
0x4: {  	s2 =	simm.s32 $0x0;
	s1 =	srdreg.scid;
	s6 =	stileid.u32  }
0x5: {  	[smem:$0x7FF] =	sst s2;
	s5 =	smul.u32 $0x280, s6  }
0x6: {  	s10 =	sand.u32 $0x1, s1;
	s3 =	sshll.u32 s6, $0x1;
	s15 =	smul.u32 $0x14000, s6  }
0x7: {  	s11 =	sadd.s32 $0xC600, s19;
	s1 =	ssub.s32 $0x2, s10;
	s14 =	smul.u32 $0x140000, s10  }
0x8: {  	s3 =	sor.u32 s10, s3;
	s10 =	smul.u32 $0x2710, s10;
	s4 =	sshrl.u32 s1, $0x1  }
0x9: {  	s12 =	smul.u32 $0x2710, s3;
	s20 =	sor.u32 $0x50, s5;
	s8 =	sadd.s32 $0xA0, s5  }
0xa: {  	s13 =	sadd.s32 $0xF0, s5;
	s7 =	sadd.s32 $0x140, s5;
	s18 =	sadd.s32 $0x1E0, s5  }
0xb: {  	s3 =	sadd.s32 $0x230, s5;
	s28 =	sadd.s32 $0xC0, s5;
	s29 =	sadd.s32 $0xD0, s5  }
0xc: {  	s30 =	sadd.s32 $0x200, s5;
	s31 =	sadd.s32 $0x210, s5;
	[dreg:$0x11] =	wrdreg s18  }
0xd: {  	s1 =	ssub.s32 s1, s4;
	s4 =	sadd.s32 $0x190, s5;
	[dreg:$0x10] =	wrdreg s3  }
0xe: {  	s16 =	sshll.u32 s20, $0x7;
	s15 =	sadd.s32 s15, s14;
	s17 =	sshll.u32 s8, $0x7  }
0xf: {  	v39 =	vlaneseq.u32;
	s25 =	sshll.u32 s13, $0x7;
	s26 =	sshll.u32 s7, $0x7;
	s3 =	sshll.u32 s3, $0x7  }
0x10: {  	v9 =	vor.u32 s8, v39;
	s8 =	sadd.s32 $0x160, s5;
	v11 =	vor.u32 s28, v39;
	v12 =	vor.u32 s29, v39;
	s28 =	sadd.s32 $0x1B0, s5;
	s29 =	sadd.s32 $0x1C0, s5  }
0x11: {  	v14 =	vor.u32 s13, v39;
	s13 =	sadd.s32 $0x1D0, s5;
	v19 =	vor.u32 s7, v39;
	s7 =	sadd.s32 $0x250, s5;
	v32 =	vor.u32 s30, v39;
	s30 =	simm.s32 $0x380  }
0x12: {  	v33 =	vor.u32 s31, v39;
	s31 =	simm.s32 $0x4380;
	[dreg:$0xf] =	wrdreg s1;
	s12 =	sshrl.u32 s12, $0x3  }
0x13: {  	s16 =	sadd.s32 s14, s16;
	s15 =	sshrl.u32 s15, $0x3;
	s24 =	sadd.s32 s14, s17  }
0x14: {  	s21 =	sadd.s32 s14, s25;
	s1 =	sshll.u32 s18, $0x7;
	s18 =	smul.u32 $0x4E20, s6  }
0x15: {  	s6 =	sor.u32 $0x20, s5;
	v27 =	vor.u32 s28, v39;
	v28 =	vor.u32 s29, v39;
	s28 =	simm.s32 $0x180;
	s29 =	simm.s32 $0x3  }
0x16: {  	v29 =	vor.u32 s13, v39;
	s13 =	simm.s32 $0x1;
	v37 =	vor.u32 s7, v39;
	s7 =	simm.s32 $0x0;
	s16 =	sshrl.u32 s16, $0x3  }
0x17: {  	s22 =	sadd.s32 s11, s15;
	s15 =	sshrl.u32 s24, $0x3;
	s12 =	sadd.s32 $0x4E0, s12  }
0x18: {  	v1 =	vor.u32 s6, v39;
	s6 =	sadd.s32 $0x150, s5;
	[dreg:$0x5] =	wrdreg s22;
	s23 =	sadd.s32 s11, s16  }
0x19: {  	s15 =	sadd.s32 s11, s15;
	s22 =	sadd.s32 s14, s26;
	[dreg:$0x6] =	wrdreg s23  }
0x1a: {  	s10 =	sadd.s32 s10, s18;
	v20 =	vor.u32 s6, v39;
	s6 =	sadd.s32 $0x260, s5;
	[dreg:$0x7] =	wrdreg s15  }
0x1b: {  	s15 =	sshrl.u32 s21, $0x3;
	s16 =	sshrl.u32 s22, $0x3;
	s23 =	sshll.u32 s4, $0x7  }
0x1c: {  	v25 =	vor.u32 s4, v39;
	s4 =	simm.s32 $0x280;
	v38 =	vor.u32 s6, v39;
	s6 =	simm.s32 $0x8380;
	s24 =	sadd.s32 s11, s15  }
0x1d: {  	s25 =	sadd.s32 s11, s16;
	s26 =	sadd.s32 s14, s23;
	s16 =	sadd.s32 s14, s1  }
0x1e: {  	s14 =	sadd.s32 s14, s3;
	s1 =	sshrl.u32 s10, $0x3;
	[dreg:$0x8] =	wrdreg s24  }
0x1f: {  	s10 =	sadd.s32 $0x80, s10;
	s3 =	sor.u32 $0x10, s5;
	[dreg:$0x9] =	wrdreg s25  }
0x20: {  	s15 =	sshrl.u32 s26, $0x3;
	s16 =	sshrl.u32 s16, $0x3;
	s14 =	sshrl.u32 s14, $0x3  }
0x21: {  	s24 =	sadd.s32 $0x2200, s19;
	s26 =	sadd.s32 s9, s12;
	s10 =	sshrl.u32 s10, $0x3  }
0x22: {  	s19 =	sadd.s32 $0xC000, s19;
	v0 =	vor.u32 s3, v39;
	s3 =	sadd.s32 $0x130, s5;
	s21 =	sadd.s32 s11, s15  }
0x23: {  	s22 =	sadd.s32 s11, s16;
	s23 =	sadd.s32 s11, s14;
	[dreg:$0xe] =	wrdreg s26  }
0x24: {  	s25 =	sadd.s32 s24, s12;
	s14 =	rddreg [dreg:$0x3];
	s15 =	sadd.s32 s1, s9  }
0x25: {  	s16 =	sadd.s32 s1, s24;
	s17 =	sadd.s32 s10, s9;
	s18 =	sadd.s32 s10, s24  }
0x26: {  	s24 =	sor.u32 $0x70, s5;
	s26 =	sadd.s32 $0x90, s5;
	[dreg:$0xa] =	wrdreg s21  }
0x27: {  	s11 =	sadd.s32 $0xB0, s5;
	s1 =	sadd.s32 $0x100, s5;
	[dreg:$0xb] =	wrdreg s22  }
0x28: {  	s12 =	sadd.s32 $0x110, s5;
	v18 =	vor.u32 s3, v39;
	s3 =	sadd.s32 $0x240, s5;
	[dreg:$0xc] =	wrdreg s23  }
0x29: {  	[dreg:$0xd] =	wrdreg s25;
	s21 =	sor.u32 $0x30, s5;
	s22 =	sor.u32 $0x40, s5  }
0x2a: {  	v21 =	vor.u32 s5, v39;
	s23 =	sor.u32 $0x60, s5;
	s25 =	sadd.s32 $0x80, s5;
	v6 =	vor.u32 s24, v39;
	s24 =	sadd.s32 $0x120, s5  }
0x2b: {  	v8 =	vor.u32 s26, v39;
	s26 =	sadd.s32 $0x180, s5;
	v10 =	vor.u32 s11, v39;
	s11 =	sadd.s32 $0x1A0, s5;
	v15 =	vor.u32 s1, v39;
	s1 =	sadd.s32 $0x1F0, s5  }
0x2c: {  	v4 =	vor.u32 s20, v39;
	v16 =	vor.u32 s12, v39;
	s12 =	sadd.s32 $0x220, s5;
	v36 =	vor.u32 s3, v39;
	s3 =	simm.s32 $0x200;
	_ =	strace $0x80000047  }
0x2d: {  	v22 =	vor.u32 s8, v39;
	v3 =	vor.u32 s22, v39;
	s22 =	sadd.s32 $0xE0, s5;
	v7 =	vor.u32 s25, v39;
	s25 =	sadd.s32 $0x170, s5;
	s5 =	sadd.s32 $0x270, s5  }
0x2e: {  	v2 =	vor.u32 s21, v39;
	v5 =	vor.u32 s23, v39;
	v24 =	vor.u32 s26, v39;
	s21 =	simm.s32 $0x8B80;
	s23 =	simm.s32 $0x50;
	s26 =	rddreg [dreg:$0xf]  }
0x2f: {  	v17 =	vor.u32 s24, v39;
	v26 =	vor.u32 s11, v39;
	s24 =	simm.s32 $0x300;
	v31 =	vor.u32 s1, v39;
	s1 =	simm.s32 $0x2;
	s11 =	rddreg [dreg:$0x11]  }
0x30: {  	v34 =	vor.u32 s12, v39;
	v13 =	vor.u32 s22, v39;
	v23 =	vor.u32 s25, v39;
	s22 =	simm.s32 $0x4;
	s25 =	simm.s32 $0x80;
	s12 =	rddreg [dreg:$0x10]  }
0x31: {  	s20 =	smax.u32 s26, $0x1;
	v30 =	vor.u32 s11, v39;
	s26 =	simm.s32 $0x100;
	v35 =	vor.u32 s12, v39;
	v39 =	vor.u32 s5, v39;
	s5 =	simm.s32 $0x10  }
.LBB2_1:
0x32: {  	[tilespmem:s21], [sflag:$0x4] =	stream.linear.gather [hbm4b:s19+s2], $0x2800, $0x38;
	[tilespmem:$0x1F380] =	vst v63  }
0x33: {  	_ =	swait.ge [sflag:s22], $0x2800  }
0x34: {  	[sflag:s22] =	ssyncset.done $0x0  }
0x35: {  	[sflag:s22] =	ssyncadd.s32 $0xFFFFD800  }
0x36: {  	[tilespmem:$0x300] =	vst v21  }
0x37: {  	[tilespmem:$0x310] =	vst v0  }
0x38: {  	[tilespmem:$0x320] =	vst v1  }
0x39: {  	[tilespmem:$0x330] =	vst v2  }
0x3a: {  	[tilespmem:$0x340] =	vst v3  }
0x3b: {  	[spmem:s14] =	stream.indirect.scatter [tilespmem:s21], [sflag:$0x4], $0x80, s24, s23, $0xb8;
	[tilespmem:$0x1F380] =	vst v63  }
0x3c: {  	_ =	swait.ge [sflag:s22], $0x2800  }
0x3d: {  	[sflag:s22] =	ssyncset.done $0x0  }
0x3e: {  	[sflag:s22] =	ssyncadd.s32 $0xFFFFD800  }
0x3f: {  	[tilespmem:$0x300] =	vst v4  }
0x40: {  	[tilespmem:$0x310] =	vst v5  }
0x41: {  	[tilespmem:$0x320] =	vst v6  }
0x42: {  	[tilespmem:$0x330] =	vst v7  }
0x43: {  	[tilespmem:$0x340] =	vst v8  }
0x44: {  	[spmem:s14] =	stream.indirect.scatter [tilespmem:s21], [sflag:$0x4], $0x80, s24, s23, $0xb8;
	[tilespmem:$0x1F380] =	vst v63  }
0x45: {  	_ =	swait.ge [sflag:s22], $0x2800  }
0x46: {  	[sflag:s22] =	ssyncset.done $0x0  }
0x47: {  	[sflag:s22] =	ssyncadd.s32 $0xFFFFD800  }
0x48: {  	[tilespmem:$0x300] =	vst v9  }
0x49: {  	[tilespmem:$0x310] =	vst v10  }
0x4a: {  	[tilespmem:$0x320] =	vst v11  }
0x4b: {  	[tilespmem:$0x330] =	vst v12  }
0x4c: {  	[tilespmem:$0x340] =	vst v13  }
0x4d: {  	[spmem:s14] =	stream.indirect.scatter [tilespmem:s21], [sflag:$0x4], $0x80, s24, s23, $0xb8;
	[tilespmem:$0x1F380] =	vst v63  }
0x4e: {  	_ =	swait.ge [sflag:s22], $0x2800  }
0x4f: {  	[sflag:s22] =	ssyncset.done $0x0  }
0x50: {  	[sflag:s22] =	ssyncadd.s32 $0xFFFFD800  }
0x51: {  	[tilespmem:$0x300] =	vst v14  }
0x52: {  	[tilespmem:$0x310] =	vst v15  }
0x53: {  	[tilespmem:$0x320] =	vst v16  }
0x54: {  	[tilespmem:$0x330] =	vst v17  }
0x55: {  	[tilespmem:$0x340] =	vst v18  }
0x56: {  	[spmem:s14] =	stream.indirect.scatter [tilespmem:s21], [sflag:$0x4], $0x80, s24, s23, $0xb8;
	[tilespmem:$0x1F380] =	vst v63  }
0x57: {  	_ =	swait.ge [sflag:s22], $0x2800  }
0x58: {  	[sflag:s22] =	ssyncset.done $0x0  }
0x59: {  	[sflag:s22] =	ssyncadd.s32 $0xFFFFD800  }
0x5a: {  	[tilespmem:$0x300] =	vst v19  }
0x5b: {  	[tilespmem:$0x310] =	vst v20  }
0x5c: {  	[tilespmem:$0x320] =	vst v22  }
0x5d: {  	[tilespmem:$0x330] =	vst v23  }
0x5e: {  	[tilespmem:$0x340] =	vst v24  }
0x5f: {  	[spmem:s14] =	stream.indirect.scatter [tilespmem:s21], [sflag:$0x4], $0x80, s24, s23, $0xb8;
	[tilespmem:$0x1F380] =	vst v63  }
0x60: {  	_ =	swait.ge [sflag:s22], $0x2800  }
0x61: {  	[sflag:s22] =	ssyncset.done $0x0  }
0x62: {  	[sflag:s22] =	ssyncadd.s32 $0xFFFFD800  }
0x63: {  	[tilespmem:$0x300] =	vst v25  }
0x64: {  	[tilespmem:$0x310] =	vst v26  }
0x65: {  	[tilespmem:$0x320] =	vst v27  }
0x66: {  	[tilespmem:$0x330] =	vst v28  }
0x67: {  	[tilespmem:$0x340] =	vst v29  }
0x68: {  	[spmem:s14] =	stream.indirect.scatter [tilespmem:s21], [sflag:$0x4], $0x80, s24, s23, $0xb8;
	[tilespmem:$0x1F380] =	vst v63  }
0x69: {  	_ =	swait.ge [sflag:s22], $0x2800  }
0x6a: {  	[sflag:s22] =	ssyncset.done $0x0  }
0x6b: {  	[sflag:s22] =	ssyncadd.s32 $0xFFFFD800  }
0x6c: {  	[tilespmem:$0x300] =	vst v30  }
0x6d: {  	[tilespmem:$0x310] =	vst v31  }
0x6e: {  	[tilespmem:$0x320] =	vst v32  }
0x6f: {  	[tilespmem:$0x330] =	vst v33  }
0x70: {  	[tilespmem:$0x340] =	vst v34  }
0x71: {  	[spmem:s14] =	stream.indirect.scatter [tilespmem:s21], [sflag:$0x4], $0x80, s24, s23, $0xb8;
	[tilespmem:$0x1F380] =	vst v63  }
0x72: {  	_ =	swait.ge [sflag:s22], $0x2800  }
0x73: {  	[sflag:s22] =	ssyncset.done $0x0  }
0x74: {  	[sflag:s22] =	ssyncadd.s32 $0xFFFFD800  }
0x75: {  	[tilespmem:$0x300] =	vst v35  }
0x76: {  	[tilespmem:$0x310] =	vst v36  }
0x77: {  	[tilespmem:$0x320] =	vst v37  }
0x78: {  	[tilespmem:$0x330] =	vst v38  }
0x79: {  	[tilespmem:$0x340] =	vst v39  }
0x7a: {  	[spmem:s14] =	stream.indirect.scatter [tilespmem:s21], [sflag:$0x4], $0x80, s24, s23, $0xb8;
	[tilespmem:$0x1F380] =	vst v63  }
0x7b: {  	_ =	swait.ge [sflag:s22], $0x2800  }
0x7c: {  	[sflag:s22] =	ssyncset.done $0x0  }
0x7d: {  	[sflag:s22] =	ssyncadd.s32 $0xFFFFD800  }
0x7e: {  	s8 =	sadd.s32 $0x0, s16;
	[bflag:$0x0] =	sbarrier.arrive $0xFFFF  }
0x7f: {  	[tilespmem:s2], [sflag:$0x3] =	stream.linear.gather [hbm4b:s8+s2], $0x80, $0x38;
	[tilespmem:$0x1F380] =	vst v63  }
0x80: {  	s10 =	sadd.s32 $0x0, s15  }
0x81: {  	[tilespmem:s25], [sflag:$0x3] =	stream.linear.gather [hbm4b:s10+s2], $0x80, $0x38;
	[tilespmem:$0x1F380] =	vst v63  }
0x82: {  	s11 =	sadd.s32 $0x0, s18  }
0x83: {  	[tilespmem:s26], [sflag:$0x3] =	stream.linear.gather [hbm4b:s11+s2], $0x80, $0x38;
	[tilespmem:$0x1F380] =	vst v63  }
0x84: {  	s12 =	sadd.s32 $0x0, s17  }
0x85: {  	[tilespmem:s28], [sflag:$0x3] =	stream.linear.gather [hbm4b:s12+s2], $0x80, $0x38;
	[tilespmem:$0x1F380] =	vst v63  }
0x86: {  	_ =	swait.ge [sflag:s29], $0x80  }
0x87: {  	[sflag:s29] =	ssyncset.done $0x0  }
0x88: {  	[sflag:s29] =	ssyncadd.s32 $0xFFFFFF80  }
0x89: {  	_ =	swait.ge [sflag:s29], $0x80  }
0x8a: {  	[sflag:s29] =	ssyncset.done $0x0  }
0x8b: {  	[sflag:s29] =	ssyncadd.s32 $0xFFFFFF80  }
0x8c: {  	_ =	swait.ge [sflag:s29], $0x80  }
0x8d: {  	[sflag:s29] =	ssyncset.done $0x0  }
0x8e: {  	[sflag:s29] =	ssyncadd.s32 $0xFFFFFF80  }
0x8f: {  	_ =	swait.ge [sflag:s29], $0x80  }
0x90: {  	[sflag:s29] =	ssyncset.done $0x0  }
0x91: {  	[sflag:s29] =	ssyncadd.s32 $0xFFFFFF80  }
0x92: {  	[tilespmem:s30], [sflag:$0x1] =	stream.indirect.gather [hbm4b:s0+s25], $0x80, s2, s25, $0xb8;
	[tilespmem:$0x1F380] =	vst v63  }
0x93: {  	_ = 	snop  }
0x94: {  	[tilespmem:s31], [sflag:$0x2] =	stream.indirect.gather [hbm4b:s0+s25], $0x80, s26, s25, $0xb8;
	[tilespmem:$0x1F380] =	vst v63  }
0x95: {  	_ =	swait.ge [sflag:s13], $0x4000  }
0x96: {  	[sflag:s13] =	ssyncset.done $0x0  }
0x97: {  	[sflag:s13] =	ssyncadd.s32 $0xFFFFC000  }
0x98: {  	[spmem:s14] =	stream.indirect.scatter.add.f32 [tilespmem:s30], [sflag:$0x4], $0x80, s25, s25, $0xb8;
	[tilespmem:$0x1F380] =	vst v63  }
0x99: {  	_ =	swait.ge [sflag:s22], $0x4000  }
0x9a: {  	[sflag:s22] =	ssyncset.done $0x0  }
0x9b: {  	[sflag:s22] =	ssyncadd.s32 $0xFFFFC000  }
0x9c: {  	_ =	swait.ge [sflag:s1], $0x4000  }
0x9d: {  	[sflag:s1] =	ssyncset.done $0x0  }
0x9e: {  	[sflag:s1] =	ssyncadd.s32 $0xFFFFC000  }
0x9f: {  	[spmem:s14] =	stream.indirect.scatter.add.f32 [tilespmem:s31], [sflag:$0x4], $0x80, s28, s25, $0xb8;
	[tilespmem:$0x1F380] =	vst v63  }
0xa0: {  	_ =	swait.ge [sflag:s22], $0x4000  }
0xa1: {  	s9 =	simm.s32 $0x40;
	s8 =	simm.s32 $0x20;
	[sflag:s22] =	ssyncset.done $0x0  }
.LBB2_2:
0xa2: {  	s11 =	sadd.s32 s8, s16  }
0xa3: {  	[sflag:s22] =	ssyncadd.s32 $0xFFFFC000;
	s12 =	smov.u32 s9;
	s10 =	sadd.s32 $0x20, s9  }
0xa4: {  	[tilespmem:s2], [sflag:$0x3] =	stream.linear.gather [hbm4b:s11+s2], $0x80, $0x38;
	[tilespmem:$0x1F380] =	vst v63  }
0xa5: {  	p0 =	sne.s32 s9, $0x4C0;
	s9 =	sadd.s32 s8, s15  }
0xa6: {  	[tilespmem:s25], [sflag:$0x3] =	stream.linear.gather [hbm4b:s9+s2], $0x80, $0x38;
	[tilespmem:$0x1F380] =	vst v63  }
0xa7: {  	s9 =	sadd.s32 s8, s18  }
0xa8: {  	[tilespmem:s26], [sflag:$0x3] =	stream.linear.gather [hbm4b:s9+s2], $0x80, $0x38;
	[tilespmem:$0x1F380] =	vst v63  }
0xa9: {  	s9 =	sadd.s32 s8, s17;
	s8 =	smov.u32 s12  }
0xaa: {  	[tilespmem:s28], [sflag:$0x3] =	stream.linear.gather [hbm4b:s9+s2], $0x80, $0x38;
	[tilespmem:$0x1F380] =	vst v63  }
0xab: {  	_ =	swait.ge [sflag:s29], $0x80  }
0xac: {  	[sflag:s29] =	ssyncset.done $0x0  }
0xad: {  	[sflag:s29] =	ssyncadd.s32 $0xFFFFFF80  }
0xae: {  	_ =	swait.ge [sflag:s29], $0x80  }
0xaf: {  	[sflag:s29] =	ssyncset.done $0x0  }
0xb0: {  	[sflag:s29] =	ssyncadd.s32 $0xFFFFFF80  }
0xb1: {  	_ =	swait.ge [sflag:s29], $0x80  }
0xb2: {  	[sflag:s29] =	ssyncset.done $0x0  }
0xb3: {  	[sflag:s29] =	ssyncadd.s32 $0xFFFFFF80  }
0xb4: {  	_ =	swait.ge [sflag:s29], $0x80  }
0xb5: {  	[sflag:s29] =	ssyncset.done $0x0  }
0xb6: {  	[sflag:s29] =	ssyncadd.s32 $0xFFFFFF80  }
0xb7: {  	[tilespmem:s30], [sflag:$0x1] =	stream.indirect.gather [hbm4b:s0+s25], $0x80, s2, s25, $0xb8;
	[tilespmem:$0x1F380] =	vst v63  }
0xb8: {  	_ = 	snop  }
0xb9: {  	[tilespmem:s31], [sflag:$0x2] =	stream.indirect.gather [hbm4b:s0+s25], $0x80, s26, s25, $0xb8;
	[tilespmem:$0x1F380] =	vst v63  }
0xba: {  	_ =	swait.ge [sflag:s13], $0x4000  }
0xbb: {  	[sflag:s13] =	ssyncset.done $0x0  }
0xbc: {  	[sflag:s13] =	ssyncadd.s32 $0xFFFFC000  }
0xbd: {  	[spmem:s14] =	stream.indirect.scatter.add.f32 [tilespmem:s30], [sflag:$0x4], $0x80, s25, s25, $0xb8;
	[tilespmem:$0x1F380] =	vst v63  }
0xbe: {  	_ =	swait.ge [sflag:s22], $0x4000  }
0xbf: {  	[sflag:s22] =	ssyncset.done $0x0  }
0xc0: {  	[sflag:s22] =	ssyncadd.s32 $0xFFFFC000  }
0xc1: {  	_ =	swait.ge [sflag:s1], $0x4000  }
.Ltmp0:
0xc2: {  	[sflag:s1] =	ssyncset.done $0x0;
	(pc) =	sbr.rel @p0 .LBB2_2-.Ltmp0, $4  }
0xc3: {  	[sflag:s1] =	ssyncadd.s32 $0xFFFFC000  }
0xc4: {  	[spmem:s14] =	stream.indirect.scatter.add.f32 [tilespmem:s31], [sflag:$0x4], $0x80, s28, s25, $0xb8;
	[tilespmem:$0x1F380] =	vst v63  }
0xc5: {  	_ =	swait.ge [sflag:s22], $0x4000  }
0xc6: {  	s9 =	smov.u32 s10;
	[sflag:s22] =	ssyncset.done $0x0  }
0xc7: {  	s9 =	sadd.s32 s8, s16;
	[sflag:s22] =	ssyncadd.s32 $0xFFFFC000  }
0xc8: {  	[tilespmem:s2], [sflag:$0x3] =	stream.linear.gather [hbm4b:s9+s2], $0x80, $0x38;
	[tilespmem:$0x1F380] =	vst v63  }
0xc9: {  	s11 =	sadd.s32 s8, s15  }
0xca: {  	[tilespmem:s25], [sflag:$0x3] =	stream.linear.gather [hbm4b:s11+s2], $0x80, $0x38;
	[tilespmem:$0x1F380] =	vst v63  }
0xcb: {  	s12 =	sadd.s32 s8, s18  }
0xcc: {  	[tilespmem:s26], [sflag:$0x3] =	stream.linear.gather [hbm4b:s12+s2], $0x80, $0x38;
	[tilespmem:$0x1F380] =	vst v63  }
0xcd: {  	s10 =	sadd.s32 s8, s17  }
0xce: {  	[tilespmem:s28], [sflag:$0x3] =	stream.linear.gather [hbm4b:s10+s2], $0x80, $0x38;
	[tilespmem:$0x1F380] =	vst v63  }
0xcf: {  	_ =	swait.ge [sflag:s29], $0x80  }
0xd0: {  	[sflag:s29] =	ssyncset.done $0x0  }
0xd1: {  	[sflag:s29] =	ssyncadd.s32 $0xFFFFFF80  }
0xd2: {  	_ =	swait.ge [sflag:s29], $0x80  }
0xd3: {  	[sflag:s29] =	ssyncset.done $0x0  }
0xd4: {  	[sflag:s29] =	ssyncadd.s32 $0xFFFFFF80  }
0xd5: {  	_ =	swait.ge [sflag:s29], $0x80  }
0xd6: {  	[sflag:s29] =	ssyncset.done $0x0  }
0xd7: {  	[sflag:s29] =	ssyncadd.s32 $0xFFFFFF80  }
0xd8: {  	_ =	swait.ge [sflag:s29], $0x80  }
0xd9: {  	[sflag:s29] =	ssyncset.done $0x0  }
0xda: {  	[sflag:s29] =	ssyncadd.s32 $0xFFFFFF80  }
0xdb: {  	[tilespmem:s30], [sflag:$0x1] =	stream.indirect.gather [hbm4b:s0+s25], $0x80, s2, s25, $0xb8;
	[tilespmem:$0x1F380] =	vst v63  }
0xdc: {  	_ = 	snop  }
0xdd: {  	[tilespmem:s31], [sflag:$0x2] =	stream.indirect.gather [hbm4b:s0+s25], $0x80, s26, s25, $0xb8;
	[tilespmem:$0x1F380] =	vst v63  }
0xde: {  	_ =	swait.ge [sflag:s13], $0x4000  }
0xdf: {  	[sflag:s13] =	ssyncset.done $0x0  }
0xe0: {  	[sflag:s13] =	ssyncadd.s32 $0xFFFFC000  }
0xe1: {  	[spmem:s14] =	stream.indirect.scatter.add.f32 [tilespmem:s30], [sflag:$0x4], $0x80, s25, s25, $0xb8;
	[tilespmem:$0x1F380] =	vst v63  }
0xe2: {  	_ =	swait.ge [sflag:s22], $0x4000  }
0xe3: {  	[sflag:s22] =	ssyncset.done $0x0  }
0xe4: {  	[sflag:s22] =	ssyncadd.s32 $0xFFFFC000  }
0xe5: {  	_ =	swait.ge [sflag:s1], $0x4000  }
0xe6: {  	[sflag:s1] =	ssyncset.done $0x0  }
0xe7: {  	[sflag:s1] =	ssyncadd.s32 $0xFFFFC000  }
0xe8: {  	[spmem:s14] =	stream.indirect.scatter.add.f32 [tilespmem:s31], [sflag:$0x4], $0x80, s28, s25, $0xb8;
	[tilespmem:$0x1F380] =	vst v63  }
0xe9: {  	_ =	swait.ge [sflag:s22], $0x4000  }
0xea: {  	[sflag:s22] =	ssyncset.done $0x0  }
0xeb: {  	s11 =	rddreg [dreg:$0xd];
	[sflag:s22] =	ssyncadd.s32 $0xFFFFC000  }
0xec: {  	[tilespmem:s3], [sflag:$0x4] =	stream.linear.gather [hbm4b:s11+s2], $0x10, $0x38;
	[tilespmem:$0x1F380] =	vst v63  }
0xed: {  	_ =	swait.ge [sflag:s22], $0x10  }
0xee: {  	[sflag:s22] =	ssyncset.done $0x0  }
0xef: {  	s12 =	rddreg [dreg:$0xe];
	[sflag:s22] =	ssyncadd.s32 $0xFFFFFFF0  }
0xf0: {  	[tilespmem:s4], [sflag:$0x4] =	stream.linear.gather [hbm4b:s12+s2], $0x10, $0x38;
	[tilespmem:$0x1F380] =	vst v63  }
0xf1: {  	_ =	swait.ge [sflag:s22], $0x10  }
0xf2: {  	[sflag:s22] =	ssyncset.done $0x0  }
0xf3: {  	[sflag:s22] =	ssyncadd.s32 $0xFFFFFFF0  }
0xf4: {  	[tilespmem:s6], [sflag:$0x1] =	stream.indirect.gather [hbm4b:s0+s5], $0x80, s3, s5, $0xb8;
	[tilespmem:$0x1F380] =	vst v63  }
0xf5: {  	_ =	swait.ge [sflag:s13], $0x800  }
0xf6: {  	[sflag:s13] =	ssyncset.done $0x0  }
0xf7: {  	[sflag:s13] =	ssyncadd.s32 $0xFFFFF800  }
0xf8: {  	[spmem:s14] =	stream.indirect.scatter.add.f32 [tilespmem:s6], [sflag:$0x4], $0x80, s4, s5, $0xb8;
	[tilespmem:$0x1F380] =	vst v63  }
0xf9: {  	_ =	swait.ge [sflag:s22], $0x800  }
0xfa: {  	[sflag:s22] =	ssyncset.done $0x0  }
0xfb: {  	[sflag:s22] =	ssyncadd.s32 $0xFFFFF800  }
0xfc: {  	[bflag:$0x0] =	sbarrier.arrive $0xFFFF  }
0xfd: {  	[tilespmem:$0x300] =	vst v21  }
0xfe: {  	[tilespmem:$0x310] =	vst v0  }
0xff: {  	[tilespmem:$0x320] =	vst v1  }
0x100: {  	[tilespmem:$0x330] =	vst v2  }
0x101: {  	[tilespmem:$0x340] =	vst v3  }
0x102: {  	[tilespmem:s21], [sflag:$0x1] =	stream.indirect.gather [spmem:s14], $0x80, s24, s23, $0xb8;
	[tilespmem:$0x1F380] =	vst v63  }
0x103: {  	_ =	swait.ge [sflag:s13], $0x2800  }
0x104: {  	[sflag:s13] =	ssyncset.done $0x0  }
0x105: {  	s9 =	rddreg [dreg:$0x5];
	[sflag:s13] =	ssyncadd.s32 $0xFFFFD800  }
0x106: {  	[hbm4b:s9+s2] =	stream.linear.scatter [tilespmem:s21], [sflag:$0x4], $0x2800, $0x38;
	[tilespmem:$0x1F380] =	vst v63  }
0x107: {  	_ =	swait.ge [sflag:s22], $0x2800  }
0x108: {  	[sflag:s22] =	ssyncset.done $0x0  }
0x109: {  	[sflag:s22] =	ssyncadd.s32 $0xFFFFD800  }
0x10a: {  	[tilespmem:$0x300] =	vst v4  }
0x10b: {  	[tilespmem:$0x310] =	vst v5  }
0x10c: {  	[tilespmem:$0x320] =	vst v6  }
0x10d: {  	[tilespmem:$0x330] =	vst v7  }
0x10e: {  	[tilespmem:$0x340] =	vst v8  }
0x10f: {  	[tilespmem:s21], [sflag:$0x1] =	stream.indirect.gather [spmem:s14], $0x80, s24, s23, $0xb8;
	[tilespmem:$0x1F380] =	vst v63  }
0x110: {  	_ =	swait.ge [sflag:s13], $0x2800  }
0x111: {  	[sflag:s13] =	ssyncset.done $0x0  }
0x112: {  	s10 =	rddreg [dreg:$0x6];
	[sflag:s13] =	ssyncadd.s32 $0xFFFFD800  }
0x113: {  	[hbm4b:s10+s2] =	stream.linear.scatter [tilespmem:s21], [sflag:$0x4], $0x2800, $0x38;
	[tilespmem:$0x1F380] =	vst v63  }
0x114: {  	_ =	swait.ge [sflag:s22], $0x2800  }
0x115: {  	[sflag:s22] =	ssyncset.done $0x0  }
0x116: {  	[sflag:s22] =	ssyncadd.s32 $0xFFFFD800  }
0x117: {  	[tilespmem:$0x300] =	vst v9  }
0x118: {  	[tilespmem:$0x310] =	vst v10  }
0x119: {  	[tilespmem:$0x320] =	vst v11  }
0x11a: {  	[tilespmem:$0x330] =	vst v12  }
0x11b: {  	[tilespmem:$0x340] =	vst v13  }
0x11c: {  	[tilespmem:s21], [sflag:$0x1] =	stream.indirect.gather [spmem:s14], $0x80, s24, s23, $0xb8;
	[tilespmem:$0x1F380] =	vst v63  }
0x11d: {  	_ =	swait.ge [sflag:s13], $0x2800  }
0x11e: {  	[sflag:s13] =	ssyncset.done $0x0  }
0x11f: {  	s11 =	rddreg [dreg:$0x7];
	[sflag:s13] =	ssyncadd.s32 $0xFFFFD800  }
0x120: {  	[hbm4b:s11+s2] =	stream.linear.scatter [tilespmem:s21], [sflag:$0x4], $0x2800, $0x38;
	[tilespmem:$0x1F380] =	vst v63  }
0x121: {  	_ =	swait.ge [sflag:s22], $0x2800  }
0x122: {  	[sflag:s22] =	ssyncset.done $0x0  }
0x123: {  	[sflag:s22] =	ssyncadd.s32 $0xFFFFD800  }
0x124: {  	[tilespmem:$0x300] =	vst v14  }
0x125: {  	[tilespmem:$0x310] =	vst v15  }
0x126: {  	[tilespmem:$0x320] =	vst v16  }
0x127: {  	[tilespmem:$0x330] =	vst v17  }
0x128: {  	[tilespmem:$0x340] =	vst v18  }
0x129: {  	[tilespmem:s21], [sflag:$0x1] =	stream.indirect.gather [spmem:s14], $0x80, s24, s23, $0xb8;
	[tilespmem:$0x1F380] =	vst v63  }
0x12a: {  	_ =	swait.ge [sflag:s13], $0x2800  }
0x12b: {  	[sflag:s13] =	ssyncset.done $0x0  }
0x12c: {  	s12 =	rddreg [dreg:$0x8];
	[sflag:s13] =	ssyncadd.s32 $0xFFFFD800  }
0x12d: {  	[hbm4b:s12+s2] =	stream.linear.scatter [tilespmem:s21], [sflag:$0x4], $0x2800, $0x38;
	[tilespmem:$0x1F380] =	vst v63  }
0x12e: {  	_ =	swait.ge [sflag:s22], $0x2800  }
0x12f: {  	[sflag:s22] =	ssyncset.done $0x0  }
0x130: {  	[sflag:s22] =	ssyncadd.s32 $0xFFFFD800  }
0x131: {  	[tilespmem:$0x300] =	vst v19  }
0x132: {  	[tilespmem:$0x310] =	vst v20  }
0x133: {  	[tilespmem:$0x320] =	vst v22  }
0x134: {  	[tilespmem:$0x330] =	vst v23  }
0x135: {  	[tilespmem:$0x340] =	vst v24  }
0x136: {  	[tilespmem:s21], [sflag:$0x1] =	stream.indirect.gather [spmem:s14], $0x80, s24, s23, $0xb8;
	[tilespmem:$0x1F380] =	vst v63  }
0x137: {  	_ =	swait.ge [sflag:s13], $0x2800  }
0x138: {  	[sflag:s13] =	ssyncset.done $0x0  }
0x139: {  	s9 =	rddreg [dreg:$0x9];
	[sflag:s13] =	ssyncadd.s32 $0xFFFFD800  }
0x13a: {  	[hbm4b:s9+s2] =	stream.linear.scatter [tilespmem:s21], [sflag:$0x4], $0x2800, $0x38;
	[tilespmem:$0x1F380] =	vst v63  }
0x13b: {  	_ =	swait.ge [sflag:s22], $0x2800  }
0x13c: {  	[sflag:s22] =	ssyncset.done $0x0  }
0x13d: {  	[sflag:s22] =	ssyncadd.s32 $0xFFFFD800  }
0x13e: {  	[tilespmem:$0x300] =	vst v25  }
0x13f: {  	[tilespmem:$0x310] =	vst v26  }
0x140: {  	[tilespmem:$0x320] =	vst v27  }
0x141: {  	[tilespmem:$0x330] =	vst v28  }
0x142: {  	[tilespmem:$0x340] =	vst v29  }
0x143: {  	[tilespmem:s21], [sflag:$0x1] =	stream.indirect.gather [spmem:s14], $0x80, s24, s23, $0xb8;
	[tilespmem:$0x1F380] =	vst v63  }
0x144: {  	_ =	swait.ge [sflag:s13], $0x2800  }
0x145: {  	[sflag:s13] =	ssyncset.done $0x0  }
0x146: {  	s10 =	rddreg [dreg:$0xa];
	[sflag:s13] =	ssyncadd.s32 $0xFFFFD800  }
0x147: {  	[hbm4b:s10+s2] =	stream.linear.scatter [tilespmem:s21], [sflag:$0x4], $0x2800, $0x38;
	[tilespmem:$0x1F380] =	vst v63  }
0x148: {  	_ =	swait.ge [sflag:s22], $0x2800  }
0x149: {  	[sflag:s22] =	ssyncset.done $0x0  }
0x14a: {  	[sflag:s22] =	ssyncadd.s32 $0xFFFFD800  }
0x14b: {  	[tilespmem:$0x300] =	vst v30  }
0x14c: {  	[tilespmem:$0x310] =	vst v31  }
0x14d: {  	[tilespmem:$0x320] =	vst v32  }
0x14e: {  	[tilespmem:$0x330] =	vst v33  }
0x14f: {  	[tilespmem:$0x340] =	vst v34  }
0x150: {  	[tilespmem:s21], [sflag:$0x1] =	stream.indirect.gather [spmem:s14], $0x80, s24, s23, $0xb8;
	[tilespmem:$0x1F380] =	vst v63  }
0x151: {  	_ =	swait.ge [sflag:s13], $0x2800  }
0x152: {  	[sflag:s13] =	ssyncset.done $0x0  }
0x153: {  	s11 =	rddreg [dreg:$0xb];
	[sflag:s13] =	ssyncadd.s32 $0xFFFFD800  }
0x154: {  	[hbm4b:s11+s2] =	stream.linear.scatter [tilespmem:s21], [sflag:$0x4], $0x2800, $0x38;
	[tilespmem:$0x1F380] =	vst v63  }
0x155: {  	_ =	swait.ge [sflag:s22], $0x2800  }
0x156: {  	[sflag:s22] =	ssyncset.done $0x0  }
0x157: {  	[sflag:s22] =	ssyncadd.s32 $0xFFFFD800  }
0x158: {  	[tilespmem:$0x300] =	vst v35  }
0x159: {  	[tilespmem:$0x310] =	vst v36  }
0x15a: {  	[tilespmem:$0x320] =	vst v37  }
0x15b: {  	[tilespmem:$0x330] =	vst v38  }
0x15c: {  	[tilespmem:$0x340] =	vst v39  }
0x15d: {  	[tilespmem:s21], [sflag:$0x1] =	stream.indirect.gather [spmem:s14], $0x80, s24, s23, $0xb8;
	[tilespmem:$0x1F380] =	vst v63  }
0x15e: {  	s7 =	sadd.s32 $0x1, s7;
	_ =	swait.ge [sflag:s13], $0x2800  }
0x15f: {  	p0 =	sne.s32 s7, s20;
	[sflag:s13] =	ssyncset.done $0x0  }
.Ltmp1:
0x160: {  	s12 =	rddreg [dreg:$0xc];
	[sflag:s13] =	ssyncadd.s32 $0xFFFFD800;
	(pc) =	sbr.rel @p0 .LBB2_1-.Ltmp1, $4  }
0x161: {  	[hbm4b:s12+s2] =	stream.linear.scatter [tilespmem:s21], [sflag:$0x4], $0x2800, $0x38;
	[tilespmem:$0x1F380] =	vst v63  }
0x162: {  	_ =	swait.ge [sflag:s22], $0x2800  }
0x163: {  	[sflag:s22] =	ssyncset.done $0x0  }
0x164: {  	[sflag:s22] =	ssyncadd.s32 $0xFFFFD800  }
0x165: {  	_ =	sfence.sel $0x180000  }
0x166: {  	[bflag:$0x0] =	sbarrier.arrive $0xFFFF  }
0x167: {  	_ =	strace $0x90000047  }
0x168: {  	s0 =	stileid.u32;
	[bflag:$0x2] =	sbarrier.arrive $0xFFFF  }
0x169: {  	p0 =	sne.s32 s0, $0x0;
	s0 =	rddreg [dreg:$0x4]  }
0x16a: {  	s0 =	sadd.s32 @!p0 $0x100000, s0  }
0x16b: {  	[sflag:s0] =	ssyncadd.tile.s32 @!p0 $0x1;
	_ =	shalt  }
.Lfunc_end2:
_tile_overlayer_lowered:
.L_overlay_start_2:
0x16c: {  	(tag) =	ssettag $0x2  }
0x16d: {  	s0 =	rddreg [dreg:$0x0];
	s2 =	stileid.u32  }
0x16e: {  	s1 =	rddreg [dreg:$0x1];
	p0 =	sne.s32 s2, $0x0  }
0x16f: {  	s3 =	rddreg [dreg:$0x2];
	[bflag:$0x3] =	sbarrier.arrive $0xFFFF;
	s2 =	simm.s32 @!p0 $0x1C04  }
0x170: {  	[timem:s3], [sflag:s2] =	dma.local @!p0 [hbm:s0], s1  }
0x171: {  	s0 =	simm.s32 @!p0 $0x4  }
0x172: {  	_ =	swait.ge @!p0 [sflag:s0], s1  }
0x173: {  	s1 =	ssub.s32 @!p0 $0x0, s1;
	[sflag:s0] =	ssyncset.done @!p0 $0x0  }
0x174: {  	[sflag:s0] =	ssyncadd.s32 @!p0 s1  }
0x175: {  	[bflag:$0x3] =	sbarrier.arrive $0xFFFF  }
0x176: {  	_ =	shalt  }

</sc_bundles>
